<compile_context>
chip_gen: v7x
topology: tpu7x:2x2x1
jax: 0.10.2.dev20260603
libtpu: 0.0.44.dev20260713+nightly
codegen_flags: <defaults>
</compile_context>

<pallas_src>
import jax
import jax.numpy as jnp
import numpy as np
from jax import lax
from jax.experimental import pallas as pl
from jax.experimental.pallas import tpu as pltpu
from jax.experimental.pallas import tpu_sc as plsc

N = 10000
E = 320000
IN_DIM = 128
H = 8
D = 16
HD = H * D
LEAKY_SLOPE = 0.2

NC = 2
NS = 16
NW = NC * NS
EPW = E // NW
K = 40
NCHUNK = EPW // K
N_PAD = 10240
RPT = N_PAD // NS
ZB = 128

_f32 = jnp.float32
_i32 = jnp.int32



def _mm_body(x_ref, wp_ref, wm_ref, whb_ref, ssrc_ref, sdst_ref):
    xb = x_ref[...]
    wh = jnp.dot(xb, wp_ref[...], preferred_element_type=_f32)
    s = jnp.dot(xb, wm_ref[...], preferred_element_type=_f32)
    whb_ref[...] = wh.astype(jnp.bfloat16)
    ssrc_ref[...] = s[:, :16]
    sdst_ref[...] = s[:, 16:]


def _precompute(x, wp, wm, blk=400):
    grid = (N // blk,)
    return pl.pallas_call(
        _mm_body,
        grid=grid,
        in_specs=[
            pl.BlockSpec((blk, IN_DIM), lambda i: (i, 0)),
            pl.BlockSpec((IN_DIM, HD), lambda i: (0, 0)),
            pl.BlockSpec((IN_DIM, 32), lambda i: (0, 0)),
        ],
        out_specs=[
            pl.BlockSpec((blk, HD), lambda i: (i, 0)),
            pl.BlockSpec((blk, 16), lambda i: (i, 0)),
            pl.BlockSpec((blk, 16), lambda i: (i, 0)),
        ],
        out_shape=[
            jax.ShapeDtypeStruct((N, HD), jnp.bfloat16),
            jax.ShapeDtypeStruct((N, 16), _f32),
            jax.ShapeDtypeStruct((N, 16), _f32),
        ],
    )(x, wp, wm)



HDX = HD + 16


PH = NCHUNK // 2


def _edge_body(src_hbm, dst_hbm, ssrc_hbm, sdst_hbm, whb_hbm,
               u_hbm,
               sidx_all, didx_all, sbuf0, sbuf1, dbuf0, dbuf1,
               whbuf0, whbuf1, obuf0, obuf1,
               u_sh,
               semw0, semw1, sems0, sems1, semd0, semd1, semo0, semo1):
    sbuf = (sbuf0, sbuf1)
    dbuf = (dbuf0, dbuf1)
    whbuf = (whbuf0, whbuf1)
    obuf = (obuf0, obuf1)
    semw = (semw0, semw1)
    sems = (sems0, sems1)
    semd = (semd0, semd1)
    semo = (semo0, semo1)
    c = lax.axis_index("c")
    s = lax.axis_index("s")
    w = c * NS + s
    rows = pl.ds(s * RPT, RPT)

    def zrow(i, carry):
        for j in range(HDX // 16):
            obuf0[i, pl.ds(16 * j, 16)] = jnp.zeros((16,), _f32)
        return carry
    lax.fori_loop(0, K, zrow, 0)
    for j in range(RPT // K):
        pltpu.sync_copy(obuf0, u_sh.at[pl.ds(s * RPT + j * K, K)])
    plsc.subcore_barrier()

    def issue(ci, b):
        sidx = sidx_all.at[ci]
        didx = didx_all.at[ci]
        pltpu.async_copy(whb_hbm.at[sidx], whbuf[b], semw[b])
        pltpu.async_copy(ssrc_hbm.at[sidx], sbuf[b], sems[b])
        pltpu.async_copy(sdst_hbm.at[didx], dbuf[b], semd[b])

    def wait(ci, b):
        sidx = sidx_all.at[ci]
        didx = didx_all.at[ci]
        pltpu.make_async_copy(whb_hbm.at[sidx], whbuf[b], semw[b]).wait()
        pltpu.make_async_copy(ssrc_hbm.at[sidx], sbuf[b], sems[b]).wait()
        pltpu.make_async_copy(sdst_hbm.at[didx], dbuf[b], semd[b]).wait()

    def wait_scatter(ci, b):
        pltpu.make_async_copy(
            obuf[b], u_sh.at[didx_all.at[ci]], semo[b]).wait()

    def process(ci, b):
        sb, db, wb, ob = sbuf[b], dbuf[b], whbuf[b], obuf[b]

        @pl.when(ci >= 2)
        def _drain_prev():
            wait_scatter(ci, b)

        @plsc.parallel_loop(0, K, 1, unroll=8)
        def _edge(k):
            e = sb[k, :] + db[k, :]
            e = jnp.where(e >= 0.0, e, LEAKY_SLOPE * e)
            fexp = jnp.exp(e)
            ob[k, pl.ds(HD, 16)] = fexp
            for t in range(HD // 32):
                v = wb[k, pl.ds(32 * t, 32)]
                lo, hi = plsc.unpack(v, format=plsc.PackFormat.INTERLEAVED)
                ob[k, pl.ds(32 * t, 16)] = lo * fexp
                ob[k, pl.ds(32 * t + 16, 16)] = hi * fexp

        pltpu.async_copy(ob, u_sh.at[didx_all.at[ci]], semo[b], add=True)

    for p in range(2):
        pltpu.sync_copy(src_hbm.at[w, pl.ds(p * PH, PH)], sidx_all)
        pltpu.sync_copy(dst_hbm.at[w, pl.ds(p * PH, PH)], didx_all)
        issue(0, 0)

        def outer(i, carry):
            for b in range(2):
                ci = 2 * i + b

                @pl.when(ci + 1 < PH)
                def _issue_next():
                    issue(ci + 1, 1 - b)
                wait(ci, b)
                process(ci, b)
            return carry
        lax.fori_loop(0, PH // 2, outer, 0)
        wait(PH - 1, 0)
        process(PH - 1, 0)
        wait_scatter(PH - 1, 0)
        wait_scatter(PH - 2, 1)

    plsc.subcore_barrier()
    pltpu.sync_copy(u_sh.at[rows], u_hbm.at[c, rows])


def _edge_phase(src, dst, ssrc, sdst, whb):
    f = pl.kernel(
        _edge_body,
        out_type=jax.ShapeDtypeStruct((NC, N_PAD, HDX), _f32),
        mesh=plsc.VectorSubcoreMesh(core_axis_name="c", subcore_axis_name="s"),
        compiler_params=pltpu.CompilerParams(
            use_tc_tiling_on_sc=False, needs_layout_passes=False),
        scratch_types=[
            pltpu.VMEM((PH, K), _i32),
            pltpu.VMEM((PH, K), _i32),
            pltpu.VMEM((K, 16), _f32),
            pltpu.VMEM((K, 16), _f32),
            pltpu.VMEM((K, 16), _f32),
            pltpu.VMEM((K, 16), _f32),
            pltpu.VMEM((K, HD), jnp.bfloat16),
            pltpu.VMEM((K, HD), jnp.bfloat16),
            pltpu.VMEM((K, HDX), _f32),
            pltpu.VMEM((K, HDX), _f32),
            pltpu.VMEM_SHARED((N_PAD, HDX), _f32),
            pltpu.SemaphoreType.DMA,
            pltpu.SemaphoreType.DMA,
            pltpu.SemaphoreType.DMA,
            pltpu.SemaphoreType.DMA,
            pltpu.SemaphoreType.DMA,
            pltpu.SemaphoreType.DMA,
            pltpu.SemaphoreType.DMA,
            pltpu.SemaphoreType.DMA,
        ],
    )
    return f(src, dst, ssrc, sdst, whb)



def _final_body(u0_ref, u1_ref, p_ref, b_ref, out_ref):
    t = u0_ref[0] + u1_ref[0]
    r = 1.0 / (t[:, HD:] + 1e-16)
    rr = jnp.concatenate([r] * (HD // 16), axis=1)
    y = t[:, :HD] * rr
    out_ref[...] = (
        jnp.dot(y, p_ref[...], preferred_element_type=_f32) + b_ref[...]
    )


def _finalize(u, perm_mat, bias, blk=400):
    grid = (N // blk,)
    return pl.pallas_call(
        _final_body,
        grid=grid,
        in_specs=[
            pl.BlockSpec((1, blk, HDX), lambda i: (0, i, 0)),
            pl.BlockSpec((1, blk, HDX), lambda i: (1, i, 0)),
            pl.BlockSpec((HD, HD), lambda i: (0, 0)),
            pl.BlockSpec((1, HD), lambda i: (0, 0)),
        ],
        out_specs=pl.BlockSpec((blk, HD), lambda i: (i, 0)),
        out_shape=jax.ShapeDtypeStruct((N, HD), _f32),
    )(u, u, perm_mat, bias)



_j = np.arange(HD)
_DM_FROM_STD = (_j % H) * D + _j // H
_STD_FROM_DM = (_j % D) * H + _j // D
_PERM = np.zeros((HD, HD), dtype=np.float32)
_PERM[_STD_FROM_DM, _j] = 1.0
_ILV = 32 * (_j // 32) + (_j % 32) // 2 + 16 * (_j % 2)
_PERM_IN = np.zeros((HD, HD), dtype=np.float32)
_PERM_IN[_DM_FROM_STD[_ILV], _j] = 1.0


@jax.jit
def kernel(x, src, dst, W, a, bias):
    wp = W @ jnp.asarray(_PERM_IN)
    a1 = a[:, :D]
    a2 = a[:, D:]
    eye = np.equal.outer(np.arange(H), np.arange(H)).astype(np.float32)
    msrc = (a1[:, :, None] * eye[:, None, :]).reshape(HD, H)
    mdst = (a2[:, :, None] * eye[:, None, :]).reshape(HD, H)
    wm = jnp.concatenate(
        [W @ msrc, W @ msrc, W @ mdst, W @ mdst], axis=1)

    whb, ssrc, sdst = _precompute(x, wp, wm)
    u = _edge_phase(
        src.reshape(NW, NCHUNK, K), dst.reshape(NW, NCHUNK, K),
        ssrc, sdst, whb)
    return _finalize(u, jnp.asarray(_PERM), bias.reshape(1, HD))

# --- scband reference (transcript-rebuilt; emitter-appended) ---
"""Pipeline reference for scband-gatlayer-13434657702015 (READ-ONLY COPY).

The authoritative reference and input builder live on the scoring server;
editing this copy changes nothing except your own understanding.
"""

import jax, jax.numpy as jnp
import numpy as np

N = 10000
E = 320000
IN_DIM = 128
H = 8
D = 16
LEAKY_SLOPE = 0.2


def setup_inputs(seed: int = 0) -> dict:
    key = jax.random.key(seed)
    k1, k2, k3, k4, k5 = jax.random.split(key, 5)
    x = jax.random.normal(k1, (N, IN_DIM), dtype=jnp.float32)
    src = jax.random.randint(k2, (E,), 0, N, dtype=jnp.int32)
    dst = jax.random.randint(k3, (E,), 0, N, dtype=jnp.int32)
    # Learned params: W corresponds to nn.Linear(in_dim, H*D, bias=False), stored as [IN_DIM, H*D] for x @ W
    W = jax.random.normal(k4, (IN_DIM, H * D), dtype=jnp.float32) * (1.0 / np.sqrt(IN_DIM))
    a = jax.random.normal(k5, (H, 2 * D), dtype=jnp.float32) * 0.1
    bias = jnp.zeros((H * D,), dtype=jnp.float32)
    return {"x": x, "src": src, "dst": dst, "W": W, "a": a, "bias": bias}


def reference(x, src, dst, W, a, bias):
    # dropout / attn_dropout are 0.0 (eval), so identity
    Wh = (x @ W).reshape(N, H, D)
    Wh_src = Wh[src]                       # [E, H, D] gather
    Wh_dst = Wh[dst]                       # [E, H, D] gather
    cat = jnp.concatenate([Wh_src, Wh_dst], axis=-1)  # [E, H, 2D]
    e = (cat * a[None, :, :]).sum(axis=-1)            # [E, H]
    e = jnp.where(e >= 0, e, LEAKY_SLOPE * e)         # LeakyReLU
    e_exp = jnp.exp(e)                                # [E, H]
    E_sum = jax.ops.segment_sum(e_exp, dst, num_segments=N)  # [N, H] scatter-add
    alpha = e_exp / (E_sum[dst] + 1e-16)              # [E, H]
    agg_src = Wh_src * alpha[:, :, None]              # [E, H, D]
    out = jax.ops.segment_sum(agg_src, dst, num_segments=N)  # [N, H, D] scatter-add
    out = out.reshape(N, H * D) + bias                # concat=True
    return out

if __name__ == "__main__":
    import jax
    _d = setup_inputs()
    print(jax.jit(kernel)(*tuple(_d.values())))

</pallas_src>

<mosaic_0001>
#map = affine_map<(d0, d1) -> (0, 0, 0)>
#map1 = affine_map<(d0, d1) -> (0, 0)>
module attributes {stable_mosaic.version = 14 : i64} {
  func.func @_edge_body(%arg0: i32, %arg1: i32, %arg2: memref<32x250x40xi32, #tpu.memory_space<hbm>>, %arg3: memref<32x250x40xi32, #tpu.memory_space<hbm>>, %arg4: memref<10000x16xf32, #tpu.memory_space<hbm>>, %arg5: memref<10000x16xf32, #tpu.memory_space<hbm>>, %arg6: memref<10000x128xbf16, #tpu.memory_space<hbm>>, %arg7: memref<2x10240x144xf32, #tpu.memory_space<hbm>>, %arg8: memref<125x40xi32, #tpu.memory_space<vmem>>, %arg9: memref<125x40xi32, #tpu.memory_space<vmem>>, %arg10: memref<40x16xf32, #tpu.memory_space<vmem>>, %arg11: memref<40x16xf32, #tpu.memory_space<vmem>>, %arg12: memref<40x16xf32, #tpu.memory_space<vmem>>, %arg13: memref<40x16xf32, #tpu.memory_space<vmem>>, %arg14: memref<40x128xbf16, #tpu.memory_space<vmem>>, %arg15: memref<40x128xbf16, #tpu.memory_space<vmem>>, %arg16: memref<40x144xf32, #tpu.memory_space<vmem>>, %arg17: memref<40x144xf32, #tpu.memory_space<vmem>>, %arg18: memref<10240x144xf32, #tpu.memory_space<vmem_shared>>, %arg19: memref<!tpu.dma_semaphore, #tpu.memory_space<semaphore_mem>>, %arg20: memref<!tpu.dma_semaphore, #tpu.memory_space<semaphore_mem>>, %arg21: memref<!tpu.dma_semaphore, #tpu.memory_space<semaphore_mem>>, %arg22: memref<!tpu.dma_semaphore, #tpu.memory_space<semaphore_mem>>, %arg23: memref<!tpu.dma_semaphore, #tpu.memory_space<semaphore_mem>>, %arg24: memref<!tpu.dma_semaphore, #tpu.memory_space<semaphore_mem>>, %arg25: memref<!tpu.dma_semaphore, #tpu.memory_space<semaphore_mem>>, %arg26: memref<!tpu.dma_semaphore, #tpu.memory_space<semaphore_mem>>) attributes {dimension_semantics = [#tpu.dimension_semantics<core_parallel>, #tpu.dimension_semantics<subcore_parallel>], iteration_bounds = array<i64: 2, 16>, scalar_prefetch = 0 : i64, scratch_operands = 19 : i64, tpu.core_type = #tpu.core_type<sc_vector_subcore>, window_params = [{transform_indices = #map}, {transform_indices = #map}, {transform_indices = #map1}, {transform_indices = #map1}, {transform_indices = #map1}, {transform_indices = #map}]} {
    %mul3A = arith.constant 16 : i32
    %mul3A_0 = arith.muli %arg0, %mul3A : i32
    %add3A = arith.addi %mul3A_0, %arg1 : i32
    %mul3A_1 = arith.constant 640 : i32
    %mul3A_2 = arith.muli %arg1, %mul3A_1 : i32
    %scan3A = arith.constant 0 : i32
    %scan3A_3 = arith.constant 0 : i32
    %scan3A_4 = arith.constant 40 : i32
    %scan3A_5 = arith.addi %scan3A_3, %scan3A_4 : i32
    %scan3A_6 = arith.constant 1 : i32
    scf.for %scan3A_228 = %scan3A_3 to %scan3A_5 step %scan3A_6  : i32 {
      %broadcast_in_dim3A = arith.constant 0.000000e+00 : f32
      %broadcast_in_dim3A_229 = vector.broadcast %broadcast_in_dim3A : f32 to vector<16xf32>
      %swap3A = arith.index_cast %scan3A_228 : i32 to index
      %swap3A_230 = arith.constant 0 : index
      %swap3A_231 = tpu.vector_load %arg16[%swap3A, %swap3A_230] {strides = array<i32>} : memref<40x144xf32, #tpu.memory_space<vmem>>, vector<16xf32>,
      tpu.vector_store %arg16[%swap3A, %swap3A_230], %broadcast_in_dim3A_229 {strides = array<i32>} : memref<40x144xf32, #tpu.memory_space<vmem>>, vector<16xf32>,
      %broadcast_in_dim3A_232 = arith.constant 0.000000e+00 : f32
      %broadcast_in_dim3A_233 = vector.broadcast %broadcast_in_dim3A_232 : f32 to vector<16xf32>
      %swap3A_234 = arith.index_cast %scan3A_228 : i32 to index
      %swap3A_235 = arith.constant 16 : index
      %swap3A_236 = tpu.vector_load %arg16[%swap3A_234, %swap3A_235] {strides = array<i32>} : memref<40x144xf32, #tpu.memory_space<vmem>>, vector<16xf32>,
      tpu.vector_store %arg16[%swap3A_234, %swap3A_235], %broadcast_in_dim3A_233 {strides = array<i32>} : memref<40x144xf32, #tpu.memory_space<vmem>>, vector<16xf32>,
      %broadcast_in_dim3A_237 = arith.constant 0.000000e+00 : f32
      %broadcast_in_dim3A_238 = vector.broadcast %broadcast_in_dim3A_237 : f32 to vector<16xf32>
      %swap3A_239 = arith.index_cast %scan3A_228 : i32 to index
      %swap3A_240 = arith.constant 32 : index
      %swap3A_241 = tpu.vector_load %arg16[%swap3A_239, %swap3A_240] {strides = array<i32>} : memref<40x144xf32, #tpu.memory_space<vmem>>, vector<16xf32>,
      tpu.vector_store %arg16[%swap3A_239, %swap3A_240], %broadcast_in_dim3A_238 {strides = array<i32>} : memref<40x144xf32, #tpu.memory_space<vmem>>, vector<16xf32>,
      %broadcast_in_dim3A_242 = arith.constant 0.000000e+00 : f32
      %broadcast_in_dim3A_243 = vector.broadcast %broadcast_in_dim3A_242 : f32 to vector<16xf32>
      %swap3A_244 = arith.index_cast %scan3A_228 : i32 to index
      %swap3A_245 = arith.constant 48 : index
      %swap3A_246 = tpu.vector_load %arg16[%swap3A_244, %swap3A_245] {strides = array<i32>} : memref<40x144xf32, #tpu.memory_space<vmem>>, vector<16xf32>,
      tpu.vector_store %arg16[%swap3A_244, %swap3A_245], %broadcast_in_dim3A_243 {strides = array<i32>} : memref<40x144xf32, #tpu.memory_space<vmem>>, vector<16xf32>,
      %broadcast_in_dim3A_247 = arith.constant 0.000000e+00 : f32
      %broadcast_in_dim3A_248 = vector.broadcast %broadcast_in_dim3A_247 : f32 to vector<16xf32>
      %swap3A_249 = arith.index_cast %scan3A_228 : i32 to index
      %swap3A_250 = arith.constant 64 : index
      %swap3A_251 = tpu.vector_load %arg16[%swap3A_249, %swap3A_250] {strides = array<i32>} : memref<40x144xf32, #tpu.memory_space<vmem>>, vector<16xf32>,
      tpu.vector_store %arg16[%swap3A_249, %swap3A_250], %broadcast_in_dim3A_248 {strides = array<i32>} : memref<40x144xf32, #tpu.memory_space<vmem>>, vector<16xf32>,
      %broadcast_in_dim3A_252 = arith.constant 0.000000e+00 : f32
      %broadcast_in_dim3A_253 = vector.broadcast %broadcast_in_dim3A_252 : f32 to vector<16xf32>
      %swap3A_254 = arith.index_cast %scan3A_228 : i32 to index
      %swap3A_255 = arith.constant 80 : index
      %swap3A_256 = tpu.vector_load %arg16[%swap3A_254, %swap3A_255] {strides = array<i32>} : memref<40x144xf32, #tpu.memory_space<vmem>>, vector<16xf32>,
      tpu.vector_store %arg16[%swap3A_254, %swap3A_255], %broadcast_in_dim3A_253 {strides = array<i32>} : memref<40x144xf32, #tpu.memory_space<vmem>>, vector<16xf32>,
      %broadcast_in_dim3A_257 = arith.constant 0.000000e+00 : f32
      %broadcast_in_dim3A_258 = vector.broadcast %broadcast_in_dim3A_257 : f32 to vector<16xf32>
      %swap3A_259 = arith.index_cast %scan3A_228 : i32 to index
      %swap3A_260 = arith.constant 96 : index
      %swap3A_261 = tpu.vector_load %arg16[%swap3A_259, %swap3A_260] {strides = array<i32>} : memref<40x144xf32, #tpu.memory_space<vmem>>, vector<16xf32>,
      tpu.vector_store %arg16[%swap3A_259, %swap3A_260], %broadcast_in_dim3A_258 {strides = array<i32>} : memref<40x144xf32, #tpu.memory_space<vmem>>, vector<16xf32>,
      %broadcast_in_dim3A_262 = arith.constant 0.000000e+00 : f32
      %broadcast_in_dim3A_263 = vector.broadcast %broadcast_in_dim3A_262 : f32 to vector<16xf32>
      %swap3A_264 = arith.index_cast %scan3A_228 : i32 to index
      %swap3A_265 = arith.constant 112 : index
      %swap3A_266 = tpu.vector_load %arg16[%swap3A_264, %swap3A_265] {strides = array<i32>} : memref<40x144xf32, #tpu.memory_space<vmem>>, vector<16xf32>,
      tpu.vector_store %arg16[%swap3A_264, %swap3A_265], %broadcast_in_dim3A_263 {strides = array<i32>} : memref<40x144xf32, #tpu.memory_space<vmem>>, vector<16xf32>,
      %broadcast_in_dim3A_267 = arith.constant 0.000000e+00 : f32
      %broadcast_in_dim3A_268 = vector.broadcast %broadcast_in_dim3A_267 : f32 to vector<16xf32>
      %swap3A_269 = arith.index_cast %scan3A_228 : i32 to index
      %swap3A_270 = arith.constant 128 : index
      %swap3A_271 = tpu.vector_load %arg16[%swap3A_269, %swap3A_270] {strides = array<i32>} : memref<40x144xf32, #tpu.memory_space<vmem>>, vector<16xf32>,
      tpu.vector_store %arg16[%swap3A_269, %swap3A_270], %broadcast_in_dim3A_268 {strides = array<i32>} : memref<40x144xf32, #tpu.memory_space<vmem>>, vector<16xf32>,
    }
    %scan3A_7 = arith.constant 40 : i32
    %mul3A_8 = arith.constant 640 : i32
    %mul3A_9 = arith.muli %arg1, %mul3A_8 : i32
    %add3A_10 = arith.constant 0 : i32
    %add3A_11 = arith.addi %mul3A_9, %add3A_10 : i32
    "tpu.region"() ({
      %run_scoped3A = tpu.sem_alloc : memref<!tpu.dma_semaphore, #tpu.memory_space<semaphore_mem>>
      %dma_start3A_228 = arith.constant 0 : i32
      %dma_start3A_229 = tpu.memref_slice %arg18[%add3A_11, %dma_start3A_228] : memref<10240x144xf32, #tpu.memory_space<vmem_shared>> -> memref<40x144xf32, #tpu.memory_space<vmem_shared>>
      %dma_start3A_230 = arith.constant 0 : i32
      %dma_start3A_231 = tpu.memref_slice %arg18[%add3A_11, %dma_start3A_230] : memref<10240x144xf32, #tpu.memory_space<vmem_shared>> -> memref<40x144xf32, #tpu.memory_space<vmem_shared>>
      tpu.enqueue_dma source(%arg16 : memref<40x144xf32, #tpu.memory_space<vmem>>) target(%dma_start3A_231 : memref<40x144xf32, #tpu.memory_space<vmem_shared>>) target_semaphore(%run_scoped3A : memref<!tpu.dma_semaphore, #tpu.memory_space<semaphore_mem>>)
      %dma_wait3A_232 = arith.constant 0 : i32
      %dma_wait3A_233 = tpu.memref_slice %arg18[%add3A_11, %dma_wait3A_232] : memref<10240x144xf32, #tpu.memory_space<vmem_shared>> -> memref<40x144xf32, #tpu.memory_space<vmem_shared>>
      %dma_wait3A_234 = arith.constant 0 : i32
      %dma_wait3A_235 = tpu.memref_slice %arg18[%add3A_11, %dma_wait3A_234] : memref<10240x144xf32, #tpu.memory_space<vmem_shared>> -> memref<40x144xf32, #tpu.memory_space<vmem_shared>>
      tpu.wait_dma2 semaphore(%run_scoped3A : memref<!tpu.dma_semaphore, #tpu.memory_space<semaphore_mem>>) src(%arg16 : memref<40x144xf32, #tpu.memory_space<vmem>>) dst(%dma_wait3A_235 : memref<40x144xf32, #tpu.memory_space<vmem_shared>>)
      tpu.yield
    }) : () -> ()
    %mul3A_12 = arith.constant 640 : i32
    %mul3A_13 = arith.muli %arg1, %mul3A_12 : i32
    %add3A_14 = arith.constant 40 : i32
    %add3A_15 = arith.addi %mul3A_13, %add3A_14 : i32
    "tpu.region"() ({
      %run_scoped3A = tpu.sem_alloc : memref<!tpu.dma_semaphore, #tpu.memory_space<semaphore_mem>>
      %dma_start3A_228 = arith.constant 0 : i32
      %dma_start3A_229 = tpu.memref_slice %arg18[%add3A_15, %dma_start3A_228] : memref<10240x144xf32, #tpu.memory_space<vmem_shared>> -> memref<40x144xf32, #tpu.memory_space<vmem_shared>>
      %dma_start3A_230 = arith.constant 0 : i32
      %dma_start3A_231 = tpu.memref_slice %arg18[%add3A_15, %dma_start3A_230] : memref<10240x144xf32, #tpu.memory_space<vmem_shared>> -> memref<40x144xf32, #tpu.memory_space<vmem_shared>>
      tpu.enqueue_dma source(%arg16 : memref<40x144xf32, #tpu.memory_space<vmem>>) target(%dma_start3A_231 : memref<40x144xf32, #tpu.memory_space<vmem_shared>>) target_semaphore(%run_scoped3A : memref<!tpu.dma_semaphore, #tpu.memory_space<semaphore_mem>>)
      %dma_wait3A_232 = arith.constant 0 : i32
      %dma_wait3A_233 = tpu.memref_slice %arg18[%add3A_15, %dma_wait3A_232] : memref<10240x144xf32, #tpu.memory_space<vmem_shared>> -> memref<40x144xf32, #tpu.memory_space<vmem_shared>>
      %dma_wait3A_234 = arith.constant 0 : i32
      %dma_wait3A_235 = tpu.memref_slice %arg18[%add3A_15, %dma_wait3A_234] : memref<10240x144xf32, #tpu.memory_space<vmem_shared>> -> memref<40x144xf32, #tpu.memory_space<vmem_shared>>
      tpu.wait_dma2 semaphore(%run_scoped3A : memref<!tpu.dma_semaphore, #tpu.memory_space<semaphore_mem>>) src(%arg16 : memref<40x144xf32, #tpu.memory_space<vmem>>) dst(%dma_wait3A_235 : memref<40x144xf32, #tpu.memory_space<vmem_shared>>)
      tpu.yield
    }) : () -> ()
    %mul3A_16 = arith.constant 640 : i32
    %mul3A_17 = arith.muli %arg1, %mul3A_16 : i32
    %add3A_18 = arith.constant 80 : i32
    %add3A_19 = arith.addi %mul3A_17, %add3A_18 : i32
    "tpu.region"() ({
      %run_scoped3A = tpu.sem_alloc : memref<!tpu.dma_semaphore, #tpu.memory_space<semaphore_mem>>
      %dma_start3A_228 = arith.constant 0 : i32
      %dma_start3A_229 = tpu.memref_slice %arg18[%add3A_19, %dma_start3A_228] : memref<10240x144xf32, #tpu.memory_space<vmem_shared>> -> memref<40x144xf32, #tpu.memory_space<vmem_shared>>
      %dma_start3A_230 = arith.constant 0 : i32
      %dma_start3A_231 = tpu.memref_slice %arg18[%add3A_19, %dma_start3A_230] : memref<10240x144xf32, #tpu.memory_space<vmem_shared>> -> memref<40x144xf32, #tpu.memory_space<vmem_shared>>
      tpu.enqueue_dma source(%arg16 : memref<40x144xf32, #tpu.memory_space<vmem>>) target(%dma_start3A_231 : memref<40x144xf32, #tpu.memory_space<vmem_shared>>) target_semaphore(%run_scoped3A : memref<!tpu.dma_semaphore, #tpu.memory_space<semaphore_mem>>)
      %dma_wait3A_232 = arith.constant 0 : i32
      %dma_wait3A_233 = tpu.memref_slice %arg18[%add3A_19, %dma_wait3A_232] : memref<10240x144xf32, #tpu.memory_space<vmem_shared>> -> memref<40x144xf32, #tpu.memory_space<vmem_shared>>
      %dma_wait3A_234 = arith.constant 0 : i32
      %dma_wait3A_235 = tpu.memref_slice %arg18[%add3A_19, %dma_wait3A_234] : memref<10240x144xf32, #tpu.memory_space<vmem_shared>> -> memref<40x144xf32, #tpu.memory_space<vmem_shared>>
      tpu.wait_dma2 semaphore(%run_scoped3A : memref<!tpu.dma_semaphore, #tpu.memory_space<semaphore_mem>>) src(%arg16 : memref<40x144xf32, #tpu.memory_space<vmem>>) dst(%dma_wait3A_235 : memref<40x144xf32, #tpu.memory_space<vmem_shared>>)
      tpu.yield
    }) : () -> ()
    %mul3A_20 = arith.constant 640 : i32
    %mul3A_21 = arith.muli %arg1, %mul3A_20 : i32
    %add3A_22 = arith.constant 120 : i32
    %add3A_23 = arith.addi %mul3A_21, %add3A_22 : i32
    "tpu.region"() ({
      %run_scoped3A = tpu.sem_alloc : memref<!tpu.dma_semaphore, #tpu.memory_space<semaphore_mem>>
      %dma_start3A_228 = arith.constant 0 : i32
      %dma_start3A_229 = tpu.memref_slice %arg18[%add3A_23, %dma_start3A_228] : memref<10240x144xf32, #tpu.memory_space<vmem_shared>> -> memref<40x144xf32, #tpu.memory_space<vmem_shared>>
      %dma_start3A_230 = arith.constant 0 : i32
      %dma_start3A_231 = tpu.memref_slice %arg18[%add3A_23, %dma_start3A_230] : memref<10240x144xf32, #tpu.memory_space<vmem_shared>> -> memref<40x144xf32, #tpu.memory_space<vmem_shared>>
      tpu.enqueue_dma source(%arg16 : memref<40x144xf32, #tpu.memory_space<vmem>>) target(%dma_start3A_231 : memref<40x144xf32, #tpu.memory_space<vmem_shared>>) target_semaphore(%run_scoped3A : memref<!tpu.dma_semaphore, #tpu.memory_space<semaphore_mem>>)
      %dma_wait3A_232 = arith.constant 0 : i32
      %dma_wait3A_233 = tpu.memref_slice %arg18[%add3A_23, %dma_wait3A_232] : memref<10240x144xf32, #tpu.memory_space<vmem_shared>> -> memref<40x144xf32, #tpu.memory_space<vmem_shared>>
      %dma_wait3A_234 = arith.constant 0 : i32
      %dma_wait3A_235 = tpu.memref_slice %arg18[%add3A_23, %dma_wait3A_234] : memref<10240x144xf32, #tpu.memory_space<vmem_shared>> -> memref<40x144xf32, #tpu.memory_space<vmem_shared>>
      tpu.wait_dma2 semaphore(%run_scoped3A : memref<!tpu.dma_semaphore, #tpu.memory_space<semaphore_mem>>) src(%arg16 : memref<40x144xf32, #tpu.memory_space<vmem>>) dst(%dma_wait3A_235 : memref<40x144xf32, #tpu.memory_space<vmem_shared>>)
      tpu.yield
    }) : () -> ()
    %mul3A_24 = arith.constant 640 : i32
    %mul3A_25 = arith.muli %arg1, %mul3A_24 : i32
    %add3A_26 = arith.constant 160 : i32
    %add3A_27 = arith.addi %mul3A_25, %add3A_26 : i32
    "tpu.region"() ({
      %run_scoped3A = tpu.sem_alloc : memref<!tpu.dma_semaphore, #tpu.memory_space<semaphore_mem>>
      %dma_start3A_228 = arith.constant 0 : i32
      %dma_start3A_229 = tpu.memref_slice %arg18[%add3A_27, %dma_start3A_228] : memref<10240x144xf32, #tpu.memory_space<vmem_shared>> -> memref<40x144xf32, #tpu.memory_space<vmem_shared>>
      %dma_start3A_230 = arith.constant 0 : i32
      %dma_start3A_231 = tpu.memref_slice %arg18[%add3A_27, %dma_start3A_230] : memref<10240x144xf32, #tpu.memory_space<vmem_shared>> -> memref<40x144xf32, #tpu.memory_space<vmem_shared>>
      tpu.enqueue_dma source(%arg16 : memref<40x144xf32, #tpu.memory_space<vmem>>) target(%dma_start3A_231 : memref<40x144xf32, #tpu.memory_space<vmem_shared>>) target_semaphore(%run_scoped3A : memref<!tpu.dma_semaphore, #tpu.memory_space<semaphore_mem>>)
      %dma_wait3A_232 = arith.constant 0 : i32
      %dma_wait3A_233 = tpu.memref_slice %arg18[%add3A_27, %dma_wait3A_232] : memref<10240x144xf32, #tpu.memory_space<vmem_shared>> -> memref<40x144xf32, #tpu.memory_space<vmem_shared>>
      %dma_wait3A_234 = arith.constant 0 : i32
      %dma_wait3A_235 = tpu.memref_slice %arg18[%add3A_27, %dma_wait3A_234] : memref<10240x144xf32, #tpu.memory_space<vmem_shared>> -> memref<40x144xf32, #tpu.memory_space<vmem_shared>>
      tpu.wait_dma2 semaphore(%run_scoped3A : memref<!tpu.dma_semaphore, #tpu.memory_space<semaphore_mem>>) src(%arg16 : memref<40x144xf32, #tpu.memory_space<vmem>>) dst(%dma_wait3A_235 : memref<40x144xf32, #tpu.memory_space<vmem_shared>>)
      tpu.yield
    }) : () -> ()
    %mul3A_28 = arith.constant 640 : i32
    %mul3A_29 = arith.muli %arg1, %mul3A_28 : i32
    %add3A_30 = arith.constant 200 : i32
    %add3A_31 = arith.addi %mul3A_29, %add3A_30 : i32
    "tpu.region"() ({
      %run_scoped3A = tpu.sem_alloc : memref<!tpu.dma_semaphore, #tpu.memory_space<semaphore_mem>>
      %dma_start3A_228 = arith.constant 0 : i32
      %dma_start3A_229 = tpu.memref_slice %arg18[%add3A_31, %dma_start3A_228] : memref<10240x144xf32, #tpu.memory_space<vmem_shared>> -> memref<40x144xf32, #tpu.memory_space<vmem_shared>>
      %dma_start3A_230 = arith.constant 0 : i32
      %dma_start3A_231 = tpu.memref_slice %arg18[%add3A_31, %dma_start3A_230] : memref<10240x144xf32, #tpu.memory_space<vmem_shared>> -> memref<40x144xf32, #tpu.memory_space<vmem_shared>>
      tpu.enqueue_dma source(%arg16 : memref<40x144xf32, #tpu.memory_space<vmem>>) target(%dma_start3A_231 : memref<40x144xf32, #tpu.memory_space<vmem_shared>>) target_semaphore(%run_scoped3A : memref<!tpu.dma_semaphore, #tpu.memory_space<semaphore_mem>>)
      %dma_wait3A_232 = arith.constant 0 : i32
      %dma_wait3A_233 = tpu.memref_slice %arg18[%add3A_31, %dma_wait3A_232] : memref<10240x144xf32, #tpu.memory_space<vmem_shared>> -> memref<40x144xf32, #tpu.memory_space<vmem_shared>>
      %dma_wait3A_234 = arith.constant 0 : i32
      %dma_wait3A_235 = tpu.memref_slice %arg18[%add3A_31, %dma_wait3A_234] : memref<10240x144xf32, #tpu.memory_space<vmem_shared>> -> memref<40x144xf32, #tpu.memory_space<vmem_shared>>
      tpu.wait_dma2 semaphore(%run_scoped3A : memref<!tpu.dma_semaphore, #tpu.memory_space<semaphore_mem>>) src(%arg16 : memref<40x144xf32, #tpu.memory_space<vmem>>) dst(%dma_wait3A_235 : memref<40x144xf32, #tpu.memory_space<vmem_shared>>)
      tpu.yield
    }) : () -> ()
    %mul3A_32 = arith.constant 640 : i32
    %mul3A_33 = arith.muli %arg1, %mul3A_32 : i32
    %add3A_34 = arith.constant 240 : i32
    %add3A_35 = arith.addi %mul3A_33, %add3A_34 : i32
    "tpu.region"() ({
      %run_scoped3A = tpu.sem_alloc : memref<!tpu.dma_semaphore, #tpu.memory_space<semaphore_mem>>
      %dma_start3A_228 = arith.constant 0 : i32
      %dma_start3A_229 = tpu.memref_slice %arg18[%add3A_35, %dma_start3A_228] : memref<10240x144xf32, #tpu.memory_space<vmem_shared>> -> memref<40x144xf32, #tpu.memory_space<vmem_shared>>
      %dma_start3A_230 = arith.constant 0 : i32
      %dma_start3A_231 = tpu.memref_slice %arg18[%add3A_35, %dma_start3A_230] : memref<10240x144xf32, #tpu.memory_space<vmem_shared>> -> memref<40x144xf32, #tpu.memory_space<vmem_shared>>
      tpu.enqueue_dma source(%arg16 : memref<40x144xf32, #tpu.memory_space<vmem>>) target(%dma_start3A_231 : memref<40x144xf32, #tpu.memory_space<vmem_shared>>) target_semaphore(%run_scoped3A : memref<!tpu.dma_semaphore, #tpu.memory_space<semaphore_mem>>)
      %dma_wait3A_232 = arith.constant 0 : i32
      %dma_wait3A_233 = tpu.memref_slice %arg18[%add3A_35, %dma_wait3A_232] : memref<10240x144xf32, #tpu.memory_space<vmem_shared>> -> memref<40x144xf32, #tpu.memory_space<vmem_shared>>
      %dma_wait3A_234 = arith.constant 0 : i32
      %dma_wait3A_235 = tpu.memref_slice %arg18[%add3A_35, %dma_wait3A_234] : memref<10240x144xf32, #tpu.memory_space<vmem_shared>> -> memref<40x144xf32, #tpu.memory_space<vmem_shared>>
      tpu.wait_dma2 semaphore(%run_scoped3A : memref<!tpu.dma_semaphore, #tpu.memory_space<semaphore_mem>>) src(%arg16 : memref<40x144xf32, #tpu.memory_space<vmem>>) dst(%dma_wait3A_235 : memref<40x144xf32, #tpu.memory_space<vmem_shared>>)
      tpu.yield
    }) : () -> ()
    %mul3A_36 = arith.constant 640 : i32
    %mul3A_37 = arith.muli %arg1, %mul3A_36 : i32
    %add3A_38 = arith.constant 280 : i32
    %add3A_39 = arith.addi %mul3A_37, %add3A_38 : i32
    "tpu.region"() ({
      %run_scoped3A = tpu.sem_alloc : memref<!tpu.dma_semaphore, #tpu.memory_space<semaphore_mem>>
      %dma_start3A_228 = arith.constant 0 : i32
      %dma_start3A_229 = tpu.memref_slice %arg18[%add3A_39, %dma_start3A_228] : memref<10240x144xf32, #tpu.memory_space<vmem_shared>> -> memref<40x144xf32, #tpu.memory_space<vmem_shared>>
      %dma_start3A_230 = arith.constant 0 : i32
      %dma_start3A_231 = tpu.memref_slice %arg18[%add3A_39, %dma_start3A_230] : memref<10240x144xf32, #tpu.memory_space<vmem_shared>> -> memref<40x144xf32, #tpu.memory_space<vmem_shared>>
      tpu.enqueue_dma source(%arg16 : memref<40x144xf32, #tpu.memory_space<vmem>>) target(%dma_start3A_231 : memref<40x144xf32, #tpu.memory_space<vmem_shared>>) target_semaphore(%run_scoped3A : memref<!tpu.dma_semaphore, #tpu.memory_space<semaphore_mem>>)
      %dma_wait3A_232 = arith.constant 0 : i32
      %dma_wait3A_233 = tpu.memref_slice %arg18[%add3A_39, %dma_wait3A_232] : memref<10240x144xf32, #tpu.memory_space<vmem_shared>> -> memref<40x144xf32, #tpu.memory_space<vmem_shared>>
      %dma_wait3A_234 = arith.constant 0 : i32
      %dma_wait3A_235 = tpu.memref_slice %arg18[%add3A_39, %dma_wait3A_234] : memref<10240x144xf32, #tpu.memory_space<vmem_shared>> -> memref<40x144xf32, #tpu.memory_space<vmem_shared>>
      tpu.wait_dma2 semaphore(%run_scoped3A : memref<!tpu.dma_semaphore, #tpu.memory_space<semaphore_mem>>) src(%arg16 : memref<40x144xf32, #tpu.memory_space<vmem>>) dst(%dma_wait3A_235 : memref<40x144xf32, #tpu.memory_space<vmem_shared>>)
      tpu.yield
    }) : () -> ()
    %mul3A_40 = arith.constant 640 : i32
    %mul3A_41 = arith.muli %arg1, %mul3A_40 : i32
    %add3A_42 = arith.constant 320 : i32
    %add3A_43 = arith.addi %mul3A_41, %add3A_42 : i32
    "tpu.region"() ({
      %run_scoped3A = tpu.sem_alloc : memref<!tpu.dma_semaphore, #tpu.memory_space<semaphore_mem>>
      %dma_start3A_228 = arith.constant 0 : i32
      %dma_start3A_229 = tpu.memref_slice %arg18[%add3A_43, %dma_start3A_228] : memref<10240x144xf32, #tpu.memory_space<vmem_shared>> -> memref<40x144xf32, #tpu.memory_space<vmem_shared>>
      %dma_start3A_230 = arith.constant 0 : i32
      %dma_start3A_231 = tpu.memref_slice %arg18[%add3A_43, %dma_start3A_230] : memref<10240x144xf32, #tpu.memory_space<vmem_shared>> -> memref<40x144xf32, #tpu.memory_space<vmem_shared>>
      tpu.enqueue_dma source(%arg16 : memref<40x144xf32, #tpu.memory_space<vmem>>) target(%dma_start3A_231 : memref<40x144xf32, #tpu.memory_space<vmem_shared>>) target_semaphore(%run_scoped3A : memref<!tpu.dma_semaphore, #tpu.memory_space<semaphore_mem>>)
      %dma_wait3A_232 = arith.constant 0 : i32
      %dma_wait3A_233 = tpu.memref_slice %arg18[%add3A_43, %dma_wait3A_232] : memref<10240x144xf32, #tpu.memory_space<vmem_shared>> -> memref<40x144xf32, #tpu.memory_space<vmem_shared>>
      %dma_wait3A_234 = arith.constant 0 : i32
      %dma_wait3A_235 = tpu.memref_slice %arg18[%add3A_43, %dma_wait3A_234] : memref<10240x144xf32, #tpu.memory_space<vmem_shared>> -> memref<40x144xf32, #tpu.memory_space<vmem_shared>>
      tpu.wait_dma2 semaphore(%run_scoped3A : memref<!tpu.dma_semaphore, #tpu.memory_space<semaphore_mem>>) src(%arg16 : memref<40x144xf32, #tpu.memory_space<vmem>>) dst(%dma_wait3A_235 : memref<40x144xf32, #tpu.memory_space<vmem_shared>>)
      tpu.yield
    }) : () -> ()
    %mul3A_44 = arith.constant 640 : i32
    %mul3A_45 = arith.muli %arg1, %mul3A_44 : i32
    %add3A_46 = arith.constant 360 : i32
    %add3A_47 = arith.addi %mul3A_45, %add3A_46 : i32
    "tpu.region"() ({
      %run_scoped3A = tpu.sem_alloc : memref<!tpu.dma_semaphore, #tpu.memory_space<semaphore_mem>>
      %dma_start3A_228 = arith.constant 0 : i32
      %dma_start3A_229 = tpu.memref_slice %arg18[%add3A_47, %dma_start3A_228] : memref<10240x144xf32, #tpu.memory_space<vmem_shared>> -> memref<40x144xf32, #tpu.memory_space<vmem_shared>>
      %dma_start3A_230 = arith.constant 0 : i32
      %dma_start3A_231 = tpu.memref_slice %arg18[%add3A_47, %dma_start3A_230] : memref<10240x144xf32, #tpu.memory_space<vmem_shared>> -> memref<40x144xf32, #tpu.memory_space<vmem_shared>>
      tpu.enqueue_dma source(%arg16 : memref<40x144xf32, #tpu.memory_space<vmem>>) target(%dma_start3A_231 : memref<40x144xf32, #tpu.memory_space<vmem_shared>>) target_semaphore(%run_scoped3A : memref<!tpu.dma_semaphore, #tpu.memory_space<semaphore_mem>>)
      %dma_wait3A_232 = arith.constant 0 : i32
      %dma_wait3A_233 = tpu.memref_slice %arg18[%add3A_47, %dma_wait3A_232] : memref<10240x144xf32, #tpu.memory_space<vmem_shared>> -> memref<40x144xf32, #tpu.memory_space<vmem_shared>>
      %dma_wait3A_234 = arith.constant 0 : i32
      %dma_wait3A_235 = tpu.memref_slice %arg18[%add3A_47, %dma_wait3A_234] : memref<10240x144xf32, #tpu.memory_space<vmem_shared>> -> memref<40x144xf32, #tpu.memory_space<vmem_shared>>
      tpu.wait_dma2 semaphore(%run_scoped3A : memref<!tpu.dma_semaphore, #tpu.memory_space<semaphore_mem>>) src(%arg16 : memref<40x144xf32, #tpu.memory_space<vmem>>) dst(%dma_wait3A_235 : memref<40x144xf32, #tpu.memory_space<vmem_shared>>)
      tpu.yield
    }) : () -> ()
    %mul3A_48 = arith.constant 640 : i32
    %mul3A_49 = arith.muli %arg1, %mul3A_48 : i32
    %add3A_50 = arith.constant 400 : i32
    %add3A_51 = arith.addi %mul3A_49, %add3A_50 : i32
    "tpu.region"() ({
      %run_scoped3A = tpu.sem_alloc : memref<!tpu.dma_semaphore, #tpu.memory_space<semaphore_mem>>
      %dma_start3A_228 = arith.constant 0 : i32
      %dma_start3A_229 = tpu.memref_slice %arg18[%add3A_51, %dma_start3A_228] : memref<10240x144xf32, #tpu.memory_space<vmem_shared>> -> memref<40x144xf32, #tpu.memory_space<vmem_shared>>
      %dma_start3A_230 = arith.constant 0 : i32
      %dma_start3A_231 = tpu.memref_slice %arg18[%add3A_51, %dma_start3A_230] : memref<10240x144xf32, #tpu.memory_space<vmem_shared>> -> memref<40x144xf32, #tpu.memory_space<vmem_shared>>
      tpu.enqueue_dma source(%arg16 : memref<40x144xf32, #tpu.memory_space<vmem>>) target(%dma_start3A_231 : memref<40x144xf32, #tpu.memory_space<vmem_shared>>) target_semaphore(%run_scoped3A : memref<!tpu.dma_semaphore, #tpu.memory_space<semaphore_mem>>)
      %dma_wait3A_232 = arith.constant 0 : i32
      %dma_wait3A_233 = tpu.memref_slice %arg18[%add3A_51, %dma_wait3A_232] : memref<10240x144xf32, #tpu.memory_space<vmem_shared>> -> memref<40x144xf32, #tpu.memory_space<vmem_shared>>
      %dma_wait3A_234 = arith.constant 0 : i32
      %dma_wait3A_235 = tpu.memref_slice %arg18[%add3A_51, %dma_wait3A_234] : memref<10240x144xf32, #tpu.memory_space<vmem_shared>> -> memref<40x144xf32, #tpu.memory_space<vmem_shared>>
      tpu.wait_dma2 semaphore(%run_scoped3A : memref<!tpu.dma_semaphore, #tpu.memory_space<semaphore_mem>>) src(%arg16 : memref<40x144xf32, #tpu.memory_space<vmem>>) dst(%dma_wait3A_235 : memref<40x144xf32, #tpu.memory_space<vmem_shared>>)
      tpu.yield
    }) : () -> ()
    %mul3A_52 = arith.constant 640 : i32
    %mul3A_53 = arith.muli %arg1, %mul3A_52 : i32
    %add3A_54 = arith.constant 440 : i32
    %add3A_55 = arith.addi %mul3A_53, %add3A_54 : i32
    "tpu.region"() ({
      %run_scoped3A = tpu.sem_alloc : memref<!tpu.dma_semaphore, #tpu.memory_space<semaphore_mem>>
      %dma_start3A_228 = arith.constant 0 : i32
      %dma_start3A_229 = tpu.memref_slice %arg18[%add3A_55, %dma_start3A_228] : memref<10240x144xf32, #tpu.memory_space<vmem_shared>> -> memref<40x144xf32, #tpu.memory_space<vmem_shared>>
      %dma_start3A_230 = arith.constant 0 : i32
      %dma_start3A_231 = tpu.memref_slice %arg18[%add3A_55, %dma_start3A_230] : memref<10240x144xf32, #tpu.memory_space<vmem_shared>> -> memref<40x144xf32, #tpu.memory_space<vmem_shared>>
      tpu.enqueue_dma source(%arg16 : memref<40x144xf32, #tpu.memory_space<vmem>>) target(%dma_start3A_231 : memref<40x144xf32, #tpu.memory_space<vmem_shared>>) target_semaphore(%run_scoped3A : memref<!tpu.dma_semaphore, #tpu.memory_space<semaphore_mem>>)
      %dma_wait3A_232 = arith.constant 0 : i32
      %dma_wait3A_233 = tpu.memref_slice %arg18[%add3A_55, %dma_wait3A_232] : memref<10240x144xf32, #tpu.memory_space<vmem_shared>> -> memref<40x144xf32, #tpu.memory_space<vmem_shared>>
      %dma_wait3A_234 = arith.constant 0 : i32
      %dma_wait3A_235 = tpu.memref_slice %arg18[%add3A_55, %dma_wait3A_234] : memref<10240x144xf32, #tpu.memory_space<vmem_shared>> -> memref<40x144xf32, #tpu.memory_space<vmem_shared>>
      tpu.wait_dma2 semaphore(%run_scoped3A : memref<!tpu.dma_semaphore, #tpu.memory_space<semaphore_mem>>) src(%arg16 : memref<40x144xf32, #tpu.memory_space<vmem>>) dst(%dma_wait3A_235 : memref<40x144xf32, #tpu.memory_space<vmem_shared>>)
      tpu.yield
    }) : () -> ()
    %mul3A_56 = arith.constant 640 : i32
    %mul3A_57 = arith.muli %arg1, %mul3A_56 : i32
    %add3A_58 = arith.constant 480 : i32
    %add3A_59 = arith.addi %mul3A_57, %add3A_58 : i32
    "tpu.region"() ({
      %run_scoped3A = tpu.sem_alloc : memref<!tpu.dma_semaphore, #tpu.memory_space<semaphore_mem>>
      %dma_start3A_228 = arith.constant 0 : i32
      %dma_start3A_229 = tpu.memref_slice %arg18[%add3A_59, %dma_start3A_228] : memref<10240x144xf32, #tpu.memory_space<vmem_shared>> -> memref<40x144xf32, #tpu.memory_space<vmem_shared>>
      %dma_start3A_230 = arith.constant 0 : i32
      %dma_start3A_231 = tpu.memref_slice %arg18[%add3A_59, %dma_start3A_230] : memref<10240x144xf32, #tpu.memory_space<vmem_shared>> -> memref<40x144xf32, #tpu.memory_space<vmem_shared>>
      tpu.enqueue_dma source(%arg16 : memref<40x144xf32, #tpu.memory_space<vmem>>) target(%dma_start3A_231 : memref<40x144xf32, #tpu.memory_space<vmem_shared>>) target_semaphore(%run_scoped3A : memref<!tpu.dma_semaphore, #tpu.memory_space<semaphore_mem>>)
      %dma_wait3A_232 = arith.constant 0 : i32
      %dma_wait3A_233 = tpu.memref_slice %arg18[%add3A_59, %dma_wait3A_232] : memref<10240x144xf32, #tpu.memory_space<vmem_shared>> -> memref<40x144xf32, #tpu.memory_space<vmem_shared>>
      %dma_wait3A_234 = arith.constant 0 : i32
      %dma_wait3A_235 = tpu.memref_slice %arg18[%add3A_59, %dma_wait3A_234] : memref<10240x144xf32, #tpu.memory_space<vmem_shared>> -> memref<40x144xf32, #tpu.memory_space<vmem_shared>>
      tpu.wait_dma2 semaphore(%run_scoped3A : memref<!tpu.dma_semaphore, #tpu.memory_space<semaphore_mem>>) src(%arg16 : memref<40x144xf32, #tpu.memory_space<vmem>>) dst(%dma_wait3A_235 : memref<40x144xf32, #tpu.memory_space<vmem_shared>>)
      tpu.yield
    }) : () -> ()
    %mul3A_60 = arith.constant 640 : i32
    %mul3A_61 = arith.muli %arg1, %mul3A_60 : i32
    %add3A_62 = arith.constant 520 : i32
    %add3A_63 = arith.addi %mul3A_61, %add3A_62 : i32
    "tpu.region"() ({
      %run_scoped3A = tpu.sem_alloc : memref<!tpu.dma_semaphore, #tpu.memory_space<semaphore_mem>>
      %dma_start3A_228 = arith.constant 0 : i32
      %dma_start3A_229 = tpu.memref_slice %arg18[%add3A_63, %dma_start3A_228] : memref<10240x144xf32, #tpu.memory_space<vmem_shared>> -> memref<40x144xf32, #tpu.memory_space<vmem_shared>>
      %dma_start3A_230 = arith.constant 0 : i32
      %dma_start3A_231 = tpu.memref_slice %arg18[%add3A_63, %dma_start3A_230] : memref<10240x144xf32, #tpu.memory_space<vmem_shared>> -> memref<40x144xf32, #tpu.memory_space<vmem_shared>>
      tpu.enqueue_dma source(%arg16 : memref<40x144xf32, #tpu.memory_space<vmem>>) target(%dma_start3A_231 : memref<40x144xf32, #tpu.memory_space<vmem_shared>>) target_semaphore(%run_scoped3A : memref<!tpu.dma_semaphore, #tpu.memory_space<semaphore_mem>>)
      %dma_wait3A_232 = arith.constant 0 : i32
      %dma_wait3A_233 = tpu.memref_slice %arg18[%add3A_63, %dma_wait3A_232] : memref<10240x144xf32, #tpu.memory_space<vmem_shared>> -> memref<40x144xf32, #tpu.memory_space<vmem_shared>>
      %dma_wait3A_234 = arith.constant 0 : i32
      %dma_wait3A_235 = tpu.memref_slice %arg18[%add3A_63, %dma_wait3A_234] : memref<10240x144xf32, #tpu.memory_space<vmem_shared>> -> memref<40x144xf32, #tpu.memory_space<vmem_shared>>
      tpu.wait_dma2 semaphore(%run_scoped3A : memref<!tpu.dma_semaphore, #tpu.memory_space<semaphore_mem>>) src(%arg16 : memref<40x144xf32, #tpu.memory_space<vmem>>) dst(%dma_wait3A_235 : memref<40x144xf32, #tpu.memory_space<vmem_shared>>)
      tpu.yield
    }) : () -> ()
    %mul3A_64 = arith.constant 640 : i32
    %mul3A_65 = arith.muli %arg1, %mul3A_64 : i32
    %add3A_66 = arith.constant 560 : i32
    %add3A_67 = arith.addi %mul3A_65, %add3A_66 : i32
    "tpu.region"() ({
      %run_scoped3A = tpu.sem_alloc : memref<!tpu.dma_semaphore, #tpu.memory_space<semaphore_mem>>
      %dma_start3A_228 = arith.constant 0 : i32
      %dma_start3A_229 = tpu.memref_slice %arg18[%add3A_67, %dma_start3A_228] : memref<10240x144xf32, #tpu.memory_space<vmem_shared>> -> memref<40x144xf32, #tpu.memory_space<vmem_shared>>
      %dma_start3A_230 = arith.constant 0 : i32
      %dma_start3A_231 = tpu.memref_slice %arg18[%add3A_67, %dma_start3A_230] : memref<10240x144xf32, #tpu.memory_space<vmem_shared>> -> memref<40x144xf32, #tpu.memory_space<vmem_shared>>
      tpu.enqueue_dma source(%arg16 : memref<40x144xf32, #tpu.memory_space<vmem>>) target(%dma_start3A_231 : memref<40x144xf32, #tpu.memory_space<vmem_shared>>) target_semaphore(%run_scoped3A : memref<!tpu.dma_semaphore, #tpu.memory_space<semaphore_mem>>)
      %dma_wait3A_232 = arith.constant 0 : i32
      %dma_wait3A_233 = tpu.memref_slice %arg18[%add3A_67, %dma_wait3A_232] : memref<10240x144xf32, #tpu.memory_space<vmem_shared>> -> memref<40x144xf32, #tpu.memory_space<vmem_shared>>
      %dma_wait3A_234 = arith.constant 0 : i32
      %dma_wait3A_235 = tpu.memref_slice %arg18[%add3A_67, %dma_wait3A_234] : memref<10240x144xf32, #tpu.memory_space<vmem_shared>> -> memref<40x144xf32, #tpu.memory_space<vmem_shared>>
      tpu.wait_dma2 semaphore(%run_scoped3A : memref<!tpu.dma_semaphore, #tpu.memory_space<semaphore_mem>>) src(%arg16 : memref<40x144xf32, #tpu.memory_space<vmem>>) dst(%dma_wait3A_235 : memref<40x144xf32, #tpu.memory_space<vmem_shared>>)
      tpu.yield
    }) : () -> ()
    %mul3A_68 = arith.constant 640 : i32
    %mul3A_69 = arith.muli %arg1, %mul3A_68 : i32
    %add3A_70 = arith.constant 600 : i32
    %add3A_71 = arith.addi %mul3A_69, %add3A_70 : i32
    "tpu.region"() ({
      %run_scoped3A = tpu.sem_alloc : memref<!tpu.dma_semaphore, #tpu.memory_space<semaphore_mem>>
      %dma_start3A_228 = arith.constant 0 : i32
      %dma_start3A_229 = tpu.memref_slice %arg18[%add3A_71, %dma_start3A_228] : memref<10240x144xf32, #tpu.memory_space<vmem_shared>> -> memref<40x144xf32, #tpu.memory_space<vmem_shared>>
      %dma_start3A_230 = arith.constant 0 : i32
      %dma_start3A_231 = tpu.memref_slice %arg18[%add3A_71, %dma_start3A_230] : memref<10240x144xf32, #tpu.memory_space<vmem_shared>> -> memref<40x144xf32, #tpu.memory_space<vmem_shared>>
      tpu.enqueue_dma source(%arg16 : memref<40x144xf32, #tpu.memory_space<vmem>>) target(%dma_start3A_231 : memref<40x144xf32, #tpu.memory_space<vmem_shared>>) target_semaphore(%run_scoped3A : memref<!tpu.dma_semaphore, #tpu.memory_space<semaphore_mem>>)
      %dma_wait3A_232 = arith.constant 0 : i32
      %dma_wait3A_233 = tpu.memref_slice %arg18[%add3A_71, %dma_wait3A_232] : memref<10240x144xf32, #tpu.memory_space<vmem_shared>> -> memref<40x144xf32, #tpu.memory_space<vmem_shared>>
      %dma_wait3A_234 = arith.constant 0 : i32
      %dma_wait3A_235 = tpu.memref_slice %arg18[%add3A_71, %dma_wait3A_234] : memref<10240x144xf32, #tpu.memory_space<vmem_shared>> -> memref<40x144xf32, #tpu.memory_space<vmem_shared>>
      tpu.wait_dma2 semaphore(%run_scoped3A : memref<!tpu.dma_semaphore, #tpu.memory_space<semaphore_mem>>) src(%arg16 : memref<40x144xf32, #tpu.memory_space<vmem>>) dst(%dma_wait3A_235 : memref<40x144xf32, #tpu.memory_space<vmem_shared>>)
      tpu.yield
    }) : () -> ()
    %barrier3A = arith.constant 0 : index
    tpu.barrier barrier_id(%barrier3A)
    "tpu.region"() ({
      %run_scoped3A = tpu.sem_alloc : memref<!tpu.dma_semaphore, #tpu.memory_space<semaphore_mem>>
      %dma_start3A_228 = arith.constant 0 : i32
      %dma_start3A_229 = arith.constant 0 : i32
      %dma_start3A_230 = tpu.memref_slice %arg2[%add3A, %dma_start3A_228, %dma_start3A_229] : memref<32x250x40xi32, #tpu.memory_space<hbm>> -> memref<1x125x40xi32, #tpu.memory_space<hbm>>
      %dma_start3A_231 = tpu.memref_squeeze %dma_start3A_230 : memref<1x125x40xi32, #tpu.memory_space<hbm>> -> memref<125x40xi32, #tpu.memory_space<hbm>>
      %dma_start3A_232 = arith.constant 0 : i32
      %dma_start3A_233 = arith.constant 0 : i32
      %dma_start3A_234 = tpu.memref_slice %arg2[%add3A, %dma_start3A_232, %dma_start3A_233] : memref<32x250x40xi32, #tpu.memory_space<hbm>> -> memref<1x125x40xi32, #tpu.memory_space<hbm>>
      %dma_start3A_235 = tpu.memref_squeeze %dma_start3A_234 : memref<1x125x40xi32, #tpu.memory_space<hbm>> -> memref<125x40xi32, #tpu.memory_space<hbm>>
      tpu.enqueue_dma source(%dma_start3A_235 : memref<125x40xi32, #tpu.memory_space<hbm>>) target(%arg8 : memref<125x40xi32, #tpu.memory_space<vmem>>) target_semaphore(%run_scoped3A : memref<!tpu.dma_semaphore, #tpu.memory_space<semaphore_mem>>)
      %dma_wait3A_236 = arith.constant 0 : i32
      %dma_wait3A_237 = arith.constant 0 : i32
      %dma_wait3A_238 = tpu.memref_slice %arg2[%add3A, %dma_wait3A_236, %dma_wait3A_237] : memref<32x250x40xi32, #tpu.memory_space<hbm>> -> memref<1x125x40xi32, #tpu.memory_space<hbm>>
      %dma_wait3A_239 = tpu.memref_squeeze %dma_wait3A_238 : memref<1x125x40xi32, #tpu.memory_space<hbm>> -> memref<125x40xi32, #tpu.memory_space<hbm>>
      %dma_wait3A_240 = arith.constant 0 : i32
      %dma_wait3A_241 = arith.constant 0 : i32
      %dma_wait3A_242 = tpu.memref_slice %arg2[%add3A, %dma_wait3A_240, %dma_wait3A_241] : memref<32x250x40xi32, #tpu.memory_space<hbm>> -> memref<1x125x40xi32, #tpu.memory_space<hbm>>
      %dma_wait3A_243 = tpu.memref_squeeze %dma_wait3A_242 : memref<1x125x40xi32, #tpu.memory_space<hbm>> -> memref<125x40xi32, #tpu.memory_space<hbm>>
      tpu.wait_dma2 semaphore(%run_scoped3A : memref<!tpu.dma_semaphore, #tpu.memory_space<semaphore_mem>>) src(%dma_wait3A_243 : memref<125x40xi32, #tpu.memory_space<hbm>>) dst(%arg8 : memref<125x40xi32, #tpu.memory_space<vmem>>)
      tpu.yield
    }) : () -> ()
    "tpu.region"() ({
      %run_scoped3A = tpu.sem_alloc : memref<!tpu.dma_semaphore, #tpu.memory_space<semaphore_mem>>
      %dma_start3A_228 = arith.constant 0 : i32
      %dma_start3A_229 = arith.constant 0 : i32
      %dma_start3A_230 = tpu.memref_slice %arg3[%add3A, %dma_start3A_228, %dma_start3A_229] : memref<32x250x40xi32, #tpu.memory_space<hbm>> -> memref<1x125x40xi32, #tpu.memory_space<hbm>>
      %dma_start3A_231 = tpu.memref_squeeze %dma_start3A_230 : memref<1x125x40xi32, #tpu.memory_space<hbm>> -> memref<125x40xi32, #tpu.memory_space<hbm>>
      %dma_start3A_232 = arith.constant 0 : i32
      %dma_start3A_233 = arith.constant 0 : i32
      %dma_start3A_234 = tpu.memref_slice %arg3[%add3A, %dma_start3A_232, %dma_start3A_233] : memref<32x250x40xi32, #tpu.memory_space<hbm>> -> memref<1x125x40xi32, #tpu.memory_space<hbm>>
      %dma_start3A_235 = tpu.memref_squeeze %dma_start3A_234 : memref<1x125x40xi32, #tpu.memory_space<hbm>> -> memref<125x40xi32, #tpu.memory_space<hbm>>
      tpu.enqueue_dma source(%dma_start3A_235 : memref<125x40xi32, #tpu.memory_space<hbm>>) target(%arg9 : memref<125x40xi32, #tpu.memory_space<vmem>>) target_semaphore(%run_scoped3A : memref<!tpu.dma_semaphore, #tpu.memory_space<semaphore_mem>>)
      %dma_wait3A_236 = arith.constant 0 : i32
      %dma_wait3A_237 = arith.constant 0 : i32
      %dma_wait3A_238 = tpu.memref_slice %arg3[%add3A, %dma_wait3A_236, %dma_wait3A_237] : memref<32x250x40xi32, #tpu.memory_space<hbm>> -> memref<1x125x40xi32, #tpu.memory_space<hbm>>
      %dma_wait3A_239 = tpu.memref_squeeze %dma_wait3A_238 : memref<1x125x40xi32, #tpu.memory_space<hbm>> -> memref<125x40xi32, #tpu.memory_space<hbm>>
      %dma_wait3A_240 = arith.constant 0 : i32
      %dma_wait3A_241 = arith.constant 0 : i32
      %dma_wait3A_242 = tpu.memref_slice %arg3[%add3A, %dma_wait3A_240, %dma_wait3A_241] : memref<32x250x40xi32, #tpu.memory_space<hbm>> -> memref<1x125x40xi32, #tpu.memory_space<hbm>>
      %dma_wait3A_243 = tpu.memref_squeeze %dma_wait3A_242 : memref<1x125x40xi32, #tpu.memory_space<hbm>> -> memref<125x40xi32, #tpu.memory_space<hbm>>
      tpu.wait_dma2 semaphore(%run_scoped3A : memref<!tpu.dma_semaphore, #tpu.memory_space<semaphore_mem>>) src(%dma_wait3A_243 : memref<125x40xi32, #tpu.memory_space<hbm>>) dst(%arg9 : memref<125x40xi32, #tpu.memory_space<vmem>>)
      tpu.yield
    }) : () -> ()
    %dma_start3A = arith.constant 0 : i32
    %dma_start3A_72 = arith.constant 0 : i32
    %dma_start3A_73 = tpu.memref_slice %arg8[%dma_start3A, %dma_start3A_72] : memref<125x40xi32, #tpu.memory_space<vmem>> -> memref<1x40xi32, #tpu.memory_space<vmem>>
    %dma_start3A_74 = tpu.memref_squeeze %dma_start3A_73 : memref<1x40xi32, #tpu.memory_space<vmem>> -> memref<40xi32, #tpu.memory_space<vmem>>
    %dma_start3A_75 = arith.constant 0 : i32
    %dma_start3A_76 = arith.constant 0 : i32
    %dma_start3A_77 = tpu.memref_slice %arg6[%dma_start3A_75, %dma_start3A_76] : memref<10000x128xbf16, #tpu.memory_space<hbm>> -> memref<10000x128xbf16, #tpu.memory_space<hbm>>
    tpu.enqueue_indirect_dma source(%dma_start3A_77 : memref<10000x128xbf16, #tpu.memory_space<hbm>>) target(%arg14 : memref<40x128xbf16, #tpu.memory_space<vmem>>) offsets(%dma_start3A_74 : memref<40xi32, #tpu.memory_space<vmem>>) semaphore(%arg19 : memref<!tpu.dma_semaphore, #tpu.memory_space<semaphore_mem>>)
    %dma_start3A_78 = arith.constant 0 : i32
    %dma_start3A_79 = arith.constant 0 : i32
    %dma_start3A_80 = tpu.memref_slice %arg8[%dma_start3A_78, %dma_start3A_79] : memref<125x40xi32, #tpu.memory_space<vmem>> -> memref<1x40xi32, #tpu.memory_space<vmem>>
    %dma_start3A_81 = tpu.memref_squeeze %dma_start3A_80 : memref<1x40xi32, #tpu.memory_space<vmem>> -> memref<40xi32, #tpu.memory_space<vmem>>
    %dma_start3A_82 = arith.constant 0 : i32
    %dma_start3A_83 = arith.constant 0 : i32
    %dma_start3A_84 = tpu.memref_slice %arg4[%dma_start3A_82, %dma_start3A_83] : memref<10000x16xf32, #tpu.memory_space<hbm>> -> memref<10000x16xf32, #tpu.memory_space<hbm>>
    tpu.enqueue_indirect_dma source(%dma_start3A_84 : memref<10000x16xf32, #tpu.memory_space<hbm>>) target(%arg10 : memref<40x16xf32, #tpu.memory_space<vmem>>) offsets(%dma_start3A_81 : memref<40xi32, #tpu.memory_space<vmem>>) semaphore(%arg21 : memref<!tpu.dma_semaphore, #tpu.memory_space<semaphore_mem>>)
    %dma_start3A_85 = arith.constant 0 : i32
    %dma_start3A_86 = arith.constant 0 : i32
    %dma_start3A_87 = tpu.memref_slice %arg9[%dma_start3A_85, %dma_start3A_86] : memref<125x40xi32, #tpu.memory_space<vmem>> -> memref<1x40xi32, #tpu.memory_space<vmem>>
    %dma_start3A_88 = tpu.memref_squeeze %dma_start3A_87 : memref<1x40xi32, #tpu.memory_space<vmem>> -> memref<40xi32, #tpu.memory_space<vmem>>
    %dma_start3A_89 = arith.constant 0 : i32
    %dma_start3A_90 = arith.constant 0 : i32
    %dma_start3A_91 = tpu.memref_slice %arg5[%dma_start3A_89, %dma_start3A_90] : memref<10000x16xf32, #tpu.memory_space<hbm>> -> memref<10000x16xf32, #tpu.memory_space<hbm>>
    tpu.enqueue_indirect_dma source(%dma_start3A_91 : memref<10000x16xf32, #tpu.memory_space<hbm>>) target(%arg12 : memref<40x16xf32, #tpu.memory_space<vmem>>) offsets(%dma_start3A_88 : memref<40xi32, #tpu.memory_space<vmem>>) semaphore(%arg23 : memref<!tpu.dma_semaphore, #tpu.memory_space<semaphore_mem>>)
    %scan3A_92 = arith.constant 0 : i32
    %scan3A_93 = arith.constant 0 : i32
    %scan3A_94 = arith.constant 62 : i32
    %scan3A_95 = arith.addi %scan3A_93, %scan3A_94 : i32
    %scan3A_96 = arith.constant 1 : i32
    scf.for %scan3A_228 = %scan3A_93 to %scan3A_95 step %scan3A_96  : i32 {
      %mul3A_229 = arith.constant 2 : i32
      %mul3A_230 = arith.muli %mul3A_229, %scan3A_228 : i32
      %add3A_231 = arith.constant 0 : i32
      %add3A_232 = arith.addi %mul3A_230, %add3A_231 : i32
      %add3A_233 = arith.constant 1 : i32
      %add3A_234 = arith.addi %add3A_232, %add3A_233 : i32
      %lt3A = arith.constant 125 : i32
      %lt3A_235 = arith.cmpi slt, %add3A_234, %lt3A : i32
      %convert_element_type3A = arith.extui %lt3A_235 : i1 to i32
      %cond3A = arith.constant 0 : i32
      %cond3A_236 = arith.cmpi ne, %convert_element_type3A, %cond3A : i32
      scf.if %cond3A_236 {
        %add3A_311 = arith.constant 1 : i32
        %add3A_312 = arith.addi %add3A_232, %add3A_311 : i32
        %dma_start3A_313 = arith.constant 0 : i32
        %dma_start3A_314 = tpu.memref_slice %arg8[%add3A_312, %dma_start3A_313] : memref<125x40xi32, #tpu.memory_space<vmem>> -> memref<1x40xi32, #tpu.memory_space<vmem>>
        %dma_start3A_315 = tpu.memref_squeeze %dma_start3A_314 : memref<1x40xi32, #tpu.memory_space<vmem>> -> memref<40xi32, #tpu.memory_space<vmem>>
        %dma_start3A_316 = arith.constant 0 : i32
        %dma_start3A_317 = arith.constant 0 : i32
        %dma_start3A_318 = tpu.memref_slice %arg6[%dma_start3A_316, %dma_start3A_317] : memref<10000x128xbf16, #tpu.memory_space<hbm>> -> memref<10000x128xbf16, #tpu.memory_space<hbm>>
        tpu.enqueue_indirect_dma source(%dma_start3A_318 : memref<10000x128xbf16, #tpu.memory_space<hbm>>) target(%arg15 : memref<40x128xbf16, #tpu.memory_space<vmem>>) offsets(%dma_start3A_315 : memref<40xi32, #tpu.memory_space<vmem>>) semaphore(%arg20 : memref<!tpu.dma_semaphore, #tpu.memory_space<semaphore_mem>>)
        %dma_start3A_319 = arith.constant 0 : i32
        %dma_start3A_320 = tpu.memref_slice %arg8[%add3A_312, %dma_start3A_319] : memref<125x40xi32, #tpu.memory_space<vmem>> -> memref<1x40xi32, #tpu.memory_space<vmem>>
        %dma_start3A_321 = tpu.memref_squeeze %dma_start3A_320 : memref<1x40xi32, #tpu.memory_space<vmem>> -> memref<40xi32, #tpu.memory_space<vmem>>
        %dma_start3A_322 = arith.constant 0 : i32
        %dma_start3A_323 = arith.constant 0 : i32
        %dma_start3A_324 = tpu.memref_slice %arg4[%dma_start3A_322, %dma_start3A_323] : memref<10000x16xf32, #tpu.memory_space<hbm>> -> memref<10000x16xf32, #tpu.memory_space<hbm>>
        tpu.enqueue_indirect_dma source(%dma_start3A_324 : memref<10000x16xf32, #tpu.memory_space<hbm>>) target(%arg11 : memref<40x16xf32, #tpu.memory_space<vmem>>) offsets(%dma_start3A_321 : memref<40xi32, #tpu.memory_space<vmem>>) semaphore(%arg22 : memref<!tpu.dma_semaphore, #tpu.memory_space<semaphore_mem>>)
        %dma_start3A_325 = arith.constant 0 : i32
        %dma_start3A_326 = tpu.memref_slice %arg9[%add3A_312, %dma_start3A_325] : memref<125x40xi32, #tpu.memory_space<vmem>> -> memref<1x40xi32, #tpu.memory_space<vmem>>
        %dma_start3A_327 = tpu.memref_squeeze %dma_start3A_326 : memref<1x40xi32, #tpu.memory_space<vmem>> -> memref<40xi32, #tpu.memory_space<vmem>>
        %dma_start3A_328 = arith.constant 0 : i32
        %dma_start3A_329 = arith.constant 0 : i32
        %dma_start3A_330 = tpu.memref_slice %arg5[%dma_start3A_328, %dma_start3A_329] : memref<10000x16xf32, #tpu.memory_space<hbm>> -> memref<10000x16xf32, #tpu.memory_space<hbm>>
        tpu.enqueue_indirect_dma source(%dma_start3A_330 : memref<10000x16xf32, #tpu.memory_space<hbm>>) target(%arg13 : memref<40x16xf32, #tpu.memory_space<vmem>>) offsets(%dma_start3A_327 : memref<40xi32, #tpu.memory_space<vmem>>) semaphore(%arg24 : memref<!tpu.dma_semaphore, #tpu.memory_space<semaphore_mem>>)
      } else {
      }
      %dma_wait3A_237 = arith.constant 0 : i32
      %dma_wait3A_238 = tpu.memref_slice %arg8[%add3A_232, %dma_wait3A_237] : memref<125x40xi32, #tpu.memory_space<vmem>> -> memref<1x40xi32, #tpu.memory_space<vmem>>
      %dma_wait3A_239 = tpu.memref_squeeze %dma_wait3A_238 : memref<1x40xi32, #tpu.memory_space<vmem>> -> memref<40xi32, #tpu.memory_space<vmem>>
      %dma_wait3A_240 = arith.constant 0 : i32
      %dma_wait3A_241 = arith.constant 0 : i32
      %dma_wait3A_242 = tpu.memref_slice %arg6[%dma_wait3A_240, %dma_wait3A_241] : memref<10000x128xbf16, #tpu.memory_space<hbm>> -> memref<10000x128xbf16, #tpu.memory_space<hbm>>
      tpu.wait_indirect_dma semaphore(%arg19 : memref<!tpu.dma_semaphore, #tpu.memory_space<semaphore_mem>>) src(%dma_wait3A_242 : memref<10000x128xbf16, #tpu.memory_space<hbm>>) dst(%arg14 : memref<40x128xbf16, #tpu.memory_space<vmem>>)
      %dma_wait3A_243 = arith.constant 0 : i32
      %dma_wait3A_244 = tpu.memref_slice %arg8[%add3A_232, %dma_wait3A_243] : memref<125x40xi32, #tpu.memory_space<vmem>> -> memref<1x40xi32, #tpu.memory_space<vmem>>
      %dma_wait3A_245 = tpu.memref_squeeze %dma_wait3A_244 : memref<1x40xi32, #tpu.memory_space<vmem>> -> memref<40xi32, #tpu.memory_space<vmem>>
      %dma_wait3A_246 = arith.constant 0 : i32
      %dma_wait3A_247 = arith.constant 0 : i32
      %dma_wait3A_248 = tpu.memref_slice %arg4[%dma_wait3A_246, %dma_wait3A_247] : memref<10000x16xf32, #tpu.memory_space<hbm>> -> memref<10000x16xf32, #tpu.memory_space<hbm>>
      tpu.wait_indirect_dma semaphore(%arg21 : memref<!tpu.dma_semaphore, #tpu.memory_space<semaphore_mem>>) src(%dma_wait3A_248 : memref<10000x16xf32, #tpu.memory_space<hbm>>) dst(%arg10 : memref<40x16xf32, #tpu.memory_space<vmem>>)
      %dma_wait3A_249 = arith.constant 0 : i32
      %dma_wait3A_250 = tpu.memref_slice %arg9[%add3A_232, %dma_wait3A_249] : memref<125x40xi32, #tpu.memory_space<vmem>> -> memref<1x40xi32, #tpu.memory_space<vmem>>
      %dma_wait3A_251 = tpu.memref_squeeze %dma_wait3A_250 : memref<1x40xi32, #tpu.memory_space<vmem>> -> memref<40xi32, #tpu.memory_space<vmem>>
      %dma_wait3A_252 = arith.constant 0 : i32
      %dma_wait3A_253 = arith.constant 0 : i32
      %dma_wait3A_254 = tpu.memref_slice %arg5[%dma_wait3A_252, %dma_wait3A_253] : memref<10000x16xf32, #tpu.memory_space<hbm>> -> memref<10000x16xf32, #tpu.memory_space<hbm>>
      tpu.wait_indirect_dma semaphore(%arg23 : memref<!tpu.dma_semaphore, #tpu.memory_space<semaphore_mem>>) src(%dma_wait3A_254 : memref<10000x16xf32, #tpu.memory_space<hbm>>) dst(%arg12 : memref<40x16xf32, #tpu.memory_space<vmem>>)
      %ge3A = arith.constant 2 : i32
      %ge3A_255 = arith.cmpi sge, %add3A_232, %ge3A : i32
      %convert_element_type3A_256 = arith.extui %ge3A_255 : i1 to i32
      %cond3A_257 = arith.constant 0 : i32
      %cond3A_258 = arith.cmpi ne, %convert_element_type3A_256, %cond3A_257 : i32
      scf.if %cond3A_258 {
        %dma_wait3A_311 = arith.constant 0 : i32
        %dma_wait3A_312 = tpu.memref_slice %arg9[%add3A_232, %dma_wait3A_311] : memref<125x40xi32, #tpu.memory_space<vmem>> -> memref<1x40xi32, #tpu.memory_space<vmem>>
        %dma_wait3A_313 = tpu.memref_squeeze %dma_wait3A_312 : memref<1x40xi32, #tpu.memory_space<vmem>> -> memref<40xi32, #tpu.memory_space<vmem>>
        %dma_wait3A_314 = arith.constant 0 : i32
        %dma_wait3A_315 = arith.constant 0 : i32
        %dma_wait3A_316 = tpu.memref_slice %arg18[%dma_wait3A_314, %dma_wait3A_315] : memref<10240x144xf32, #tpu.memory_space<vmem_shared>> -> memref<10240x144xf32, #tpu.memory_space<vmem_shared>>
        tpu.wait_indirect_dma semaphore(%arg25 : memref<!tpu.dma_semaphore, #tpu.memory_space<semaphore_mem>>) src(%arg16 : memref<40x144xf32, #tpu.memory_space<vmem>>) dst(%dma_wait3A_316 : memref<10240x144xf32, #tpu.memory_space<vmem_shared>>)
      } else {
      }
      %parallel_loop3A_259 = arith.constant 0 : i32
      %parallel_loop3A_260 = arith.constant 40 : i32
      %parallel_loop3A_261 = arith.constant 1 : i32
      scf.for %parallel_loop3A_311 = %parallel_loop3A_259 to %parallel_loop3A_260 step %parallel_loop3A_261  : i32 {
        %parallel_loop3A_312 = arith.index_cast %parallel_loop3A_311 : i32 to index
        %parallel_loop3A_313 = arith.constant 0 : index
        %parallel_loop3A_314 = tpu.vector_load %arg10[%parallel_loop3A_312, %parallel_loop3A_313] {strides = array<i32>} : memref<40x16xf32, #tpu.memory_space<vmem>>, vector<16xf32>,
        %parallel_loop3A_315 = arith.index_cast %parallel_loop3A_311 : i32 to index
        %parallel_loop3A_316 = arith.constant 0 : index
        %parallel_loop3A_317 = tpu.vector_load %arg12[%parallel_loop3A_315, %parallel_loop3A_316] {strides = array<i32>} : memref<40x16xf32, #tpu.memory_space<vmem>>, vector<16xf32>,
        %parallel_loop3A_318 = arith.addf %parallel_loop3A_314, %parallel_loop3A_317 : vector<16xf32>
        %parallel_loop3A_319 = arith.constant 0.000000e+00 : f32
        %parallel_loop3A_320 = vector.broadcast %parallel_loop3A_319 : f32 to vector<16xf32>
        %parallel_loop3A_321 = arith.cmpf oge, %parallel_loop3A_318, %parallel_loop3A_320 : vector<16xf32>
        %parallel_loop3A_322 = arith.constant 2.000000e-01 : f32
        %parallel_loop3A_323 = vector.broadcast %parallel_loop3A_322 : f32 to vector<16xf32>
        %parallel_loop3A_324 = arith.mulf %parallel_loop3A_323, %parallel_loop3A_318 : vector<16xf32>
        %parallel_loop3A_325 = arith.select %parallel_loop3A_321, %parallel_loop3A_318, %parallel_loop3A_324 : vector<16xi1>, vector<16xf32>
        %parallel_loop3A_326 = math.exp %parallel_loop3A_325 : vector<16xf32>
        %parallel_loop3A_327 = arith.index_cast %parallel_loop3A_311 : i32 to index
        %parallel_loop3A_328 = arith.constant 128 : index
        %parallel_loop3A_329 = tpu.vector_load %arg16[%parallel_loop3A_327, %parallel_loop3A_328] {strides = array<i32>} : memref<40x144xf32, #tpu.memory_space<vmem>>, vector<16xf32>,
        tpu.vector_store %arg16[%parallel_loop3A_327, %parallel_loop3A_328], %parallel_loop3A_326 {strides = array<i32>} : memref<40x144xf32, #tpu.memory_space<vmem>>, vector<16xf32>,
        %parallel_loop3A_330 = arith.index_cast %parallel_loop3A_311 : i32 to index
        %parallel_loop3A_331 = arith.constant 0 : index
        %parallel_loop3A_332 = tpu.vector_load %arg14[%parallel_loop3A_330, %parallel_loop3A_331] {strides = array<i32>} : memref<40x128xbf16, #tpu.memory_space<vmem>>, vector<32xbf16>,
        %parallel_loop3A_333 = tpu.unpack_subelements %parallel_loop3A_332, 0 {pack_format = #tpu.pack_format<interleaved>} : vector<32xbf16> -> vector<16xf32>
        %parallel_loop3A_334 = tpu.unpack_subelements %parallel_loop3A_332, 1 {pack_format = #tpu.pack_format<interleaved>} : vector<32xbf16> -> vector<16xf32>
        %parallel_loop3A_335 = arith.mulf %parallel_loop3A_333, %parallel_loop3A_326 : vector<16xf32>
        %parallel_loop3A_336 = arith.index_cast %parallel_loop3A_311 : i32 to index
        %parallel_loop3A_337 = arith.constant 0 : index
        %parallel_loop3A_338 = tpu.vector_load %arg16[%parallel_loop3A_336, %parallel_loop3A_337] {strides = array<i32>} : memref<40x144xf32, #tpu.memory_space<vmem>>, vector<16xf32>,
        tpu.vector_store %arg16[%parallel_loop3A_336, %parallel_loop3A_337], %parallel_loop3A_335 {strides = array<i32>} : memref<40x144xf32, #tpu.memory_space<vmem>>, vector<16xf32>,
        %parallel_loop3A_339 = arith.mulf %parallel_loop3A_334, %parallel_loop3A_326 : vector<16xf32>
        %parallel_loop3A_340 = arith.index_cast %parallel_loop3A_311 : i32 to index
        %parallel_loop3A_341 = arith.constant 16 : index
        %parallel_loop3A_342 = tpu.vector_load %arg16[%parallel_loop3A_340, %parallel_loop3A_341] {strides = array<i32>} : memref<40x144xf32, #tpu.memory_space<vmem>>, vector<16xf32>,
        tpu.vector_store %arg16[%parallel_loop3A_340, %parallel_loop3A_341], %parallel_loop3A_339 {strides = array<i32>} : memref<40x144xf32, #tpu.memory_space<vmem>>, vector<16xf32>,
        %parallel_loop3A_343 = arith.index_cast %parallel_loop3A_311 : i32 to index
        %parallel_loop3A_344 = arith.constant 32 : index
        %parallel_loop3A_345 = tpu.vector_load %arg14[%parallel_loop3A_343, %parallel_loop3A_344] {strides = array<i32>} : memref<40x128xbf16, #tpu.memory_space<vmem>>, vector<32xbf16>,
        %parallel_loop3A_346 = tpu.unpack_subelements %parallel_loop3A_345, 0 {pack_format = #tpu.pack_format<interleaved>} : vector<32xbf16> -> vector<16xf32>
        %parallel_loop3A_347 = tpu.unpack_subelements %parallel_loop3A_345, 1 {pack_format = #tpu.pack_format<interleaved>} : vector<32xbf16> -> vector<16xf32>
        %parallel_loop3A_348 = arith.mulf %parallel_loop3A_346, %parallel_loop3A_326 : vector<16xf32>
        %parallel_loop3A_349 = arith.index_cast %parallel_loop3A_311 : i32 to index
        %parallel_loop3A_350 = arith.constant 32 : index
        %parallel_loop3A_351 = tpu.vector_load %arg16[%parallel_loop3A_349, %parallel_loop3A_350] {strides = array<i32>} : memref<40x144xf32, #tpu.memory_space<vmem>>, vector<16xf32>,
        tpu.vector_store %arg16[%parallel_loop3A_349, %parallel_loop3A_350], %parallel_loop3A_348 {strides = array<i32>} : memref<40x144xf32, #tpu.memory_space<vmem>>, vector<16xf32>,
        %parallel_loop3A_352 = arith.mulf %parallel_loop3A_347, %parallel_loop3A_326 : vector<16xf32>
        %parallel_loop3A_353 = arith.index_cast %parallel_loop3A_311 : i32 to index
        %parallel_loop3A_354 = arith.constant 48 : index
        %parallel_loop3A_355 = tpu.vector_load %arg16[%parallel_loop3A_353, %parallel_loop3A_354] {strides = array<i32>} : memref<40x144xf32, #tpu.memory_space<vmem>>, vector<16xf32>,
        tpu.vector_store %arg16[%parallel_loop3A_353, %parallel_loop3A_354], %parallel_loop3A_352 {strides = array<i32>} : memref<40x144xf32, #tpu.memory_space<vmem>>, vector<16xf32>,
        %parallel_loop3A_356 = arith.index_cast %parallel_loop3A_311 : i32 to index
        %parallel_loop3A_357 = arith.constant 64 : index
        %parallel_loop3A_358 = tpu.vector_load %arg14[%parallel_loop3A_356, %parallel_loop3A_357] {strides = array<i32>} : memref<40x128xbf16, #tpu.memory_space<vmem>>, vector<32xbf16>,
        %parallel_loop3A_359 = tpu.unpack_subelements %parallel_loop3A_358, 0 {pack_format = #tpu.pack_format<interleaved>} : vector<32xbf16> -> vector<16xf32>
        %parallel_loop3A_360 = tpu.unpack_subelements %parallel_loop3A_358, 1 {pack_format = #tpu.pack_format<interleaved>} : vector<32xbf16> -> vector<16xf32>
        %parallel_loop3A_361 = arith.mulf %parallel_loop3A_359, %parallel_loop3A_326 : vector<16xf32>
        %parallel_loop3A_362 = arith.index_cast %parallel_loop3A_311 : i32 to index
        %parallel_loop3A_363 = arith.constant 64 : index
        %parallel_loop3A_364 = tpu.vector_load %arg16[%parallel_loop3A_362, %parallel_loop3A_363] {strides = array<i32>} : memref<40x144xf32, #tpu.memory_space<vmem>>, vector<16xf32>,
        tpu.vector_store %arg16[%parallel_loop3A_362, %parallel_loop3A_363], %parallel_loop3A_361 {strides = array<i32>} : memref<40x144xf32, #tpu.memory_space<vmem>>, vector<16xf32>,
        %parallel_loop3A_365 = arith.mulf %parallel_loop3A_360, %parallel_loop3A_326 : vector<16xf32>
        %parallel_loop3A_366 = arith.index_cast %parallel_loop3A_311 : i32 to index
        %parallel_loop3A_367 = arith.constant 80 : index
        %parallel_loop3A_368 = tpu.vector_load %arg16[%parallel_loop3A_366, %parallel_loop3A_367] {strides = array<i32>} : memref<40x144xf32, #tpu.memory_space<vmem>>, vector<16xf32>,
        tpu.vector_store %arg16[%parallel_loop3A_366, %parallel_loop3A_367], %parallel_loop3A_365 {strides = array<i32>} : memref<40x144xf32, #tpu.memory_space<vmem>>, vector<16xf32>,
        %parallel_loop3A_369 = arith.index_cast %parallel_loop3A_311 : i32 to index
        %parallel_loop3A_370 = arith.constant 96 : index
        %parallel_loop3A_371 = tpu.vector_load %arg14[%parallel_loop3A_369, %parallel_loop3A_370] {strides = array<i32>} : memref<40x128xbf16, #tpu.memory_space<vmem>>, vector<32xbf16>,
        %parallel_loop3A_372 = tpu.unpack_subelements %parallel_loop3A_371, 0 {pack_format = #tpu.pack_format<interleaved>} : vector<32xbf16> -> vector<16xf32>
        %parallel_loop3A_373 = tpu.unpack_subelements %parallel_loop3A_371, 1 {pack_format = #tpu.pack_format<interleaved>} : vector<32xbf16> -> vector<16xf32>
        %parallel_loop3A_374 = arith.mulf %parallel_loop3A_372, %parallel_loop3A_326 : vector<16xf32>
        %parallel_loop3A_375 = arith.index_cast %parallel_loop3A_311 : i32 to index
        %parallel_loop3A_376 = arith.constant 96 : index
        %parallel_loop3A_377 = tpu.vector_load %arg16[%parallel_loop3A_375, %parallel_loop3A_376] {strides = array<i32>} : memref<40x144xf32, #tpu.memory_space<vmem>>, vector<16xf32>,
        tpu.vector_store %arg16[%parallel_loop3A_375, %parallel_loop3A_376], %parallel_loop3A_374 {strides = array<i32>} : memref<40x144xf32, #tpu.memory_space<vmem>>, vector<16xf32>,
        %parallel_loop3A_378 = arith.mulf %parallel_loop3A_373, %parallel_loop3A_326 : vector<16xf32>
        %parallel_loop3A_379 = arith.index_cast %parallel_loop3A_311 : i32 to index
        %parallel_loop3A_380 = arith.constant 112 : index
        %parallel_loop3A_381 = tpu.vector_load %arg16[%parallel_loop3A_379, %parallel_loop3A_380] {strides = array<i32>} : memref<40x144xf32, #tpu.memory_space<vmem>>, vector<16xf32>,
        tpu.vector_store %arg16[%parallel_loop3A_379, %parallel_loop3A_380], %parallel_loop3A_378 {strides = array<i32>} : memref<40x144xf32, #tpu.memory_space<vmem>>, vector<16xf32>,
      } {sc.loop_unroll_factor = 8 : i64, sc.parallel_access}
      %dma_start3A_262 = arith.constant 0 : i32
      %dma_start3A_263 = tpu.memref_slice %arg9[%add3A_232, %dma_start3A_262] : memref<125x40xi32, #tpu.memory_space<vmem>> -> memref<1x40xi32, #tpu.memory_space<vmem>>
      %dma_start3A_264 = tpu.memref_squeeze %dma_start3A_263 : memref<1x40xi32, #tpu.memory_space<vmem>> -> memref<40xi32, #tpu.memory_space<vmem>>
      %dma_start3A_265 = arith.constant 0 : i32
      %dma_start3A_266 = arith.constant 0 : i32
      %dma_start3A_267 = tpu.memref_slice %arg18[%dma_start3A_265, %dma_start3A_266] : memref<10240x144xf32, #tpu.memory_space<vmem_shared>> -> memref<10240x144xf32, #tpu.memory_space<vmem_shared>>
      tpu.enqueue_indirect_dma source(%arg16 : memref<40x144xf32, #tpu.memory_space<vmem>>) target(%dma_start3A_267 : memref<10240x144xf32, #tpu.memory_space<vmem_shared>>) offsets(%dma_start3A_264 : memref<40xi32, #tpu.memory_space<vmem>>) semaphore(%arg25 : memref<!tpu.dma_semaphore, #tpu.memory_space<semaphore_mem>>) {add = true}
      %mul3A_268 = arith.constant 2 : i32
      %mul3A_269 = arith.muli %mul3A_268, %scan3A_228 : i32
      %add3A_270 = arith.constant 1 : i32
      %add3A_271 = arith.addi %mul3A_269, %add3A_270 : i32
      %add3A_272 = arith.constant 1 : i32
      %add3A_273 = arith.addi %add3A_271, %add3A_272 : i32
      %lt3A_274 = arith.constant 125 : i32
      %lt3A_275 = arith.cmpi slt, %add3A_273, %lt3A_274 : i32
      %convert_element_type3A_276 = arith.extui %lt3A_275 : i1 to i32
      %cond3A_277 = arith.constant 0 : i32
      %cond3A_278 = arith.cmpi ne, %convert_element_type3A_276, %cond3A_277 : i32
      scf.if %cond3A_278 {
        %add3A_311 = arith.constant 1 : i32
        %add3A_312 = arith.addi %add3A_271, %add3A_311 : i32
        %dma_start3A_313 = arith.constant 0 : i32
        %dma_start3A_314 = tpu.memref_slice %arg8[%add3A_312, %dma_start3A_313] : memref<125x40xi32, #tpu.memory_space<vmem>> -> memref<1x40xi32, #tpu.memory_space<vmem>>
        %dma_start3A_315 = tpu.memref_squeeze %dma_start3A_314 : memref<1x40xi32, #tpu.memory_space<vmem>> -> memref<40xi32, #tpu.memory_space<vmem>>
        %dma_start3A_316 = arith.constant 0 : i32
        %dma_start3A_317 = arith.constant 0 : i32
        %dma_start3A_318 = tpu.memref_slice %arg6[%dma_start3A_316, %dma_start3A_317] : memref<10000x128xbf16, #tpu.memory_space<hbm>> -> memref<10000x128xbf16, #tpu.memory_space<hbm>>
        tpu.enqueue_indirect_dma source(%dma_start3A_318 : memref<10000x128xbf16, #tpu.memory_space<hbm>>) target(%arg14 : memref<40x128xbf16, #tpu.memory_space<vmem>>) offsets(%dma_start3A_315 : memref<40xi32, #tpu.memory_space<vmem>>) semaphore(%arg19 : memref<!tpu.dma_semaphore, #tpu.memory_space<semaphore_mem>>)
        %dma_start3A_319 = arith.constant 0 : i32
        %dma_start3A_320 = tpu.memref_slice %arg8[%add3A_312, %dma_start3A_319] : memref<125x40xi32, #tpu.memory_space<vmem>> -> memref<1x40xi32, #tpu.memory_space<vmem>>
        %dma_start3A_321 = tpu.memref_squeeze %dma_start3A_320 : memref<1x40xi32, #tpu.memory_space<vmem>> -> memref<40xi32, #tpu.memory_space<vmem>>
        %dma_start3A_322 = arith.constant 0 : i32
        %dma_start3A_323 = arith.constant 0 : i32
        %dma_start3A_324 = tpu.memref_slice %arg4[%dma_start3A_322, %dma_start3A_323] : memref<10000x16xf32, #tpu.memory_space<hbm>> -> memref<10000x16xf32, #tpu.memory_space<hbm>>
        tpu.enqueue_indirect_dma source(%dma_start3A_324 : memref<10000x16xf32, #tpu.memory_space<hbm>>) target(%arg10 : memref<40x16xf32, #tpu.memory_space<vmem>>) offsets(%dma_start3A_321 : memref<40xi32, #tpu.memory_space<vmem>>) semaphore(%arg21 : memref<!tpu.dma_semaphore, #tpu.memory_space<semaphore_mem>>)
        %dma_start3A_325 = arith.constant 0 : i32
        %dma_start3A_326 = tpu.memref_slice %arg9[%add3A_312, %dma_start3A_325] : memref<125x40xi32, #tpu.memory_space<vmem>> -> memref<1x40xi32, #tpu.memory_space<vmem>>
        %dma_start3A_327 = tpu.memref_squeeze %dma_start3A_326 : memref<1x40xi32, #tpu.memory_space<vmem>> -> memref<40xi32, #tpu.memory_space<vmem>>
        %dma_start3A_328 = arith.constant 0 : i32
        %dma_start3A_329 = arith.constant 0 : i32
        %dma_start3A_330 = tpu.memref_slice %arg5[%dma_start3A_328, %dma_start3A_329] : memref<10000x16xf32, #tpu.memory_space<hbm>> -> memref<10000x16xf32, #tpu.memory_space<hbm>>
        tpu.enqueue_indirect_dma source(%dma_start3A_330 : memref<10000x16xf32, #tpu.memory_space<hbm>>) target(%arg12 : memref<40x16xf32, #tpu.memory_space<vmem>>) offsets(%dma_start3A_327 : memref<40xi32, #tpu.memory_space<vmem>>) semaphore(%arg23 : memref<!tpu.dma_semaphore, #tpu.memory_space<semaphore_mem>>)
      } else {
      }
      %dma_wait3A_279 = arith.constant 0 : i32
      %dma_wait3A_280 = tpu.memref_slice %arg8[%add3A_271, %dma_wait3A_279] : memref<125x40xi32, #tpu.memory_space<vmem>> -> memref<1x40xi32, #tpu.memory_space<vmem>>
      %dma_wait3A_281 = tpu.memref_squeeze %dma_wait3A_280 : memref<1x40xi32, #tpu.memory_space<vmem>> -> memref<40xi32, #tpu.memory_space<vmem>>
      %dma_wait3A_282 = arith.constant 0 : i32
      %dma_wait3A_283 = arith.constant 0 : i32
      %dma_wait3A_284 = tpu.memref_slice %arg6[%dma_wait3A_282, %dma_wait3A_283] : memref<10000x128xbf16, #tpu.memory_space<hbm>> -> memref<10000x128xbf16, #tpu.memory_space<hbm>>
      tpu.wait_indirect_dma semaphore(%arg20 : memref<!tpu.dma_semaphore, #tpu.memory_space<semaphore_mem>>) src(%dma_wait3A_284 : memref<10000x128xbf16, #tpu.memory_space<hbm>>) dst(%arg15 : memref<40x128xbf16, #tpu.memory_space<vmem>>)
      %dma_wait3A_285 = arith.constant 0 : i32
      %dma_wait3A_286 = tpu.memref_slice %arg8[%add3A_271, %dma_wait3A_285] : memref<125x40xi32, #tpu.memory_space<vmem>> -> memref<1x40xi32, #tpu.memory_space<vmem>>
      %dma_wait3A_287 = tpu.memref_squeeze %dma_wait3A_286 : memref<1x40xi32, #tpu.memory_space<vmem>> -> memref<40xi32, #tpu.memory_space<vmem>>
      %dma_wait3A_288 = arith.constant 0 : i32
      %dma_wait3A_289 = arith.constant 0 : i32
      %dma_wait3A_290 = tpu.memref_slice %arg4[%dma_wait3A_288, %dma_wait3A_289] : memref<10000x16xf32, #tpu.memory_space<hbm>> -> memref<10000x16xf32, #tpu.memory_space<hbm>>
      tpu.wait_indirect_dma semaphore(%arg22 : memref<!tpu.dma_semaphore, #tpu.memory_space<semaphore_mem>>) src(%dma_wait3A_290 : memref<10000x16xf32, #tpu.memory_space<hbm>>) dst(%arg11 : memref<40x16xf32, #tpu.memory_space<vmem>>)
      %dma_wait3A_291 = arith.constant 0 : i32
      %dma_wait3A_292 = tpu.memref_slice %arg9[%add3A_271, %dma_wait3A_291] : memref<125x40xi32, #tpu.memory_space<vmem>> -> memref<1x40xi32, #tpu.memory_space<vmem>>
      %dma_wait3A_293 = tpu.memref_squeeze %dma_wait3A_292 : memref<1x40xi32, #tpu.memory_space<vmem>> -> memref<40xi32, #tpu.memory_space<vmem>>
      %dma_wait3A_294 = arith.constant 0 : i32
      %dma_wait3A_295 = arith.constant 0 : i32
      %dma_wait3A_296 = tpu.memref_slice %arg5[%dma_wait3A_294, %dma_wait3A_295] : memref<10000x16xf32, #tpu.memory_space<hbm>> -> memref<10000x16xf32, #tpu.memory_space<hbm>>
      tpu.wait_indirect_dma semaphore(%arg24 : memref<!tpu.dma_semaphore, #tpu.memory_space<semaphore_mem>>) src(%dma_wait3A_296 : memref<10000x16xf32, #tpu.memory_space<hbm>>) dst(%arg13 : memref<40x16xf32, #tpu.memory_space<vmem>>)
      %ge3A_297 = arith.constant 2 : i32
      %ge3A_298 = arith.cmpi sge, %add3A_271, %ge3A_297 : i32
      %convert_element_type3A_299 = arith.extui %ge3A_298 : i1 to i32
      %cond3A_300 = arith.constant 0 : i32
      %cond3A_301 = arith.cmpi ne, %convert_element_type3A_299, %cond3A_300 : i32
      scf.if %cond3A_301 {
        %dma_wait3A_311 = arith.constant 0 : i32
        %dma_wait3A_312 = tpu.memref_slice %arg9[%add3A_271, %dma_wait3A_311] : memref<125x40xi32, #tpu.memory_space<vmem>> -> memref<1x40xi32, #tpu.memory_space<vmem>>
        %dma_wait3A_313 = tpu.memref_squeeze %dma_wait3A_312 : memref<1x40xi32, #tpu.memory_space<vmem>> -> memref<40xi32, #tpu.memory_space<vmem>>
        %dma_wait3A_314 = arith.constant 0 : i32
        %dma_wait3A_315 = arith.constant 0 : i32
        %dma_wait3A_316 = tpu.memref_slice %arg18[%dma_wait3A_314, %dma_wait3A_315] : memref<10240x144xf32, #tpu.memory_space<vmem_shared>> -> memref<10240x144xf32, #tpu.memory_space<vmem_shared>>
        tpu.wait_indirect_dma semaphore(%arg26 : memref<!tpu.dma_semaphore, #tpu.memory_space<semaphore_mem>>) src(%arg17 : memref<40x144xf32, #tpu.memory_space<vmem>>) dst(%dma_wait3A_316 : memref<10240x144xf32, #tpu.memory_space<vmem_shared>>)
      } else {
      }
      %parallel_loop3A_302 = arith.constant 0 : i32
      %parallel_loop3A_303 = arith.constant 40 : i32
      %parallel_loop3A_304 = arith.constant 1 : i32
      scf.for %parallel_loop3A_311 = %parallel_loop3A_302 to %parallel_loop3A_303 step %parallel_loop3A_304  : i32 {
        %parallel_loop3A_312 = arith.index_cast %parallel_loop3A_311 : i32 to index
        %parallel_loop3A_313 = arith.constant 0 : index
        %parallel_loop3A_314 = tpu.vector_load %arg11[%parallel_loop3A_312, %parallel_loop3A_313] {strides = array<i32>} : memref<40x16xf32, #tpu.memory_space<vmem>>, vector<16xf32>,
        %parallel_loop3A_315 = arith.index_cast %parallel_loop3A_311 : i32 to index
        %parallel_loop3A_316 = arith.constant 0 : index
        %parallel_loop3A_317 = tpu.vector_load %arg13[%parallel_loop3A_315, %parallel_loop3A_316] {strides = array<i32>} : memref<40x16xf32, #tpu.memory_space<vmem>>, vector<16xf32>,
        %parallel_loop3A_318 = arith.addf %parallel_loop3A_314, %parallel_loop3A_317 : vector<16xf32>
        %parallel_loop3A_319 = arith.constant 0.000000e+00 : f32
        %parallel_loop3A_320 = vector.broadcast %parallel_loop3A_319 : f32 to vector<16xf32>
        %parallel_loop3A_321 = arith.cmpf oge, %parallel_loop3A_318, %parallel_loop3A_320 : vector<16xf32>
        %parallel_loop3A_322 = arith.constant 2.000000e-01 : f32
        %parallel_loop3A_323 = vector.broadcast %parallel_loop3A_322 : f32 to vector<16xf32>
        %parallel_loop3A_324 = arith.mulf %parallel_loop3A_323, %parallel_loop3A_318 : vector<16xf32>
        %parallel_loop3A_325 = arith.select %parallel_loop3A_321, %parallel_loop3A_318, %parallel_loop3A_324 : vector<16xi1>, vector<16xf32>
        %parallel_loop3A_326 = math.exp %parallel_loop3A_325 : vector<16xf32>
        %parallel_loop3A_327 = arith.index_cast %parallel_loop3A_311 : i32 to index
        %parallel_loop3A_328 = arith.constant 128 : index
        %parallel_loop3A_329 = tpu.vector_load %arg17[%parallel_loop3A_327, %parallel_loop3A_328] {strides = array<i32>} : memref<40x144xf32, #tpu.memory_space<vmem>>, vector<16xf32>,
        tpu.vector_store %arg17[%parallel_loop3A_327, %parallel_loop3A_328], %parallel_loop3A_326 {strides = array<i32>} : memref<40x144xf32, #tpu.memory_space<vmem>>, vector<16xf32>,
        %parallel_loop3A_330 = arith.index_cast %parallel_loop3A_311 : i32 to index
        %parallel_loop3A_331 = arith.constant 0 : index
        %parallel_loop3A_332 = tpu.vector_load %arg15[%parallel_loop3A_330, %parallel_loop3A_331] {strides = array<i32>} : memref<40x128xbf16, #tpu.memory_space<vmem>>, vector<32xbf16>,
        %parallel_loop3A_333 = tpu.unpack_subelements %parallel_loop3A_332, 0 {pack_format = #tpu.pack_format<interleaved>} : vector<32xbf16> -> vector<16xf32>
        %parallel_loop3A_334 = tpu.unpack_subelements %parallel_loop3A_332, 1 {pack_format = #tpu.pack_format<interleaved>} : vector<32xbf16> -> vector<16xf32>
        %parallel_loop3A_335 = arith.mulf %parallel_loop3A_333, %parallel_loop3A_326 : vector<16xf32>
        %parallel_loop3A_336 = arith.index_cast %parallel_loop3A_311 : i32 to index
        %parallel_loop3A_337 = arith.constant 0 : index
        %parallel_loop3A_338 = tpu.vector_load %arg17[%parallel_loop3A_336, %parallel_loop3A_337] {strides = array<i32>} : memref<40x144xf32, #tpu.memory_space<vmem>>, vector<16xf32>,
        tpu.vector_store %arg17[%parallel_loop3A_336, %parallel_loop3A_337], %parallel_loop3A_335 {strides = array<i32>} : memref<40x144xf32, #tpu.memory_space<vmem>>, vector<16xf32>,
        %parallel_loop3A_339 = arith.mulf %parallel_loop3A_334, %parallel_loop3A_326 : vector<16xf32>
        %parallel_loop3A_340 = arith.index_cast %parallel_loop3A_311 : i32 to index
        %parallel_loop3A_341 = arith.constant 16 : index
        %parallel_loop3A_342 = tpu.vector_load %arg17[%parallel_loop3A_340, %parallel_loop3A_341] {strides = array<i32>} : memref<40x144xf32, #tpu.memory_space<vmem>>, vector<16xf32>,
        tpu.vector_store %arg17[%parallel_loop3A_340, %parallel_loop3A_341], %parallel_loop3A_339 {strides = array<i32>} : memref<40x144xf32, #tpu.memory_space<vmem>>, vector<16xf32>,
        %parallel_loop3A_343 = arith.index_cast %parallel_loop3A_311 : i32 to index
        %parallel_loop3A_344 = arith.constant 32 : index
        %parallel_loop3A_345 = tpu.vector_load %arg15[%parallel_loop3A_343, %parallel_loop3A_344] {strides = array<i32>} : memref<40x128xbf16, #tpu.memory_space<vmem>>, vector<32xbf16>,
        %parallel_loop3A_346 = tpu.unpack_subelements %parallel_loop3A_345, 0 {pack_format = #tpu.pack_format<interleaved>} : vector<32xbf16> -> vector<16xf32>
        %parallel_loop3A_347 = tpu.unpack_subelements %parallel_loop3A_345, 1 {pack_format = #tpu.pack_format<interleaved>} : vector<32xbf16> -> vector<16xf32>
        %parallel_loop3A_348 = arith.mulf %parallel_loop3A_346, %parallel_loop3A_326 : vector<16xf32>
        %parallel_loop3A_349 = arith.index_cast %parallel_loop3A_311 : i32 to index
        %parallel_loop3A_350 = arith.constant 32 : index
        %parallel_loop3A_351 = tpu.vector_load %arg17[%parallel_loop3A_349, %parallel_loop3A_350] {strides = array<i32>} : memref<40x144xf32, #tpu.memory_space<vmem>>, vector<16xf32>,
        tpu.vector_store %arg17[%parallel_loop3A_349, %parallel_loop3A_350], %parallel_loop3A_348 {strides = array<i32>} : memref<40x144xf32, #tpu.memory_space<vmem>>, vector<16xf32>,
        %parallel_loop3A_352 = arith.mulf %parallel_loop3A_347, %parallel_loop3A_326 : vector<16xf32>
        %parallel_loop3A_353 = arith.index_cast %parallel_loop3A_311 : i32 to index
        %parallel_loop3A_354 = arith.constant 48 : index
        %parallel_loop3A_355 = tpu.vector_load %arg17[%parallel_loop3A_353, %parallel_loop3A_354] {strides = array<i32>} : memref<40x144xf32, #tpu.memory_space<vmem>>, vector<16xf32>,
        tpu.vector_store %arg17[%parallel_loop3A_353, %parallel_loop3A_354], %parallel_loop3A_352 {strides = array<i32>} : memref<40x144xf32, #tpu.memory_space<vmem>>, vector<16xf32>,
        %parallel_loop3A_356 = arith.index_cast %parallel_loop3A_311 : i32 to index
        %parallel_loop3A_357 = arith.constant 64 : index
        %parallel_loop3A_358 = tpu.vector_load %arg15[%parallel_loop3A_356, %parallel_loop3A_357] {strides = array<i32>} : memref<40x128xbf16, #tpu.memory_space<vmem>>, vector<32xbf16>,
        %parallel_loop3A_359 = tpu.unpack_subelements %parallel_loop3A_358, 0 {pack_format = #tpu.pack_format<interleaved>} : vector<32xbf16> -> vector<16xf32>
        %parallel_loop3A_360 = tpu.unpack_subelements %parallel_loop3A_358, 1 {pack_format = #tpu.pack_format<interleaved>} : vector<32xbf16> -> vector<16xf32>
        %parallel_loop3A_361 = arith.mulf %parallel_loop3A_359, %parallel_loop3A_326 : vector<16xf32>
        %parallel_loop3A_362 = arith.index_cast %parallel_loop3A_311 : i32 to index
        %parallel_loop3A_363 = arith.constant 64 : index
        %parallel_loop3A_364 = tpu.vector_load %arg17[%parallel_loop3A_362, %parallel_loop3A_363] {strides = array<i32>} : memref<40x144xf32, #tpu.memory_space<vmem>>, vector<16xf32>,
        tpu.vector_store %arg17[%parallel_loop3A_362, %parallel_loop3A_363], %parallel_loop3A_361 {strides = array<i32>} : memref<40x144xf32, #tpu.memory_space<vmem>>, vector<16xf32>,
        %parallel_loop3A_365 = arith.mulf %parallel_loop3A_360, %parallel_loop3A_326 : vector<16xf32>
        %parallel_loop3A_366 = arith.index_cast %parallel_loop3A_311 : i32 to index
        %parallel_loop3A_367 = arith.constant 80 : index
        %parallel_loop3A_368 = tpu.vector_load %arg17[%parallel_loop3A_366, %parallel_loop3A_367] {strides = array<i32>} : memref<40x144xf32, #tpu.memory_space<vmem>>, vector<16xf32>,
        tpu.vector_store %arg17[%parallel_loop3A_366, %parallel_loop3A_367], %parallel_loop3A_365 {strides = array<i32>} : memref<40x144xf32, #tpu.memory_space<vmem>>, vector<16xf32>,
        %parallel_loop3A_369 = arith.index_cast %parallel_loop3A_311 : i32 to index
        %parallel_loop3A_370 = arith.constant 96 : index
        %parallel_loop3A_371 = tpu.vector_load %arg15[%parallel_loop3A_369, %parallel_loop3A_370] {strides = array<i32>} : memref<40x128xbf16, #tpu.memory_space<vmem>>, vector<32xbf16>,
        %parallel_loop3A_372 = tpu.unpack_subelements %parallel_loop3A_371, 0 {pack_format = #tpu.pack_format<interleaved>} : vector<32xbf16> -> vector<16xf32>
        %parallel_loop3A_373 = tpu.unpack_subelements %parallel_loop3A_371, 1 {pack_format = #tpu.pack_format<interleaved>} : vector<32xbf16> -> vector<16xf32>
        %parallel_loop3A_374 = arith.mulf %parallel_loop3A_372, %parallel_loop3A_326 : vector<16xf32>
        %parallel_loop3A_375 = arith.index_cast %parallel_loop3A_311 : i32 to index
        %parallel_loop3A_376 = arith.constant 96 : index
        %parallel_loop3A_377 = tpu.vector_load %arg17[%parallel_loop3A_375, %parallel_loop3A_376] {strides = array<i32>} : memref<40x144xf32, #tpu.memory_space<vmem>>, vector<16xf32>,
        tpu.vector_store %arg17[%parallel_loop3A_375, %parallel_loop3A_376], %parallel_loop3A_374 {strides = array<i32>} : memref<40x144xf32, #tpu.memory_space<vmem>>, vector<16xf32>,
        %parallel_loop3A_378 = arith.mulf %parallel_loop3A_373, %parallel_loop3A_326 : vector<16xf32>
        %parallel_loop3A_379 = arith.index_cast %parallel_loop3A_311 : i32 to index
        %parallel_loop3A_380 = arith.constant 112 : index
        %parallel_loop3A_381 = tpu.vector_load %arg17[%parallel_loop3A_379, %parallel_loop3A_380] {strides = array<i32>} : memref<40x144xf32, #tpu.memory_space<vmem>>, vector<16xf32>,
        tpu.vector_store %arg17[%parallel_loop3A_379, %parallel_loop3A_380], %parallel_loop3A_378 {strides = array<i32>} : memref<40x144xf32, #tpu.memory_space<vmem>>, vector<16xf32>,
      } {sc.loop_unroll_factor = 8 : i64, sc.parallel_access}
      %dma_start3A_305 = arith.constant 0 : i32
      %dma_start3A_306 = tpu.memref_slice %arg9[%add3A_271, %dma_start3A_305] : memref<125x40xi32, #tpu.memory_space<vmem>> -> memref<1x40xi32, #tpu.memory_space<vmem>>
      %dma_start3A_307 = tpu.memref_squeeze %dma_start3A_306 : memref<1x40xi32, #tpu.memory_space<vmem>> -> memref<40xi32, #tpu.memory_space<vmem>>
      %dma_start3A_308 = arith.constant 0 : i32
      %dma_start3A_309 = arith.constant 0 : i32
      %dma_start3A_310 = tpu.memref_slice %arg18[%dma_start3A_308, %dma_start3A_309] : memref<10240x144xf32, #tpu.memory_space<vmem_shared>> -> memref<10240x144xf32, #tpu.memory_space<vmem_shared>>
      tpu.enqueue_indirect_dma source(%arg17 : memref<40x144xf32, #tpu.memory_space<vmem>>) target(%dma_start3A_310 : memref<10240x144xf32, #tpu.memory_space<vmem_shared>>) offsets(%dma_start3A_307 : memref<40xi32, #tpu.memory_space<vmem>>) semaphore(%arg26 : memref<!tpu.dma_semaphore, #tpu.memory_space<semaphore_mem>>) {add = true}
    }
    %scan3A_97 = arith.constant 62 : i32
    %dma_wait3A = arith.constant 124 : i32
    %dma_wait3A_98 = arith.constant 0 : i32
    %dma_wait3A_99 = tpu.memref_slice %arg8[%dma_wait3A, %dma_wait3A_98] : memref<125x40xi32, #tpu.memory_space<vmem>> -> memref<1x40xi32, #tpu.memory_space<vmem>>
    %dma_wait3A_100 = tpu.memref_squeeze %dma_wait3A_99 : memref<1x40xi32, #tpu.memory_space<vmem>> -> memref<40xi32, #tpu.memory_space<vmem>>
    %dma_wait3A_101 = arith.constant 0 : i32
    %dma_wait3A_102 = arith.constant 0 : i32
    %dma_wait3A_103 = tpu.memref_slice %arg6[%dma_wait3A_101, %dma_wait3A_102] : memref<10000x128xbf16, #tpu.memory_space<hbm>> -> memref<10000x128xbf16, #tpu.memory_space<hbm>>
    tpu.wait_indirect_dma semaphore(%arg19 : memref<!tpu.dma_semaphore, #tpu.memory_space<semaphore_mem>>) src(%dma_wait3A_103 : memref<10000x128xbf16, #tpu.memory_space<hbm>>) dst(%arg14 : memref<40x128xbf16, #tpu.memory_space<vmem>>)
    %dma_wait3A_104 = arith.constant 124 : i32
    %dma_wait3A_105 = arith.constant 0 : i32
    %dma_wait3A_106 = tpu.memref_slice %arg8[%dma_wait3A_104, %dma_wait3A_105] : memref<125x40xi32, #tpu.memory_space<vmem>> -> memref<1x40xi32, #tpu.memory_space<vmem>>
    %dma_wait3A_107 = tpu.memref_squeeze %dma_wait3A_106 : memref<1x40xi32, #tpu.memory_space<vmem>> -> memref<40xi32, #tpu.memory_space<vmem>>
    %dma_wait3A_108 = arith.constant 0 : i32
    %dma_wait3A_109 = arith.constant 0 : i32
    %dma_wait3A_110 = tpu.memref_slice %arg4[%dma_wait3A_108, %dma_wait3A_109] : memref<10000x16xf32, #tpu.memory_space<hbm>> -> memref<10000x16xf32, #tpu.memory_space<hbm>>
    tpu.wait_indirect_dma semaphore(%arg21 : memref<!tpu.dma_semaphore, #tpu.memory_space<semaphore_mem>>) src(%dma_wait3A_110 : memref<10000x16xf32, #tpu.memory_space<hbm>>) dst(%arg10 : memref<40x16xf32, #tpu.memory_space<vmem>>)
    %dma_wait3A_111 = arith.constant 124 : i32
    %dma_wait3A_112 = arith.constant 0 : i32
    %dma_wait3A_113 = tpu.memref_slice %arg9[%dma_wait3A_111, %dma_wait3A_112] : memref<125x40xi32, #tpu.memory_space<vmem>> -> memref<1x40xi32, #tpu.memory_space<vmem>>
    %dma_wait3A_114 = tpu.memref_squeeze %dma_wait3A_113 : memref<1x40xi32, #tpu.memory_space<vmem>> -> memref<40xi32, #tpu.memory_space<vmem>>
    %dma_wait3A_115 = arith.constant 0 : i32
    %dma_wait3A_116 = arith.constant 0 : i32
    %dma_wait3A_117 = tpu.memref_slice %arg5[%dma_wait3A_115, %dma_wait3A_116] : memref<10000x16xf32, #tpu.memory_space<hbm>> -> memref<10000x16xf32, #tpu.memory_space<hbm>>
    tpu.wait_indirect_dma semaphore(%arg23 : memref<!tpu.dma_semaphore, #tpu.memory_space<semaphore_mem>>) src(%dma_wait3A_117 : memref<10000x16xf32, #tpu.memory_space<hbm>>) dst(%arg12 : memref<40x16xf32, #tpu.memory_space<vmem>>)
    %dma_wait3A_118 = arith.constant 124 : i32
    %dma_wait3A_119 = arith.constant 0 : i32
    %dma_wait3A_120 = tpu.memref_slice %arg9[%dma_wait3A_118, %dma_wait3A_119] : memref<125x40xi32, #tpu.memory_space<vmem>> -> memref<1x40xi32, #tpu.memory_space<vmem>>
    %dma_wait3A_121 = tpu.memref_squeeze %dma_wait3A_120 : memref<1x40xi32, #tpu.memory_space<vmem>> -> memref<40xi32, #tpu.memory_space<vmem>>
    %dma_wait3A_122 = arith.constant 0 : i32
    %dma_wait3A_123 = arith.constant 0 : i32
    %dma_wait3A_124 = tpu.memref_slice %arg18[%dma_wait3A_122, %dma_wait3A_123] : memref<10240x144xf32, #tpu.memory_space<vmem_shared>> -> memref<10240x144xf32, #tpu.memory_space<vmem_shared>>
    tpu.wait_indirect_dma semaphore(%arg25 : memref<!tpu.dma_semaphore, #tpu.memory_space<semaphore_mem>>) src(%arg16 : memref<40x144xf32, #tpu.memory_space<vmem>>) dst(%dma_wait3A_124 : memref<10240x144xf32, #tpu.memory_space<vmem_shared>>)
    %parallel_loop3A = arith.constant 0 : i32
    %parallel_loop3A_125 = arith.constant 40 : i32
    %parallel_loop3A_126 = arith.constant 1 : i32
    scf.for %parallel_loop3A_228 = %parallel_loop3A to %parallel_loop3A_125 step %parallel_loop3A_126  : i32 {
      %parallel_loop3A_229 = arith.index_cast %parallel_loop3A_228 : i32 to index
      %parallel_loop3A_230 = arith.constant 0 : index
      %parallel_loop3A_231 = tpu.vector_load %arg10[%parallel_loop3A_229, %parallel_loop3A_230] {strides = array<i32>} : memref<40x16xf32, #tpu.memory_space<vmem>>, vector<16xf32>,
      %parallel_loop3A_232 = arith.index_cast %parallel_loop3A_228 : i32 to index
      %parallel_loop3A_233 = arith.constant 0 : index
      %parallel_loop3A_234 = tpu.vector_load %arg12[%parallel_loop3A_232, %parallel_loop3A_233] {strides = array<i32>} : memref<40x16xf32, #tpu.memory_space<vmem>>, vector<16xf32>,
      %parallel_loop3A_235 = arith.addf %parallel_loop3A_231, %parallel_loop3A_234 : vector<16xf32>
      %parallel_loop3A_236 = arith.constant 0.000000e+00 : f32
      %parallel_loop3A_237 = vector.broadcast %parallel_loop3A_236 : f32 to vector<16xf32>
      %parallel_loop3A_238 = arith.cmpf oge, %parallel_loop3A_235, %parallel_loop3A_237 : vector<16xf32>
      %parallel_loop3A_239 = arith.constant 2.000000e-01 : f32
      %parallel_loop3A_240 = vector.broadcast %parallel_loop3A_239 : f32 to vector<16xf32>
      %parallel_loop3A_241 = arith.mulf %parallel_loop3A_240, %parallel_loop3A_235 : vector<16xf32>
      %parallel_loop3A_242 = arith.select %parallel_loop3A_238, %parallel_loop3A_235, %parallel_loop3A_241 : vector<16xi1>, vector<16xf32>
      %parallel_loop3A_243 = math.exp %parallel_loop3A_242 : vector<16xf32>
      %parallel_loop3A_244 = arith.index_cast %parallel_loop3A_228 : i32 to index
      %parallel_loop3A_245 = arith.constant 128 : index
      %parallel_loop3A_246 = tpu.vector_load %arg16[%parallel_loop3A_244, %parallel_loop3A_245] {strides = array<i32>} : memref<40x144xf32, #tpu.memory_space<vmem>>, vector<16xf32>,
      tpu.vector_store %arg16[%parallel_loop3A_244, %parallel_loop3A_245], %parallel_loop3A_243 {strides = array<i32>} : memref<40x144xf32, #tpu.memory_space<vmem>>, vector<16xf32>,
      %parallel_loop3A_247 = arith.index_cast %parallel_loop3A_228 : i32 to index
      %parallel_loop3A_248 = arith.constant 0 : index
      %parallel_loop3A_249 = tpu.vector_load %arg14[%parallel_loop3A_247, %parallel_loop3A_248] {strides = array<i32>} : memref<40x128xbf16, #tpu.memory_space<vmem>>, vector<32xbf16>,
      %parallel_loop3A_250 = tpu.unpack_subelements %parallel_loop3A_249, 0 {pack_format = #tpu.pack_format<interleaved>} : vector<32xbf16> -> vector<16xf32>
      %parallel_loop3A_251 = tpu.unpack_subelements %parallel_loop3A_249, 1 {pack_format = #tpu.pack_format<interleaved>} : vector<32xbf16> -> vector<16xf32>
      %parallel_loop3A_252 = arith.mulf %parallel_loop3A_250, %parallel_loop3A_243 : vector<16xf32>
      %parallel_loop3A_253 = arith.index_cast %parallel_loop3A_228 : i32 to index
      %parallel_loop3A_254 = arith.constant 0 : index
      %parallel_loop3A_255 = tpu.vector_load %arg16[%parallel_loop3A_253, %parallel_loop3A_254] {strides = array<i32>} : memref<40x144xf32, #tpu.memory_space<vmem>>, vector<16xf32>,
      tpu.vector_store %arg16[%parallel_loop3A_253, %parallel_loop3A_254], %parallel_loop3A_252 {strides = array<i32>} : memref<40x144xf32, #tpu.memory_space<vmem>>, vector<16xf32>,
      %parallel_loop3A_256 = arith.mulf %parallel_loop3A_251, %parallel_loop3A_243 : vector<16xf32>
      %parallel_loop3A_257 = arith.index_cast %parallel_loop3A_228 : i32 to index
      %parallel_loop3A_258 = arith.constant 16 : index
      %parallel_loop3A_259 = tpu.vector_load %arg16[%parallel_loop3A_257, %parallel_loop3A_258] {strides = array<i32>} : memref<40x144xf32, #tpu.memory_space<vmem>>, vector<16xf32>,
      tpu.vector_store %arg16[%parallel_loop3A_257, %parallel_loop3A_258], %parallel_loop3A_256 {strides = array<i32>} : memref<40x144xf32, #tpu.memory_space<vmem>>, vector<16xf32>,
      %parallel_loop3A_260 = arith.index_cast %parallel_loop3A_228 : i32 to index
      %parallel_loop3A_261 = arith.constant 32 : index
      %parallel_loop3A_262 = tpu.vector_load %arg14[%parallel_loop3A_260, %parallel_loop3A_261] {strides = array<i32>} : memref<40x128xbf16, #tpu.memory_space<vmem>>, vector<32xbf16>,
      %parallel_loop3A_263 = tpu.unpack_subelements %parallel_loop3A_262, 0 {pack_format = #tpu.pack_format<interleaved>} : vector<32xbf16> -> vector<16xf32>
      %parallel_loop3A_264 = tpu.unpack_subelements %parallel_loop3A_262, 1 {pack_format = #tpu.pack_format<interleaved>} : vector<32xbf16> -> vector<16xf32>
      %parallel_loop3A_265 = arith.mulf %parallel_loop3A_263, %parallel_loop3A_243 : vector<16xf32>
      %parallel_loop3A_266 = arith.index_cast %parallel_loop3A_228 : i32 to index
      %parallel_loop3A_267 = arith.constant 32 : index
      %parallel_loop3A_268 = tpu.vector_load %arg16[%parallel_loop3A_266, %parallel_loop3A_267] {strides = array<i32>} : memref<40x144xf32, #tpu.memory_space<vmem>>, vector<16xf32>,
      tpu.vector_store %arg16[%parallel_loop3A_266, %parallel_loop3A_267], %parallel_loop3A_265 {strides = array<i32>} : memref<40x144xf32, #tpu.memory_space<vmem>>, vector<16xf32>,
      %parallel_loop3A_269 = arith.mulf %parallel_loop3A_264, %parallel_loop3A_243 : vector<16xf32>
      %parallel_loop3A_270 = arith.index_cast %parallel_loop3A_228 : i32 to index
      %parallel_loop3A_271 = arith.constant 48 : index
      %parallel_loop3A_272 = tpu.vector_load %arg16[%parallel_loop3A_270, %parallel_loop3A_271] {strides = array<i32>} : memref<40x144xf32, #tpu.memory_space<vmem>>, vector<16xf32>,
      tpu.vector_store %arg16[%parallel_loop3A_270, %parallel_loop3A_271], %parallel_loop3A_269 {strides = array<i32>} : memref<40x144xf32, #tpu.memory_space<vmem>>, vector<16xf32>,
      %parallel_loop3A_273 = arith.index_cast %parallel_loop3A_228 : i32 to index
      %parallel_loop3A_274 = arith.constant 64 : index
      %parallel_loop3A_275 = tpu.vector_load %arg14[%parallel_loop3A_273, %parallel_loop3A_274] {strides = array<i32>} : memref<40x128xbf16, #tpu.memory_space<vmem>>, vector<32xbf16>,
      %parallel_loop3A_276 = tpu.unpack_subelements %parallel_loop3A_275, 0 {pack_format = #tpu.pack_format<interleaved>} : vector<32xbf16> -> vector<16xf32>
      %parallel_loop3A_277 = tpu.unpack_subelements %parallel_loop3A_275, 1 {pack_format = #tpu.pack_format<interleaved>} : vector<32xbf16> -> vector<16xf32>
      %parallel_loop3A_278 = arith.mulf %parallel_loop3A_276, %parallel_loop3A_243 : vector<16xf32>
      %parallel_loop3A_279 = arith.index_cast %parallel_loop3A_228 : i32 to index
      %parallel_loop3A_280 = arith.constant 64 : index
      %parallel_loop3A_281 = tpu.vector_load %arg16[%parallel_loop3A_279, %parallel_loop3A_280] {strides = array<i32>} : memref<40x144xf32, #tpu.memory_space<vmem>>, vector<16xf32>,
      tpu.vector_store %arg16[%parallel_loop3A_279, %parallel_loop3A_280], %parallel_loop3A_278 {strides = array<i32>} : memref<40x144xf32, #tpu.memory_space<vmem>>, vector<16xf32>,
      %parallel_loop3A_282 = arith.mulf %parallel_loop3A_277, %parallel_loop3A_243 : vector<16xf32>
      %parallel_loop3A_283 = arith.index_cast %parallel_loop3A_228 : i32 to index
      %parallel_loop3A_284 = arith.constant 80 : index
      %parallel_loop3A_285 = tpu.vector_load %arg16[%parallel_loop3A_283, %parallel_loop3A_284] {strides = array<i32>} : memref<40x144xf32, #tpu.memory_space<vmem>>, vector<16xf32>,
      tpu.vector_store %arg16[%parallel_loop3A_283, %parallel_loop3A_284], %parallel_loop3A_282 {strides = array<i32>} : memref<40x144xf32, #tpu.memory_space<vmem>>, vector<16xf32>,
      %parallel_loop3A_286 = arith.index_cast %parallel_loop3A_228 : i32 to index
      %parallel_loop3A_287 = arith.constant 96 : index
      %parallel_loop3A_288 = tpu.vector_load %arg14[%parallel_loop3A_286, %parallel_loop3A_287] {strides = array<i32>} : memref<40x128xbf16, #tpu.memory_space<vmem>>, vector<32xbf16>,
      %parallel_loop3A_289 = tpu.unpack_subelements %parallel_loop3A_288, 0 {pack_format = #tpu.pack_format<interleaved>} : vector<32xbf16> -> vector<16xf32>
      %parallel_loop3A_290 = tpu.unpack_subelements %parallel_loop3A_288, 1 {pack_format = #tpu.pack_format<interleaved>} : vector<32xbf16> -> vector<16xf32>
      %parallel_loop3A_291 = arith.mulf %parallel_loop3A_289, %parallel_loop3A_243 : vector<16xf32>
      %parallel_loop3A_292 = arith.index_cast %parallel_loop3A_228 : i32 to index
      %parallel_loop3A_293 = arith.constant 96 : index
      %parallel_loop3A_294 = tpu.vector_load %arg16[%parallel_loop3A_292, %parallel_loop3A_293] {strides = array<i32>} : memref<40x144xf32, #tpu.memory_space<vmem>>, vector<16xf32>,
      tpu.vector_store %arg16[%parallel_loop3A_292, %parallel_loop3A_293], %parallel_loop3A_291 {strides = array<i32>} : memref<40x144xf32, #tpu.memory_space<vmem>>, vector<16xf32>,
      %parallel_loop3A_295 = arith.mulf %parallel_loop3A_290, %parallel_loop3A_243 : vector<16xf32>
      %parallel_loop3A_296 = arith.index_cast %parallel_loop3A_228 : i32 to index
      %parallel_loop3A_297 = arith.constant 112 : index
      %parallel_loop3A_298 = tpu.vector_load %arg16[%parallel_loop3A_296, %parallel_loop3A_297] {strides = array<i32>} : memref<40x144xf32, #tpu.memory_space<vmem>>, vector<16xf32>,
      tpu.vector_store %arg16[%parallel_loop3A_296, %parallel_loop3A_297], %parallel_loop3A_295 {strides = array<i32>} : memref<40x144xf32, #tpu.memory_space<vmem>>, vector<16xf32>,
    } {sc.loop_unroll_factor = 8 : i64, sc.parallel_access}
    %dma_start3A_127 = arith.constant 124 : i32
    %dma_start3A_128 = arith.constant 0 : i32
    %dma_start3A_129 = tpu.memref_slice %arg9[%dma_start3A_127, %dma_start3A_128] : memref<125x40xi32, #tpu.memory_space<vmem>> -> memref<1x40xi32, #tpu.memory_space<vmem>>
    %dma_start3A_130 = tpu.memref_squeeze %dma_start3A_129 : memref<1x40xi32, #tpu.memory_space<vmem>> -> memref<40xi32, #tpu.memory_space<vmem>>
    %dma_start3A_131 = arith.constant 0 : i32
    %dma_start3A_132 = arith.constant 0 : i32
    %dma_start3A_133 = tpu.memref_slice %arg18[%dma_start3A_131, %dma_start3A_132] : memref<10240x144xf32, #tpu.memory_space<vmem_shared>> -> memref<10240x144xf32, #tpu.memory_space<vmem_shared>>
    tpu.enqueue_indirect_dma source(%arg16 : memref<40x144xf32, #tpu.memory_space<vmem>>) target(%dma_start3A_133 : memref<10240x144xf32, #tpu.memory_space<vmem_shared>>) offsets(%dma_start3A_130 : memref<40xi32, #tpu.memory_space<vmem>>) semaphore(%arg25 : memref<!tpu.dma_semaphore, #tpu.memory_space<semaphore_mem>>) {add = true}
    %dma_wait3A_134 = arith.constant 124 : i32
    %dma_wait3A_135 = arith.constant 0 : i32
    %dma_wait3A_136 = tpu.memref_slice %arg9[%dma_wait3A_134, %dma_wait3A_135] : memref<125x40xi32, #tpu.memory_space<vmem>> -> memref<1x40xi32, #tpu.memory_space<vmem>>
    %dma_wait3A_137 = tpu.memref_squeeze %dma_wait3A_136 : memref<1x40xi32, #tpu.memory_space<vmem>> -> memref<40xi32, #tpu.memory_space<vmem>>
    %dma_wait3A_138 = arith.constant 0 : i32
    %dma_wait3A_139 = arith.constant 0 : i32
    %dma_wait3A_140 = tpu.memref_slice %arg18[%dma_wait3A_138, %dma_wait3A_139] : memref<10240x144xf32, #tpu.memory_space<vmem_shared>> -> memref<10240x144xf32, #tpu.memory_space<vmem_shared>>
    tpu.wait_indirect_dma semaphore(%arg25 : memref<!tpu.dma_semaphore, #tpu.memory_space<semaphore_mem>>) src(%arg16 : memref<40x144xf32, #tpu.memory_space<vmem>>) dst(%dma_wait3A_140 : memref<10240x144xf32, #tpu.memory_space<vmem_shared>>)
    %dma_wait3A_141 = arith.constant 123 : i32
    %dma_wait3A_142 = arith.constant 0 : i32
    %dma_wait3A_143 = tpu.memref_slice %arg9[%dma_wait3A_141, %dma_wait3A_142] : memref<125x40xi32, #tpu.memory_space<vmem>> -> memref<1x40xi32, #tpu.memory_space<vmem>>
    %dma_wait3A_144 = tpu.memref_squeeze %dma_wait3A_143 : memref<1x40xi32, #tpu.memory_space<vmem>> -> memref<40xi32, #tpu.memory_space<vmem>>
    %dma_wait3A_145 = arith.constant 0 : i32
    %dma_wait3A_146 = arith.constant 0 : i32
    %dma_wait3A_147 = tpu.memref_slice %arg18[%dma_wait3A_145, %dma_wait3A_146] : memref<10240x144xf32, #tpu.memory_space<vmem_shared>> -> memref<10240x144xf32, #tpu.memory_space<vmem_shared>>
    tpu.wait_indirect_dma semaphore(%arg26 : memref<!tpu.dma_semaphore, #tpu.memory_space<semaphore_mem>>) src(%arg17 : memref<40x144xf32, #tpu.memory_space<vmem>>) dst(%dma_wait3A_147 : memref<10240x144xf32, #tpu.memory_space<vmem_shared>>)
    "tpu.region"() ({
      %run_scoped3A = tpu.sem_alloc : memref<!tpu.dma_semaphore, #tpu.memory_space<semaphore_mem>>
      %dma_start3A_228 = arith.constant 125 : i32
      %dma_start3A_229 = arith.constant 0 : i32
      %dma_start3A_230 = tpu.memref_slice %arg2[%add3A, %dma_start3A_228, %dma_start3A_229] : memref<32x250x40xi32, #tpu.memory_space<hbm>> -> memref<1x125x40xi32, #tpu.memory_space<hbm>>
      %dma_start3A_231 = tpu.memref_squeeze %dma_start3A_230 : memref<1x125x40xi32, #tpu.memory_space<hbm>> -> memref<125x40xi32, #tpu.memory_space<hbm>>
      %dma_start3A_232 = arith.constant 125 : i32
      %dma_start3A_233 = arith.constant 0 : i32
      %dma_start3A_234 = tpu.memref_slice %arg2[%add3A, %dma_start3A_232, %dma_start3A_233] : memref<32x250x40xi32, #tpu.memory_space<hbm>> -> memref<1x125x40xi32, #tpu.memory_space<hbm>>
      %dma_start3A_235 = tpu.memref_squeeze %dma_start3A_234 : memref<1x125x40xi32, #tpu.memory_space<hbm>> -> memref<125x40xi32, #tpu.memory_space<hbm>>
      tpu.enqueue_dma source(%dma_start3A_235 : memref<125x40xi32, #tpu.memory_space<hbm>>) target(%arg8 : memref<125x40xi32, #tpu.memory_space<vmem>>) target_semaphore(%run_scoped3A : memref<!tpu.dma_semaphore, #tpu.memory_space<semaphore_mem>>)
      %dma_wait3A_236 = arith.constant 125 : i32
      %dma_wait3A_237 = arith.constant 0 : i32
      %dma_wait3A_238 = tpu.memref_slice %arg2[%add3A, %dma_wait3A_236, %dma_wait3A_237] : memref<32x250x40xi32, #tpu.memory_space<hbm>> -> memref<1x125x40xi32, #tpu.memory_space<hbm>>
      %dma_wait3A_239 = tpu.memref_squeeze %dma_wait3A_238 : memref<1x125x40xi32, #tpu.memory_space<hbm>> -> memref<125x40xi32, #tpu.memory_space<hbm>>
      %dma_wait3A_240 = arith.constant 125 : i32
      %dma_wait3A_241 = arith.constant 0 : i32
      %dma_wait3A_242 = tpu.memref_slice %arg2[%add3A, %dma_wait3A_240, %dma_wait3A_241] : memref<32x250x40xi32, #tpu.memory_space<hbm>> -> memref<1x125x40xi32, #tpu.memory_space<hbm>>
      %dma_wait3A_243 = tpu.memref_squeeze %dma_wait3A_242 : memref<1x125x40xi32, #tpu.memory_space<hbm>> -> memref<125x40xi32, #tpu.memory_space<hbm>>
      tpu.wait_dma2 semaphore(%run_scoped3A : memref<!tpu.dma_semaphore, #tpu.memory_space<semaphore_mem>>) src(%dma_wait3A_243 : memref<125x40xi32, #tpu.memory_space<hbm>>) dst(%arg8 : memref<125x40xi32, #tpu.memory_space<vmem>>)
      tpu.yield
    }) : () -> ()
    "tpu.region"() ({
      %run_scoped3A = tpu.sem_alloc : memref<!tpu.dma_semaphore, #tpu.memory_space<semaphore_mem>>
      %dma_start3A_228 = arith.constant 125 : i32
      %dma_start3A_229 = arith.constant 0 : i32
      %dma_start3A_230 = tpu.memref_slice %arg3[%add3A, %dma_start3A_228, %dma_start3A_229] : memref<32x250x40xi32, #tpu.memory_space<hbm>> -> memref<1x125x40xi32, #tpu.memory_space<hbm>>
      %dma_start3A_231 = tpu.memref_squeeze %dma_start3A_230 : memref<1x125x40xi32, #tpu.memory_space<hbm>> -> memref<125x40xi32, #tpu.memory_space<hbm>>
      %dma_start3A_232 = arith.constant 125 : i32
      %dma_start3A_233 = arith.constant 0 : i32
      %dma_start3A_234 = tpu.memref_slice %arg3[%add3A, %dma_start3A_232, %dma_start3A_233] : memref<32x250x40xi32, #tpu.memory_space<hbm>> -> memref<1x125x40xi32, #tpu.memory_space<hbm>>
      %dma_start3A_235 = tpu.memref_squeeze %dma_start3A_234 : memref<1x125x40xi32, #tpu.memory_space<hbm>> -> memref<125x40xi32, #tpu.memory_space<hbm>>
      tpu.enqueue_dma source(%dma_start3A_235 : memref<125x40xi32, #tpu.memory_space<hbm>>) target(%arg9 : memref<125x40xi32, #tpu.memory_space<vmem>>) target_semaphore(%run_scoped3A : memref<!tpu.dma_semaphore, #tpu.memory_space<semaphore_mem>>)
      %dma_wait3A_236 = arith.constant 125 : i32
      %dma_wait3A_237 = arith.constant 0 : i32
      %dma_wait3A_238 = tpu.memref_slice %arg3[%add3A, %dma_wait3A_236, %dma_wait3A_237] : memref<32x250x40xi32, #tpu.memory_space<hbm>> -> memref<1x125x40xi32, #tpu.memory_space<hbm>>
      %dma_wait3A_239 = tpu.memref_squeeze %dma_wait3A_238 : memref<1x125x40xi32, #tpu.memory_space<hbm>> -> memref<125x40xi32, #tpu.memory_space<hbm>>
      %dma_wait3A_240 = arith.constant 125 : i32
      %dma_wait3A_241 = arith.constant 0 : i32
      %dma_wait3A_242 = tpu.memref_slice %arg3[%add3A, %dma_wait3A_240, %dma_wait3A_241] : memref<32x250x40xi32, #tpu.memory_space<hbm>> -> memref<1x125x40xi32, #tpu.memory_space<hbm>>
      %dma_wait3A_243 = tpu.memref_squeeze %dma_wait3A_242 : memref<1x125x40xi32, #tpu.memory_space<hbm>> -> memref<125x40xi32, #tpu.memory_space<hbm>>
      tpu.wait_dma2 semaphore(%run_scoped3A : memref<!tpu.dma_semaphore, #tpu.memory_space<semaphore_mem>>) src(%dma_wait3A_243 : memref<125x40xi32, #tpu.memory_space<hbm>>) dst(%arg9 : memref<125x40xi32, #tpu.memory_space<vmem>>)
      tpu.yield
    }) : () -> ()
    %dma_start3A_148 = arith.constant 0 : i32
    %dma_start3A_149 = arith.constant 0 : i32
    %dma_start3A_150 = tpu.memref_slice %arg8[%dma_start3A_148, %dma_start3A_149] : memref<125x40xi32, #tpu.memory_space<vmem>> -> memref<1x40xi32, #tpu.memory_space<vmem>>
    %dma_start3A_151 = tpu.memref_squeeze %dma_start3A_150 : memref<1x40xi32, #tpu.memory_space<vmem>> -> memref<40xi32, #tpu.memory_space<vmem>>
    %dma_start3A_152 = arith.constant 0 : i32
    %dma_start3A_153 = arith.constant 0 : i32
    %dma_start3A_154 = tpu.memref_slice %arg6[%dma_start3A_152, %dma_start3A_153] : memref<10000x128xbf16, #tpu.memory_space<hbm>> -> memref<10000x128xbf16, #tpu.memory_space<hbm>>
    tpu.enqueue_indirect_dma source(%dma_start3A_154 : memref<10000x128xbf16, #tpu.memory_space<hbm>>) target(%arg14 : memref<40x128xbf16, #tpu.memory_space<vmem>>) offsets(%dma_start3A_151 : memref<40xi32, #tpu.memory_space<vmem>>) semaphore(%arg19 : memref<!tpu.dma_semaphore, #tpu.memory_space<semaphore_mem>>)
    %dma_start3A_155 = arith.constant 0 : i32
    %dma_start3A_156 = arith.constant 0 : i32
    %dma_start3A_157 = tpu.memref_slice %arg8[%dma_start3A_155, %dma_start3A_156] : memref<125x40xi32, #tpu.memory_space<vmem>> -> memref<1x40xi32, #tpu.memory_space<vmem>>
    %dma_start3A_158 = tpu.memref_squeeze %dma_start3A_157 : memref<1x40xi32, #tpu.memory_space<vmem>> -> memref<40xi32, #tpu.memory_space<vmem>>
    %dma_start3A_159 = arith.constant 0 : i32
    %dma_start3A_160 = arith.constant 0 : i32
    %dma_start3A_161 = tpu.memref_slice %arg4[%dma_start3A_159, %dma_start3A_160] : memref<10000x16xf32, #tpu.memory_space<hbm>> -> memref<10000x16xf32, #tpu.memory_space<hbm>>
    tpu.enqueue_indirect_dma source(%dma_start3A_161 : memref<10000x16xf32, #tpu.memory_space<hbm>>) target(%arg10 : memref<40x16xf32, #tpu.memory_space<vmem>>) offsets(%dma_start3A_158 : memref<40xi32, #tpu.memory_space<vmem>>) semaphore(%arg21 : memref<!tpu.dma_semaphore, #tpu.memory_space<semaphore_mem>>)
    %dma_start3A_162 = arith.constant 0 : i32
    %dma_start3A_163 = arith.constant 0 : i32
    %dma_start3A_164 = tpu.memref_slice %arg9[%dma_start3A_162, %dma_start3A_163] : memref<125x40xi32, #tpu.memory_space<vmem>> -> memref<1x40xi32, #tpu.memory_space<vmem>>
    %dma_start3A_165 = tpu.memref_squeeze %dma_start3A_164 : memref<1x40xi32, #tpu.memory_space<vmem>> -> memref<40xi32, #tpu.memory_space<vmem>>
    %dma_start3A_166 = arith.constant 0 : i32
    %dma_start3A_167 = arith.constant 0 : i32
    %dma_start3A_168 = tpu.memref_slice %arg5[%dma_start3A_166, %dma_start3A_167] : memref<10000x16xf32, #tpu.memory_space<hbm>> -> memref<10000x16xf32, #tpu.memory_space<hbm>>
    tpu.enqueue_indirect_dma source(%dma_start3A_168 : memref<10000x16xf32, #tpu.memory_space<hbm>>) target(%arg12 : memref<40x16xf32, #tpu.memory_space<vmem>>) offsets(%dma_start3A_165 : memref<40xi32, #tpu.memory_space<vmem>>) semaphore(%arg23 : memref<!tpu.dma_semaphore, #tpu.memory_space<semaphore_mem>>)
    %scan3A_169 = arith.constant 0 : i32
    %scan3A_170 = arith.constant 0 : i32
    %scan3A_171 = arith.constant 62 : i32
    %scan3A_172 = arith.addi %scan3A_170, %scan3A_171 : i32
    %scan3A_173 = arith.constant 1 : i32
    scf.for %scan3A_228 = %scan3A_170 to %scan3A_172 step %scan3A_173  : i32 {
      %mul3A_229 = arith.constant 2 : i32
      %mul3A_230 = arith.muli %mul3A_229, %scan3A_228 : i32
      %add3A_231 = arith.constant 0 : i32
      %add3A_232 = arith.addi %mul3A_230, %add3A_231 : i32
      %add3A_233 = arith.constant 1 : i32
      %add3A_234 = arith.addi %add3A_232, %add3A_233 : i32
      %lt3A = arith.constant 125 : i32
      %lt3A_235 = arith.cmpi slt, %add3A_234, %lt3A : i32
      %convert_element_type3A = arith.extui %lt3A_235 : i1 to i32
      %cond3A = arith.constant 0 : i32
      %cond3A_236 = arith.cmpi ne, %convert_element_type3A, %cond3A : i32
      scf.if %cond3A_236 {
        %add3A_311 = arith.constant 1 : i32
        %add3A_312 = arith.addi %add3A_232, %add3A_311 : i32
        %dma_start3A_313 = arith.constant 0 : i32
        %dma_start3A_314 = tpu.memref_slice %arg8[%add3A_312, %dma_start3A_313] : memref<125x40xi32, #tpu.memory_space<vmem>> -> memref<1x40xi32, #tpu.memory_space<vmem>>
        %dma_start3A_315 = tpu.memref_squeeze %dma_start3A_314 : memref<1x40xi32, #tpu.memory_space<vmem>> -> memref<40xi32, #tpu.memory_space<vmem>>
        %dma_start3A_316 = arith.constant 0 : i32
        %dma_start3A_317 = arith.constant 0 : i32
        %dma_start3A_318 = tpu.memref_slice %arg6[%dma_start3A_316, %dma_start3A_317] : memref<10000x128xbf16, #tpu.memory_space<hbm>> -> memref<10000x128xbf16, #tpu.memory_space<hbm>>
        tpu.enqueue_indirect_dma source(%dma_start3A_318 : memref<10000x128xbf16, #tpu.memory_space<hbm>>) target(%arg15 : memref<40x128xbf16, #tpu.memory_space<vmem>>) offsets(%dma_start3A_315 : memref<40xi32, #tpu.memory_space<vmem>>) semaphore(%arg20 : memref<!tpu.dma_semaphore, #tpu.memory_space<semaphore_mem>>)
        %dma_start3A_319 = arith.constant 0 : i32
        %dma_start3A_320 = tpu.memref_slice %arg8[%add3A_312, %dma_start3A_319] : memref<125x40xi32, #tpu.memory_space<vmem>> -> memref<1x40xi32, #tpu.memory_space<vmem>>
        %dma_start3A_321 = tpu.memref_squeeze %dma_start3A_320 : memref<1x40xi32, #tpu.memory_space<vmem>> -> memref<40xi32, #tpu.memory_space<vmem>>
        %dma_start3A_322 = arith.constant 0 : i32
        %dma_start3A_323 = arith.constant 0 : i32
        %dma_start3A_324 = tpu.memref_slice %arg4[%dma_start3A_322, %dma_start3A_323] : memref<10000x16xf32, #tpu.memory_space<hbm>> -> memref<10000x16xf32, #tpu.memory_space<hbm>>
        tpu.enqueue_indirect_dma source(%dma_start3A_324 : memref<10000x16xf32, #tpu.memory_space<hbm>>) target(%arg11 : memref<40x16xf32, #tpu.memory_space<vmem>>) offsets(%dma_start3A_321 : memref<40xi32, #tpu.memory_space<vmem>>) semaphore(%arg22 : memref<!tpu.dma_semaphore, #tpu.memory_space<semaphore_mem>>)
        %dma_start3A_325 = arith.constant 0 : i32
        %dma_start3A_326 = tpu.memref_slice %arg9[%add3A_312, %dma_start3A_325] : memref<125x40xi32, #tpu.memory_space<vmem>> -> memref<1x40xi32, #tpu.memory_space<vmem>>
        %dma_start3A_327 = tpu.memref_squeeze %dma_start3A_326 : memref<1x40xi32, #tpu.memory_space<vmem>> -> memref<40xi32, #tpu.memory_space<vmem>>
        %dma_start3A_328 = arith.constant 0 : i32
        %dma_start3A_329 = arith.constant 0 : i32
        %dma_start3A_330 = tpu.memref_slice %arg5[%dma_start3A_328, %dma_start3A_329] : memref<10000x16xf32, #tpu.memory_space<hbm>> -> memref<10000x16xf32, #tpu.memory_space<hbm>>
        tpu.enqueue_indirect_dma source(%dma_start3A_330 : memref<10000x16xf32, #tpu.memory_space<hbm>>) target(%arg13 : memref<40x16xf32, #tpu.memory_space<vmem>>) offsets(%dma_start3A_327 : memref<40xi32, #tpu.memory_space<vmem>>) semaphore(%arg24 : memref<!tpu.dma_semaphore, #tpu.memory_space<semaphore_mem>>)
      } else {
      }
      %dma_wait3A_237 = arith.constant 0 : i32
      %dma_wait3A_238 = tpu.memref_slice %arg8[%add3A_232, %dma_wait3A_237] : memref<125x40xi32, #tpu.memory_space<vmem>> -> memref<1x40xi32, #tpu.memory_space<vmem>>
      %dma_wait3A_239 = tpu.memref_squeeze %dma_wait3A_238 : memref<1x40xi32, #tpu.memory_space<vmem>> -> memref<40xi32, #tpu.memory_space<vmem>>
      %dma_wait3A_240 = arith.constant 0 : i32
      %dma_wait3A_241 = arith.constant 0 : i32
      %dma_wait3A_242 = tpu.memref_slice %arg6[%dma_wait3A_240, %dma_wait3A_241] : memref<10000x128xbf16, #tpu.memory_space<hbm>> -> memref<10000x128xbf16, #tpu.memory_space<hbm>>
      tpu.wait_indirect_dma semaphore(%arg19 : memref<!tpu.dma_semaphore, #tpu.memory_space<semaphore_mem>>) src(%dma_wait3A_242 : memref<10000x128xbf16, #tpu.memory_space<hbm>>) dst(%arg14 : memref<40x128xbf16, #tpu.memory_space<vmem>>)
      %dma_wait3A_243 = arith.constant 0 : i32
      %dma_wait3A_244 = tpu.memref_slice %arg8[%add3A_232, %dma_wait3A_243] : memref<125x40xi32, #tpu.memory_space<vmem>> -> memref<1x40xi32, #tpu.memory_space<vmem>>
      %dma_wait3A_245 = tpu.memref_squeeze %dma_wait3A_244 : memref<1x40xi32, #tpu.memory_space<vmem>> -> memref<40xi32, #tpu.memory_space<vmem>>
      %dma_wait3A_246 = arith.constant 0 : i32
      %dma_wait3A_247 = arith.constant 0 : i32
      %dma_wait3A_248 = tpu.memref_slice %arg4[%dma_wait3A_246, %dma_wait3A_247] : memref<10000x16xf32, #tpu.memory_space<hbm>> -> memref<10000x16xf32, #tpu.memory_space<hbm>>
      tpu.wait_indirect_dma semaphore(%arg21 : memref<!tpu.dma_semaphore, #tpu.memory_space<semaphore_mem>>) src(%dma_wait3A_248 : memref<10000x16xf32, #tpu.memory_space<hbm>>) dst(%arg10 : memref<40x16xf32, #tpu.memory_space<vmem>>)
      %dma_wait3A_249 = arith.constant 0 : i32
      %dma_wait3A_250 = tpu.memref_slice %arg9[%add3A_232, %dma_wait3A_249] : memref<125x40xi32, #tpu.memory_space<vmem>> -> memref<1x40xi32, #tpu.memory_space<vmem>>
      %dma_wait3A_251 = tpu.memref_squeeze %dma_wait3A_250 : memref<1x40xi32, #tpu.memory_space<vmem>> -> memref<40xi32, #tpu.memory_space<vmem>>
      %dma_wait3A_252 = arith.constant 0 : i32
      %dma_wait3A_253 = arith.constant 0 : i32
      %dma_wait3A_254 = tpu.memref_slice %arg5[%dma_wait3A_252, %dma_wait3A_253] : memref<10000x16xf32, #tpu.memory_space<hbm>> -> memref<10000x16xf32, #tpu.memory_space<hbm>>
      tpu.wait_indirect_dma semaphore(%arg23 : memref<!tpu.dma_semaphore, #tpu.memory_space<semaphore_mem>>) src(%dma_wait3A_254 : memref<10000x16xf32, #tpu.memory_space<hbm>>) dst(%arg12 : memref<40x16xf32, #tpu.memory_space<vmem>>)
      %ge3A = arith.constant 2 : i32
      %ge3A_255 = arith.cmpi sge, %add3A_232, %ge3A : i32
      %convert_element_type3A_256 = arith.extui %ge3A_255 : i1 to i32
      %cond3A_257 = arith.constant 0 : i32
      %cond3A_258 = arith.cmpi ne, %convert_element_type3A_256, %cond3A_257 : i32
      scf.if %cond3A_258 {
        %dma_wait3A_311 = arith.constant 0 : i32
        %dma_wait3A_312 = tpu.memref_slice %arg9[%add3A_232, %dma_wait3A_311] : memref<125x40xi32, #tpu.memory_space<vmem>> -> memref<1x40xi32, #tpu.memory_space<vmem>>
        %dma_wait3A_313 = tpu.memref_squeeze %dma_wait3A_312 : memref<1x40xi32, #tpu.memory_space<vmem>> -> memref<40xi32, #tpu.memory_space<vmem>>
        %dma_wait3A_314 = arith.constant 0 : i32
        %dma_wait3A_315 = arith.constant 0 : i32
        %dma_wait3A_316 = tpu.memref_slice %arg18[%dma_wait3A_314, %dma_wait3A_315] : memref<10240x144xf32, #tpu.memory_space<vmem_shared>> -> memref<10240x144xf32, #tpu.memory_space<vmem_shared>>
        tpu.wait_indirect_dma semaphore(%arg25 : memref<!tpu.dma_semaphore, #tpu.memory_space<semaphore_mem>>) src(%arg16 : memref<40x144xf32, #tpu.memory_space<vmem>>) dst(%dma_wait3A_316 : memref<10240x144xf32, #tpu.memory_space<vmem_shared>>)
      } else {
      }
      %parallel_loop3A_259 = arith.constant 0 : i32
      %parallel_loop3A_260 = arith.constant 40 : i32
      %parallel_loop3A_261 = arith.constant 1 : i32
      scf.for %parallel_loop3A_311 = %parallel_loop3A_259 to %parallel_loop3A_260 step %parallel_loop3A_261  : i32 {
        %parallel_loop3A_312 = arith.index_cast %parallel_loop3A_311 : i32 to index
        %parallel_loop3A_313 = arith.constant 0 : index
        %parallel_loop3A_314 = tpu.vector_load %arg10[%parallel_loop3A_312, %parallel_loop3A_313] {strides = array<i32>} : memref<40x16xf32, #tpu.memory_space<vmem>>, vector<16xf32>,
        %parallel_loop3A_315 = arith.index_cast %parallel_loop3A_311 : i32 to index
        %parallel_loop3A_316 = arith.constant 0 : index
        %parallel_loop3A_317 = tpu.vector_load %arg12[%parallel_loop3A_315, %parallel_loop3A_316] {strides = array<i32>} : memref<40x16xf32, #tpu.memory_space<vmem>>, vector<16xf32>,
        %parallel_loop3A_318 = arith.addf %parallel_loop3A_314, %parallel_loop3A_317 : vector<16xf32>
        %parallel_loop3A_319 = arith.constant 0.000000e+00 : f32
        %parallel_loop3A_320 = vector.broadcast %parallel_loop3A_319 : f32 to vector<16xf32>
        %parallel_loop3A_321 = arith.cmpf oge, %parallel_loop3A_318, %parallel_loop3A_320 : vector<16xf32>
        %parallel_loop3A_322 = arith.constant 2.000000e-01 : f32
        %parallel_loop3A_323 = vector.broadcast %parallel_loop3A_322 : f32 to vector<16xf32>
        %parallel_loop3A_324 = arith.mulf %parallel_loop3A_323, %parallel_loop3A_318 : vector<16xf32>
        %parallel_loop3A_325 = arith.select %parallel_loop3A_321, %parallel_loop3A_318, %parallel_loop3A_324 : vector<16xi1>, vector<16xf32>
        %parallel_loop3A_326 = math.exp %parallel_loop3A_325 : vector<16xf32>
        %parallel_loop3A_327 = arith.index_cast %parallel_loop3A_311 : i32 to index
        %parallel_loop3A_328 = arith.constant 128 : index
        %parallel_loop3A_329 = tpu.vector_load %arg16[%parallel_loop3A_327, %parallel_loop3A_328] {strides = array<i32>} : memref<40x144xf32, #tpu.memory_space<vmem>>, vector<16xf32>,
        tpu.vector_store %arg16[%parallel_loop3A_327, %parallel_loop3A_328], %parallel_loop3A_326 {strides = array<i32>} : memref<40x144xf32, #tpu.memory_space<vmem>>, vector<16xf32>,
        %parallel_loop3A_330 = arith.index_cast %parallel_loop3A_311 : i32 to index
        %parallel_loop3A_331 = arith.constant 0 : index
        %parallel_loop3A_332 = tpu.vector_load %arg14[%parallel_loop3A_330, %parallel_loop3A_331] {strides = array<i32>} : memref<40x128xbf16, #tpu.memory_space<vmem>>, vector<32xbf16>,
        %parallel_loop3A_333 = tpu.unpack_subelements %parallel_loop3A_332, 0 {pack_format = #tpu.pack_format<interleaved>} : vector<32xbf16> -> vector<16xf32>
        %parallel_loop3A_334 = tpu.unpack_subelements %parallel_loop3A_332, 1 {pack_format = #tpu.pack_format<interleaved>} : vector<32xbf16> -> vector<16xf32>
        %parallel_loop3A_335 = arith.mulf %parallel_loop3A_333, %parallel_loop3A_326 : vector<16xf32>
        %parallel_loop3A_336 = arith.index_cast %parallel_loop3A_311 : i32 to index
        %parallel_loop3A_337 = arith.constant 0 : index
        %parallel_loop3A_338 = tpu.vector_load %arg16[%parallel_loop3A_336, %parallel_loop3A_337] {strides = array<i32>} : memref<40x144xf32, #tpu.memory_space<vmem>>, vector<16xf32>,
        tpu.vector_store %arg16[%parallel_loop3A_336, %parallel_loop3A_337], %parallel_loop3A_335 {strides = array<i32>} : memref<40x144xf32, #tpu.memory_space<vmem>>, vector<16xf32>,
        %parallel_loop3A_339 = arith.mulf %parallel_loop3A_334, %parallel_loop3A_326 : vector<16xf32>
        %parallel_loop3A_340 = arith.index_cast %parallel_loop3A_311 : i32 to index
        %parallel_loop3A_341 = arith.constant 16 : index
        %parallel_loop3A_342 = tpu.vector_load %arg16[%parallel_loop3A_340, %parallel_loop3A_341] {strides = array<i32>} : memref<40x144xf32, #tpu.memory_space<vmem>>, vector<16xf32>,
        tpu.vector_store %arg16[%parallel_loop3A_340, %parallel_loop3A_341], %parallel_loop3A_339 {strides = array<i32>} : memref<40x144xf32, #tpu.memory_space<vmem>>, vector<16xf32>,
        %parallel_loop3A_343 = arith.index_cast %parallel_loop3A_311 : i32 to index
        %parallel_loop3A_344 = arith.constant 32 : index
        %parallel_loop3A_345 = tpu.vector_load %arg14[%parallel_loop3A_343, %parallel_loop3A_344] {strides = array<i32>} : memref<40x128xbf16, #tpu.memory_space<vmem>>, vector<32xbf16>,
        %parallel_loop3A_346 = tpu.unpack_subelements %parallel_loop3A_345, 0 {pack_format = #tpu.pack_format<interleaved>} : vector<32xbf16> -> vector<16xf32>
        %parallel_loop3A_347 = tpu.unpack_subelements %parallel_loop3A_345, 1 {pack_format = #tpu.pack_format<interleaved>} : vector<32xbf16> -> vector<16xf32>
        %parallel_loop3A_348 = arith.mulf %parallel_loop3A_346, %parallel_loop3A_326 : vector<16xf32>
        %parallel_loop3A_349 = arith.index_cast %parallel_loop3A_311 : i32 to index
        %parallel_loop3A_350 = arith.constant 32 : index
        %parallel_loop3A_351 = tpu.vector_load %arg16[%parallel_loop3A_349, %parallel_loop3A_350] {strides = array<i32>} : memref<40x144xf32, #tpu.memory_space<vmem>>, vector<16xf32>,
        tpu.vector_store %arg16[%parallel_loop3A_349, %parallel_loop3A_350], %parallel_loop3A_348 {strides = array<i32>} : memref<40x144xf32, #tpu.memory_space<vmem>>, vector<16xf32>,
        %parallel_loop3A_352 = arith.mulf %parallel_loop3A_347, %parallel_loop3A_326 : vector<16xf32>
        %parallel_loop3A_353 = arith.index_cast %parallel_loop3A_311 : i32 to index
        %parallel_loop3A_354 = arith.constant 48 : index
        %parallel_loop3A_355 = tpu.vector_load %arg16[%parallel_loop3A_353, %parallel_loop3A_354] {strides = array<i32>} : memref<40x144xf32, #tpu.memory_space<vmem>>, vector<16xf32>,
        tpu.vector_store %arg16[%parallel_loop3A_353, %parallel_loop3A_354], %parallel_loop3A_352 {strides = array<i32>} : memref<40x144xf32, #tpu.memory_space<vmem>>, vector<16xf32>,
        %parallel_loop3A_356 = arith.index_cast %parallel_loop3A_311 : i32 to index
        %parallel_loop3A_357 = arith.constant 64 : index
        %parallel_loop3A_358 = tpu.vector_load %arg14[%parallel_loop3A_356, %parallel_loop3A_357] {strides = array<i32>} : memref<40x128xbf16, #tpu.memory_space<vmem>>, vector<32xbf16>,
        %parallel_loop3A_359 = tpu.unpack_subelements %parallel_loop3A_358, 0 {pack_format = #tpu.pack_format<interleaved>} : vector<32xbf16> -> vector<16xf32>
        %parallel_loop3A_360 = tpu.unpack_subelements %parallel_loop3A_358, 1 {pack_format = #tpu.pack_format<interleaved>} : vector<32xbf16> -> vector<16xf32>
        %parallel_loop3A_361 = arith.mulf %parallel_loop3A_359, %parallel_loop3A_326 : vector<16xf32>
        %parallel_loop3A_362 = arith.index_cast %parallel_loop3A_311 : i32 to index
        %parallel_loop3A_363 = arith.constant 64 : index
        %parallel_loop3A_364 = tpu.vector_load %arg16[%parallel_loop3A_362, %parallel_loop3A_363] {strides = array<i32>} : memref<40x144xf32, #tpu.memory_space<vmem>>, vector<16xf32>,
        tpu.vector_store %arg16[%parallel_loop3A_362, %parallel_loop3A_363], %parallel_loop3A_361 {strides = array<i32>} : memref<40x144xf32, #tpu.memory_space<vmem>>, vector<16xf32>,
        %parallel_loop3A_365 = arith.mulf %parallel_loop3A_360, %parallel_loop3A_326 : vector<16xf32>
        %parallel_loop3A_366 = arith.index_cast %parallel_loop3A_311 : i32 to index
        %parallel_loop3A_367 = arith.constant 80 : index
        %parallel_loop3A_368 = tpu.vector_load %arg16[%parallel_loop3A_366, %parallel_loop3A_367] {strides = array<i32>} : memref<40x144xf32, #tpu.memory_space<vmem>>, vector<16xf32>,
        tpu.vector_store %arg16[%parallel_loop3A_366, %parallel_loop3A_367], %parallel_loop3A_365 {strides = array<i32>} : memref<40x144xf32, #tpu.memory_space<vmem>>, vector<16xf32>,
        %parallel_loop3A_369 = arith.index_cast %parallel_loop3A_311 : i32 to index
        %parallel_loop3A_370 = arith.constant 96 : index
        %parallel_loop3A_371 = tpu.vector_load %arg14[%parallel_loop3A_369, %parallel_loop3A_370] {strides = array<i32>} : memref<40x128xbf16, #tpu.memory_space<vmem>>, vector<32xbf16>,
        %parallel_loop3A_372 = tpu.unpack_subelements %parallel_loop3A_371, 0 {pack_format = #tpu.pack_format<interleaved>} : vector<32xbf16> -> vector<16xf32>
        %parallel_loop3A_373 = tpu.unpack_subelements %parallel_loop3A_371, 1 {pack_format = #tpu.pack_format<interleaved>} : vector<32xbf16> -> vector<16xf32>
        %parallel_loop3A_374 = arith.mulf %parallel_loop3A_372, %parallel_loop3A_326 : vector<16xf32>
        %parallel_loop3A_375 = arith.index_cast %parallel_loop3A_311 : i32 to index
        %parallel_loop3A_376 = arith.constant 96 : index
        %parallel_loop3A_377 = tpu.vector_load %arg16[%parallel_loop3A_375, %parallel_loop3A_376] {strides = array<i32>} : memref<40x144xf32, #tpu.memory_space<vmem>>, vector<16xf32>,
        tpu.vector_store %arg16[%parallel_loop3A_375, %parallel_loop3A_376], %parallel_loop3A_374 {strides = array<i32>} : memref<40x144xf32, #tpu.memory_space<vmem>>, vector<16xf32>,
        %parallel_loop3A_378 = arith.mulf %parallel_loop3A_373, %parallel_loop3A_326 : vector<16xf32>
        %parallel_loop3A_379 = arith.index_cast %parallel_loop3A_311 : i32 to index
        %parallel_loop3A_380 = arith.constant 112 : index
        %parallel_loop3A_381 = tpu.vector_load %arg16[%parallel_loop3A_379, %parallel_loop3A_380] {strides = array<i32>} : memref<40x144xf32, #tpu.memory_space<vmem>>, vector<16xf32>,
        tpu.vector_store %arg16[%parallel_loop3A_379, %parallel_loop3A_380], %parallel_loop3A_378 {strides = array<i32>} : memref<40x144xf32, #tpu.memory_space<vmem>>, vector<16xf32>,
      } {sc.loop_unroll_factor = 8 : i64, sc.parallel_access}
      %dma_start3A_262 = arith.constant 0 : i32
      %dma_start3A_263 = tpu.memref_slice %arg9[%add3A_232, %dma_start3A_262] : memref<125x40xi32, #tpu.memory_space<vmem>> -> memref<1x40xi32, #tpu.memory_space<vmem>>
      %dma_start3A_264 = tpu.memref_squeeze %dma_start3A_263 : memref<1x40xi32, #tpu.memory_space<vmem>> -> memref<40xi32, #tpu.memory_space<vmem>>
      %dma_start3A_265 = arith.constant 0 : i32
      %dma_start3A_266 = arith.constant 0 : i32
      %dma_start3A_267 = tpu.memref_slice %arg18[%dma_start3A_265, %dma_start3A_266] : memref<10240x144xf32, #tpu.memory_space<vmem_shared>> -> memref<10240x144xf32, #tpu.memory_space<vmem_shared>>
      tpu.enqueue_indirect_dma source(%arg16 : memref<40x144xf32, #tpu.memory_space<vmem>>) target(%dma_start3A_267 : memref<10240x144xf32, #tpu.memory_space<vmem_shared>>) offsets(%dma_start3A_264 : memref<40xi32, #tpu.memory_space<vmem>>) semaphore(%arg25 : memref<!tpu.dma_semaphore, #tpu.memory_space<semaphore_mem>>) {add = true}
      %mul3A_268 = arith.constant 2 : i32
      %mul3A_269 = arith.muli %mul3A_268, %scan3A_228 : i32
      %add3A_270 = arith.constant 1 : i32
      %add3A_271 = arith.addi %mul3A_269, %add3A_270 : i32
      %add3A_272 = arith.constant 1 : i32
      %add3A_273 = arith.addi %add3A_271, %add3A_272 : i32
      %lt3A_274 = arith.constant 125 : i32
      %lt3A_275 = arith.cmpi slt, %add3A_273, %lt3A_274 : i32
      %convert_element_type3A_276 = arith.extui %lt3A_275 : i1 to i32
      %cond3A_277 = arith.constant 0 : i32
      %cond3A_278 = arith.cmpi ne, %convert_element_type3A_276, %cond3A_277 : i32
      scf.if %cond3A_278 {
        %add3A_311 = arith.constant 1 : i32
        %add3A_312 = arith.addi %add3A_271, %add3A_311 : i32
        %dma_start3A_313 = arith.constant 0 : i32
        %dma_start3A_314 = tpu.memref_slice %arg8[%add3A_312, %dma_start3A_313] : memref<125x40xi32, #tpu.memory_space<vmem>> -> memref<1x40xi32, #tpu.memory_space<vmem>>
        %dma_start3A_315 = tpu.memref_squeeze %dma_start3A_314 : memref<1x40xi32, #tpu.memory_space<vmem>> -> memref<40xi32, #tpu.memory_space<vmem>>
        %dma_start3A_316 = arith.constant 0 : i32
        %dma_start3A_317 = arith.constant 0 : i32
        %dma_start3A_318 = tpu.memref_slice %arg6[%dma_start3A_316, %dma_start3A_317] : memref<10000x128xbf16, #tpu.memory_space<hbm>> -> memref<10000x128xbf16, #tpu.memory_space<hbm>>
        tpu.enqueue_indirect_dma source(%dma_start3A_318 : memref<10000x128xbf16, #tpu.memory_space<hbm>>) target(%arg14 : memref<40x128xbf16, #tpu.memory_space<vmem>>) offsets(%dma_start3A_315 : memref<40xi32, #tpu.memory_space<vmem>>) semaphore(%arg19 : memref<!tpu.dma_semaphore, #tpu.memory_space<semaphore_mem>>)
        %dma_start3A_319 = arith.constant 0 : i32
        %dma_start3A_320 = tpu.memref_slice %arg8[%add3A_312, %dma_start3A_319] : memref<125x40xi32, #tpu.memory_space<vmem>> -> memref<1x40xi32, #tpu.memory_space<vmem>>
        %dma_start3A_321 = tpu.memref_squeeze %dma_start3A_320 : memref<1x40xi32, #tpu.memory_space<vmem>> -> memref<40xi32, #tpu.memory_space<vmem>>
        %dma_start3A_322 = arith.constant 0 : i32
        %dma_start3A_323 = arith.constant 0 : i32
        %dma_start3A_324 = tpu.memref_slice %arg4[%dma_start3A_322, %dma_start3A_323] : memref<10000x16xf32, #tpu.memory_space<hbm>> -> memref<10000x16xf32, #tpu.memory_space<hbm>>
        tpu.enqueue_indirect_dma source(%dma_start3A_324 : memref<10000x16xf32, #tpu.memory_space<hbm>>) target(%arg10 : memref<40x16xf32, #tpu.memory_space<vmem>>) offsets(%dma_start3A_321 : memref<40xi32, #tpu.memory_space<vmem>>) semaphore(%arg21 : memref<!tpu.dma_semaphore, #tpu.memory_space<semaphore_mem>>)
        %dma_start3A_325 = arith.constant 0 : i32
        %dma_start3A_326 = tpu.memref_slice %arg9[%add3A_312, %dma_start3A_325] : memref<125x40xi32, #tpu.memory_space<vmem>> -> memref<1x40xi32, #tpu.memory_space<vmem>>
        %dma_start3A_327 = tpu.memref_squeeze %dma_start3A_326 : memref<1x40xi32, #tpu.memory_space<vmem>> -> memref<40xi32, #tpu.memory_space<vmem>>
        %dma_start3A_328 = arith.constant 0 : i32
        %dma_start3A_329 = arith.constant 0 : i32
        %dma_start3A_330 = tpu.memref_slice %arg5[%dma_start3A_328, %dma_start3A_329] : memref<10000x16xf32, #tpu.memory_space<hbm>> -> memref<10000x16xf32, #tpu.memory_space<hbm>>
        tpu.enqueue_indirect_dma source(%dma_start3A_330 : memref<10000x16xf32, #tpu.memory_space<hbm>>) target(%arg12 : memref<40x16xf32, #tpu.memory_space<vmem>>) offsets(%dma_start3A_327 : memref<40xi32, #tpu.memory_space<vmem>>) semaphore(%arg23 : memref<!tpu.dma_semaphore, #tpu.memory_space<semaphore_mem>>)
      } else {
      }
      %dma_wait3A_279 = arith.constant 0 : i32
      %dma_wait3A_280 = tpu.memref_slice %arg8[%add3A_271, %dma_wait3A_279] : memref<125x40xi32, #tpu.memory_space<vmem>> -> memref<1x40xi32, #tpu.memory_space<vmem>>
      %dma_wait3A_281 = tpu.memref_squeeze %dma_wait3A_280 : memref<1x40xi32, #tpu.memory_space<vmem>> -> memref<40xi32, #tpu.memory_space<vmem>>
      %dma_wait3A_282 = arith.constant 0 : i32
      %dma_wait3A_283 = arith.constant 0 : i32
      %dma_wait3A_284 = tpu.memref_slice %arg6[%dma_wait3A_282, %dma_wait3A_283] : memref<10000x128xbf16, #tpu.memory_space<hbm>> -> memref<10000x128xbf16, #tpu.memory_space<hbm>>
      tpu.wait_indirect_dma semaphore(%arg20 : memref<!tpu.dma_semaphore, #tpu.memory_space<semaphore_mem>>) src(%dma_wait3A_284 : memref<10000x128xbf16, #tpu.memory_space<hbm>>) dst(%arg15 : memref<40x128xbf16, #tpu.memory_space<vmem>>)
      %dma_wait3A_285 = arith.constant 0 : i32
      %dma_wait3A_286 = tpu.memref_slice %arg8[%add3A_271, %dma_wait3A_285] : memref<125x40xi32, #tpu.memory_space<vmem>> -> memref<1x40xi32, #tpu.memory_space<vmem>>
      %dma_wait3A_287 = tpu.memref_squeeze %dma_wait3A_286 : memref<1x40xi32, #tpu.memory_space<vmem>> -> memref<40xi32, #tpu.memory_space<vmem>>
      %dma_wait3A_288 = arith.constant 0 : i32
      %dma_wait3A_289 = arith.constant 0 : i32
      %dma_wait3A_290 = tpu.memref_slice %arg4[%dma_wait3A_288, %dma_wait3A_289] : memref<10000x16xf32, #tpu.memory_space<hbm>> -> memref<10000x16xf32, #tpu.memory_space<hbm>>
      tpu.wait_indirect_dma semaphore(%arg22 : memref<!tpu.dma_semaphore, #tpu.memory_space<semaphore_mem>>) src(%dma_wait3A_290 : memref<10000x16xf32, #tpu.memory_space<hbm>>) dst(%arg11 : memref<40x16xf32, #tpu.memory_space<vmem>>)
      %dma_wait3A_291 = arith.constant 0 : i32
      %dma_wait3A_292 = tpu.memref_slice %arg9[%add3A_271, %dma_wait3A_291] : memref<125x40xi32, #tpu.memory_space<vmem>> -> memref<1x40xi32, #tpu.memory_space<vmem>>
      %dma_wait3A_293 = tpu.memref_squeeze %dma_wait3A_292 : memref<1x40xi32, #tpu.memory_space<vmem>> -> memref<40xi32, #tpu.memory_space<vmem>>
      %dma_wait3A_294 = arith.constant 0 : i32
      %dma_wait3A_295 = arith.constant 0 : i32
      %dma_wait3A_296 = tpu.memref_slice %arg5[%dma_wait3A_294, %dma_wait3A_295] : memref<10000x16xf32, #tpu.memory_space<hbm>> -> memref<10000x16xf32, #tpu.memory_space<hbm>>
      tpu.wait_indirect_dma semaphore(%arg24 : memref<!tpu.dma_semaphore, #tpu.memory_space<semaphore_mem>>) src(%dma_wait3A_296 : memref<10000x16xf32, #tpu.memory_space<hbm>>) dst(%arg13 : memref<40x16xf32, #tpu.memory_space<vmem>>)
      %ge3A_297 = arith.constant 2 : i32
      %ge3A_298 = arith.cmpi sge, %add3A_271, %ge3A_297 : i32
      %convert_element_type3A_299 = arith.extui %ge3A_298 : i1 to i32
      %cond3A_300 = arith.constant 0 : i32
      %cond3A_301 = arith.cmpi ne, %convert_element_type3A_299, %cond3A_300 : i32
      scf.if %cond3A_301 {
        %dma_wait3A_311 = arith.constant 0 : i32
        %dma_wait3A_312 = tpu.memref_slice %arg9[%add3A_271, %dma_wait3A_311] : memref<125x40xi32, #tpu.memory_space<vmem>> -> memref<1x40xi32, #tpu.memory_space<vmem>>
        %dma_wait3A_313 = tpu.memref_squeeze %dma_wait3A_312 : memref<1x40xi32, #tpu.memory_space<vmem>> -> memref<40xi32, #tpu.memory_space<vmem>>
        %dma_wait3A_314 = arith.constant 0 : i32
        %dma_wait3A_315 = arith.constant 0 : i32
        %dma_wait3A_316 = tpu.memref_slice %arg18[%dma_wait3A_314, %dma_wait3A_315] : memref<10240x144xf32, #tpu.memory_space<vmem_shared>> -> memref<10240x144xf32, #tpu.memory_space<vmem_shared>>
        tpu.wait_indirect_dma semaphore(%arg26 : memref<!tpu.dma_semaphore, #tpu.memory_space<semaphore_mem>>) src(%arg17 : memref<40x144xf32, #tpu.memory_space<vmem>>) dst(%dma_wait3A_316 : memref<10240x144xf32, #tpu.memory_space<vmem_shared>>)
      } else {
      }
      %parallel_loop3A_302 = arith.constant 0 : i32
      %parallel_loop3A_303 = arith.constant 40 : i32
      %parallel_loop3A_304 = arith.constant 1 : i32
      scf.for %parallel_loop3A_311 = %parallel_loop3A_302 to %parallel_loop3A_303 step %parallel_loop3A_304  : i32 {
        %parallel_loop3A_312 = arith.index_cast %parallel_loop3A_311 : i32 to index
        %parallel_loop3A_313 = arith.constant 0 : index
        %parallel_loop3A_314 = tpu.vector_load %arg11[%parallel_loop3A_312, %parallel_loop3A_313] {strides = array<i32>} : memref<40x16xf32, #tpu.memory_space<vmem>>, vector<16xf32>,
        %parallel_loop3A_315 = arith.index_cast %parallel_loop3A_311 : i32 to index
        %parallel_loop3A_316 = arith.constant 0 : index
        %parallel_loop3A_317 = tpu.vector_load %arg13[%parallel_loop3A_315, %parallel_loop3A_316] {strides = array<i32>} : memref<40x16xf32, #tpu.memory_space<vmem>>, vector<16xf32>,
        %parallel_loop3A_318 = arith.addf %parallel_loop3A_314, %parallel_loop3A_317 : vector<16xf32>
        %parallel_loop3A_319 = arith.constant 0.000000e+00 : f32
        %parallel_loop3A_320 = vector.broadcast %parallel_loop3A_319 : f32 to vector<16xf32>
        %parallel_loop3A_321 = arith.cmpf oge, %parallel_loop3A_318, %parallel_loop3A_320 : vector<16xf32>
        %parallel_loop3A_322 = arith.constant 2.000000e-01 : f32
        %parallel_loop3A_323 = vector.broadcast %parallel_loop3A_322 : f32 to vector<16xf32>
        %parallel_loop3A_324 = arith.mulf %parallel_loop3A_323, %parallel_loop3A_318 : vector<16xf32>
        %parallel_loop3A_325 = arith.select %parallel_loop3A_321, %parallel_loop3A_318, %parallel_loop3A_324 : vector<16xi1>, vector<16xf32>
        %parallel_loop3A_326 = math.exp %parallel_loop3A_325 : vector<16xf32>
        %parallel_loop3A_327 = arith.index_cast %parallel_loop3A_311 : i32 to index
        %parallel_loop3A_328 = arith.constant 128 : index
        %parallel_loop3A_329 = tpu.vector_load %arg17[%parallel_loop3A_327, %parallel_loop3A_328] {strides = array<i32>} : memref<40x144xf32, #tpu.memory_space<vmem>>, vector<16xf32>,
        tpu.vector_store %arg17[%parallel_loop3A_327, %parallel_loop3A_328], %parallel_loop3A_326 {strides = array<i32>} : memref<40x144xf32, #tpu.memory_space<vmem>>, vector<16xf32>,
        %parallel_loop3A_330 = arith.index_cast %parallel_loop3A_311 : i32 to index
        %parallel_loop3A_331 = arith.constant 0 : index
        %parallel_loop3A_332 = tpu.vector_load %arg15[%parallel_loop3A_330, %parallel_loop3A_331] {strides = array<i32>} : memref<40x128xbf16, #tpu.memory_space<vmem>>, vector<32xbf16>,
        %parallel_loop3A_333 = tpu.unpack_subelements %parallel_loop3A_332, 0 {pack_format = #tpu.pack_format<interleaved>} : vector<32xbf16> -> vector<16xf32>
        %parallel_loop3A_334 = tpu.unpack_subelements %parallel_loop3A_332, 1 {pack_format = #tpu.pack_format<interleaved>} : vector<32xbf16> -> vector<16xf32>
        %parallel_loop3A_335 = arith.mulf %parallel_loop3A_333, %parallel_loop3A_326 : vector<16xf32>
        %parallel_loop3A_336 = arith.index_cast %parallel_loop3A_311 : i32 to index
        %parallel_loop3A_337 = arith.constant 0 : index
        %parallel_loop3A_338 = tpu.vector_load %arg17[%parallel_loop3A_336, %parallel_loop3A_337] {strides = array<i32>} : memref<40x144xf32, #tpu.memory_space<vmem>>, vector<16xf32>,
        tpu.vector_store %arg17[%parallel_loop3A_336, %parallel_loop3A_337], %parallel_loop3A_335 {strides = array<i32>} : memref<40x144xf32, #tpu.memory_space<vmem>>, vector<16xf32>,
        %parallel_loop3A_339 = arith.mulf %parallel_loop3A_334, %parallel_loop3A_326 : vector<16xf32>
        %parallel_loop3A_340 = arith.index_cast %parallel_loop3A_311 : i32 to index
        %parallel_loop3A_341 = arith.constant 16 : index
        %parallel_loop3A_342 = tpu.vector_load %arg17[%parallel_loop3A_340, %parallel_loop3A_341] {strides = array<i32>} : memref<40x144xf32, #tpu.memory_space<vmem>>, vector<16xf32>,
        tpu.vector_store %arg17[%parallel_loop3A_340, %parallel_loop3A_341], %parallel_loop3A_339 {strides = array<i32>} : memref<40x144xf32, #tpu.memory_space<vmem>>, vector<16xf32>,
        %parallel_loop3A_343 = arith.index_cast %parallel_loop3A_311 : i32 to index
        %parallel_loop3A_344 = arith.constant 32 : index
        %parallel_loop3A_345 = tpu.vector_load %arg15[%parallel_loop3A_343, %parallel_loop3A_344] {strides = array<i32>} : memref<40x128xbf16, #tpu.memory_space<vmem>>, vector<32xbf16>,
        %parallel_loop3A_346 = tpu.unpack_subelements %parallel_loop3A_345, 0 {pack_format = #tpu.pack_format<interleaved>} : vector<32xbf16> -> vector<16xf32>
        %parallel_loop3A_347 = tpu.unpack_subelements %parallel_loop3A_345, 1 {pack_format = #tpu.pack_format<interleaved>} : vector<32xbf16> -> vector<16xf32>
        %parallel_loop3A_348 = arith.mulf %parallel_loop3A_346, %parallel_loop3A_326 : vector<16xf32>
        %parallel_loop3A_349 = arith.index_cast %parallel_loop3A_311 : i32 to index
        %parallel_loop3A_350 = arith.constant 32 : index
        %parallel_loop3A_351 = tpu.vector_load %arg17[%parallel_loop3A_349, %parallel_loop3A_350] {strides = array<i32>} : memref<40x144xf32, #tpu.memory_space<vmem>>, vector<16xf32>,
        tpu.vector_store %arg17[%parallel_loop3A_349, %parallel_loop3A_350], %parallel_loop3A_348 {strides = array<i32>} : memref<40x144xf32, #tpu.memory_space<vmem>>, vector<16xf32>,
        %parallel_loop3A_352 = arith.mulf %parallel_loop3A_347, %parallel_loop3A_326 : vector<16xf32>
        %parallel_loop3A_353 = arith.index_cast %parallel_loop3A_311 : i32 to index
        %parallel_loop3A_354 = arith.constant 48 : index
        %parallel_loop3A_355 = tpu.vector_load %arg17[%parallel_loop3A_353, %parallel_loop3A_354] {strides = array<i32>} : memref<40x144xf32, #tpu.memory_space<vmem>>, vector<16xf32>,
        tpu.vector_store %arg17[%parallel_loop3A_353, %parallel_loop3A_354], %parallel_loop3A_352 {strides = array<i32>} : memref<40x144xf32, #tpu.memory_space<vmem>>, vector<16xf32>,
        %parallel_loop3A_356 = arith.index_cast %parallel_loop3A_311 : i32 to index
        %parallel_loop3A_357 = arith.constant 64 : index
        %parallel_loop3A_358 = tpu.vector_load %arg15[%parallel_loop3A_356, %parallel_loop3A_357] {strides = array<i32>} : memref<40x128xbf16, #tpu.memory_space<vmem>>, vector<32xbf16>,
        %parallel_loop3A_359 = tpu.unpack_subelements %parallel_loop3A_358, 0 {pack_format = #tpu.pack_format<interleaved>} : vector<32xbf16> -> vector<16xf32>
        %parallel_loop3A_360 = tpu.unpack_subelements %parallel_loop3A_358, 1 {pack_format = #tpu.pack_format<interleaved>} : vector<32xbf16> -> vector<16xf32>
        %parallel_loop3A_361 = arith.mulf %parallel_loop3A_359, %parallel_loop3A_326 : vector<16xf32>
        %parallel_loop3A_362 = arith.index_cast %parallel_loop3A_311 : i32 to index
        %parallel_loop3A_363 = arith.constant 64 : index
        %parallel_loop3A_364 = tpu.vector_load %arg17[%parallel_loop3A_362, %parallel_loop3A_363] {strides = array<i32>} : memref<40x144xf32, #tpu.memory_space<vmem>>, vector<16xf32>,
        tpu.vector_store %arg17[%parallel_loop3A_362, %parallel_loop3A_363], %parallel_loop3A_361 {strides = array<i32>} : memref<40x144xf32, #tpu.memory_space<vmem>>, vector<16xf32>,
        %parallel_loop3A_365 = arith.mulf %parallel_loop3A_360, %parallel_loop3A_326 : vector<16xf32>
        %parallel_loop3A_366 = arith.index_cast %parallel_loop3A_311 : i32 to index
        %parallel_loop3A_367 = arith.constant 80 : index
        %parallel_loop3A_368 = tpu.vector_load %arg17[%parallel_loop3A_366, %parallel_loop3A_367] {strides = array<i32>} : memref<40x144xf32, #tpu.memory_space<vmem>>, vector<16xf32>,
        tpu.vector_store %arg17[%parallel_loop3A_366, %parallel_loop3A_367], %parallel_loop3A_365 {strides = array<i32>} : memref<40x144xf32, #tpu.memory_space<vmem>>, vector<16xf32>,
        %parallel_loop3A_369 = arith.index_cast %parallel_loop3A_311 : i32 to index
        %parallel_loop3A_370 = arith.constant 96 : index
        %parallel_loop3A_371 = tpu.vector_load %arg15[%parallel_loop3A_369, %parallel_loop3A_370] {strides = array<i32>} : memref<40x128xbf16, #tpu.memory_space<vmem>>, vector<32xbf16>,
        %parallel_loop3A_372 = tpu.unpack_subelements %parallel_loop3A_371, 0 {pack_format = #tpu.pack_format<interleaved>} : vector<32xbf16> -> vector<16xf32>
        %parallel_loop3A_373 = tpu.unpack_subelements %parallel_loop3A_371, 1 {pack_format = #tpu.pack_format<interleaved>} : vector<32xbf16> -> vector<16xf32>
        %parallel_loop3A_374 = arith.mulf %parallel_loop3A_372, %parallel_loop3A_326 : vector<16xf32>
        %parallel_loop3A_375 = arith.index_cast %parallel_loop3A_311 : i32 to index
        %parallel_loop3A_376 = arith.constant 96 : index
        %parallel_loop3A_377 = tpu.vector_load %arg17[%parallel_loop3A_375, %parallel_loop3A_376] {strides = array<i32>} : memref<40x144xf32, #tpu.memory_space<vmem>>, vector<16xf32>,
        tpu.vector_store %arg17[%parallel_loop3A_375, %parallel_loop3A_376], %parallel_loop3A_374 {strides = array<i32>} : memref<40x144xf32, #tpu.memory_space<vmem>>, vector<16xf32>,
        %parallel_loop3A_378 = arith.mulf %parallel_loop3A_373, %parallel_loop3A_326 : vector<16xf32>
        %parallel_loop3A_379 = arith.index_cast %parallel_loop3A_311 : i32 to index
        %parallel_loop3A_380 = arith.constant 112 : index
        %parallel_loop3A_381 = tpu.vector_load %arg17[%parallel_loop3A_379, %parallel_loop3A_380] {strides = array<i32>} : memref<40x144xf32, #tpu.memory_space<vmem>>, vector<16xf32>,
        tpu.vector_store %arg17[%parallel_loop3A_379, %parallel_loop3A_380], %parallel_loop3A_378 {strides = array<i32>} : memref<40x144xf32, #tpu.memory_space<vmem>>, vector<16xf32>,
      } {sc.loop_unroll_factor = 8 : i64, sc.parallel_access}
      %dma_start3A_305 = arith.constant 0 : i32
      %dma_start3A_306 = tpu.memref_slice %arg9[%add3A_271, %dma_start3A_305] : memref<125x40xi32, #tpu.memory_space<vmem>> -> memref<1x40xi32, #tpu.memory_space<vmem>>
      %dma_start3A_307 = tpu.memref_squeeze %dma_start3A_306 : memref<1x40xi32, #tpu.memory_space<vmem>> -> memref<40xi32, #tpu.memory_space<vmem>>
      %dma_start3A_308 = arith.constant 0 : i32
      %dma_start3A_309 = arith.constant 0 : i32
      %dma_start3A_310 = tpu.memref_slice %arg18[%dma_start3A_308, %dma_start3A_309] : memref<10240x144xf32, #tpu.memory_space<vmem_shared>> -> memref<10240x144xf32, #tpu.memory_space<vmem_shared>>
      tpu.enqueue_indirect_dma source(%arg17 : memref<40x144xf32, #tpu.memory_space<vmem>>) target(%dma_start3A_310 : memref<10240x144xf32, #tpu.memory_space<vmem_shared>>) offsets(%dma_start3A_307 : memref<40xi32, #tpu.memory_space<vmem>>) semaphore(%arg26 : memref<!tpu.dma_semaphore, #tpu.memory_space<semaphore_mem>>) {add = true}
    }
    %scan3A_174 = arith.constant 62 : i32
    %dma_wait3A_175 = arith.constant 124 : i32
    %dma_wait3A_176 = arith.constant 0 : i32
    %dma_wait3A_177 = tpu.memref_slice %arg8[%dma_wait3A_175, %dma_wait3A_176] : memref<125x40xi32, #tpu.memory_space<vmem>> -> memref<1x40xi32, #tpu.memory_space<vmem>>
    %dma_wait3A_178 = tpu.memref_squeeze %dma_wait3A_177 : memref<1x40xi32, #tpu.memory_space<vmem>> -> memref<40xi32, #tpu.memory_space<vmem>>
    %dma_wait3A_179 = arith.constant 0 : i32
    %dma_wait3A_180 = arith.constant 0 : i32
    %dma_wait3A_181 = tpu.memref_slice %arg6[%dma_wait3A_179, %dma_wait3A_180] : memref<10000x128xbf16, #tpu.memory_space<hbm>> -> memref<10000x128xbf16, #tpu.memory_space<hbm>>
    tpu.wait_indirect_dma semaphore(%arg19 : memref<!tpu.dma_semaphore, #tpu.memory_space<semaphore_mem>>) src(%dma_wait3A_181 : memref<10000x128xbf16, #tpu.memory_space<hbm>>) dst(%arg14 : memref<40x128xbf16, #tpu.memory_space<vmem>>)
    %dma_wait3A_182 = arith.constant 124 : i32
    %dma_wait3A_183 = arith.constant 0 : i32
    %dma_wait3A_184 = tpu.memref_slice %arg8[%dma_wait3A_182, %dma_wait3A_183] : memref<125x40xi32, #tpu.memory_space<vmem>> -> memref<1x40xi32, #tpu.memory_space<vmem>>
    %dma_wait3A_185 = tpu.memref_squeeze %dma_wait3A_184 : memref<1x40xi32, #tpu.memory_space<vmem>> -> memref<40xi32, #tpu.memory_space<vmem>>
    %dma_wait3A_186 = arith.constant 0 : i32
    %dma_wait3A_187 = arith.constant 0 : i32
    %dma_wait3A_188 = tpu.memref_slice %arg4[%dma_wait3A_186, %dma_wait3A_187] : memref<10000x16xf32, #tpu.memory_space<hbm>> -> memref<10000x16xf32, #tpu.memory_space<hbm>>
    tpu.wait_indirect_dma semaphore(%arg21 : memref<!tpu.dma_semaphore, #tpu.memory_space<semaphore_mem>>) src(%dma_wait3A_188 : memref<10000x16xf32, #tpu.memory_space<hbm>>) dst(%arg10 : memref<40x16xf32, #tpu.memory_space<vmem>>)
    %dma_wait3A_189 = arith.constant 124 : i32
    %dma_wait3A_190 = arith.constant 0 : i32
    %dma_wait3A_191 = tpu.memref_slice %arg9[%dma_wait3A_189, %dma_wait3A_190] : memref<125x40xi32, #tpu.memory_space<vmem>> -> memref<1x40xi32, #tpu.memory_space<vmem>>
    %dma_wait3A_192 = tpu.memref_squeeze %dma_wait3A_191 : memref<1x40xi32, #tpu.memory_space<vmem>> -> memref<40xi32, #tpu.memory_space<vmem>>
    %dma_wait3A_193 = arith.constant 0 : i32
    %dma_wait3A_194 = arith.constant 0 : i32
    %dma_wait3A_195 = tpu.memref_slice %arg5[%dma_wait3A_193, %dma_wait3A_194] : memref<10000x16xf32, #tpu.memory_space<hbm>> -> memref<10000x16xf32, #tpu.memory_space<hbm>>
    tpu.wait_indirect_dma semaphore(%arg23 : memref<!tpu.dma_semaphore, #tpu.memory_space<semaphore_mem>>) src(%dma_wait3A_195 : memref<10000x16xf32, #tpu.memory_space<hbm>>) dst(%arg12 : memref<40x16xf32, #tpu.memory_space<vmem>>)
    %dma_wait3A_196 = arith.constant 124 : i32
    %dma_wait3A_197 = arith.constant 0 : i32
    %dma_wait3A_198 = tpu.memref_slice %arg9[%dma_wait3A_196, %dma_wait3A_197] : memref<125x40xi32, #tpu.memory_space<vmem>> -> memref<1x40xi32, #tpu.memory_space<vmem>>
    %dma_wait3A_199 = tpu.memref_squeeze %dma_wait3A_198 : memref<1x40xi32, #tpu.memory_space<vmem>> -> memref<40xi32, #tpu.memory_space<vmem>>
    %dma_wait3A_200 = arith.constant 0 : i32
    %dma_wait3A_201 = arith.constant 0 : i32
    %dma_wait3A_202 = tpu.memref_slice %arg18[%dma_wait3A_200, %dma_wait3A_201] : memref<10240x144xf32, #tpu.memory_space<vmem_shared>> -> memref<10240x144xf32, #tpu.memory_space<vmem_shared>>
    tpu.wait_indirect_dma semaphore(%arg25 : memref<!tpu.dma_semaphore, #tpu.memory_space<semaphore_mem>>) src(%arg16 : memref<40x144xf32, #tpu.memory_space<vmem>>) dst(%dma_wait3A_202 : memref<10240x144xf32, #tpu.memory_space<vmem_shared>>)
    %parallel_loop3A_203 = arith.constant 0 : i32
    %parallel_loop3A_204 = arith.constant 40 : i32
    %parallel_loop3A_205 = arith.constant 1 : i32
    scf.for %parallel_loop3A_228 = %parallel_loop3A_203 to %parallel_loop3A_204 step %parallel_loop3A_205  : i32 {
      %parallel_loop3A_229 = arith.index_cast %parallel_loop3A_228 : i32 to index
      %parallel_loop3A_230 = arith.constant 0 : index
      %parallel_loop3A_231 = tpu.vector_load %arg10[%parallel_loop3A_229, %parallel_loop3A_230] {strides = array<i32>} : memref<40x16xf32, #tpu.memory_space<vmem>>, vector<16xf32>,
      %parallel_loop3A_232 = arith.index_cast %parallel_loop3A_228 : i32 to index
      %parallel_loop3A_233 = arith.constant 0 : index
      %parallel_loop3A_234 = tpu.vector_load %arg12[%parallel_loop3A_232, %parallel_loop3A_233] {strides = array<i32>} : memref<40x16xf32, #tpu.memory_space<vmem>>, vector<16xf32>,
      %parallel_loop3A_235 = arith.addf %parallel_loop3A_231, %parallel_loop3A_234 : vector<16xf32>
      %parallel_loop3A_236 = arith.constant 0.000000e+00 : f32
      %parallel_loop3A_237 = vector.broadcast %parallel_loop3A_236 : f32 to vector<16xf32>
      %parallel_loop3A_238 = arith.cmpf oge, %parallel_loop3A_235, %parallel_loop3A_237 : vector<16xf32>
      %parallel_loop3A_239 = arith.constant 2.000000e-01 : f32
      %parallel_loop3A_240 = vector.broadcast %parallel_loop3A_239 : f32 to vector<16xf32>
      %parallel_loop3A_241 = arith.mulf %parallel_loop3A_240, %parallel_loop3A_235 : vector<16xf32>
      %parallel_loop3A_242 = arith.select %parallel_loop3A_238, %parallel_loop3A_235, %parallel_loop3A_241 : vector<16xi1>, vector<16xf32>
      %parallel_loop3A_243 = math.exp %parallel_loop3A_242 : vector<16xf32>
      %parallel_loop3A_244 = arith.index_cast %parallel_loop3A_228 : i32 to index
      %parallel_loop3A_245 = arith.constant 128 : index
      %parallel_loop3A_246 = tpu.vector_load %arg16[%parallel_loop3A_244, %parallel_loop3A_245] {strides = array<i32>} : memref<40x144xf32, #tpu.memory_space<vmem>>, vector<16xf32>,
      tpu.vector_store %arg16[%parallel_loop3A_244, %parallel_loop3A_245], %parallel_loop3A_243 {strides = array<i32>} : memref<40x144xf32, #tpu.memory_space<vmem>>, vector<16xf32>,
      %parallel_loop3A_247 = arith.index_cast %parallel_loop3A_228 : i32 to index
      %parallel_loop3A_248 = arith.constant 0 : index
      %parallel_loop3A_249 = tpu.vector_load %arg14[%parallel_loop3A_247, %parallel_loop3A_248] {strides = array<i32>} : memref<40x128xbf16, #tpu.memory_space<vmem>>, vector<32xbf16>,
      %parallel_loop3A_250 = tpu.unpack_subelements %parallel_loop3A_249, 0 {pack_format = #tpu.pack_format<interleaved>} : vector<32xbf16> -> vector<16xf32>
      %parallel_loop3A_251 = tpu.unpack_subelements %parallel_loop3A_249, 1 {pack_format = #tpu.pack_format<interleaved>} : vector<32xbf16> -> vector<16xf32>
      %parallel_loop3A_252 = arith.mulf %parallel_loop3A_250, %parallel_loop3A_243 : vector<16xf32>
      %parallel_loop3A_253 = arith.index_cast %parallel_loop3A_228 : i32 to index
      %parallel_loop3A_254 = arith.constant 0 : index
      %parallel_loop3A_255 = tpu.vector_load %arg16[%parallel_loop3A_253, %parallel_loop3A_254] {strides = array<i32>} : memref<40x144xf32, #tpu.memory_space<vmem>>, vector<16xf32>,
      tpu.vector_store %arg16[%parallel_loop3A_253, %parallel_loop3A_254], %parallel_loop3A_252 {strides = array<i32>} : memref<40x144xf32, #tpu.memory_space<vmem>>, vector<16xf32>,
      %parallel_loop3A_256 = arith.mulf %parallel_loop3A_251, %parallel_loop3A_243 : vector<16xf32>
      %parallel_loop3A_257 = arith.index_cast %parallel_loop3A_228 : i32 to index
      %parallel_loop3A_258 = arith.constant 16 : index
      %parallel_loop3A_259 = tpu.vector_load %arg16[%parallel_loop3A_257, %parallel_loop3A_258] {strides = array<i32>} : memref<40x144xf32, #tpu.memory_space<vmem>>, vector<16xf32>,
      tpu.vector_store %arg16[%parallel_loop3A_257, %parallel_loop3A_258], %parallel_loop3A_256 {strides = array<i32>} : memref<40x144xf32, #tpu.memory_space<vmem>>, vector<16xf32>,
      %parallel_loop3A_260 = arith.index_cast %parallel_loop3A_228 : i32 to index
      %parallel_loop3A_261 = arith.constant 32 : index
      %parallel_loop3A_262 = tpu.vector_load %arg14[%parallel_loop3A_260, %parallel_loop3A_261] {strides = array<i32>} : memref<40x128xbf16, #tpu.memory_space<vmem>>, vector<32xbf16>,
      %parallel_loop3A_263 = tpu.unpack_subelements %parallel_loop3A_262, 0 {pack_format = #tpu.pack_format<interleaved>} : vector<32xbf16> -> vector<16xf32>
      %parallel_loop3A_264 = tpu.unpack_subelements %parallel_loop3A_262, 1 {pack_format = #tpu.pack_format<interleaved>} : vector<32xbf16> -> vector<16xf32>
      %parallel_loop3A_265 = arith.mulf %parallel_loop3A_263, %parallel_loop3A_243 : vector<16xf32>
      %parallel_loop3A_266 = arith.index_cast %parallel_loop3A_228 : i32 to index
      %parallel_loop3A_267 = arith.constant 32 : index
      %parallel_loop3A_268 = tpu.vector_load %arg16[%parallel_loop3A_266, %parallel_loop3A_267] {strides = array<i32>} : memref<40x144xf32, #tpu.memory_space<vmem>>, vector<16xf32>,
      tpu.vector_store %arg16[%parallel_loop3A_266, %parallel_loop3A_267], %parallel_loop3A_265 {strides = array<i32>} : memref<40x144xf32, #tpu.memory_space<vmem>>, vector<16xf32>,
      %parallel_loop3A_269 = arith.mulf %parallel_loop3A_264, %parallel_loop3A_243 : vector<16xf32>
      %parallel_loop3A_270 = arith.index_cast %parallel_loop3A_228 : i32 to index
      %parallel_loop3A_271 = arith.constant 48 : index
      %parallel_loop3A_272 = tpu.vector_load %arg16[%parallel_loop3A_270, %parallel_loop3A_271] {strides = array<i32>} : memref<40x144xf32, #tpu.memory_space<vmem>>, vector<16xf32>,
      tpu.vector_store %arg16[%parallel_loop3A_270, %parallel_loop3A_271], %parallel_loop3A_269 {strides = array<i32>} : memref<40x144xf32, #tpu.memory_space<vmem>>, vector<16xf32>,
      %parallel_loop3A_273 = arith.index_cast %parallel_loop3A_228 : i32 to index
      %parallel_loop3A_274 = arith.constant 64 : index
      %parallel_loop3A_275 = tpu.vector_load %arg14[%parallel_loop3A_273, %parallel_loop3A_274] {strides = array<i32>} : memref<40x128xbf16, #tpu.memory_space<vmem>>, vector<32xbf16>,
      %parallel_loop3A_276 = tpu.unpack_subelements %parallel_loop3A_275, 0 {pack_format = #tpu.pack_format<interleaved>} : vector<32xbf16> -> vector<16xf32>
      %parallel_loop3A_277 = tpu.unpack_subelements %parallel_loop3A_275, 1 {pack_format = #tpu.pack_format<interleaved>} : vector<32xbf16> -> vector<16xf32>
      %parallel_loop3A_278 = arith.mulf %parallel_loop3A_276, %parallel_loop3A_243 : vector<16xf32>
      %parallel_loop3A_279 = arith.index_cast %parallel_loop3A_228 : i32 to index
      %parallel_loop3A_280 = arith.constant 64 : index
      %parallel_loop3A_281 = tpu.vector_load %arg16[%parallel_loop3A_279, %parallel_loop3A_280] {strides = array<i32>} : memref<40x144xf32, #tpu.memory_space<vmem>>, vector<16xf32>,
      tpu.vector_store %arg16[%parallel_loop3A_279, %parallel_loop3A_280], %parallel_loop3A_278 {strides = array<i32>} : memref<40x144xf32, #tpu.memory_space<vmem>>, vector<16xf32>,
      %parallel_loop3A_282 = arith.mulf %parallel_loop3A_277, %parallel_loop3A_243 : vector<16xf32>
      %parallel_loop3A_283 = arith.index_cast %parallel_loop3A_228 : i32 to index
      %parallel_loop3A_284 = arith.constant 80 : index
      %parallel_loop3A_285 = tpu.vector_load %arg16[%parallel_loop3A_283, %parallel_loop3A_284] {strides = array<i32>} : memref<40x144xf32, #tpu.memory_space<vmem>>, vector<16xf32>,
      tpu.vector_store %arg16[%parallel_loop3A_283, %parallel_loop3A_284], %parallel_loop3A_282 {strides = array<i32>} : memref<40x144xf32, #tpu.memory_space<vmem>>, vector<16xf32>,
      %parallel_loop3A_286 = arith.index_cast %parallel_loop3A_228 : i32 to index
      %parallel_loop3A_287 = arith.constant 96 : index
      %parallel_loop3A_288 = tpu.vector_load %arg14[%parallel_loop3A_286, %parallel_loop3A_287] {strides = array<i32>} : memref<40x128xbf16, #tpu.memory_space<vmem>>, vector<32xbf16>,
      %parallel_loop3A_289 = tpu.unpack_subelements %parallel_loop3A_288, 0 {pack_format = #tpu.pack_format<interleaved>} : vector<32xbf16> -> vector<16xf32>
      %parallel_loop3A_290 = tpu.unpack_subelements %parallel_loop3A_288, 1 {pack_format = #tpu.pack_format<interleaved>} : vector<32xbf16> -> vector<16xf32>
      %parallel_loop3A_291 = arith.mulf %parallel_loop3A_289, %parallel_loop3A_243 : vector<16xf32>
      %parallel_loop3A_292 = arith.index_cast %parallel_loop3A_228 : i32 to index
      %parallel_loop3A_293 = arith.constant 96 : index
      %parallel_loop3A_294 = tpu.vector_load %arg16[%parallel_loop3A_292, %parallel_loop3A_293] {strides = array<i32>} : memref<40x144xf32, #tpu.memory_space<vmem>>, vector<16xf32>,
      tpu.vector_store %arg16[%parallel_loop3A_292, %parallel_loop3A_293], %parallel_loop3A_291 {strides = array<i32>} : memref<40x144xf32, #tpu.memory_space<vmem>>, vector<16xf32>,
      %parallel_loop3A_295 = arith.mulf %parallel_loop3A_290, %parallel_loop3A_243 : vector<16xf32>
      %parallel_loop3A_296 = arith.index_cast %parallel_loop3A_228 : i32 to index
      %parallel_loop3A_297 = arith.constant 112 : index
      %parallel_loop3A_298 = tpu.vector_load %arg16[%parallel_loop3A_296, %parallel_loop3A_297] {strides = array<i32>} : memref<40x144xf32, #tpu.memory_space<vmem>>, vector<16xf32>,
      tpu.vector_store %arg16[%parallel_loop3A_296, %parallel_loop3A_297], %parallel_loop3A_295 {strides = array<i32>} : memref<40x144xf32, #tpu.memory_space<vmem>>, vector<16xf32>,
    } {sc.loop_unroll_factor = 8 : i64, sc.parallel_access}
    %dma_start3A_206 = arith.constant 124 : i32
    %dma_start3A_207 = arith.constant 0 : i32
    %dma_start3A_208 = tpu.memref_slice %arg9[%dma_start3A_206, %dma_start3A_207] : memref<125x40xi32, #tpu.memory_space<vmem>> -> memref<1x40xi32, #tpu.memory_space<vmem>>
    %dma_start3A_209 = tpu.memref_squeeze %dma_start3A_208 : memref<1x40xi32, #tpu.memory_space<vmem>> -> memref<40xi32, #tpu.memory_space<vmem>>
    %dma_start3A_210 = arith.constant 0 : i32
    %dma_start3A_211 = arith.constant 0 : i32
    %dma_start3A_212 = tpu.memref_slice %arg18[%dma_start3A_210, %dma_start3A_211] : memref<10240x144xf32, #tpu.memory_space<vmem_shared>> -> memref<10240x144xf32, #tpu.memory_space<vmem_shared>>
    tpu.enqueue_indirect_dma source(%arg16 : memref<40x144xf32, #tpu.memory_space<vmem>>) target(%dma_start3A_212 : memref<10240x144xf32, #tpu.memory_space<vmem_shared>>) offsets(%dma_start3A_209 : memref<40xi32, #tpu.memory_space<vmem>>) semaphore(%arg25 : memref<!tpu.dma_semaphore, #tpu.memory_space<semaphore_mem>>) {add = true}
    %dma_wait3A_213 = arith.constant 124 : i32
    %dma_wait3A_214 = arith.constant 0 : i32
    %dma_wait3A_215 = tpu.memref_slice %arg9[%dma_wait3A_213, %dma_wait3A_214] : memref<125x40xi32, #tpu.memory_space<vmem>> -> memref<1x40xi32, #tpu.memory_space<vmem>>
    %dma_wait3A_216 = tpu.memref_squeeze %dma_wait3A_215 : memref<1x40xi32, #tpu.memory_space<vmem>> -> memref<40xi32, #tpu.memory_space<vmem>>
    %dma_wait3A_217 = arith.constant 0 : i32
    %dma_wait3A_218 = arith.constant 0 : i32
    %dma_wait3A_219 = tpu.memref_slice %arg18[%dma_wait3A_217, %dma_wait3A_218] : memref<10240x144xf32, #tpu.memory_space<vmem_shared>> -> memref<10240x144xf32, #tpu.memory_space<vmem_shared>>
    tpu.wait_indirect_dma semaphore(%arg25 : memref<!tpu.dma_semaphore, #tpu.memory_space<semaphore_mem>>) src(%arg16 : memref<40x144xf32, #tpu.memory_space<vmem>>) dst(%dma_wait3A_219 : memref<10240x144xf32, #tpu.memory_space<vmem_shared>>)
    %dma_wait3A_220 = arith.constant 123 : i32
    %dma_wait3A_221 = arith.constant 0 : i32
    %dma_wait3A_222 = tpu.memref_slice %arg9[%dma_wait3A_220, %dma_wait3A_221] : memref<125x40xi32, #tpu.memory_space<vmem>> -> memref<1x40xi32, #tpu.memory_space<vmem>>
    %dma_wait3A_223 = tpu.memref_squeeze %dma_wait3A_222 : memref<1x40xi32, #tpu.memory_space<vmem>> -> memref<40xi32, #tpu.memory_space<vmem>>
    %dma_wait3A_224 = arith.constant 0 : i32
    %dma_wait3A_225 = arith.constant 0 : i32
    %dma_wait3A_226 = tpu.memref_slice %arg18[%dma_wait3A_224, %dma_wait3A_225] : memref<10240x144xf32, #tpu.memory_space<vmem_shared>> -> memref<10240x144xf32, #tpu.memory_space<vmem_shared>>
    tpu.wait_indirect_dma semaphore(%arg26 : memref<!tpu.dma_semaphore, #tpu.memory_space<semaphore_mem>>) src(%arg17 : memref<40x144xf32, #tpu.memory_space<vmem>>) dst(%dma_wait3A_226 : memref<10240x144xf32, #tpu.memory_space<vmem_shared>>)
    %barrier3A_227 = arith.constant 0 : index
    tpu.barrier barrier_id(%barrier3A_227)
    "tpu.region"() ({
      %run_scoped3A = tpu.sem_alloc : memref<!tpu.dma_semaphore, #tpu.memory_space<semaphore_mem>>
      %dma_start3A_228 = arith.constant 0 : i32
      %dma_start3A_229 = tpu.memref_slice %arg7[%arg0, %mul3A_2, %dma_start3A_228] : memref<2x10240x144xf32, #tpu.memory_space<hbm>> -> memref<1x640x144xf32, #tpu.memory_space<hbm>>
      %dma_start3A_230 = tpu.memref_squeeze %dma_start3A_229 : memref<1x640x144xf32, #tpu.memory_space<hbm>> -> memref<640x144xf32, #tpu.memory_space<hbm>>
      %dma_start3A_231 = arith.constant 0 : i32
      %dma_start3A_232 = tpu.memref_slice %arg18[%mul3A_2, %dma_start3A_231] : memref<10240x144xf32, #tpu.memory_space<vmem_shared>> -> memref<640x144xf32, #tpu.memory_space<vmem_shared>>
      tpu.enqueue_dma source(%dma_start3A_232 : memref<640x144xf32, #tpu.memory_space<vmem_shared>>) target(%dma_start3A_230 : memref<640x144xf32, #tpu.memory_space<hbm>>) target_semaphore(%run_scoped3A : memref<!tpu.dma_semaphore, #tpu.memory_space<semaphore_mem>>)
      %dma_wait3A_233 = arith.constant 0 : i32
      %dma_wait3A_234 = tpu.memref_slice %arg7[%arg0, %mul3A_2, %dma_wait3A_233] : memref<2x10240x144xf32, #tpu.memory_space<hbm>> -> memref<1x640x144xf32, #tpu.memory_space<hbm>>
      %dma_wait3A_235 = tpu.memref_squeeze %dma_wait3A_234 : memref<1x640x144xf32, #tpu.memory_space<hbm>> -> memref<640x144xf32, #tpu.memory_space<hbm>>
      %dma_wait3A_236 = arith.constant 0 : i32
      %dma_wait3A_237 = tpu.memref_slice %arg18[%mul3A_2, %dma_wait3A_236] : memref<10240x144xf32, #tpu.memory_space<vmem_shared>> -> memref<640x144xf32, #tpu.memory_space<vmem_shared>>
      tpu.wait_dma2 semaphore(%run_scoped3A : memref<!tpu.dma_semaphore, #tpu.memory_space<semaphore_mem>>) src(%dma_wait3A_237 : memref<640x144xf32, #tpu.memory_space<vmem_shared>>) dst(%dma_wait3A_235 : memref<640x144xf32, #tpu.memory_space<hbm>>)
      tpu.yield
    }) : () -> ()
    return
  }
}

module attributes {stable_mosaic.version = 14 : i64} {
  func.func @_mm_body(%arg0: i32, %arg1: memref<400x128xf32, #tpu.memory_space<vmem>>, %arg2: memref<128x128xf32, #tpu.memory_space<vmem>>, %arg3: memref<128x32xf32, #tpu.memory_space<vmem>>, %arg4: memref<400x128xbf16, #tpu.memory_space<vmem>>, %arg5: memref<400x16xf32, #tpu.memory_space<vmem>>, %arg6: memref<400x16xf32, #tpu.memory_space<vmem>>) attributes {dimension_semantics = [#tpu.dimension_semantics<arbitrary>], iteration_bounds = array<i64: 25>, scalar_prefetch = 0 : i64, scratch_operands = 0 : i64, tpu.core_type = #tpu.core_type<tc>, window_params = [{transform_indices = @transform_0, window_bounds = array<i64: 400, 128>}, {pipeline_mode = #tpu.pipeline_mode<synchronous>, transform_indices = @transform_1, window_bounds = array<i64: 128, 128>}, {pipeline_mode = #tpu.pipeline_mode<synchronous>, transform_indices = @transform_2, window_bounds = array<i64: 128, 32>}, {transform_indices = @transform_3, window_bounds = array<i64: 400, 128>}, {transform_indices = @transform_4, window_bounds = array<i64: 400, 16>}, {transform_indices = @transform_5, window_bounds = array<i64: 400, 16>}]} {
    %get3A = arith.constant 0 : index
    %get3A_0 = arith.constant 0 : index
    %get3A_1 = vector.load %arg1[%get3A, %get3A_0] : memref<400x128xf32, #tpu.memory_space<vmem>>, vector<400x128xf32>
    %get3A_2 = arith.constant 0 : index
    %get3A_3 = arith.constant 0 : index
    %get3A_4 = vector.load %arg2[%get3A_2, %get3A_3] : memref<128x128xf32, #tpu.memory_space<vmem>>, vector<128x128xf32>
    %dot_general3A = arith.constant dense<0.000000e+00> : vector<400x128xf32>
    %dot_general3A_5 = tpu.matmul %get3A_1, %get3A_4, %dot_general3A {dimension_numbers = #tpu.dot_dimension_numbers<[1], [0], [0], [1], [0, 0, 1, 1], [], []>, transpose_lhs_hint = false} : vector<400x128xf32>, vector<128x128xf32>, vector<400x128xf32> -> vector<400x128xf32>
    %get3A_6 = arith.constant 0 : index
    %get3A_7 = arith.constant 0 : index
    %get3A_8 = vector.load %arg3[%get3A_6, %get3A_7] : memref<128x32xf32, #tpu.memory_space<vmem>>, vector<128x32xf32>
    %dot_general3A_9 = arith.constant dense<0.000000e+00> : vector<400x32xf32>
    %dot_general3A_10 = tpu.matmul %get3A_1, %get3A_8, %dot_general3A_9 {dimension_numbers = #tpu.dot_dimension_numbers<[1], [0], [0], [1], [0, 0, 1, 1], [], []>, transpose_lhs_hint = false} : vector<400x128xf32>, vector<128x32xf32>, vector<400x32xf32> -> vector<400x32xf32>
    %convert_element_type3A = arith.truncf %dot_general3A_5 : vector<400x128xf32> to vector<400x128xbf16>
    %swap3A = arith.constant 0 : index
    %swap3A_11 = arith.constant 0 : index
    %swap3A_12 = vector.load %arg4[%swap3A, %swap3A_11] : memref<400x128xbf16, #tpu.memory_space<vmem>>, vector<400x128xbf16>
    tpu.vector_store %arg4[%swap3A, %swap3A_11], %convert_element_type3A {strides = array<i32>} : memref<400x128xbf16, #tpu.memory_space<vmem>>, vector<400x128xbf16>,
    %slice3A = vector.extract_strided_slice %dot_general3A_10 {offsets = [0, 0], sizes = [400, 16], strides = [1, 1]} : vector<400x32xf32> to vector<400x16xf32>
    %swap3A_13 = arith.constant 0 : index
    %swap3A_14 = arith.constant 0 : index
    %swap3A_15 = vector.load %arg5[%swap3A_13, %swap3A_14] : memref<400x16xf32, #tpu.memory_space<vmem>>, vector<400x16xf32>
    tpu.vector_store %arg5[%swap3A_13, %swap3A_14], %slice3A {strides = array<i32>} : memref<400x16xf32, #tpu.memory_space<vmem>>, vector<400x16xf32>,
    %slice3A_16 = vector.extract_strided_slice %dot_general3A_10 {offsets = [0, 16], sizes = [400, 16], strides = [1, 1]} : vector<400x32xf32> to vector<400x16xf32>
    %swap3A_17 = arith.constant 0 : index
    %swap3A_18 = arith.constant 0 : index
    %swap3A_19 = vector.load %arg6[%swap3A_17, %swap3A_18] : memref<400x16xf32, #tpu.memory_space<vmem>>, vector<400x16xf32>
    tpu.vector_store %arg6[%swap3A_17, %swap3A_18], %slice3A_16 {strides = array<i32>} : memref<400x16xf32, #tpu.memory_space<vmem>>, vector<400x16xf32>,
    return
  }
  func.func @transform_0(%arg0: i32) -> (i32, i32) {
    %c0_i32 = arith.constant 0 : i32
    %c0_i32_0 = arith.constant 0 : i32
    return %arg0, %c0_i32 : i32, i32
  }
  func.func @transform_1(%arg0: i32) -> (i32, i32) {
    %c0_i32 = arith.constant 0 : i32
    %c0_i32_0 = arith.constant 0 : i32
    %c0_i32_1 = arith.constant 0 : i32
    return %c0_i32, %c0_i32_0 : i32, i32
  }
  func.func @transform_2(%arg0: i32) -> (i32, i32) {
    %c0_i32 = arith.constant 0 : i32
    %c0_i32_0 = arith.constant 0 : i32
    %c0_i32_1 = arith.constant 0 : i32
    return %c0_i32, %c0_i32_0 : i32, i32
  }
  func.func @transform_3(%arg0: i32) -> (i32, i32) {
    %c0_i32 = arith.constant 0 : i32
    %c0_i32_0 = arith.constant 0 : i32
    return %arg0, %c0_i32 : i32, i32
  }
  func.func @transform_4(%arg0: i32) -> (i32, i32) {
    %c0_i32 = arith.constant 0 : i32
    %c0_i32_0 = arith.constant 0 : i32
    return %arg0, %c0_i32 : i32, i32
  }
  func.func @transform_5(%arg0: i32) -> (i32, i32) {
    %c0_i32 = arith.constant 0 : i32
    %c0_i32_0 = arith.constant 0 : i32
    return %arg0, %c0_i32 : i32, i32
  }
}

module attributes {stable_mosaic.version = 14 : i64} {
  func.func @_final_body(%arg0: i32, %arg1: memref<1x400x144xf32, #tpu.memory_space<vmem>>, %arg2: memref<1x400x144xf32, #tpu.memory_space<vmem>>, %arg3: memref<128x128xf32, #tpu.memory_space<vmem>>, %arg4: memref<1x128xf32, #tpu.memory_space<vmem>>, %arg5: memref<400x128xf32, #tpu.memory_space<vmem>>) attributes {dimension_semantics = [#tpu.dimension_semantics<arbitrary>], iteration_bounds = array<i64: 25>, scalar_prefetch = 0 : i64, scratch_operands = 0 : i64, tpu.core_type = #tpu.core_type<tc>, window_params = [{transform_indices = @transform_0, window_bounds = array<i64: 1, 400, 144>}, {transform_indices = @transform_1, window_bounds = array<i64: 1, 400, 144>}, {pipeline_mode = #tpu.pipeline_mode<synchronous>, transform_indices = @transform_2, window_bounds = array<i64: 128, 128>}, {pipeline_mode = #tpu.pipeline_mode<synchronous>, transform_indices = @transform_3, window_bounds = array<i64: 1, 128>}, {transform_indices = @transform_4, window_bounds = array<i64: 400, 128>}]} {
    %get3A = arith.constant 0 : index
    %get3A_0 = arith.constant 0 : index
    %get3A_1 = arith.constant 0 : index
    %get3A_2 = vector.load %arg1[%get3A, %get3A_0, %get3A_1] : memref<1x400x144xf32, #tpu.memory_space<vmem>>, vector<1x400x144xf32>
    %get3A_3 = vector.shape_cast %get3A_2 : vector<1x400x144xf32> to vector<400x144xf32>
    %get3A_4 = arith.constant 0 : index
    %get3A_5 = arith.constant 0 : index
    %get3A_6 = arith.constant 0 : index
    %get3A_7 = vector.load %arg2[%get3A_4, %get3A_5, %get3A_6] : memref<1x400x144xf32, #tpu.memory_space<vmem>>, vector<1x400x144xf32>
    %get3A_8 = vector.shape_cast %get3A_7 : vector<1x400x144xf32> to vector<400x144xf32>
    %add3A = arith.addf %get3A_3, %get3A_8 : vector<400x144xf32>
    %slice3A = vector.extract_strided_slice %add3A {offsets = [0, 128], sizes = [400, 16], strides = [1, 1]} : vector<400x144xf32> to vector<400x16xf32>
    %add3A_9 = arith.constant 1.000000e-16 : f32
    %add3A_10 = vector.broadcast %add3A_9 : f32 to vector<400x16xf32>
    %add3A_11 = arith.addf %slice3A, %add3A_10 : vector<400x16xf32>
    %div3A = arith.constant 1.000000e+00 : f32
    %div3A_12 = vector.broadcast %div3A : f32 to vector<400x16xf32>
    %div3A_13 = arith.divf %div3A_12, %add3A_11 : vector<400x16xf32>
    %concatenate3A = tpu.concatenate %div3A_13, %div3A_13, %div3A_13, %div3A_13, %div3A_13, %div3A_13, %div3A_13, %div3A_13 in 1 : vector<400x16xf32>, vector<400x16xf32>, vector<400x16xf32>, vector<400x16xf32>, vector<400x16xf32>, vector<400x16xf32>, vector<400x16xf32>, vector<400x16xf32> -> vector<400x128xf32>
    %slice3A_14 = vector.extract_strided_slice %add3A {offsets = [0, 0], sizes = [400, 128], strides = [1, 1]} : vector<400x144xf32> to vector<400x128xf32>
    %mul3A = arith.mulf %slice3A_14, %concatenate3A : vector<400x128xf32>
    %get3A_15 = arith.constant 0 : index
    %get3A_16 = arith.constant 0 : index
    %get3A_17 = vector.load %arg3[%get3A_15, %get3A_16] : memref<128x128xf32, #tpu.memory_space<vmem>>, vector<128x128xf32>
    %dot_general3A = arith.constant dense<0.000000e+00> : vector<400x128xf32>
    %dot_general3A_18 = tpu.matmul %mul3A, %get3A_17, %dot_general3A {dimension_numbers = #tpu.dot_dimension_numbers<[1], [0], [0], [1], [0, 0, 1, 1], [], []>, transpose_lhs_hint = false} : vector<400x128xf32>, vector<128x128xf32>, vector<400x128xf32> -> vector<400x128xf32>
    %get3A_19 = arith.constant 0 : index
    %get3A_20 = arith.constant 0 : index
    %get3A_21 = vector.load %arg4[%get3A_19, %get3A_20] : memref<1x128xf32, #tpu.memory_space<vmem>>, vector<1x128xf32>
    %add3A_22 = vector.broadcast %get3A_21 : vector<1x128xf32> to vector<400x128xf32>
    %add3A_23 = arith.addf %dot_general3A_18, %add3A_22 : vector<400x128xf32>
    %swap3A = arith.constant 0 : index
    %swap3A_24 = arith.constant 0 : index
    %swap3A_25 = vector.load %arg5[%swap3A, %swap3A_24] : memref<400x128xf32, #tpu.memory_space<vmem>>, vector<400x128xf32>
    tpu.vector_store %arg5[%swap3A, %swap3A_24], %add3A_23 {strides = array<i32>} : memref<400x128xf32, #tpu.memory_space<vmem>>, vector<400x128xf32>,
    return
  }
  func.func @transform_0(%arg0: i32) -> (i32, i32, i32) {
    %c0_i32 = arith.constant 0 : i32
    %c0_i32_0 = arith.constant 0 : i32
    %c0_i32_1 = arith.constant 0 : i32
    return %c0_i32, %arg0, %c0_i32_0 : i32, i32, i32
  }
  func.func @transform_1(%arg0: i32) -> (i32, i32, i32) {
    %c1_i32 = arith.constant 1 : i32
    %c0_i32 = arith.constant 0 : i32
    %c0_i32_0 = arith.constant 0 : i32
    return %c1_i32, %arg0, %c0_i32 : i32, i32, i32
  }
  func.func @transform_2(%arg0: i32) -> (i32, i32) {
    %c0_i32 = arith.constant 0 : i32
    %c0_i32_0 = arith.constant 0 : i32
    %c0_i32_1 = arith.constant 0 : i32
    return %c0_i32, %c0_i32_0 : i32, i32
  }
  func.func @transform_3(%arg0: i32) -> (i32, i32) {
    %c0_i32 = arith.constant 0 : i32
    %c0_i32_0 = arith.constant 0 : i32
    %c0_i32_1 = arith.constant 0 : i32
    return %c0_i32, %c0_i32_0 : i32, i32
  }
  func.func @transform_4(%arg0: i32) -> (i32, i32) {
    %c0_i32 = arith.constant 0 : i32
    %c0_i32_0 = arith.constant 0 : i32
    return %arg0, %c0_i32 : i32, i32
  }
}

</mosaic_0001>

<sc_bundles>
// kernel: kernel.5.cloned.1.call-start
scs
__scs_entry_jumppad:
0x0: {  	(pc) =	sbr.rel $0x88, $3  }
0x1: {  	(tag) =	ssettag $0x0;
	lr =	simm.s32 $0x1  }
0x2: {  	[smem:$0x3F9B] =	sst lr;
	_ =	strace $0xD0000000  }
0x3: {  	_ = 	snop  }
0x4: {  	_ = 	snop  }
0x5: {  	_ = 	snop  }
0x6: {  	_ = 	snop  }
0x7: {  	_ = 	snop  }
__scs_overlays_trampoline_lowered:
0x8: {  	[smem:$0x3FAA] =	sst s0  }
0x9: {  	[smem:$0x3FAB] =	sst s1  }
0xa: {  	[smem:$0x3FAC] =	sst s2  }
0xb: {  	[smem:$0x3FAD] =	sst s3  }
0xc: {  	[smem:$0x3FAE] =	sst s4  }
0xd: {  	[smem:$0x3FAF] =	sst s5  }
0xe: {  	[smem:$0x3FB0] =	sst s6  }
0xf: {  	[smem:$0x3FB1] =	sst s7  }
0x10: {  	[smem:$0x3FB2] =	sst s8  }
0x11: {  	[smem:$0x3FB3] =	sst s9;
	s0 =	simm.s32 @!p0 $0x0  }
0x12: {  	s1 =	sld [smem:$0x3F99];
	s0 =	simm.s32 @p0 $0x1  }
0x13: {  	[smem:$0x3FB4] =	sst s0;
	s0 =	simm.s32 @!p1 $0x0  }
0x14: {  	s2 =	sld [smem:$0x3F98];
	s0 =	simm.s32 @p1 $0x1  }
0x15: {  	[smem:$0x3FB5] =	sst s0;
	s0 =	simm.s32 @!p2 $0x0  }
0x16: {  	s3 =	sld [smem:$0x3FDB];
	s0 =	simm.s32 @p2 $0x1  }
0x17: {  	s4 =	simm.s32 $0x1BF5;
	[smem:$0x3FB7] =	sst s0  }
0x18: {  	s0 =	sld [smem:$0x3F9A];
	_ =	swait.ge [sflag:s4], $0x0  }
0x19: {  	s7 =	sld [smem:$0x3F9B]  }
0x1a: {  	s8 =	sadd.s32 $0xFFFFE003, lr  }
0x1b: {  	s9 =	sadd.s32 $0xFFFFFEF7, lr;
	s5 =	simm.s32 $0xFFFFFFFF;
	p2 =	slt.u32 s8, $0xFFFFF086  }
0x1c: {  	p1 =	slt.u32 s9, $0xF7A;
	s5 =	simm.s32 @!p2 $0x0  }
0x1d: {  	s5 =	simm.s32 @p1 $0x1;
	p0 =	seq.s32 s7, s2  }
0x1e: {  	s7 =	smul.u32 @!p0 $0xF7A, s2;
	p2 =	seq.s32 @!p0 s5, $0x0  }
0x1f: {  	s9 =	smul.u32 $0xF7A, s1;
	s8 =	simm.s32 @!p0 $0x1BF5;
	p2 =	por !p2, p0  }
0x20: {  	[sflag:s8] =	ssyncset.s32 @!p0 $0xFFFFF086;
	s6 =	sadd.s32 @!p0 s3, s7;
	s7 =	simm.s32 @!p0 $0x108  }
0x21: {  	s3 =	sadd.s32 s3, s9;
	s6 =	sadd.s32 @!p0 $0x88, s6;
	s7 =	simm.s32 @p2 $0x1082  }
0x22: {  	[simem:s7], [sflag:s8] =	dma.local @!p0 [hbm:s6], $0xF7A  }
0x23: {  	s9 =	sor.u32 $0xD0000000, s2;
	s6 =	simm.s32 $0x108;
	_ =	swait.ge @!p0 [sflag:s8], $0x0  }
0x24: {  	s3 =	sadd.s32 $0x88, s3;
	s6 =	simm.s32 @!p1 $0x1082;
	[sflag:s4] =	ssyncset.s32 $0xFFFFF086  }
0x25: {  	[simem:s6], [sflag:s4] =	dma.local [hbm:s3], $0xF7A  }
0x26: {  	[smem:$0x3F9B] =	sst s1;
	(tag) =	ssettag s2;
	_ =	strace s9  }
0x27: {  	s1 =	sld [smem:$0x3FAB]  }
0x28: {  	s2 =	sld [smem:$0x3FAC]  }
0x29: {  	s4 =	sld [smem:$0x3FAE]  }
0x2a: {  	p0 =	seq.s32 s5, $0x0;
	s5 =	sld [smem:$0x3FAF]  }
0x2b: {  	s6 =	sld [smem:$0x3FB0]  }
0x2c: {  	s7 =	sld [smem:$0x3FB1]  }
0x2d: {  	s3 =	simm.s32 $0x108;
	s8 =	sld [smem:$0x3FB2]  }
0x2e: {  	s3 =	simm.s32 @!p0 $0x1082;
	s9 =	sld [smem:$0x3FB3]  }
0x2f: {  	lr =	sadd.s32 s0, s3;
	s0 =	sld [smem:$0x3FAA]  }
0x30: {  	s3 =	sld [smem:$0x3FAD]  }
0x31: {  	[smem:$0x3FB6] =	sst s10  }
0x32: {  	s10 =	sld [smem:$0x3FB4];
	_ =	sdelay $0x3  }
0x33: {  	p0 =	seq.s32 s10, $0x1;
	s10 =	sld [smem:$0x3FB6];
	_ =	sdelay $0x3  }
0x34: {  	[smem:$0x3FB6] =	sst s10  }
0x35: {  	s10 =	sld [smem:$0x3FB5];
	_ =	sdelay $0x3  }
0x36: {  	p1 =	seq.s32 s10, $0x1;
	s10 =	sld [smem:$0x3FB6];
	_ =	sdelay $0x3  }
0x37: {  	[smem:$0x3FB6] =	sst s10  }
0x38: {  	s10 =	sld [smem:$0x3FB7]  }
0x39: {  	_ = 	snop;
	(pc) =	sbr.ind lr, $3  }
0x3a: {  	_ = 	snop  }
0x3b: {  	_ = 	snop  }
0x3c: {  	p2 =	seq.s32 s10, $0x1;
	s10 =	sld [smem:$0x3FB6]  }
0x3d: {  	_ =	shalt  }
0x3e: {  	_ =	shalt  }
0x3f: {  	_ =	shalt  }
0x40: {  	_ =	shalt  }
0x41: {  	_ =	shalt  }
0x42: {  	_ =	shalt  }
0x43: {  	_ =	shalt  }
0x44: {  	_ =	shalt  }
0x45: {  	_ =	shalt  }
0x46: {  	_ =	shalt  }
0x47: {  	_ =	shalt  }
0x48: {  	_ =	shalt  }
0x49: {  	_ =	shalt  }
0x4a: {  	_ =	shalt  }
0x4b: {  	_ =	shalt  }
0x4c: {  	_ =	shalt  }
0x4d: {  	_ =	shalt  }
0x4e: {  	_ =	shalt  }
0x4f: {  	_ =	shalt  }
0x50: {  	_ =	shalt  }
0x51: {  	_ =	shalt  }
0x52: {  	_ =	shalt  }
0x53: {  	_ =	shalt  }
0x54: {  	_ =	shalt  }
0x55: {  	_ =	shalt  }
0x56: {  	_ =	shalt  }
0x57: {  	_ =	shalt  }
0x58: {  	_ =	shalt  }
0x59: {  	_ =	shalt  }
0x5a: {  	_ =	shalt  }
0x5b: {  	_ =	shalt  }
0x5c: {  	_ =	shalt  }
0x5d: {  	_ =	shalt  }
0x5e: {  	_ =	shalt  }
0x5f: {  	_ =	shalt  }
0x60: {  	_ =	shalt  }
0x61: {  	_ =	shalt  }
0x62: {  	_ =	shalt  }
0x63: {  	_ =	shalt  }
0x64: {  	_ =	shalt  }
0x65: {  	_ =	shalt  }
0x66: {  	_ =	shalt  }
0x67: {  	_ =	shalt  }
0x68: {  	_ =	shalt  }
0x69: {  	_ =	shalt  }
0x6a: {  	_ =	shalt  }
0x6b: {  	_ =	shalt  }
0x6c: {  	_ =	shalt  }
0x6d: {  	_ =	shalt  }
0x6e: {  	_ =	shalt  }
0x6f: {  	_ =	shalt  }
0x70: {  	_ =	shalt  }
0x71: {  	_ =	shalt  }
0x72: {  	_ =	shalt  }
0x73: {  	_ =	shalt  }
0x74: {  	_ =	shalt  }
0x75: {  	_ =	shalt  }
0x76: {  	_ =	shalt  }
0x77: {  	_ =	shalt  }
0x78: {  	_ =	shalt  }
0x79: {  	_ =	shalt  }
0x7a: {  	_ =	shalt  }
0x7b: {  	_ =	shalt  }
0x7c: {  	_ =	shalt  }
0x7d: {  	_ =	shalt  }
0x7e: {  	_ =	shalt  }
0x7f: {  	_ =	shalt  }
0x80: {  	_ =	shalt  }
0x81: {  	_ =	shalt  }
0x82: {  	_ =	shalt  }
0x83: {  	_ =	shalt  }
0x84: {  	_ =	shalt  }
0x85: {  	_ =	shalt  }
0x86: {  	_ =	shalt  }
0x87: {  	_ =	shalt  }
.Lfunc_end0:
.L_simem_size_0:
called_computation_lowered:
.L_overlay_start_0:
0x88: {  	s2 =	sld [smem:$0x3FD9]  }
0x89: {  	s3 =	sld [smem:$0x3FFE];
	_ =	sdelay $0x1  }
0x8a: {  	s1 =	srdreg.scid  }
0x8b: {  	s0 =	sand.u32 $0x1, s1  }
0x8c: {  	s17 =	sshll.u32 s0, $0xA;
	s2 =	sadd.s32 s3, s2  }
0x8d: {  	s2 =	sadd.s32 s2, s17  }
0x8e: {  	[smem:$0x3FC2] =	sst s2  }
0x8f: {  	_ = 	snop  }
0x90: {  	s2 =	sld [smem:$0x3FC8]  }
0x91: {  	s18 =	sld [smem:$0x3FC7]  }
0x92: {  	s4 =	sld [smem:$0x3FD0];
	(tm) =	ssettm $0x1  }
0x93: {  	s5 =	sld [smem:$0x3FFB];
	_ =	sdelay $0x3  }
0x94: {  	_ =	strace s5  }
0x95: {  	s5 =	sld [smem:$0x3FFC];
	_ =	sdelay $0x3  }
0x96: {  	_ =	strace s5  }
0x97: {  	s5 =	sld [smem:$0x3FFD];
	_ =	sdelay $0x3  }
0x98: {  	_ =	strace s5  }
0x99: {  	_ =	strace $0x8FFFFFFF  }
0x9a: {  	s19 =	sld [smem:$0x3FDB];
	_ =	sdelay $0x1  }
0x9b: {  	s6 =	simm.s32 $_scs_section_size  }
0x9c: {  	s7 =	simm.s32 $_size__tile_overlayer_lowered;
	s8 =	simm.s32 $_tile_overlayer_lowered  }
0x9d: {  	s22 =	simm.s32 $0x1BFF;
	s21 =	sshll.u32 s8, $0x1;
	s5 =	sadd.s32 s6, s19  }
0x9e: {  	s9 =	simm.s32 $0x0;
	s20 =	sshll.u32 s7, $0x1;
	s7 =	sadd.s32 s21, s5  }
0x9f: {  	[timem:s9], [sflag:s22] =	dma.local [hbm:s7], s20  }
0xa0: {  	_ =	swait.ge [sflag:s22], s20  }
0xa1: {  	s6 =	ssub.s32 $0x0, s20;
	[sflag:s22] =	ssyncset.done $0x0  }
0xa2: {  	[sflag:s22] =	ssyncadd.s32 s6;
	_ =	sdelay $0x1  }
0xa3: {  	s23 =	simm.s32 $0x1B8B  }
0xa4: {  	_ =	swait.ge [sflag:s23], $0x1  }
0xa5: {  	[sflag:s23] =	ssyncset.done $0x0  }
0xa6: {  	s25 =	simm.s32 $0x1B8E;
	s24 =	sld [smem:$0x3FFE];
	[sflag:s23] =	ssyncadd.s32 $0xFFFFFFFF  }
0xa7: {  	s26 =	simm.s32 $execute0_lowered;
	[smem:$0x3FD2] =	sst s25  }
0xa8: {  	s7 =	sshll.u32 s26, $0x1;
	_ =	strace $0x80000046;
	[dreg:$0x1] =	wrdreg $0xFFFFFFFF  }
0xa9: {  	s28 =	simm.s32 $_size_execute0_lowered;
	s5 =	sadd.s32 s5, s7;
	[dreg:$0x0] =	wrdreg $0x0  }
0xaa: {  	s7 =	sshll.u32 s28, $0x1;
	[dreg:$0x2] =	wrdreg s5  }
0xab: {  	[dreg:$0x3] =	wrdreg s7  }
0xac: {  	[dreg:$0x4] =	wrdreg $0xC0  }
0xad: {  	_ =	task [dreg:s9], $0x5FFFF  }
0xae: {  	[dreg:$0x1] =	wrdreg $0xFFFFFFFF  }
0xaf: {  	[dreg:$0x0] =	wrdreg $0x60  }
0xb0: {  	[dreg:$0x2] =	wrdreg s2  }
0xb1: {  	[dreg:$0x3] =	wrdreg s18  }
0xb2: {  	[dreg:$0x4] =	wrdreg s24  }
0xb3: {  	[dreg:$0x5] =	wrdreg s4  }
0xb4: {  	[dreg:$0x6] =	wrdreg $0x72100  }
0xb5: {  	[dreg:$0x7] =	wrdreg $0x9  }
0xb6: {  	_ =	task.clear_ibuf [dreg:s9], $0x8FFFF;
	_ =	strace $0x90000046  }
0xb7: {  	s29 =	simm.s32 $0x9;
	_ =	strace $0x80000048  }
0xb8: {  	_ =	swait.ge [sflag:s29], $0x1  }
0xb9: {  	[sflag:s29] =	ssyncadd.s32 $0xFFFFFFFF  }
0xba: {  	_ =	strace $0x90000048  }
0xbb: {  	_ =	sfence  }
0xbc: {  	s30 =	sld [smem:$0x0];
	_ =	sdelay $0x2  }
0xbd: {  	s31 =	sshll.u32 s1, $0xD;
	s1 =	sshrl.u32 s1, $0x2  }
0xbe: {  	s3 =	sand.u32 $0x4000, s31;
	s1 =	sadd.s32 s1, s30  }
0xbf: {  	s0 =	sor.u32 s3, s0;
	s1 =	sshll.u32 s1, $0x11  }
0xc0: {  	s0 =	sor.u32 s1, s0  }
0xc1: {  	s0 =	sadd.s32 $0x8F2B, s0  }
0xc2: {  	[sflag:s0] =	ssyncadd.remote.s32 $0x1  }
0xc3: {  	_ =	sfence.sel $0xFFFF  }
0xc4: {  	[dreg:$0x0] =	wrdreg $0xFFFFFFFF;
	(pc) =	sbr.abs _section_cstart, $3  }
0xc5: {  	[dreg:$0x1] =	wrdreg $0xFFFFFFFF  }
0xc6: {  	_ =	task.clear_ibuf [dreg:s9], $0x2FFFF;
	_ =	strace $0x9FFFFFFF  }
0xc7: {  	(tm) =	ssettm $0x7FFFFFFF  }
tec
execute0_lowered:
.L_overlay_start_1:
0x0: {  	(tag) =	ssettag $0x1  }
0x1: {  	s0 =	rddreg [dreg:$0x0]  }
0x2: {  	s1 =	rddreg [dreg:$0x1]  }
0x3: {  	s7 =	rddreg [dreg:$0x2]  }
0x4: {  	s2 =	rddreg [dreg:$0x3]  }
0x5: {  	s4 =	srdreg.scid;
	s13 =	stileid.u32  }
0x6: {  	s3 =	rddreg [dreg:$0x4];
	s30 =	simm.s32 $0x4510;
	s9 =	smul.u32 $0x16800, s13  }
0x7: {  	s31 =	simm.s32 $0x9;
	s8 =	sand.u32 $0x1, s4;
	s12 =	smul.u32 $0x5A000, s13  }
0x8: {  	s4 =	simm.s32 $0x0;
	s5 =	sadd.s32 $0x1200, s7;
	s6 =	smul.u32 $0x168000, s8  }
0x9: {  	[smem:$0x7FF] =	sst s4;
	s11 =	ssub.s32 $0x2, s8;
	s25 =	sshrl.u32 s12, $0x2  }
0xa: {  	s21 =	sadd.s32 s9, s3;
	s6 =	sadd.s32 s9, s6;
	s9 =	sadd.s32 s25, s3  }
0xb: {  	_ =	strace $0x80000047;
	[dreg:$0x6] =	wrdreg s21;
	s26 =	sadd.s32 $0x2D00, s9  }
0xc: {  	s8 =	sshll.u32 s8, $0x4;
	s28 =	sadd.s32 $0x4380, s9;
	[dreg:$0x8] =	wrdreg s26  }
0xd: {  	s24 =	sshrl.u32 s11, $0x1;
	s29 =	sadd.s32 $0x5A00, s9;
	[dreg:$0x9] =	wrdreg s28  }
0xe: {  	s8 =	sor.u32 s13, s8;
	s12 =	sadd.s32 $0x7080, s9;
	[dreg:$0xa] =	wrdreg s29  }
0xf: {  	s8 =	smul.u32 $0x2710, s8;
	s13 =	sadd.s32 $0x8700, s9;
	[dreg:$0xb] =	wrdreg s12  }
0x10: {  	s10 =	sshrl.u32 s6, $0x3;
	s14 =	sadd.s32 $0x9D80, s9;
	[dreg:$0xc] =	wrdreg s13  }
0x11: {  	s6 =	sadd.s32 $0x6200, s7;
	s15 =	sadd.s32 $0xB400, s9;
	[dreg:$0xd] =	wrdreg s14  }
0x12: {  	s16 =	sadd.s32 $0xCA80, s9;
	s18 =	sadd.s32 $0xE100, s9;
	[dreg:$0xe] =	wrdreg s15  }
0x13: {  	s22 =	sadd.s32 $0xF780, s9;
	s23 =	sadd.s32 $0x10E00, s9;
	[dreg:$0xf] =	wrdreg s16  }
0x14: {  	s25 =	sadd.s32 $0x13B00, s9;
	s7 =	sadd.s32 s10, s7;
	[dreg:$0x10] =	wrdreg s18  }
0x15: {  	s10 =	ssub.s32 s11, s24;
	s11 =	sadd.s32 $0x1680, s9;
	[dreg:$0x15] =	wrdreg s22  }
0x16: {  	s17 =	sshrl.u32 s8, $0x3;
	s8 =	sadd.s32 $0x1388, s8;
	[dreg:$0x16] =	wrdreg s23  }
0x17: {  	s24 =	sadd.s32 $0x12480, s9;
	[dreg:$0x18] =	wrdreg s25;
	s26 =	sadd.s32 $0x15180, s9  }
0x18: {  	s9 =	simm.s32 $0x2710;
	s12 =	simm.s32 $0x2990;
	s13 =	simm.s32 $0x2E90  }
0x19: {  	s14 =	simm.s32 $0x1;
	s15 =	simm.s32 $0x3;
	[dreg:$0x7] =	wrdreg s11  }
0x1a: {  	s16 =	simm.s32 $0x5;
	s18 =	simm.s32 $0x4;
	[dreg:$0x17] =	wrdreg s24  }
0x1b: {  	s19 =	sadd.s32 s0, s17;
	s8 =	sshrl.u32 s8, $0x3;
	[dreg:$0x19] =	wrdreg s26  }
0x1c: {  	s11 =	sadd.s32 s1, s17;
	s28 =	sadd.s32 $0xB200, s7;
	[dreg:$0x11] =	wrdreg s19  }
0x1d: {  	s29 =	smax.u32 s10, $0x1;
	s10 =	simm.s32 $0x2C10;
	[dreg:$0x12] =	wrdreg s11  }
0x1e: {  	s17 =	simm.s32 $0x2;
	s0 =	sadd.s32 s0, s8;
	[dreg:$0x1a] =	wrdreg s28  }
0x1f: {  	s20 =	sadd.s32 s1, s8;
	[dreg:$0x1b] =	wrdreg s29;
	s8 =	simm.s32 $0x3110  }
0x20: {  	s11 =	simm.s32 $0x3B10;
	s19 =	simm.s32 $0x6;
	[dreg:$0x13] =	wrdreg s0  }
0x21: {  	v0 =	vimm.f32 $0.0e+00;
	[dreg:$0x14] =	wrdreg s20;
	s0 =	simm.s32 $0x28;
	s20 =	simm.s32 $0x5B90  }
.LBB2_1:
0x22: {  	s1 =	simm.s32 $0x0;
	s7 =	simm.s32 $0x240  }
.LBB2_2:
0x23: {  	p0 =	sne.s32 s7, $0x57C0;
	[tilespmem:s1+$0x4590] =	vst v0  }
0x24: {  	[tilespmem:s1+$0x4510] =	vst v0  }
0x25: {  	[tilespmem:s1+$0x4520] =	vst v0  }
0x26: {  	[tilespmem:s1+$0x4530] =	vst v0  }
.Ltmp0:
0x27: {  	[tilespmem:s1+$0x4540] =	vst v0;
	(pc) =	sbr.rel @p0 .LBB2_2-.Ltmp0, $4  }
0x28: {  	[tilespmem:s1+$0x4550] =	vst v0  }
0x29: {  	[tilespmem:s1+$0x4560] =	vst v0  }
0x2a: {  	[tilespmem:s1+$0x4570] =	vst v0  }
0x2b: {  	[tilespmem:s1+$0x4580] =	vst v0;
	s1 =	sshra.s32 s7, $0x2;
	s7 =	sadd.s32 $0x240, s7  }
0x2c: {  	[tilespmem:s1+$0x4590] =	vst v0  }
0x2d: {  	[tilespmem:s1+$0x4510] =	vst v0  }
0x2e: {  	[tilespmem:s1+$0x4520] =	vst v0  }
0x2f: {  	[tilespmem:s1+$0x4530] =	vst v0  }
0x30: {  	[tilespmem:s1+$0x4540] =	vst v0  }
0x31: {  	[tilespmem:s1+$0x4550] =	vst v0  }
0x32: {  	[tilespmem:s1+$0x4560] =	vst v0  }
0x33: {  	[tilespmem:s1+$0x4570] =	vst v0  }
0x34: {  	[tilespmem:s1+$0x4580] =	vst v0  }
0x35: {  	[spmem:s21] =	stream.linear.scatter [tilespmem:s30], [sflag:$0x9], $0x1680, $0x38;
	[tilespmem:$0x1DA10] =	vst v63  }
0x36: {  	_ =	swait.ge [sflag:s31], $0x1680  }
0x37: {  	[sflag:s31] =	ssyncset.done $0x0  }
0x38: {  	s21 =	rddreg [dreg:$0x7];
	[sflag:s31] =	ssyncadd.s32 $0xFFFFE980  }
0x39: {  	[spmem:s21] =	stream.linear.scatter [tilespmem:s30], [sflag:$0x9], $0x1680, $0x38;
	[tilespmem:$0x1DA10] =	vst v63  }
0x3a: {  	_ =	swait.ge [sflag:s31], $0x1680  }
0x3b: {  	[sflag:s31] =	ssyncset.done $0x0  }
0x3c: {  	s22 =	rddreg [dreg:$0x8];
	[sflag:s31] =	ssyncadd.s32 $0xFFFFE980  }
0x3d: {  	[spmem:s22] =	stream.linear.scatter [tilespmem:s30], [sflag:$0x9], $0x1680, $0x38;
	[tilespmem:$0x1DA10] =	vst v63  }
0x3e: {  	_ =	swait.ge [sflag:s31], $0x1680  }
0x3f: {  	[sflag:s31] =	ssyncset.done $0x0  }
0x40: {  	s23 =	rddreg [dreg:$0x9];
	[sflag:s31] =	ssyncadd.s32 $0xFFFFE980  }
0x41: {  	[spmem:s23] =	stream.linear.scatter [tilespmem:s30], [sflag:$0x9], $0x1680, $0x38;
	[tilespmem:$0x1DA10] =	vst v63  }
0x42: {  	_ =	swait.ge [sflag:s31], $0x1680  }
0x43: {  	[sflag:s31] =	ssyncset.done $0x0  }
0x44: {  	s24 =	rddreg [dreg:$0xa];
	[sflag:s31] =	ssyncadd.s32 $0xFFFFE980  }
0x45: {  	[spmem:s24] =	stream.linear.scatter [tilespmem:s30], [sflag:$0x9], $0x1680, $0x38;
	[tilespmem:$0x1DA10] =	vst v63  }
0x46: {  	_ =	swait.ge [sflag:s31], $0x1680  }
0x47: {  	[sflag:s31] =	ssyncset.done $0x0  }
0x48: {  	s25 =	rddreg [dreg:$0xb];
	[sflag:s31] =	ssyncadd.s32 $0xFFFFE980  }
0x49: {  	[spmem:s25] =	stream.linear.scatter [tilespmem:s30], [sflag:$0x9], $0x1680, $0x38;
	[tilespmem:$0x1DA10] =	vst v63  }
0x4a: {  	_ =	swait.ge [sflag:s31], $0x1680  }
0x4b: {  	[sflag:s31] =	ssyncset.done $0x0  }
0x4c: {  	s26 =	rddreg [dreg:$0xc];
	[sflag:s31] =	ssyncadd.s32 $0xFFFFE980  }
0x4d: {  	[spmem:s26] =	stream.linear.scatter [tilespmem:s30], [sflag:$0x9], $0x1680, $0x38;
	[tilespmem:$0x1DA10] =	vst v63  }
0x4e: {  	_ =	swait.ge [sflag:s31], $0x1680  }
0x4f: {  	[sflag:s31] =	ssyncset.done $0x0  }
0x50: {  	s28 =	rddreg [dreg:$0xd];
	[sflag:s31] =	ssyncadd.s32 $0xFFFFE980  }
0x51: {  	[spmem:s28] =	stream.linear.scatter [tilespmem:s30], [sflag:$0x9], $0x1680, $0x38;
	[tilespmem:$0x1DA10] =	vst v63  }
0x52: {  	_ =	swait.ge [sflag:s31], $0x1680  }
0x53: {  	[sflag:s31] =	ssyncset.done $0x0  }
0x54: {  	s29 =	rddreg [dreg:$0xe];
	[sflag:s31] =	ssyncadd.s32 $0xFFFFE980  }
0x55: {  	[spmem:s29] =	stream.linear.scatter [tilespmem:s30], [sflag:$0x9], $0x1680, $0x38;
	[tilespmem:$0x1DA10] =	vst v63  }
0x56: {  	_ =	swait.ge [sflag:s31], $0x1680  }
0x57: {  	[sflag:s31] =	ssyncset.done $0x0  }
0x58: {  	s7 =	rddreg [dreg:$0xf];
	[sflag:s31] =	ssyncadd.s32 $0xFFFFE980  }
0x59: {  	[spmem:s7] =	stream.linear.scatter [tilespmem:s30], [sflag:$0x9], $0x1680, $0x38;
	[tilespmem:$0x1DA10] =	vst v63  }
0x5a: {  	_ =	swait.ge [sflag:s31], $0x1680  }
0x5b: {  	[sflag:s31] =	ssyncset.done $0x0  }
0x5c: {  	s21 =	rddreg [dreg:$0x10];
	[sflag:s31] =	ssyncadd.s32 $0xFFFFE980  }
0x5d: {  	[spmem:s21] =	stream.linear.scatter [tilespmem:s30], [sflag:$0x9], $0x1680, $0x38;
	[tilespmem:$0x1DA10] =	vst v63  }
0x5e: {  	_ =	swait.ge [sflag:s31], $0x1680  }
0x5f: {  	[sflag:s31] =	ssyncset.done $0x0  }
0x60: {  	s22 =	rddreg [dreg:$0x15];
	[sflag:s31] =	ssyncadd.s32 $0xFFFFE980  }
0x61: {  	[spmem:s22] =	stream.linear.scatter [tilespmem:s30], [sflag:$0x9], $0x1680, $0x38;
	[tilespmem:$0x1DA10] =	vst v63  }
0x62: {  	_ =	swait.ge [sflag:s31], $0x1680  }
0x63: {  	[sflag:s31] =	ssyncset.done $0x0  }
0x64: {  	s23 =	rddreg [dreg:$0x16];
	[sflag:s31] =	ssyncadd.s32 $0xFFFFE980  }
0x65: {  	[spmem:s23] =	stream.linear.scatter [tilespmem:s30], [sflag:$0x9], $0x1680, $0x38;
	[tilespmem:$0x1DA10] =	vst v63  }
0x66: {  	_ =	swait.ge [sflag:s31], $0x1680  }
0x67: {  	[sflag:s31] =	ssyncset.done $0x0  }
0x68: {  	s24 =	rddreg [dreg:$0x17];
	[sflag:s31] =	ssyncadd.s32 $0xFFFFE980  }
0x69: {  	[spmem:s24] =	stream.linear.scatter [tilespmem:s30], [sflag:$0x9], $0x1680, $0x38;
	[tilespmem:$0x1DA10] =	vst v63  }
0x6a: {  	_ =	swait.ge [sflag:s31], $0x1680  }
0x6b: {  	[sflag:s31] =	ssyncset.done $0x0  }
0x6c: {  	s25 =	rddreg [dreg:$0x18];
	[sflag:s31] =	ssyncadd.s32 $0xFFFFE980  }
0x6d: {  	[spmem:s25] =	stream.linear.scatter [tilespmem:s30], [sflag:$0x9], $0x1680, $0x38;
	[tilespmem:$0x1DA10] =	vst v63  }
0x6e: {  	_ =	swait.ge [sflag:s31], $0x1680  }
0x6f: {  	[sflag:s31] =	ssyncset.done $0x0  }
0x70: {  	s26 =	rddreg [dreg:$0x19];
	[sflag:s31] =	ssyncadd.s32 $0xFFFFE980  }
0x71: {  	[spmem:s26] =	stream.linear.scatter [tilespmem:s30], [sflag:$0x9], $0x1680, $0x38;
	[tilespmem:$0x1DA10] =	vst v63  }
0x72: {  	_ =	swait.ge [sflag:s31], $0x1680  }
0x73: {  	[sflag:s31] =	ssyncset.done $0x0  }
0x74: {  	[sflag:s31] =	ssyncadd.s32 $0xFFFFE980  }
0x75: {  	[bflag:$0x0] =	sbarrier.arrive $0xFFFF  }
0x76: {  	s23 =	simm.s32 $0x0;
	s28 =	rddreg [dreg:$0x11]  }
0x77: {  	[tilespmem:s23], [sflag:$0x9] =	stream.linear.gather [hbm4b:s28+s23], $0x1388, $0x38;
	[tilespmem:$0x1DA10] =	vst v63  }
0x78: {  	_ =	swait.ge [sflag:s31], $0x1388  }
0x79: {  	[sflag:s31] =	ssyncset.done $0x0  }
0x7a: {  	s7 =	simm.s32 $0x1388;
	s29 =	rddreg [dreg:$0x12];
	[sflag:s31] =	ssyncadd.s32 $0xFFFFEC78  }
0x7b: {  	[tilespmem:s7], [sflag:$0x9] =	stream.linear.gather [hbm4b:s29+s23], $0x1388, $0x38;
	[tilespmem:$0x1DA10] =	vst v63  }
0x7c: {  	_ =	swait.ge [sflag:s31], $0x1388  }
0x7d: {  	[sflag:s31] =	ssyncset.done $0x0  }
0x7e: {  	[sflag:s31] =	ssyncadd.s32 $0xFFFFEC78  }
0x7f: {  	[tilespmem:s8], [sflag:$0x1] =	stream.indirect.gather [hbm4b:s2+s0], $0x40, s23, s0, $0xb8;
	[tilespmem:$0x1DA10] =	vst v63  }
0x80: {  	_ = 	snop  }
0x81: {  	[tilespmem:s9], [sflag:$0x3] =	stream.indirect.gather [hbm4b:s5+s0], $0x10, s23, s0, $0xb8;
	[tilespmem:$0x1DA10] =	vst v63  }
0x82: {  	_ = 	snop  }
0x83: {  	[tilespmem:s10], [sflag:$0x5] =	stream.indirect.gather [hbm4b:s6+s0], $0x10, s7, s0, $0xb8;
	[tilespmem:$0x1DA10] =	vst v63  }
.LBB2_4:
0x84: {  	s24 =	sshllo.u32 s23, $0x1  }
0x85: {  	s1 =	smul.u32 $0x28, s24;
	_ =	sdelay $0x1  }
0x86: {  	[tilespmem:s11], [sflag:$0x2] =	stream.indirect.gather [hbm4b:s2+s0], $0x40, s1, s0, $0xb8;
	[tilespmem:$0x1DA10] =	vst v63  }
0x87: {  	_ = 	snop  }
0x88: {  	[tilespmem:s12], [sflag:$0x4] =	stream.indirect.gather [hbm4b:s5+s0], $0x10, s1, s0, $0xb8;
	[tilespmem:$0x1DA10] =	vst v63  }
0x89: {  	s1 =	sadd.s32 $0x1388, s1  }
0x8a: {  	[tilespmem:s13], [sflag:$0x6] =	stream.indirect.gather [hbm4b:s6+s0], $0x10, s1, s0, $0xb8;
	[tilespmem:$0x1DA10] =	vst v63  }
0x8b: {  	_ =	swait.ge [sflag:s14], $0xA00  }
0x8c: {  	[sflag:s14] =	ssyncset.done $0x0  }
0x8d: {  	[sflag:s14] =	ssyncadd.s32 $0xFFFFF600  }
0x8e: {  	_ =	swait.ge [sflag:s15], $0x280  }
0x8f: {  	[sflag:s15] =	ssyncset.done $0x0  }
0x90: {  	[sflag:s15] =	ssyncadd.s32 $0xFFFFFD80  }
0x91: {  	_ =	swait.ge [sflag:s16], $0x280  }
0x92: {  	p0 =	seq.s32 s23, $0x0;
	[sflag:s16] =	ssyncset.done $0x0  }
0x93: {  	s1 =	simm.s32 @!p0 $0x7;
	[sflag:s16] =	ssyncadd.s32 $0xFFFFFD80  }
0x94: {  	_ =	swait.ge @!p0 [sflag:s1], $0x1680  }
0x95: {  	[sflag:s1] =	ssyncset.done @!p0 $0x0  }
0x96: {  	s26 =	simm.s32 $0x2750;
	[sflag:s1] =	ssyncadd.s32 @!p0 $0xFFFFE980  }
0x97: {  	s7 =	simm.s32 $0x2C50;
	v1 =	vld [tilespmem:s26+$0x30]  }
0x98: {  	v2 =	vld [tilespmem:s7+$0x30]  }
0x99: {  	v4 =	vld [tilespmem:s26+$0xFFFFFFD0]  }
0x9a: {  	v5 =	vld [tilespmem:s7+$0xFFFFFFD0]  }
0x9b: {  	v6 =	vld [tilespmem:s26+$0xFFFFFFE0]  }
0x9c: {  	v7 =	vld [tilespmem:s7+$0xFFFFFFE0]  }
0x9d: {  	v8 =	vld [tilespmem:s7+$0xFFFFFFF0];
	v1 =	vadd.f32 v2, v1  }
0x9e: {  	v10 =	vld [tilespmem:s26+$0x0]  }
0x9f: {  	v11 =	vld [tilespmem:s7+$0x0];
	v9 =	vmul.f32 $2.000000030e-01, v1  }
0xa0: {  	v2 =	vld [tilespmem:s26+$0xFFFFFFF0];
	v4 =	vadd.f32 v5, v4;
	vm0 =	vge.f32 v1, $0.0e+00  }
0xa1: {  	v3 =	vld [tilespmem:s7+$0xFFFFFFC0];
	v1 =	vsel vm0, v1, v9  }
0xa2: {  	v5 =	vld [tilespmem:s26+$0x10];
	v12 =	vmul.f32 $2.000000030e-01, v4;
	v1 =	vmul.f32 $1.442695020e+00, v1  }
0xa3: {  	vm14 =	vge.f32 v4, $0.0e+00;
	v9 =	vld [tilespmem:s7+$0x10]  }
0xa4: {  	v6 =	vadd.f32 v7, v6;
	v4 =	vsel vm14, v4, v12;
	v12 =	vld [tilespmem:s26+$0xFFFFFFC0];
	(erf) = vpow2.f32 v1  }
0xa5: {  	v7 =	vld [tilespmem:s26+$0x20];
	v10 =	vadd.f32 v11, v10;
	v4 =	vmul.f32 $1.442695020e+00, v4;
	v1 =	vadd.f32 v8, v2  }
0xa6: {  	vm15 =	vge.f32 v6, $0.0e+00;
	v2 =	vld [tilespmem:s7+$0x20];
	v8 =	vmul.f32 $2.000000030e-01, v6  }
0xa7: {  	vm4 =	vge.f32 v10, $0.0e+00;
	(erf) = vpow2.f32 v4;
	vm1 =	vge.f32 v1, $0.0e+00  }
0xa8: {  	v11 =	vmul.f32 $2.000000030e-01, v1;
	v6 =	vsel vm15, v6, v8;
	v5 =	vadd.f32 v9, v5  }
0xa9: {  	v8 =	vmul.f32 $2.000000030e-01, v10;
	v3 =	vadd.f32 v3, v12;
	v6 =	vmul.f32 $1.442695020e+00, v6  }
0xaa: {  	v1 =	vsel vm1, v1, v11;
	v4 =	vmul.f32 $2.000000030e-01, v5;
	vm5 =	vge.f32 v5, $0.0e+00  }
0xab: {  	v8 =	vsel vm4, v10, v8;
	v9 =	vmul.f32 $2.000000030e-01, v3;
	v2 =	vadd.f32 v2, v7  }
0xac: {  	vm6 =	vge.f32 v3, $0.0e+00;
	v7 =	vmul.f32 $1.442695020e+00, v1;
	v8 =	vmul.f32 $1.442695020e+00, v8  }
0xad: {  	s25 =	simm.s32 $0x4750;
	v4 =	vsel vm5, v5, v4;
	v5 =	vmul.f32 $2.000000030e-01, v2;
	v1 =	vpop (erf);
	(erf) = vpow2.f32 v6  }
0xae: {  	s21 =	simm.s32 $0x3210;
	v3 =	vsel vm6, v3, v9;
	v4 =	vmul.f32 $1.442695020e+00, v4;
	[tilespmem:s25+$0x230] =	vst v1;
	(erf) = vpow2.f32 v7  }
0xaf: {  	v3 =	vmul.f32 $1.442695020e+00, v3;
	v6 =	vld [tilespmem:s21+$0xC0];
	(erf) = vpow2.f32 v8  }
0xb0: {  	vm7 =	vge.f32 v2, $0.0e+00;
	(erf) = vpow2.f32 v4  }
0xb1: {  	v2 =	vsel vm7, v2, v5;
	(erf) = vpow2.f32 v3  }
0xb2: {  	v2 =	vmul.f32 $1.442695020e+00, v2;
	_ =	sdelay $0x1  }
0xb3: {  	v10 =	vpop (erf);
	(erf) = vpow2.f32 v2;
	v3 =	vunpack.i.l.bf16.f32 v6  }
0xb4: {  	v2 =	vunpack.i.u.bf16.f32 v6;
	v3 =	vmul.f32 v1, v3  }
0xb5: {  	[tilespmem:s25+$0xFFFFFED0] =	vst v10;
	v2 =	vmul.f32 v1, v2;
	v11 =	vpop (erf)  }
0xb6: {  	[tilespmem:s25+$0x1B0] =	vst v3;
	v3 =	vld [tilespmem:s21+$0xFFFFFF40];
	v12 =	vpop (erf)  }
0xb7: {  	[tilespmem:s25+$0x1C0] =	vst v2;
	v15 =	vpop (erf)  }
0xb8: {  	[tilespmem:s25+$0xFFFFFF60] =	vst v11;
	v2 =	vld [tilespmem:s21+$0xD0];
	v18 =	vpop (erf)  }
0xb9: {  	[tilespmem:s25+$0xFFFFFFF0] =	vst v12;
	v8 =	vpop (erf)  }
0xba: {  	v4 =	vld [tilespmem:s21+$0xFFFFFF80];
	[tilespmem:s25+$0xFFFFFE40] =	vst v8  }
0xbb: {  	[tilespmem:s25+$0x80] =	vst v15;
	v5 =	vunpack.i.l.bf16.f32 v3;
	v6 =	vld [tilespmem:s21+$0xFFFFFF00]  }
0xbc: {  	[tilespmem:s25+$0x110] =	vst v18;
	v17 =	vpop (erf);
	v3 =	vunpack.i.u.bf16.f32 v3;
	v5 =	vmul.f32 v10, v5  }
0xbd: {  	v9 =	vld [tilespmem:s21+$0xFFFFFFC0];
	[tilespmem:s25+$0x1A0] =	vst v17;
	v7 =	vunpack.i.l.bf16.f32 v2;
	v3 =	vmul.f32 v10, v3  }
0xbe: {  	v2 =	vunpack.i.u.bf16.f32 v2;
	v7 =	vmul.f32 v7, v1;
	[tilespmem:s25+$0xFFFFFE50] =	vst v5  }
0xbf: {  	v2 =	vmul.f32 v2, v1;
	v5 =	vunpack.i.l.bf16.f32 v4;
	[tilespmem:s25+$0xFFFFFE60] =	vst v3  }
0xc0: {  	s22 =	simm.s32 $0x27D0;
	[tilespmem:s25+$0x1D0] =	vst v7;
	v7 =	vld [tilespmem:s21+$0x0];
	v5 =	vmul.f32 v11, v5;
	v13 =	vunpack.i.l.bf16.f32 v6  }
0xc1: {  	v16 =	vld [tilespmem:s22+$0x30];
	[tilespmem:s25+$0x1E0] =	vst v2;
	v2 =	vunpack.i.u.bf16.f32 v6;
	v3 =	vmul.f32 v8, v13  }
0xc2: {  	s26 =	simm.s32 $0x2CD0;
	v6 =	vld [tilespmem:s21+$0xE0];
	v2 =	vmul.f32 v8, v2;
	[tilespmem:s25+$0xFFFFFEE0] =	vst v5;
	v5 =	vunpack.i.l.bf16.f32 v9  }
0xc3: {  	v20 =	vld [tilespmem:s26+$0x30];
	v4 =	vunpack.i.u.bf16.f32 v4;
	v5 =	vmul.f32 v12, v5;
	[tilespmem:s25+$0xFFFFFDC0] =	vst v3  }
0xc4: {  	v9 =	vunpack.i.u.bf16.f32 v9;
	v3 =	vmul.f32 v11, v4;
	v4 =	vld [tilespmem:s21+$0x40];
	[tilespmem:s25+$0xFFFFFDD0] =	vst v2  }
0xc5: {  	v23 =	vld [tilespmem:s22+$0xFFFFFFD0];
	v9 =	vmul.f32 v12, v9;
	v2 =	vunpack.i.l.bf16.f32 v7;
	[tilespmem:s25+$0xFFFFFF70] =	vst v5  }
0xc6: {  	v7 =	vunpack.i.u.bf16.f32 v7;
	[tilespmem:s25+$0xFFFFFEF0] =	vst v3;
	v3 =	vld [tilespmem:s21+$0x80];
	v2 =	vmul.f32 v15, v2  }
0xc7: {  	v26 =	vld [tilespmem:s22+$0xFFFFFFE0];
	[tilespmem:s25+$0xFFFFFF80] =	vst v9;
	v5 =	vunpack.i.l.bf16.f32 v6;
	v7 =	vmul.f32 v15, v7  }
0xc8: {  	v9 =	vld [tilespmem:s21+$0xFFFFFF10];
	v6 =	vunpack.i.u.bf16.f32 v6;
	v5 =	vmul.f32 v5, v1;
	[tilespmem:s25+$0x0] =	vst v2  }
0xc9: {  	v28 =	vld [tilespmem:s26+$0xFFFFFFE0];
	v16 =	vadd.f32 v20, v16;
	v2 =	vmul.f32 v6, v1;
	[tilespmem:s25+$0x10] =	vst v7;
	v6 =	vunpack.i.l.bf16.f32 v4  }
0xca: {  	[tilespmem:s25+$0x1F0] =	vst v5;
	v5 =	vld [tilespmem:s21+$0xFFFFFF50];
	v4 =	vunpack.i.u.bf16.f32 v4;
	v6 =	vmul.f32 v18, v6  }
0xcb: {  	v25 =	vld [tilespmem:s26+$0xFFFFFFD0];
	v31 =	vmul.f32 $2.000000030e-01, v16;
	[tilespmem:s25+$0x200] =	vst v2;
	v4 =	vmul.f32 v18, v4;
	v2 =	vunpack.i.l.bf16.f32 v3  }
0xcc: {  	vm8 =	vge.f32 v16, $0.0e+00;
	v7 =	vld [tilespmem:s21+$0xFFFFFF90];
	v3 =	vunpack.i.u.bf16.f32 v3;
	v2 =	vmul.f32 v17, v2;
	[tilespmem:s25+$0x90] =	vst v6  }
0xcd: {  	v16 =	vsel vm8, v16, v31;
	v3 =	vmul.f32 v17, v3;
	v6 =	vunpack.i.l.bf16.f32 v9;
	[tilespmem:s25+$0xA0] =	vst v4;
	v4 =	vld [tilespmem:s21+$0xFFFFFFD0]  }
0xce: {  	v16 =	vmul.f32 $1.442695020e+00, v16;
	v9 =	vunpack.i.u.bf16.f32 v9;
	v6 =	vmul.f32 v6, v8;
	[tilespmem:s25+$0x120] =	vst v2  }
0xcf: {  	v26 =	vadd.f32 v28, v26;
	v28 =	vld [tilespmem:s22+$0x20];
	v9 =	vmul.f32 v9, v8;
	v2 =	vunpack.i.l.bf16.f32 v5;
	[tilespmem:s25+$0x130] =	vst v3  }
0xd0: {  	(erf) = vpow2.f32 v16;
	v16 =	vld [tilespmem:s26+$0x20];
	v3 =	vunpack.i.u.bf16.f32 v5;
	v2 =	vmul.f32 v2, v10;
	[tilespmem:s25+$0xFFFFFDE0] =	vst v6  }
0xd1: {  	v5 =	vld [tilespmem:s21+$0x10];
	v3 =	vmul.f32 v3, v10;
	v6 =	vunpack.i.l.bf16.f32 v7;
	[tilespmem:s25+$0xFFFFFDF0] =	vst v9;
	v7 =	vunpack.i.u.bf16.f32 v7  }
0xd2: {  	v23 =	vadd.f32 v25, v23;
	v9 =	vld [tilespmem:s21+$0x50];
	v7 =	vmul.f32 v7, v11;
	[tilespmem:s25+$0xFFFFFE70] =	vst v2;
	v2 =	vunpack.i.l.bf16.f32 v4  }
0xd3: {  	v6 =	vmul.f32 v6, v11;
	[tilespmem:s25+$0xFFFFFE80] =	vst v3;
	v3 =	vunpack.i.u.bf16.f32 v4;
	v4 =	vmul.f32 v2, v12;
	v2 =	vld [tilespmem:s21+$0xF0]  }
0xd4: {  	[tilespmem:s25+$0xFFFFFF10] =	vst v7;
	v7 =	vld [tilespmem:s21+$0x90]  }
0xd5: {  	v29 =	vld [tilespmem:s22+$0xFFFFFFF0];
	vm9 =	vge.f32 v23, $0.0e+00;
	vm10 =	vge.f32 v26, $0.0e+00;
	[tilespmem:s25+$0xFFFFFF00] =	vst v6  }
0xd6: {  	v16 =	vadd.f32 v16, v28;
	v3 =	vmul.f32 v3, v12;
	v6 =	vunpack.i.l.bf16.f32 v5;
	[tilespmem:s25+$0xFFFFFF90] =	vst v4;
	v4 =	vld [tilespmem:s21+$0xFFFFFF20]  }
0xd7: {  	v33 =	vld [tilespmem:s22+$0x0];
	v5 =	vunpack.i.u.bf16.f32 v5;
	v6 =	vmul.f32 v6, v15;
	v13 =	vunpack.i.l.bf16.f32 v9  }
0xd8: {  	v5 =	vmul.f32 v5, v15;
	[tilespmem:s25+$0xFFFFFFA0] =	vst v3;
	v3 =	vunpack.i.u.bf16.f32 v9;
	v9 =	vmul.f32 v13, v18;
	v13 =	vld [tilespmem:s21+$0xFFFFFF60]  }
0xd9: {  	v30 =	vld [tilespmem:s26+$0xFFFFFFF0];
	v3 =	vmul.f32 v3, v18;
	[tilespmem:s25+$0x20] =	vst v6;
	v14 =	vunpack.i.u.bf16.f32 v2;
	v19 =	vunpack.i.l.bf16.f32 v7  }
0xda: {  	v6 =	vld [tilespmem:s21+$0xFFFFFFA0];
	[tilespmem:s25+$0x30] =	vst v5;
	v7 =	vunpack.i.u.bf16.f32 v7;
	v2 =	vunpack.i.l.bf16.f32 v2;
	v14 =	vmul.f32 v14, v1  }
0xdb: {  	v5 =	vld [tilespmem:s21+$0xFFFFFFE0];
	[tilespmem:s25+$0xB0] =	vst v9;
	v19 =	vmul.f32 v19, v17;
	v7 =	vmul.f32 v7, v17;
	v21 =	vunpack.i.l.bf16.f32 v4  }
0xdc: {  	v34 =	vld [tilespmem:s26+$0x0];
	[tilespmem:s25+$0xC0] =	vst v3;
	v1 =	vmul.f32 v2, v1;
	v4 =	vunpack.i.u.bf16.f32 v4;
	v21 =	vmul.f32 v21, v8  }
0xdd: {  	v3 =	vld [tilespmem:s21+$0x60];
	v4 =	vmul.f32 v4, v8;
	v24 =	vunpack.i.u.bf16.f32 v13;
	v13 =	vunpack.i.l.bf16.f32 v13;
	[tilespmem:s25+$0x140] =	vst v19  }
0xde: {  	v19 =	vmul.f32 $2.000000030e-01, v23;
	[tilespmem:s25+$0x150] =	vst v7;
	v7 =	vadd.f32 v30, v29;
	v13 =	vmul.f32 v13, v10  }
0xdf: {  	v24 =	vmul.f32 v24, v10;
	v27 =	vunpack.i.u.bf16.f32 v6;
	v6 =	vunpack.i.l.bf16.f32 v6  }
0xe0: {  	v22 =	vld [tilespmem:s26+$0xFFFFFFC0];
	v6 =	vmul.f32 v6, v11;
	v20 =	vmul.f32 v27, v11;
	v27 =	vunpack.i.l.bf16.f32 v5  }
0xe1: {  	v25 =	vld [tilespmem:s22+$0x10];
	v5 =	vunpack.i.u.bf16.f32 v5;
	[tilespmem:s25+$0xFFFFFE00] =	vst v21;
	v21 =	vmul.f32 $2.000000030e-01, v26;
	v19 =	vsel vm9, v23, v19  }
0xe2: {  	v23 =	vld [tilespmem:s22+$0xFFFFFFC0];
	[tilespmem:s25+$0xFFFFFE10] =	vst v4;
	v4 =	vadd.f32 v34, v33;
	v5 =	vmul.f32 v5, v12;
	v31 =	vunpack.i.l.bf16.f32 v3  }
0xe3: {  	[tilespmem:s25+$0x220] =	vst v14;
	v3 =	vunpack.i.u.bf16.f32 v3;
	v19 =	vmul.f32 $1.442695020e+00, v19;
	v14 =	vmul.f32 v31, v18;
	v31 =	vld [tilespmem:s26+$0x10]  }
0xe4: {  	vm11 =	vge.f32 v7, $0.0e+00;
	[tilespmem:s25+$0xFFFFFE90] =	vst v13;
	v13 =	vmul.f32 $2.000000030e-01, v7;
	v3 =	vmul.f32 v3, v18  }
0xe5: {  	[tilespmem:s25+$0xFFFFFEA0] =	vst v24;
	v21 =	vsel vm10, v26, v21;
	vm12 =	vge.f32 v4, $0.0e+00;
	v24 =	vmul.f32 $2.000000030e-01, v4  }
0xe6: {  	[tilespmem:s25+$0xFFFFFF20] =	vst v6;
	(erf) = vpow2.f32 v19;
	v6 =	vmul.f32 $1.442695020e+00, v21;
	v7 =	vsel vm11, v7, v13  }
0xe7: {  	v21 =	vld [tilespmem:s21+$0xA0];
	[tilespmem:s25+$0xFFFFFFC0] =	vst v5;
	v5 =	vmul.f32 $2.000000030e-01, v16;
	v7 =	vmul.f32 $1.442695020e+00, v7;
	v4 =	vsel vm12, v4, v24  }
0xe8: {  	v19 =	vadd.f32 v22, v23;
	(erf) = vpow2.f32 v6;
	v25 =	vadd.f32 v31, v25  }
0xe9: {  	vm14 =	vge.f32 v16, $0.0e+00;
	v4 =	vmul.f32 $1.442695020e+00, v4;
	(erf) = vpow2.f32 v7  }
0xea: {  	v9 =	vld [tilespmem:s21+$0x20];
	v5 =	vsel vm14, v16, v5;
	v22 =	vmul.f32 $2.000000030e-01, v19;
	v13 =	vmul.f32 $2.000000030e-01, v25  }
0xeb: {  	s29 =	simm.s32 $0x4BD0;
	[tilespmem:s25+$0xFFFFFF30] =	vst v20;
	v20 =	vpop (erf);
	vm15 =	vge.f32 v19, $0.0e+00;
	(erf) = vpow2.f32 v4;
	vm13 =	vge.f32 v25, $0.0e+00  }
0xec: {  	s28 =	simm.s32 $0x3410;
	[tilespmem:s29+$0x230] =	vst v20;
	v4 =	vmul.f32 $1.442695020e+00, v5;
	v5 =	vunpack.i.l.bf16.f32 v21;
	v13 =	vsel vm13, v25, v13  }
0xed: {  	[tilespmem:s25+$0x210] =	vst v1;
	v5 =	vmul.f32 v5, v17;
	v6 =	vmul.f32 $1.442695020e+00, v13;
	v13 =	vsel vm15, v19, v22;
	v19 =	vld [tilespmem:s28+$0xC0]  }
0xee: {  	[tilespmem:s25+$0xE0] =	vst v3  }
0xef: {  	v32 =	vunpack.i.l.bf16.f32 v9;
	v27 =	vmul.f32 v27, v12;
	[tilespmem:s25+$0x160] =	vst v5;
	v3 =	vpop (erf)  }
0xf0: {  	v9 =	vunpack.i.u.bf16.f32 v9;
	v32 =	vmul.f32 v32, v15;
	v5 =	vld [tilespmem:s21+$0xFFFFFF70];
	v7 =	vmul.f32 $1.442695020e+00, v13;
	[tilespmem:s29+$0xFFFFFED0] =	vst v3  }
0xf1: {  	v9 =	vmul.f32 v9, v15;
	[tilespmem:s25+$0xFFFFFFB0] =	vst v27;
	(erf) = vpow2.f32 v6;
	v6 =	vunpack.i.u.bf16.f32 v21;
	v13 =	vld [tilespmem:s28+$0xFFFFFF40]  }
0xf2: {  	[tilespmem:s25+$0x40] =	vst v32;
	(erf) = vpow2.f32 v7;
	v6 =	vmul.f32 v6, v17;
	v2 =	vunpack.i.l.bf16.f32 v19  }
0xf3: {  	[tilespmem:s25+$0x50] =	vst v9;
	v9 =	vld [tilespmem:s21+$0xFFFFFFB0];
	(erf) = vpow2.f32 v4;
	v4 =	vunpack.i.u.bf16.f32 v19;
	v2 =	vmul.f32 v20, v2  }
0xf4: {  	[tilespmem:s25+$0xD0] =	vst v14;
	v4 =	vmul.f32 v20, v4  }
0xf5: {  	[tilespmem:s29+$0x1B0] =	vst v2  }
0xf6: {  	v7 =	vld [tilespmem:s21+$0xFFFFFF30];
	v24 =	vunpack.i.u.bf16.f32 v5;
	v25 =	vunpack.i.l.bf16.f32 v5;
	v5 =	vunpack.i.l.bf16.f32 v13;
	[tilespmem:s29+$0x1C0] =	vst v4  }
0xf7: {  	[tilespmem:s25+$0x170] =	vst v6;
	v6 =	vpop (erf);
	v13 =	vunpack.i.u.bf16.f32 v13;
	v28 =	vmul.f32 v3, v5;
	v16 =	vld [tilespmem:s28+$0xD0]  }
0xf8: {  	v27 =	vunpack.i.u.bf16.f32 v9;
	v30 =	vunpack.i.l.bf16.f32 v9;
	[tilespmem:s29+$0xFFFFFF60] =	vst v6;
	v9 =	vmul.f32 v3, v13  }
0xf9: {  	v19 =	vld [tilespmem:s21+$0x30];
	v4 =	vpop (erf);
	[tilespmem:s29+$0xFFFFFE50] =	vst v28  }
0xfa: {  	v26 =	vld [tilespmem:s28+$0xFFFFFF80];
	[tilespmem:s29+$0xFFFFFE60] =	vst v9;
	v2 =	vpop (erf)  }
0xfb: {  	[tilespmem:s29+$0xFFFFFFF0] =	vst v4;
	v1 =	vpop (erf)  }
0xfc: {  	v21 =	vld [tilespmem:s21+$0x70];
	v22 =	vunpack.i.u.bf16.f32 v7;
	v23 =	vunpack.i.l.bf16.f32 v7;
	[tilespmem:s29+$0x80] =	vst v2;
	v7 =	vpop (erf);
	v13 =	vunpack.i.l.bf16.f32 v16  }
0xfd: {  	v57 =	vld [tilespmem:s28+$0xFFFFFFC0];
	[tilespmem:s29+$0xFFFFFE40] =	vst v7;
	v16 =	vunpack.i.u.bf16.f32 v16;
	v13 =	vmul.f32 v13, v20  }
0xfe: {  	v28 =	vunpack.i.u.bf16.f32 v19;
	[tilespmem:s29+$0x110] =	vst v1;
	v29 =	vld [tilespmem:s28+$0xFFFFFF00];
	v9 =	vmul.f32 v16, v20  }
0xff: {  	v16 =	vunpack.i.l.bf16.f32 v19;
	v19 =	vmul.f32 v23, v8;
	v23 =	vunpack.i.l.bf16.f32 v26;
	[tilespmem:s29+$0x1D0] =	vst v13  }
0x100: {  	v23 =	vmul.f32 v6, v23;
	[tilespmem:s29+$0x1E0] =	vst v9  }
0x101: {  	v58 =	vunpack.i.u.bf16.f32 v21;
	v59 =	vld [tilespmem:s28+$0x0];
	[tilespmem:s25+$0xFFFFFE20] =	vst v19;
	v19 =	vunpack.i.l.bf16.f32 v21;
	v21 =	vunpack.i.u.bf16.f32 v26  }
0x102: {  	v5 =	vpop (erf);
	v8 =	vmul.f32 v22, v8;
	v22 =	vld [tilespmem:s28+$0xE0];
	[tilespmem:s29+$0xFFFFFEE0] =	vst v23;
	v23 =	vunpack.i.l.bf16.f32 v57;
	v21 =	vmul.f32 v6, v21  }
0x103: {  	[tilespmem:s29+$0x1A0] =	vst v5;
	v23 =	vmul.f32 v4, v23;
	v13 =	vunpack.i.l.bf16.f32 v29;
	v9 =	vunpack.i.u.bf16.f32 v29  }
0x104: {  	v14 =	vld [tilespmem:s21+$0xFFFFFFF0];
	[tilespmem:s29+$0xFFFFFEF0] =	vst v21;
	v13 =	vmul.f32 v7, v13;
	v26 =	vmul.f32 v7, v9  }
0x105: {  	v9 =	vmul.f32 v25, v10;
	v10 =	vmul.f32 v24, v10;
	v24 =	vld [tilespmem:s28+$0x40];
	v25 =	vunpack.i.u.bf16.f32 v57;
	[tilespmem:s29+$0xFFFFFF70] =	vst v23  }
0x106: {  	v25 =	vmul.f32 v4, v25;
	[tilespmem:s29+$0xFFFFFDD0] =	vst v26;
	v26 =	vunpack.i.l.bf16.f32 v59  }
0x107: {  	v21 =	vld [tilespmem:s28+$0x80];
	[tilespmem:s29+$0xFFFFFDC0] =	vst v13;
	v23 =	vunpack.i.l.bf16.f32 v22;
	v26 =	vmul.f32 v2, v26  }
0x108: {  	v13 =	vmul.f32 v30, v11;
	v22 =	vunpack.i.u.bf16.f32 v22;
	[tilespmem:s29+$0xFFFFFF80] =	vst v25;
	v23 =	vmul.f32 v23, v20  }
0x109: {  	v11 =	vmul.f32 v27, v11;
	v27 =	vld [tilespmem:s28+$0xFFFFFF50];
	v25 =	vunpack.i.u.bf16.f32 v59;
	v22 =	vmul.f32 v22, v20;
	[tilespmem:s29+$0x0] =	vst v26  }
0x10a: {  	v31 =	vunpack.i.u.bf16.f32 v14;
	v25 =	vmul.f32 v2, v25;
	v30 =	vunpack.i.l.bf16.f32 v24;
	[tilespmem:s29+$0x1F0] =	vst v23  }
0x10b: {  	v16 =	vmul.f32 v16, v15;
	v29 =	vld [tilespmem:s28+$0xFFFFFF10];
	v23 =	vunpack.i.u.bf16.f32 v24;
	[tilespmem:s29+$0x200] =	vst v22;
	v24 =	vmul.f32 v1, v30  }
0x10c: {  	v22 =	vunpack.i.u.bf16.f32 v21;
	v21 =	vunpack.i.l.bf16.f32 v21;
	v23 =	vmul.f32 v1, v23;
	[tilespmem:s29+$0x10] =	vst v25  }
0x10d: {  	v14 =	vunpack.i.l.bf16.f32 v14;
	v15 =	vmul.f32 v28, v15;
	v28 =	vld [tilespmem:s28+$0xFFFFFF90];
	v21 =	vmul.f32 v5, v21;
	[tilespmem:s29+$0x90] =	vst v24  }
0x10e: {  	v22 =	vmul.f32 v5, v22;
	v30 =	vunpack.i.u.bf16.f32 v27;
	v27 =	vunpack.i.l.bf16.f32 v27;
	[tilespmem:s29+$0xA0] =	vst v23  }
0x10f: {  	v14 =	vmul.f32 v14, v12;
	v26 =	vld [tilespmem:s21+$0xB0];
	v24 =	vmul.f32 v27, v3;
	[tilespmem:s29+$0x120] =	vst v21  }
0x110: {  	v12 =	vmul.f32 v31, v12;
	v25 =	vld [tilespmem:s28+$0xF0];
	v31 =	vunpack.i.l.bf16.f32 v29;
	v23 =	vmul.f32 v30, v3;
	[tilespmem:s29+$0x130] =	vst v22  }
0x111: {  	v27 =	vld [tilespmem:s28+$0xFFFFFFD0];
	v29 =	vunpack.i.u.bf16.f32 v29;
	v30 =	vmul.f32 v31, v7;
	[tilespmem:s29+$0xFFFFFE70] =	vst v24  }
0x112: {  	v22 =	vunpack.i.l.bf16.f32 v28;
	v21 =	vmul.f32 v29, v7;
	[tilespmem:s29+$0xFFFFFE80] =	vst v23  }
0x113: {  	v19 =	vmul.f32 v19, v18;
	v28 =	vunpack.i.u.bf16.f32 v28;
	v22 =	vmul.f32 v22, v6;
	[tilespmem:s29+$0xFFFFFDE0] =	vst v30  }
0x114: {  	v18 =	vmul.f32 v58, v18;
	v29 =	vld [tilespmem:s28+$0x10];
	v28 =	vmul.f32 v28, v6;
	[tilespmem:s29+$0xFFFFFDF0] =	vst v21  }
0x115: {  	v60 =	vld [tilespmem:s28+$0x50];
	v31 =	vunpack.i.u.bf16.f32 v26;
	v30 =	vunpack.i.u.bf16.f32 v25;
	v23 =	vunpack.i.l.bf16.f32 v25;
	[tilespmem:s29+$0xFFFFFF00] =	vst v22  }
0x116: {  	v61 =	vld [tilespmem:s28+$0xFFFFFF60];
	[tilespmem:s29+$0xFFFFFF10] =	vst v28;
	v21 =	vmul.f32 v30, v20;
	v30 =	vunpack.i.u.bf16.f32 v27;
	v27 =	vunpack.i.l.bf16.f32 v27  }
0x117: {  	v24 =	vunpack.i.l.bf16.f32 v26;
	v20 =	vmul.f32 v23, v20;
	v62 =	vld [tilespmem:s28+$0xFFFFFFA0];
	v26 =	vmul.f32 v27, v4  }
0x118: {  	v27 =	vmul.f32 v30, v4;
	v30 =	vld [tilespmem:s28+$0x90];
	[tilespmem:s29+$0x220] =	vst v21;
	v21 =	vmul.f32 v24, v17  }
0x119: {  	v17 =	vmul.f32 v31, v17;
	v24 =	vld [tilespmem:s28+$0xFFFFFF20];
	v25 =	vunpack.i.u.bf16.f32 v29;
	v29 =	vunpack.i.l.bf16.f32 v29  }
0x11a: {  	v22 =	vunpack.i.l.bf16.f32 v60;
	v29 =	vmul.f32 v29, v2;
	v31 =	vmul.f32 v25, v2;
	[tilespmem:s29+$0xFFFFFF90] =	vst v26  }
0x11b: {  	v25 =	vunpack.i.u.bf16.f32 v60;
	v28 =	vmul.f32 v22, v1;
	[tilespmem:s29+$0xFFFFFFA0] =	vst v27;
	v26 =	vunpack.i.l.bf16.f32 v61  }
0x11c: {  	v63 =	vmul.f32 v25, v1;
	[tilespmem:s29+$0x20] =	vst v29;
	v29 =	vmul.f32 v26, v3  }
0x11d: {  	[tilespmem:s29+$0x30] =	vst v31;
	v31 =	vld [tilespmem:s28+$0xFFFFFFE0];
	v27 =	vunpack.i.l.bf16.f32 v62;
	v22 =	vunpack.i.u.bf16.f32 v30;
	v23 =	vunpack.i.l.bf16.f32 v30  }
0x11e: {  	v35 =	vmul.f32 v23, v5;
	v23 =	vunpack.i.l.bf16.f32 v24;
	v24 =	vunpack.i.u.bf16.f32 v24  }
0x11f: {  	[tilespmem:s29+$0xB0] =	vst v28;
	v28 =	vld [tilespmem:s28+$0x20];
	v25 =	vmul.f32 v23, v7;
	v23 =	vmul.f32 v24, v7;
	v24 =	vunpack.i.u.bf16.f32 v61  }
0x120: {  	s1 =	simm.s32 $0x4BD0;
	[tilespmem:s29+$0xC0] =	vst v63;
	v22 =	vmul.f32 v22, v5;
	v26 =	vmul.f32 v24, v3;
	v24 =	vunpack.i.u.bf16.f32 v62  }
0x121: {  	s7 =	simm.s32 $0x3410;
	s22 =	simm.s32 $0x8;
	s21 =	simm.s32 $0x2850;
	v30 =	vmul.f32 v27, v6;
	v27 =	vld [tilespmem:s28+$0x60];
	[tilespmem:s29+$0x140] =	vst v35;
	v24 =	vmul.f32 v24, v6  }
.LBB2_5:
0x122: {  	v32 =	vld [tilespmem:s21+$0x30];
	v33 =	vunpack.i.u.bf16.f32 v31;
	v31 =	vunpack.i.l.bf16.f32 v31;
	[tilespmem:s29+$0x150] =	vst v22;
	s26 =	sadd.s32 $0x80, s26  }
0x123: {  	v22 =	vld [tilespmem:s26+$0x30];
	[tilespmem:s29+$0xFFFFFE00] =	vst v25;
	v25 =	vmul.f32 v31, v4;
	v31 =	vmul.f32 v33, v4  }
0x124: {  	v33 =	vld [tilespmem:s26+$0xFFFFFFC0];
	[tilespmem:s29+$0xFFFFFE10] =	vst v23;
	v23 =	vunpack.i.u.bf16.f32 v28;
	v28 =	vunpack.i.l.bf16.f32 v28  }
0x125: {  	v34 =	vld [tilespmem:s21+$0xFFFFFFD0];
	[tilespmem:s29+$0xFFFFFE90] =	vst v29;
	v28 =	vmul.f32 v28, v2;
	v23 =	vmul.f32 v23, v2  }
0x126: {  	s22 =	sadd.s32 $0x8, s22;
	v29 =	vld [tilespmem:s26+$0xFFFFFFD0];
	[tilespmem:s29+$0xFFFFFEA0] =	vst v26;
	v26 =	vunpack.i.u.bf16.f32 v27;
	v27 =	vunpack.i.l.bf16.f32 v27  }
0x127: {  	p1 =	slt.u32 s22, $0x20;
	v35 =	vld [tilespmem:s21+$0xFFFFFFE0];
	[tilespmem:s29+$0xFFFFFF20] =	vst v30;
	v27 =	vmul.f32 v27, v1;
	v26 =	vmul.f32 v26, v1  }
0x128: {  	v30 =	vld [tilespmem:s26+$0xFFFFFFE0];
	v22 =	vadd.f32 v22, v32;
	[tilespmem:s29+$0xFFFFFF30] =	vst v24  }
0x129: {  	v24 =	vld [tilespmem:s21+$0xFFFFFFF0];
	[tilespmem:s29+$0xFFFFFFB0] =	vst v25  }
0x12a: {  	v25 =	vld [tilespmem:s26+$0xFFFFFFF0];
	v32 =	vmul.f32 $2.000000030e-01, v22;
	[tilespmem:s29+$0xFFFFFFC0] =	vst v31  }
0x12b: {  	vm0 =	vge.f32 v22, $0.0e+00;
	v29 =	vadd.f32 v29, v34;
	v31 =	vld [tilespmem:s21+$0x0];
	[tilespmem:s29+$0x40] =	vst v28  }
0x12c: {  	v28 =	vld [tilespmem:s26+$0x0];
	v22 =	vsel vm0, v22, v32;
	[tilespmem:s29+$0x50] =	vst v23  }
0x12d: {  	v23 =	vmul.f32 $2.000000030e-01, v29;
	v30 =	vadd.f32 v30, v35;
	v32 =	vld [tilespmem:s21+$0x10];
	v22 =	vmul.f32 $1.442695020e+00, v22;
	[tilespmem:s29+$0xD0] =	vst v27  }
0x12e: {  	vm0 =	vge.f32 v29, $0.0e+00;
	v27 =	vld [tilespmem:s26+$0x10];
	[tilespmem:s29+$0xE0] =	vst v26  }
0x12f: {  	v26 =	vmul.f32 $2.000000030e-01, v30;
	v24 =	vadd.f32 v25, v24;
	v25 =	vld [tilespmem:s21+$0x20];
	(erf) = vpow2.f32 v22;
	[tilespmem:s25+$0xFFFFFE30] =	vst v8  }
0x130: {  	v8 =	vsel vm0, v29, v23;
	vm0 =	vge.f32 v30, $0.0e+00;
	v22 =	vld [tilespmem:s26+$0x20];
	[tilespmem:s25+$0xFFFFFEB0] =	vst v9  }
0x131: {  	v9 =	vld [tilespmem:s21+$0xFFFFFFC0];
	vm1 =	vge.f32 v24, $0.0e+00;
	v23 =	vmul.f32 $2.000000030e-01, v24;
	v28 =	vadd.f32 v28, v31;
	[tilespmem:s25+$0xFFFFFEC0] =	vst v10  }
0x132: {  	v8 =	vmul.f32 $1.442695020e+00, v8;
	v10 =	vsel vm0, v30, v26;
	v26 =	vld [tilespmem:s28+$0xA0];
	[tilespmem:s25+$0xFFFFFF40] =	vst v13  }
0x133: {  	vm0 =	vge.f32 v28, $0.0e+00;
	v13 =	vmul.f32 $2.000000030e-01, v28;
	v27 =	vadd.f32 v27, v32;
	v29 =	vld [tilespmem:s28+$0xFFFFFF30];
	[tilespmem:s25+$0xFFFFFF50] =	vst v11  }
0x134: {  	v10 =	vmul.f32 $1.442695020e+00, v10;
	v11 =	vsel vm1, v24, v23;
	(erf) = vpow2.f32 v8;
	v8 =	vld [tilespmem:s28+$0xFFFFFF70];
	[tilespmem:s25+$0xFFFFFFD0] =	vst v14  }
0x135: {  	vm1 =	vge.f32 v27, $0.0e+00;
	v14 =	vmul.f32 $2.000000030e-01, v27;
	v23 =	vadd.f32 v22, v25;
	v24 =	vld [tilespmem:s28+$0xFFFFFFB0];
	[tilespmem:s25+$0xFFFFFFE0] =	vst v12  }
0x136: {  	v11 =	vmul.f32 $1.442695020e+00, v11;
	v12 =	vsel vm0, v28, v13;
	v9 =	vadd.f32 v33, v9;
	v13 =	vld [tilespmem:s28+$0xFFFFFFF0];
	[tilespmem:s25+$0x60] =	vst v16  }
0x137: {  	s29 =	sadd.s32 $0x480, s29;
	v14 =	vsel vm1, v27, v14;
	vm0 =	vge.f32 v23, $0.0e+00;
	v16 =	vmul.f32 $2.000000030e-01, v23;
	v25 =	vld [tilespmem:s28+$0x30];
	[tilespmem:s25+$0x70] =	vst v15  }
0x138: {  	v12 =	vmul.f32 $1.442695020e+00, v12;
	vm1 =	vge.f32 v9, $0.0e+00;
	v15 =	vmul.f32 $2.000000030e-01, v9;
	v22 =	vpop (erf);
	v27 =	vld [tilespmem:s28+$0x70]  }
0x139: {  	v14 =	vmul.f32 $1.442695020e+00, v14;
	s28 =	sadd.s32 $0x200, s28;
	v16 =	vsel vm0, v23, v16;
	[tilespmem:s29+$0x230] =	vst v22;
	(erf) = vpow2.f32 v10  }
0x13a: {  	v9 =	vsel vm1, v9, v15;
	v10 =	vmul.f32 $1.442695020e+00, v16;
	v15 =	vld [tilespmem:s28+$0xC0];
	(erf) = vpow2.f32 v11;
	[tilespmem:s25+$0xF0] =	vst v19  }
0x13b: {  	v11 =	vunpack.i.u.bf16.f32 v26;
	v9 =	vmul.f32 $1.442695020e+00, v9;
	(erf) = vpow2.f32 v12;
	[tilespmem:s25+$0x100] =	vst v18  }
0x13c: {  	v12 =	vunpack.i.l.bf16.f32 v26;
	v11 =	vmul.f32 v11, v5;
	(erf) = vpow2.f32 v14;
	[tilespmem:s25+$0x180] =	vst v21  }
0x13d: {  	v12 =	vmul.f32 v12, v5;
	(erf) = vpow2.f32 v9;
	v14 =	vpop (erf);
	v9 =	vunpack.i.u.bf16.f32 v29;
	[tilespmem:s25+$0x190] =	vst v17;
	s25 =	smov.u32 s1;
	s1 =	smov.u32 s29  }
0x13e: {  	v16 =	vunpack.i.u.bf16.f32 v8;
	[tilespmem:s29+$0xFFFFFED0] =	vst v14;
	(erf) = vpow2.f32 v10;
	v10 =	vunpack.i.l.bf16.f32 v29  }
0x13f: {  	v19 =	vunpack.i.l.bf16.f32 v8;
	v21 =	vunpack.i.u.bf16.f32 v24;
	v17 =	vld [tilespmem:s28+$0xFFFFFF40];
	v18 =	vunpack.i.l.bf16.f32 v15;
	[tilespmem:s25+$0x160] =	vst v12  }
0x140: {  	v8 =	vunpack.i.u.bf16.f32 v15;
	v15 =	vunpack.i.l.bf16.f32 v24;
	v12 =	vmul.f32 v22, v18;
	[tilespmem:s25+$0x170] =	vst v11  }
0x141: {  	v23 =	vunpack.i.l.bf16.f32 v13;
	v8 =	vmul.f32 v22, v8;
	v18 =	vunpack.i.u.bf16.f32 v13;
	v11 =	vld [tilespmem:s7+$0xB0];
	[tilespmem:s25+$0x210] =	vst v20;
	s7 =	smov.u32 s28  }
0x142: {  	v26 =	vunpack.i.u.bf16.f32 v27;
	v24 =	vunpack.i.u.bf16.f32 v25;
	v25 =	vunpack.i.l.bf16.f32 v25;
	[tilespmem:s29+$0x1B0] =	vst v12;
	v20 =	vpop (erf)  }
0x143: {  	v27 =	vunpack.i.l.bf16.f32 v27;
	v29 =	vmul.f32 v10, v7;
	[tilespmem:s29+$0x1C0] =	vst v8;
	v28 =	vpop (erf);
	v8 =	vmul.f32 v9, v7  }
0x144: {  	v9 =	vmul.f32 v19, v3;
	v12 =	vunpack.i.u.bf16.f32 v17;
	v10 =	vunpack.i.l.bf16.f32 v17;
	[tilespmem:s29+$0xFFFFFF60] =	vst v20;
	v17 =	vld [tilespmem:s28+$0xD0];
	v30 =	vpop (erf)  }
0x145: {  	v19 =	vmul.f32 v14, v10;
	v31 =	vmul.f32 v14, v12;
	v32 =	vld [tilespmem:s28+$0xFFFFFF80];
	[tilespmem:s29+$0xFFFFFFF0] =	vst v28;
	v33 =	vpop (erf)  }
0x146: {  	v10 =	vmul.f32 v16, v3;
	v34 =	vld [tilespmem:s28+$0xFFFFFFC0];
	[tilespmem:s29+$0x80] =	vst v30;
	v7 =	vpop (erf);
	v35 =	vunpack.i.u.bf16.f32 v11;
	v36 =	vunpack.i.l.bf16.f32 v11  }
0x147: {  	v13 =	vmul.f32 v15, v6;
	v3 =	vmov v14;
	v11 =	vmul.f32 v21, v6;
	[tilespmem:s29+$0xFFFFFE40] =	vst v7;
	v37 =	vld [tilespmem:s28+$0x0];
	v38 =	vpop (erf)  }
0x148: {  	v14 =	vmul.f32 v23, v4;
	v12 =	vmul.f32 v18, v4;
	v4 =	vmovc v28;
	v6 =	vmov v20;
	v21 =	vld [tilespmem:s28+$0xFFFFFF00];
	[tilespmem:s29+$0x110] =	vst v33  }
0x149: {  	v15 =	vmul.f32 v24, v2;
	v16 =	vmul.f32 v25, v2;
	v2 =	vmovc v30;
	v18 =	vld [tilespmem:s28+$0x40];
	[tilespmem:s29+$0x1A0] =	vst v38;
	v20 =	vunpack.i.l.bf16.f32 v17  }
0x14a: {  	v17 =	vunpack.i.u.bf16.f32 v17;
	[tilespmem:s29+$0xFFFFFE50] =	vst v19;
	v19 =	vunpack.i.u.bf16.f32 v32;
	v23 =	vld [tilespmem:s28+$0x80];
	v20 =	vmul.f32 v20, v22  }
0x14b: {  	v24 =	vunpack.i.l.bf16.f32 v32;
	v17 =	vmul.f32 v17, v22;
	[tilespmem:s29+$0xFFFFFE60] =	vst v31;
	v25 =	vunpack.i.u.bf16.f32 v34  }
0x14c: {  	v30 =	vunpack.i.l.bf16.f32 v34;
	v28 =	vld [tilespmem:s28+$0xFFFFFF50];
	v31 =	vunpack.i.u.bf16.f32 v37;
	v32 =	vunpack.i.l.bf16.f32 v37;
	[tilespmem:s29+$0x1D0] =	vst v20  }
0x14d: {  	v24 =	vmul.f32 v6, v24;
	v20 =	vunpack.i.u.bf16.f32 v21;
	v21 =	vunpack.i.l.bf16.f32 v21;
	[tilespmem:s29+$0x1E0] =	vst v17  }
0x14e: {  	v17 =	vmul.f32 v7, v21;
	v21 =	vunpack.i.u.bf16.f32 v18;
	v18 =	vunpack.i.l.bf16.f32 v18;
	v34 =	vld [tilespmem:s28+$0xE0];
	[tilespmem:s25+$0xFFFFFE20] =	vst v29  }
0x14f: {  	v20 =	vmul.f32 v7, v20;
	[tilespmem:s29+$0xFFFFFEE0] =	vst v24;
	v24 =	vunpack.i.u.bf16.f32 v23;
	v23 =	vunpack.i.l.bf16.f32 v23  }
0x150: {  	[tilespmem:s29+$0xFFFFFDC0] =	vst v17;
	v17 =	vmul.f32 v6, v19;
	v19 =	vmul.f32 v4, v30  }
0x151: {  	v25 =	vmul.f32 v4, v25;
	v29 =	vmul.f32 v2, v32;
	[tilespmem:s29+$0xFFFFFDD0] =	vst v20;
	v20 =	vunpack.i.u.bf16.f32 v28  }
0x152: {  	v28 =	vunpack.i.l.bf16.f32 v28;
	v30 =	vld [tilespmem:s28+$0xFFFFFF10];
	[tilespmem:s29+$0xFFFFFEF0] =	vst v17;
	v17 =	vmul.f32 v2, v31;
	v31 =	vmul.f32 v33, v18  }
0x153: {  	v21 =	vmul.f32 v33, v21;
	v23 =	vmul.f32 v38, v23;
	v32 =	vld [tilespmem:s28+$0xFFFFFF90];
	[tilespmem:s29+$0xFFFFFF70] =	vst v19;
	v18 =	vunpack.i.l.bf16.f32 v34  }
0x154: {  	v24 =	vmul.f32 v38, v24;
	v19 =	vunpack.i.u.bf16.f32 v34;
	[tilespmem:s29+$0xFFFFFF80] =	vst v25;
	v18 =	vmul.f32 v18, v22  }
0x155: {  	v25 =	vmul.f32 v28, v3;
	v28 =	vld [tilespmem:s28+$0xFFFFFFD0];
	[tilespmem:s29+$0x0] =	vst v29;
	v29 =	vmul.f32 v19, v22  }
0x156: {  	v34 =	vmul.f32 v20, v3;
	v19 =	vmul.f32 v27, v1;
	[tilespmem:s29+$0x1F0] =	vst v18  }
0x157: {  	v18 =	vmul.f32 v26, v1;
	v1 =	vmovc v33;
	v20 =	vunpack.i.u.bf16.f32 v30;
	v27 =	vunpack.i.l.bf16.f32 v30;
	[tilespmem:s29+$0x200] =	vst v29  }
0x158: {  	v26 =	vmul.f32 v27, v7;
	v27 =	vunpack.i.u.bf16.f32 v32;
	v29 =	vunpack.i.l.bf16.f32 v32;
	[tilespmem:s29+$0x10] =	vst v17;
	v30 =	vld [tilespmem:s28+$0xF0]  }
0x159: {  	v20 =	vmul.f32 v20, v7;
	v29 =	vmul.f32 v29, v6;
	v32 =	vld [tilespmem:s28+$0x10];
	[tilespmem:s29+$0x90] =	vst v31  }
0x15a: {  	v27 =	vmul.f32 v27, v6;
	v17 =	vunpack.i.u.bf16.f32 v28;
	v28 =	vunpack.i.l.bf16.f32 v28;
	[tilespmem:s29+$0xA0] =	vst v21  }
0x15b: {  	v28 =	vmul.f32 v28, v4;
	v31 =	vmul.f32 v17, v4;
	v33 =	vld [tilespmem:s28+$0x50];
	[tilespmem:s29+$0x120] =	vst v23  }
0x15c: {  	v21 =	vmul.f32 v36, v5;
	v17 =	vmul.f32 v35, v5;
	v5 =	vmov v38;
	[tilespmem:s29+$0x130] =	vst v24  }
0x15d: {  	[tilespmem:s29+$0xFFFFFDE0] =	vst v26;
	v23 =	vld [tilespmem:s28+$0x90];
	v24 =	vunpack.i.u.bf16.f32 v30;
	v26 =	vunpack.i.l.bf16.f32 v30  }
0x15e: {  	[tilespmem:s29+$0xFFFFFDF0] =	vst v20;
	v20 =	vunpack.i.u.bf16.f32 v32;
	v30 =	vunpack.i.l.bf16.f32 v32;
	v24 =	vmul.f32 v24, v22  }
0x15f: {  	v32 =	vld [tilespmem:s28+$0xFFFFFF20];
	[tilespmem:s29+$0xFFFFFE70] =	vst v25;
	v30 =	vmul.f32 v30, v2;
	v35 =	vmul.f32 v20, v2  }
0x160: {  	v20 =	vmul.f32 v26, v22;
	v25 =	vunpack.i.u.bf16.f32 v33;
	v33 =	vunpack.i.l.bf16.f32 v33;
	[tilespmem:s29+$0x220] =	vst v24  }
0x161: {  	[tilespmem:s29+$0xFFFFFE80] =	vst v34;
	v24 =	vmul.f32 v33, v1;
	v33 =	vmul.f32 v25, v1  }
0x162: {  	v26 =	vld [tilespmem:s28+$0xFFFFFF60];
	[tilespmem:s29+$0xFFFFFF00] =	vst v29;
	v22 =	vunpack.i.u.bf16.f32 v23;
	v23 =	vunpack.i.l.bf16.f32 v23  }
0x163: {  	[tilespmem:s29+$0xFFFFFF10] =	vst v27;
	v34 =	vmul.f32 v23, v5;
	v22 =	vmul.f32 v22, v5  }
0x164: {  	v23 =	vunpack.i.u.bf16.f32 v32;
	v25 =	vunpack.i.l.bf16.f32 v32;
	v27 =	vld [tilespmem:s28+$0xFFFFFFA0];
	[tilespmem:s29+$0xFFFFFF90] =	vst v28  }
0x165: {  	v25 =	vmul.f32 v25, v7;
	v23 =	vmul.f32 v23, v7;
	[tilespmem:s29+$0xFFFFFFA0] =	vst v31  }
.Ltmp1:
0x166: {  	v31 =	vld [tilespmem:s28+$0xFFFFFFE0];
	[tilespmem:s29+$0x20] =	vst v30;
	(pc) =	sbr.rel @p1 .LBB2_5-.Ltmp1, $4  }
0x167: {  	v28 =	vunpack.i.u.bf16.f32 v26;
	v26 =	vunpack.i.l.bf16.f32 v26;
	[tilespmem:s29+$0x30] =	vst v35  }
0x168: {  	v29 =	vmul.f32 v26, v3;
	v26 =	vmul.f32 v28, v3;
	v28 =	vld [tilespmem:s28+$0x20];
	[tilespmem:s29+$0xB0] =	vst v24  }
0x169: {  	v24 =	vunpack.i.u.bf16.f32 v27;
	v27 =	vunpack.i.l.bf16.f32 v27;
	[tilespmem:s29+$0xC0] =	vst v33  }
0x16a: {  	s21 =	sadd.s32 $0x80, s21;
	v30 =	vmul.f32 v27, v6;
	v24 =	vmul.f32 v24, v6;
	v27 =	vld [tilespmem:s28+$0x60];
	[tilespmem:s29+$0x140] =	vst v34  }
0x16b: {  	[tilespmem:s29+$0x150] =	vst v22  }
0x16c: {  	[tilespmem:s29+$0xFFFFFE00] =	vst v25  }
0x16d: {  	[tilespmem:s29+$0xFFFFFE10] =	vst v23  }
0x16e: {  	[tilespmem:s29+$0xFFFFFE90] =	vst v29  }
0x16f: {  	[tilespmem:s29+$0xFFFFFEA0] =	vst v26  }
0x170: {  	[tilespmem:s25+$0xFFFFFE30] =	vst v8  }
0x171: {  	[tilespmem:s25+$0xFFFFFEB0] =	vst v9  }
0x172: {  	[tilespmem:s25+$0xFFFFFEC0] =	vst v10  }
0x173: {  	[tilespmem:s25+$0xFFFFFF40] =	vst v13  }
0x174: {  	[tilespmem:s25+$0xFFFFFF50] =	vst v11  }
0x175: {  	[tilespmem:s25+$0xFFFFFFD0] =	vst v14  }
0x176: {  	[tilespmem:s25+$0xFFFFFFE0] =	vst v12  }
0x177: {  	[tilespmem:s25+$0x60] =	vst v16  }
0x178: {  	[tilespmem:s25+$0x70] =	vst v15  }
0x179: {  	[tilespmem:s25+$0xF0] =	vst v19  }
0x17a: {  	[tilespmem:s25+$0x100] =	vst v18  }
0x17b: {  	[tilespmem:s25+$0x180] =	vst v21  }
0x17c: {  	[tilespmem:s25+$0x190] =	vst v17  }
0x17d: {  	v22 =	vunpack.i.l.bf16.f32 v31;
	[tilespmem:s1+$0x210] =	vst v20;
	v8 =	vld [tilespmem:s28+$0xA0]  }
0x17e: {  	v23 =	vunpack.i.u.bf16.f32 v31;
	v22 =	vmul.f32 v22, v4;
	[tilespmem:s29+$0xFFFFFF20] =	vst v30  }
0x17f: {  	v23 =	vmul.f32 v23, v4;
	[tilespmem:s29+$0xFFFFFF30] =	vst v24;
	v25 =	vunpack.i.l.bf16.f32 v28  }
0x180: {  	v9 =	vld [tilespmem:s28+$0xFFFFFF30];
	v24 =	vunpack.i.u.bf16.f32 v28;
	v25 =	vmul.f32 v25, v2;
	[tilespmem:s29+$0xFFFFFFB0] =	vst v22  }
0x181: {  	v22 =	vmul.f32 v24, v2;
	[tilespmem:s29+$0xFFFFFFC0] =	vst v23;
	v24 =	vunpack.i.l.bf16.f32 v27  }
0x182: {  	v10 =	vld [tilespmem:s28+$0xFFFFFF70];
	v24 =	vmul.f32 v24, v1;
	[tilespmem:s29+$0x40] =	vst v25;
	v11 =	vunpack.i.l.bf16.f32 v8  }
0x183: {  	[tilespmem:s29+$0x50] =	vst v22;
	v8 =	vunpack.i.u.bf16.f32 v8;
	v11 =	vmul.f32 v11, v5  }
0x184: {  	v12 =	vld [tilespmem:s28+$0xFFFFFFB0];
	v23 =	vunpack.i.u.bf16.f32 v27;
	[tilespmem:s29+$0xD0] =	vst v24;
	v8 =	vmul.f32 v8, v5  }
0x185: {  	v23 =	vmul.f32 v23, v1;
	v13 =	vunpack.i.l.bf16.f32 v9;
	[tilespmem:s1+$0x160] =	vst v11  }
0x186: {  	v9 =	vunpack.i.u.bf16.f32 v9;
	v11 =	vld [tilespmem:s28+$0xFFFFFFF0];
	[tilespmem:s1+$0x170] =	vst v8;
	v8 =	vmul.f32 v13, v7  }
0x187: {  	[tilespmem:s29+$0xE0] =	vst v23;
	v13 =	vunpack.i.l.bf16.f32 v10;
	v7 =	vmul.f32 v9, v7  }
0x188: {  	v9 =	vld [tilespmem:s28+$0x30];
	v10 =	vunpack.i.u.bf16.f32 v10;
	v13 =	vmul.f32 v13, v3;
	[tilespmem:s1+$0xFFFFFE20] =	vst v8  }
0x189: {  	v3 =	vmul.f32 v10, v3;
	v8 =	vunpack.i.l.bf16.f32 v12;
	[tilespmem:s1+$0xFFFFFE30] =	vst v7  }
0x18a: {  	v10 =	vunpack.i.u.bf16.f32 v12;
	v7 =	vld [tilespmem:s28+$0x70];
	v8 =	vmul.f32 v8, v6;
	[tilespmem:s1+$0xFFFFFEB0] =	vst v13  }
0x18b: {  	v6 =	vmul.f32 v10, v6;
	[tilespmem:s1+$0xFFFFFEC0] =	vst v3;
	v12 =	vunpack.i.l.bf16.f32 v11  }
0x18c: {  	v10 =	vld [tilespmem:s7+$0xB0];
	v3 =	vunpack.i.u.bf16.f32 v11;
	[tilespmem:s1+$0xFFFFFF40] =	vst v8;
	v11 =	vmul.f32 v12, v4  }
0x18d: {  	v8 =	vunpack.i.l.bf16.f32 v9;
	[tilespmem:s1+$0xFFFFFF50] =	vst v6;
	v3 =	vmul.f32 v3, v4  }
0x18e: {  	v4 =	vunpack.i.u.bf16.f32 v9;
	v6 =	vmul.f32 v8, v2;
	[tilespmem:s1+$0xFFFFFFD0] =	vst v11  }
0x18f: {  	v8 =	vunpack.i.l.bf16.f32 v7;
	v2 =	vmul.f32 v4, v2;
	[tilespmem:s1+$0xFFFFFFE0] =	vst v3  }
0x190: {  	v3 =	vunpack.i.u.bf16.f32 v7;
	v4 =	vmul.f32 v8, v1;
	[tilespmem:s1+$0x60] =	vst v6  }
0x191: {  	v6 =	vunpack.i.l.bf16.f32 v10;
	v1 =	vmul.f32 v3, v1;
	[tilespmem:s1+$0x70] =	vst v2  }
0x192: {  	s22 =	smul.u32 $0x140, s23;
	v2 =	vunpack.i.u.bf16.f32 v10;
	v3 =	vmul.f32 v6, v5;
	[tilespmem:s1+$0xF0] =	vst v4  }
0x193: {  	v2 =	vmul.f32 v2, v5;
	[tilespmem:s1+$0x100] =	vst v1  }
0x194: {  	s7 =	sshra.s32 s22, $0x2;
	[tilespmem:s1+$0x180] =	vst v3  }
0x195: {  	s26 =	smul.u32 $0x50, s23;
	s25 =	sadd.s32 $0x1388, s7;
	[tilespmem:s1+$0x190] =	vst v2  }
0x196: {  	[spmem:s3] =	stream.indirect.scatter.add.f32 [tilespmem:s30], [sflag:$0x7], $0x90, s25, s0, $0xb8;
	[tilespmem:$0x1DA10] =	vst v63  }
0x197: {  	s21 =	sadd.s32 $0x50, s26  }
0x198: {  	[tilespmem:s8], [sflag:$0x1] =	stream.indirect.gather [hbm4b:s2+s0], $0x40, s21, s0, $0xb8;
	[tilespmem:$0x1DA10] =	vst v63  }
0x199: {  	_ = 	snop  }
0x19a: {  	[tilespmem:s9], [sflag:$0x3] =	stream.indirect.gather [hbm4b:s5+s0], $0x10, s21, s0, $0xb8;
	[tilespmem:$0x1DA10] =	vst v63  }
0x19b: {  	s22 =	sadd.s32 $0x13D8, s26  }
0x19c: {  	[tilespmem:s10], [sflag:$0x5] =	stream.indirect.gather [hbm4b:s6+s0], $0x10, s22, s0, $0xb8;
	[tilespmem:$0x1DA10] =	vst v63  }
0x19d: {  	_ =	swait.ge [sflag:s17], $0xA00  }
0x19e: {  	[sflag:s17] =	ssyncset.done $0x0  }
0x19f: {  	[sflag:s17] =	ssyncadd.s32 $0xFFFFF600  }
0x1a0: {  	_ =	swait.ge [sflag:s18], $0x280  }
0x1a1: {  	[sflag:s18] =	ssyncset.done $0x0  }
0x1a2: {  	[sflag:s18] =	ssyncadd.s32 $0xFFFFFD80  }
0x1a3: {  	_ =	swait.ge [sflag:s19], $0x280  }
0x1a4: {  	[sflag:s19] =	ssyncset.done $0x0  }
0x1a5: {  	s1 =	simm.s32 @!p0 $0x8;
	[sflag:s19] =	ssyncadd.s32 $0xFFFFFD80  }
0x1a6: {  	_ =	swait.ge @!p0 [sflag:s1], $0x1680  }
0x1a7: {  	[sflag:s1] =	ssyncset.done @!p0 $0x0  }
0x1a8: {  	s25 =	simm.s32 $0x29D0;
	[sflag:s1] =	ssyncadd.s32 @!p0 $0xFFFFE980  }
0x1a9: {  	s26 =	simm.s32 $0x2ED0;
	v1 =	vld [tilespmem:s25+$0x30]  }
0x1aa: {  	v2 =	vld [tilespmem:s26+$0x30]  }
0x1ab: {  	v4 =	vld [tilespmem:s25+$0xFFFFFFD0]  }
0x1ac: {  	v5 =	vld [tilespmem:s26+$0xFFFFFFD0]  }
0x1ad: {  	v6 =	vld [tilespmem:s25+$0xFFFFFFE0]  }
0x1ae: {  	v7 =	vld [tilespmem:s26+$0xFFFFFFE0]  }
0x1af: {  	v8 =	vld [tilespmem:s26+$0xFFFFFFF0];
	v1 =	vadd.f32 v2, v1  }
0x1b0: {  	v10 =	vld [tilespmem:s25+$0x0]  }
0x1b1: {  	v11 =	vld [tilespmem:s26+$0x0];
	v9 =	vmul.f32 $2.000000030e-01, v1  }
0x1b2: {  	v2 =	vld [tilespmem:s25+$0xFFFFFFF0];
	v4 =	vadd.f32 v5, v4;
	vm0 =	vge.f32 v1, $0.0e+00  }
0x1b3: {  	v3 =	vld [tilespmem:s26+$0xFFFFFFC0];
	v1 =	vsel vm0, v1, v9  }
0x1b4: {  	v5 =	vld [tilespmem:s25+$0x10];
	v12 =	vmul.f32 $2.000000030e-01, v4;
	v1 =	vmul.f32 $1.442695020e+00, v1  }
0x1b5: {  	vm14 =	vge.f32 v4, $0.0e+00;
	v9 =	vld [tilespmem:s26+$0x10]  }
0x1b6: {  	v6 =	vadd.f32 v7, v6;
	v4 =	vsel vm14, v4, v12;
	v12 =	vld [tilespmem:s25+$0xFFFFFFC0];
	(erf) = vpow2.f32 v1  }
0x1b7: {  	v7 =	vld [tilespmem:s25+$0x20];
	v10 =	vadd.f32 v11, v10;
	v4 =	vmul.f32 $1.442695020e+00, v4;
	v1 =	vadd.f32 v8, v2  }
0x1b8: {  	vm15 =	vge.f32 v6, $0.0e+00;
	v2 =	vld [tilespmem:s26+$0x20];
	v8 =	vmul.f32 $2.000000030e-01, v6  }
0x1b9: {  	vm4 =	vge.f32 v10, $0.0e+00;
	(erf) = vpow2.f32 v4;
	vm1 =	vge.f32 v1, $0.0e+00  }
0x1ba: {  	v11 =	vmul.f32 $2.000000030e-01, v1;
	v6 =	vsel vm15, v6, v8;
	v5 =	vadd.f32 v9, v5  }
0x1bb: {  	v8 =	vmul.f32 $2.000000030e-01, v10;
	v3 =	vadd.f32 v3, v12;
	v6 =	vmul.f32 $1.442695020e+00, v6  }
0x1bc: {  	v1 =	vsel vm1, v1, v11;
	v4 =	vmul.f32 $2.000000030e-01, v5;
	vm5 =	vge.f32 v5, $0.0e+00  }
0x1bd: {  	v8 =	vsel vm4, v10, v8;
	v9 =	vmul.f32 $2.000000030e-01, v3;
	v2 =	vadd.f32 v2, v7  }
0x1be: {  	vm6 =	vge.f32 v3, $0.0e+00;
	v7 =	vmul.f32 $1.442695020e+00, v1;
	v8 =	vmul.f32 $1.442695020e+00, v8  }
0x1bf: {  	s25 =	simm.s32 $0x5DD0;
	v4 =	vsel vm5, v5, v4;
	v5 =	vmul.f32 $2.000000030e-01, v2;
	v1 =	vpop (erf);
	(erf) = vpow2.f32 v6  }
0x1c0: {  	s21 =	simm.s32 $0x3C10;
	v3 =	vsel vm6, v3, v9;
	v4 =	vmul.f32 $1.442695020e+00, v4;
	[tilespmem:s25+$0x230] =	vst v1;
	(erf) = vpow2.f32 v7  }
0x1c1: {  	v3 =	vmul.f32 $1.442695020e+00, v3;
	v6 =	vld [tilespmem:s21+$0xC0];
	(erf) = vpow2.f32 v8  }
0x1c2: {  	vm7 =	vge.f32 v2, $0.0e+00;
	(erf) = vpow2.f32 v4  }
0x1c3: {  	v2 =	vsel vm7, v2, v5;
	(erf) = vpow2.f32 v3  }
0x1c4: {  	v2 =	vmul.f32 $1.442695020e+00, v2;
	_ =	sdelay $0x1  }
0x1c5: {  	v10 =	vpop (erf);
	(erf) = vpow2.f32 v2;
	v3 =	vunpack.i.l.bf16.f32 v6  }
0x1c6: {  	v2 =	vunpack.i.u.bf16.f32 v6;
	v3 =	vmul.f32 v1, v3  }
0x1c7: {  	[tilespmem:s25+$0xFFFFFED0] =	vst v10;
	v2 =	vmul.f32 v1, v2;
	v11 =	vpop (erf)  }
0x1c8: {  	[tilespmem:s25+$0x1B0] =	vst v3;
	v3 =	vld [tilespmem:s21+$0xFFFFFF40];
	v12 =	vpop (erf)  }
0x1c9: {  	[tilespmem:s25+$0x1C0] =	vst v2;
	v15 =	vpop (erf)  }
0x1ca: {  	[tilespmem:s25+$0xFFFFFF60] =	vst v11;
	v2 =	vld [tilespmem:s21+$0xD0];
	v18 =	vpop (erf)  }
0x1cb: {  	[tilespmem:s25+$0xFFFFFFF0] =	vst v12;
	v8 =	vpop (erf)  }
0x1cc: {  	v4 =	vld [tilespmem:s21+$0xFFFFFF80];
	[tilespmem:s25+$0xFFFFFE40] =	vst v8  }
0x1cd: {  	[tilespmem:s25+$0x80] =	vst v15;
	v5 =	vunpack.i.l.bf16.f32 v3;
	v6 =	vld [tilespmem:s21+$0xFFFFFF00]  }
0x1ce: {  	[tilespmem:s25+$0x110] =	vst v18;
	v17 =	vpop (erf);
	v3 =	vunpack.i.u.bf16.f32 v3;
	v5 =	vmul.f32 v10, v5  }
0x1cf: {  	v9 =	vld [tilespmem:s21+$0xFFFFFFC0];
	[tilespmem:s25+$0x1A0] =	vst v17;
	v7 =	vunpack.i.l.bf16.f32 v2;
	v3 =	vmul.f32 v10, v3  }
0x1d0: {  	v2 =	vunpack.i.u.bf16.f32 v2;
	v7 =	vmul.f32 v7, v1;
	[tilespmem:s25+$0xFFFFFE50] =	vst v5  }
0x1d1: {  	v2 =	vmul.f32 v2, v1;
	v5 =	vunpack.i.l.bf16.f32 v4;
	[tilespmem:s25+$0xFFFFFE60] =	vst v3  }
0x1d2: {  	s22 =	simm.s32 $0x2A50;
	[tilespmem:s25+$0x1D0] =	vst v7;
	v7 =	vld [tilespmem:s21+$0x0];
	v5 =	vmul.f32 v11, v5;
	v13 =	vunpack.i.l.bf16.f32 v6  }
0x1d3: {  	v16 =	vld [tilespmem:s22+$0x30];
	[tilespmem:s25+$0x1E0] =	vst v2;
	v2 =	vunpack.i.u.bf16.f32 v6;
	v3 =	vmul.f32 v8, v13  }
0x1d4: {  	s26 =	simm.s32 $0x2F50;
	v6 =	vld [tilespmem:s21+$0xE0];
	v2 =	vmul.f32 v8, v2;
	[tilespmem:s25+$0xFFFFFEE0] =	vst v5;
	v5 =	vunpack.i.l.bf16.f32 v9  }
0x1d5: {  	v20 =	vld [tilespmem:s26+$0x30];
	v4 =	vunpack.i.u.bf16.f32 v4;
	v5 =	vmul.f32 v12, v5;
	[tilespmem:s25+$0xFFFFFDC0] =	vst v3  }
0x1d6: {  	v9 =	vunpack.i.u.bf16.f32 v9;
	v3 =	vmul.f32 v11, v4;
	v4 =	vld [tilespmem:s21+$0x40];
	[tilespmem:s25+$0xFFFFFDD0] =	vst v2  }
0x1d7: {  	v23 =	vld [tilespmem:s22+$0xFFFFFFD0];
	v9 =	vmul.f32 v12, v9;
	v2 =	vunpack.i.l.bf16.f32 v7;
	[tilespmem:s25+$0xFFFFFF70] =	vst v5  }
0x1d8: {  	v7 =	vunpack.i.u.bf16.f32 v7;
	[tilespmem:s25+$0xFFFFFEF0] =	vst v3;
	v3 =	vld [tilespmem:s21+$0x80];
	v2 =	vmul.f32 v15, v2  }
0x1d9: {  	v26 =	vld [tilespmem:s22+$0xFFFFFFE0];
	[tilespmem:s25+$0xFFFFFF80] =	vst v9;
	v5 =	vunpack.i.l.bf16.f32 v6;
	v7 =	vmul.f32 v15, v7  }
0x1da: {  	v9 =	vld [tilespmem:s21+$0xFFFFFF10];
	v6 =	vunpack.i.u.bf16.f32 v6;
	v5 =	vmul.f32 v5, v1;
	[tilespmem:s25+$0x0] =	vst v2  }
0x1db: {  	v28 =	vld [tilespmem:s26+$0xFFFFFFE0];
	v16 =	vadd.f32 v20, v16;
	v2 =	vmul.f32 v6, v1;
	[tilespmem:s25+$0x10] =	vst v7;
	v6 =	vunpack.i.l.bf16.f32 v4  }
0x1dc: {  	[tilespmem:s25+$0x1F0] =	vst v5;
	v5 =	vld [tilespmem:s21+$0xFFFFFF50];
	v4 =	vunpack.i.u.bf16.f32 v4;
	v6 =	vmul.f32 v18, v6  }
0x1dd: {  	v25 =	vld [tilespmem:s26+$0xFFFFFFD0];
	v31 =	vmul.f32 $2.000000030e-01, v16;
	[tilespmem:s25+$0x200] =	vst v2;
	v4 =	vmul.f32 v18, v4;
	v2 =	vunpack.i.l.bf16.f32 v3  }
0x1de: {  	vm8 =	vge.f32 v16, $0.0e+00;
	v7 =	vld [tilespmem:s21+$0xFFFFFF90];
	v3 =	vunpack.i.u.bf16.f32 v3;
	v2 =	vmul.f32 v17, v2;
	[tilespmem:s25+$0x90] =	vst v6  }
0x1df: {  	v16 =	vsel vm8, v16, v31;
	v3 =	vmul.f32 v17, v3;
	v6 =	vunpack.i.l.bf16.f32 v9;
	[tilespmem:s25+$0xA0] =	vst v4;
	v4 =	vld [tilespmem:s21+$0xFFFFFFD0]  }
0x1e0: {  	v16 =	vmul.f32 $1.442695020e+00, v16;
	v9 =	vunpack.i.u.bf16.f32 v9;
	v6 =	vmul.f32 v6, v8;
	[tilespmem:s25+$0x120] =	vst v2  }
0x1e1: {  	v26 =	vadd.f32 v28, v26;
	v28 =	vld [tilespmem:s22+$0x20];
	v9 =	vmul.f32 v9, v8;
	v2 =	vunpack.i.l.bf16.f32 v5;
	[tilespmem:s25+$0x130] =	vst v3  }
0x1e2: {  	(erf) = vpow2.f32 v16;
	v16 =	vld [tilespmem:s26+$0x20];
	v3 =	vunpack.i.u.bf16.f32 v5;
	v2 =	vmul.f32 v2, v10;
	[tilespmem:s25+$0xFFFFFDE0] =	vst v6  }
0x1e3: {  	v5 =	vld [tilespmem:s21+$0x10];
	v3 =	vmul.f32 v3, v10;
	v6 =	vunpack.i.l.bf16.f32 v7;
	[tilespmem:s25+$0xFFFFFDF0] =	vst v9;
	v7 =	vunpack.i.u.bf16.f32 v7  }
0x1e4: {  	v23 =	vadd.f32 v25, v23;
	v9 =	vld [tilespmem:s21+$0x50];
	v7 =	vmul.f32 v7, v11;
	[tilespmem:s25+$0xFFFFFE70] =	vst v2;
	v2 =	vunpack.i.l.bf16.f32 v4  }
0x1e5: {  	v6 =	vmul.f32 v6, v11;
	[tilespmem:s25+$0xFFFFFE80] =	vst v3;
	v3 =	vunpack.i.u.bf16.f32 v4;
	v4 =	vmul.f32 v2, v12;
	v2 =	vld [tilespmem:s21+$0xF0]  }
0x1e6: {  	[tilespmem:s25+$0xFFFFFF10] =	vst v7;
	v7 =	vld [tilespmem:s21+$0x90]  }
0x1e7: {  	v29 =	vld [tilespmem:s22+$0xFFFFFFF0];
	vm9 =	vge.f32 v23, $0.0e+00;
	vm10 =	vge.f32 v26, $0.0e+00;
	[tilespmem:s25+$0xFFFFFF00] =	vst v6  }
0x1e8: {  	v16 =	vadd.f32 v16, v28;
	v3 =	vmul.f32 v3, v12;
	v6 =	vunpack.i.l.bf16.f32 v5;
	[tilespmem:s25+$0xFFFFFF90] =	vst v4;
	v4 =	vld [tilespmem:s21+$0xFFFFFF20]  }
0x1e9: {  	v33 =	vld [tilespmem:s22+$0x0];
	v5 =	vunpack.i.u.bf16.f32 v5;
	v6 =	vmul.f32 v6, v15;
	v13 =	vunpack.i.l.bf16.f32 v9  }
0x1ea: {  	v5 =	vmul.f32 v5, v15;
	[tilespmem:s25+$0xFFFFFFA0] =	vst v3;
	v3 =	vunpack.i.u.bf16.f32 v9;
	v9 =	vmul.f32 v13, v18;
	v13 =	vld [tilespmem:s21+$0xFFFFFF60]  }
0x1eb: {  	v30 =	vld [tilespmem:s26+$0xFFFFFFF0];
	v3 =	vmul.f32 v3, v18;
	[tilespmem:s25+$0x20] =	vst v6;
	v14 =	vunpack.i.u.bf16.f32 v2;
	v19 =	vunpack.i.l.bf16.f32 v7  }
0x1ec: {  	v6 =	vld [tilespmem:s21+$0xFFFFFFA0];
	[tilespmem:s25+$0x30] =	vst v5;
	v7 =	vunpack.i.u.bf16.f32 v7;
	v2 =	vunpack.i.l.bf16.f32 v2;
	v14 =	vmul.f32 v14, v1  }
0x1ed: {  	v5 =	vld [tilespmem:s21+$0xFFFFFFE0];
	[tilespmem:s25+$0xB0] =	vst v9;
	v19 =	vmul.f32 v19, v17;
	v7 =	vmul.f32 v7, v17;
	v21 =	vunpack.i.l.bf16.f32 v4  }
0x1ee: {  	v34 =	vld [tilespmem:s26+$0x0];
	[tilespmem:s25+$0xC0] =	vst v3;
	v1 =	vmul.f32 v2, v1;
	v4 =	vunpack.i.u.bf16.f32 v4;
	v21 =	vmul.f32 v21, v8  }
0x1ef: {  	v3 =	vld [tilespmem:s21+$0x60];
	v4 =	vmul.f32 v4, v8;
	v24 =	vunpack.i.u.bf16.f32 v13;
	v13 =	vunpack.i.l.bf16.f32 v13;
	[tilespmem:s25+$0x140] =	vst v19  }
0x1f0: {  	v19 =	vmul.f32 $2.000000030e-01, v23;
	[tilespmem:s25+$0x150] =	vst v7;
	v7 =	vadd.f32 v30, v29;
	v13 =	vmul.f32 v13, v10  }
0x1f1: {  	v24 =	vmul.f32 v24, v10;
	v27 =	vunpack.i.u.bf16.f32 v6;
	v6 =	vunpack.i.l.bf16.f32 v6  }
0x1f2: {  	v22 =	vld [tilespmem:s26+$0xFFFFFFC0];
	v6 =	vmul.f32 v6, v11;
	v20 =	vmul.f32 v27, v11;
	v27 =	vunpack.i.l.bf16.f32 v5  }
0x1f3: {  	v25 =	vld [tilespmem:s22+$0x10];
	v5 =	vunpack.i.u.bf16.f32 v5;
	[tilespmem:s25+$0xFFFFFE00] =	vst v21;
	v21 =	vmul.f32 $2.000000030e-01, v26;
	v19 =	vsel vm9, v23, v19  }
0x1f4: {  	v23 =	vld [tilespmem:s22+$0xFFFFFFC0];
	[tilespmem:s25+$0xFFFFFE10] =	vst v4;
	v4 =	vadd.f32 v34, v33;
	v5 =	vmul.f32 v5, v12;
	v31 =	vunpack.i.l.bf16.f32 v3  }
0x1f5: {  	[tilespmem:s25+$0x220] =	vst v14;
	v3 =	vunpack.i.u.bf16.f32 v3;
	v19 =	vmul.f32 $1.442695020e+00, v19;
	v14 =	vmul.f32 v31, v18;
	v31 =	vld [tilespmem:s26+$0x10]  }
0x1f6: {  	vm11 =	vge.f32 v7, $0.0e+00;
	[tilespmem:s25+$0xFFFFFE90] =	vst v13;
	v13 =	vmul.f32 $2.000000030e-01, v7;
	v3 =	vmul.f32 v3, v18  }
0x1f7: {  	[tilespmem:s25+$0xFFFFFEA0] =	vst v24;
	v21 =	vsel vm10, v26, v21;
	vm12 =	vge.f32 v4, $0.0e+00;
	v24 =	vmul.f32 $2.000000030e-01, v4  }
0x1f8: {  	[tilespmem:s25+$0xFFFFFF20] =	vst v6;
	(erf) = vpow2.f32 v19;
	v6 =	vmul.f32 $1.442695020e+00, v21;
	v7 =	vsel vm11, v7, v13  }
0x1f9: {  	v21 =	vld [tilespmem:s21+$0xA0];
	[tilespmem:s25+$0xFFFFFFC0] =	vst v5;
	v5 =	vmul.f32 $2.000000030e-01, v16;
	v7 =	vmul.f32 $1.442695020e+00, v7;
	v4 =	vsel vm12, v4, v24  }
0x1fa: {  	v19 =	vadd.f32 v22, v23;
	(erf) = vpow2.f32 v6;
	v25 =	vadd.f32 v31, v25  }
0x1fb: {  	vm14 =	vge.f32 v16, $0.0e+00;
	v4 =	vmul.f32 $1.442695020e+00, v4;
	(erf) = vpow2.f32 v7  }
0x1fc: {  	v9 =	vld [tilespmem:s21+$0x20];
	v5 =	vsel vm14, v16, v5;
	v22 =	vmul.f32 $2.000000030e-01, v19;
	v13 =	vmul.f32 $2.000000030e-01, v25  }
0x1fd: {  	s29 =	simm.s32 $0x6250;
	[tilespmem:s25+$0xFFFFFF30] =	vst v20;
	v20 =	vpop (erf);
	vm15 =	vge.f32 v19, $0.0e+00;
	(erf) = vpow2.f32 v4;
	vm13 =	vge.f32 v25, $0.0e+00  }
0x1fe: {  	s28 =	simm.s32 $0x3E10;
	[tilespmem:s29+$0x230] =	vst v20;
	v4 =	vmul.f32 $1.442695020e+00, v5;
	v5 =	vunpack.i.l.bf16.f32 v21;
	v13 =	vsel vm13, v25, v13  }
0x1ff: {  	[tilespmem:s25+$0x210] =	vst v1;
	v5 =	vmul.f32 v5, v17;
	v6 =	vmul.f32 $1.442695020e+00, v13;
	v13 =	vsel vm15, v19, v22;
	v19 =	vld [tilespmem:s28+$0xC0]  }
0x200: {  	[tilespmem:s25+$0xE0] =	vst v3  }
0x201: {  	v32 =	vunpack.i.l.bf16.f32 v9;
	v27 =	vmul.f32 v27, v12;
	[tilespmem:s25+$0x160] =	vst v5;
	v3 =	vpop (erf)  }
0x202: {  	v9 =	vunpack.i.u.bf16.f32 v9;
	v32 =	vmul.f32 v32, v15;
	v5 =	vld [tilespmem:s21+$0xFFFFFF70];
	v7 =	vmul.f32 $1.442695020e+00, v13;
	[tilespmem:s29+$0xFFFFFED0] =	vst v3  }
0x203: {  	v9 =	vmul.f32 v9, v15;
	[tilespmem:s25+$0xFFFFFFB0] =	vst v27;
	(erf) = vpow2.f32 v6;
	v6 =	vunpack.i.u.bf16.f32 v21;
	v13 =	vld [tilespmem:s28+$0xFFFFFF40]  }
0x204: {  	[tilespmem:s25+$0x40] =	vst v32;
	(erf) = vpow2.f32 v7;
	v6 =	vmul.f32 v6, v17;
	v2 =	vunpack.i.l.bf16.f32 v19  }
0x205: {  	[tilespmem:s25+$0x50] =	vst v9;
	v9 =	vld [tilespmem:s21+$0xFFFFFFB0];
	(erf) = vpow2.f32 v4;
	v4 =	vunpack.i.u.bf16.f32 v19;
	v2 =	vmul.f32 v20, v2  }
0x206: {  	[tilespmem:s25+$0xD0] =	vst v14;
	v4 =	vmul.f32 v20, v4  }
0x207: {  	[tilespmem:s29+$0x1B0] =	vst v2  }
0x208: {  	v7 =	vld [tilespmem:s21+$0xFFFFFF30];
	v24 =	vunpack.i.u.bf16.f32 v5;
	v25 =	vunpack.i.l.bf16.f32 v5;
	v5 =	vunpack.i.l.bf16.f32 v13;
	[tilespmem:s29+$0x1C0] =	vst v4  }
0x209: {  	[tilespmem:s25+$0x170] =	vst v6;
	v6 =	vpop (erf);
	v13 =	vunpack.i.u.bf16.f32 v13;
	v28 =	vmul.f32 v3, v5;
	v16 =	vld [tilespmem:s28+$0xD0]  }
0x20a: {  	v27 =	vunpack.i.u.bf16.f32 v9;
	v30 =	vunpack.i.l.bf16.f32 v9;
	[tilespmem:s29+$0xFFFFFF60] =	vst v6;
	v9 =	vmul.f32 v3, v13  }
0x20b: {  	v19 =	vld [tilespmem:s21+$0x30];
	v4 =	vpop (erf);
	[tilespmem:s29+$0xFFFFFE50] =	vst v28  }
0x20c: {  	v26 =	vld [tilespmem:s28+$0xFFFFFF80];
	[tilespmem:s29+$0xFFFFFE60] =	vst v9;
	v2 =	vpop (erf)  }
0x20d: {  	[tilespmem:s29+$0xFFFFFFF0] =	vst v4;
	v1 =	vpop (erf)  }
0x20e: {  	v21 =	vld [tilespmem:s21+$0x70];
	v22 =	vunpack.i.u.bf16.f32 v7;
	v23 =	vunpack.i.l.bf16.f32 v7;
	[tilespmem:s29+$0x80] =	vst v2;
	v7 =	vpop (erf);
	v13 =	vunpack.i.l.bf16.f32 v16  }
0x20f: {  	v57 =	vld [tilespmem:s28+$0xFFFFFFC0];
	[tilespmem:s29+$0xFFFFFE40] =	vst v7;
	v16 =	vunpack.i.u.bf16.f32 v16;
	v13 =	vmul.f32 v13, v20  }
0x210: {  	v28 =	vunpack.i.u.bf16.f32 v19;
	[tilespmem:s29+$0x110] =	vst v1;
	v29 =	vld [tilespmem:s28+$0xFFFFFF00];
	v9 =	vmul.f32 v16, v20  }
0x211: {  	v16 =	vunpack.i.l.bf16.f32 v19;
	v19 =	vmul.f32 v23, v8;
	v23 =	vunpack.i.l.bf16.f32 v26;
	[tilespmem:s29+$0x1D0] =	vst v13  }
0x212: {  	v23 =	vmul.f32 v6, v23;
	[tilespmem:s29+$0x1E0] =	vst v9  }
0x213: {  	v58 =	vunpack.i.u.bf16.f32 v21;
	v59 =	vld [tilespmem:s28+$0x0];
	[tilespmem:s25+$0xFFFFFE20] =	vst v19;
	v19 =	vunpack.i.l.bf16.f32 v21;
	v21 =	vunpack.i.u.bf16.f32 v26  }
0x214: {  	v5 =	vpop (erf);
	v8 =	vmul.f32 v22, v8;
	v22 =	vld [tilespmem:s28+$0xE0];
	[tilespmem:s29+$0xFFFFFEE0] =	vst v23;
	v23 =	vunpack.i.l.bf16.f32 v57;
	v21 =	vmul.f32 v6, v21  }
0x215: {  	[tilespmem:s29+$0x1A0] =	vst v5;
	v23 =	vmul.f32 v4, v23;
	v13 =	vunpack.i.l.bf16.f32 v29;
	v9 =	vunpack.i.u.bf16.f32 v29  }
0x216: {  	v14 =	vld [tilespmem:s21+$0xFFFFFFF0];
	[tilespmem:s29+$0xFFFFFEF0] =	vst v21;
	v13 =	vmul.f32 v7, v13;
	v26 =	vmul.f32 v7, v9  }
0x217: {  	v9 =	vmul.f32 v25, v10;
	v10 =	vmul.f32 v24, v10;
	v24 =	vld [tilespmem:s28+$0x40];
	v25 =	vunpack.i.u.bf16.f32 v57;
	[tilespmem:s29+$0xFFFFFF70] =	vst v23  }
0x218: {  	v25 =	vmul.f32 v4, v25;
	[tilespmem:s29+$0xFFFFFDD0] =	vst v26;
	v26 =	vunpack.i.l.bf16.f32 v59  }
0x219: {  	v21 =	vld [tilespmem:s28+$0x80];
	[tilespmem:s29+$0xFFFFFDC0] =	vst v13;
	v23 =	vunpack.i.l.bf16.f32 v22;
	v26 =	vmul.f32 v2, v26  }
0x21a: {  	v13 =	vmul.f32 v30, v11;
	v22 =	vunpack.i.u.bf16.f32 v22;
	[tilespmem:s29+$0xFFFFFF80] =	vst v25;
	v23 =	vmul.f32 v23, v20  }
0x21b: {  	v11 =	vmul.f32 v27, v11;
	v27 =	vld [tilespmem:s28+$0xFFFFFF50];
	v25 =	vunpack.i.u.bf16.f32 v59;
	v22 =	vmul.f32 v22, v20;
	[tilespmem:s29+$0x0] =	vst v26  }
0x21c: {  	v31 =	vunpack.i.u.bf16.f32 v14;
	v25 =	vmul.f32 v2, v25;
	v30 =	vunpack.i.l.bf16.f32 v24;
	[tilespmem:s29+$0x1F0] =	vst v23  }
0x21d: {  	v16 =	vmul.f32 v16, v15;
	v29 =	vld [tilespmem:s28+$0xFFFFFF10];
	v23 =	vunpack.i.u.bf16.f32 v24;
	[tilespmem:s29+$0x200] =	vst v22;
	v24 =	vmul.f32 v1, v30  }
0x21e: {  	v22 =	vunpack.i.u.bf16.f32 v21;
	v21 =	vunpack.i.l.bf16.f32 v21;
	v23 =	vmul.f32 v1, v23;
	[tilespmem:s29+$0x10] =	vst v25  }
0x21f: {  	v14 =	vunpack.i.l.bf16.f32 v14;
	v15 =	vmul.f32 v28, v15;
	v28 =	vld [tilespmem:s28+$0xFFFFFF90];
	v21 =	vmul.f32 v5, v21;
	[tilespmem:s29+$0x90] =	vst v24  }
0x220: {  	v22 =	vmul.f32 v5, v22;
	v30 =	vunpack.i.u.bf16.f32 v27;
	v27 =	vunpack.i.l.bf16.f32 v27;
	[tilespmem:s29+$0xA0] =	vst v23  }
0x221: {  	v14 =	vmul.f32 v14, v12;
	v26 =	vld [tilespmem:s21+$0xB0];
	v24 =	vmul.f32 v27, v3;
	[tilespmem:s29+$0x120] =	vst v21  }
0x222: {  	v12 =	vmul.f32 v31, v12;
	v25 =	vld [tilespmem:s28+$0xF0];
	v31 =	vunpack.i.l.bf16.f32 v29;
	v23 =	vmul.f32 v30, v3;
	[tilespmem:s29+$0x130] =	vst v22  }
0x223: {  	v27 =	vld [tilespmem:s28+$0xFFFFFFD0];
	v29 =	vunpack.i.u.bf16.f32 v29;
	v30 =	vmul.f32 v31, v7;
	[tilespmem:s29+$0xFFFFFE70] =	vst v24  }
0x224: {  	v22 =	vunpack.i.l.bf16.f32 v28;
	v21 =	vmul.f32 v29, v7;
	[tilespmem:s29+$0xFFFFFE80] =	vst v23  }
0x225: {  	v19 =	vmul.f32 v19, v18;
	v28 =	vunpack.i.u.bf16.f32 v28;
	v22 =	vmul.f32 v22, v6;
	[tilespmem:s29+$0xFFFFFDE0] =	vst v30  }
0x226: {  	v18 =	vmul.f32 v58, v18;
	v29 =	vld [tilespmem:s28+$0x10];
	v28 =	vmul.f32 v28, v6;
	[tilespmem:s29+$0xFFFFFDF0] =	vst v21  }
0x227: {  	v60 =	vld [tilespmem:s28+$0x50];
	v31 =	vunpack.i.u.bf16.f32 v26;
	v30 =	vunpack.i.u.bf16.f32 v25;
	v23 =	vunpack.i.l.bf16.f32 v25;
	[tilespmem:s29+$0xFFFFFF00] =	vst v22  }
0x228: {  	v61 =	vld [tilespmem:s28+$0xFFFFFF60];
	[tilespmem:s29+$0xFFFFFF10] =	vst v28;
	v21 =	vmul.f32 v30, v20;
	v30 =	vunpack.i.u.bf16.f32 v27;
	v27 =	vunpack.i.l.bf16.f32 v27  }
0x229: {  	v24 =	vunpack.i.l.bf16.f32 v26;
	v20 =	vmul.f32 v23, v20;
	v62 =	vld [tilespmem:s28+$0xFFFFFFA0];
	v26 =	vmul.f32 v27, v4  }
0x22a: {  	v27 =	vmul.f32 v30, v4;
	v30 =	vld [tilespmem:s28+$0x90];
	[tilespmem:s29+$0x220] =	vst v21;
	v21 =	vmul.f32 v24, v17  }
0x22b: {  	v17 =	vmul.f32 v31, v17;
	v24 =	vld [tilespmem:s28+$0xFFFFFF20];
	v25 =	vunpack.i.u.bf16.f32 v29;
	v29 =	vunpack.i.l.bf16.f32 v29  }
0x22c: {  	v22 =	vunpack.i.l.bf16.f32 v60;
	v29 =	vmul.f32 v29, v2;
	v31 =	vmul.f32 v25, v2;
	[tilespmem:s29+$0xFFFFFF90] =	vst v26  }
0x22d: {  	v25 =	vunpack.i.u.bf16.f32 v60;
	v28 =	vmul.f32 v22, v1;
	[tilespmem:s29+$0xFFFFFFA0] =	vst v27;
	v26 =	vunpack.i.l.bf16.f32 v61  }
0x22e: {  	v63 =	vmul.f32 v25, v1;
	[tilespmem:s29+$0x20] =	vst v29;
	v29 =	vmul.f32 v26, v3  }
0x22f: {  	[tilespmem:s29+$0x30] =	vst v31;
	v31 =	vld [tilespmem:s28+$0xFFFFFFE0];
	v27 =	vunpack.i.l.bf16.f32 v62;
	v22 =	vunpack.i.u.bf16.f32 v30;
	v23 =	vunpack.i.l.bf16.f32 v30  }
0x230: {  	v35 =	vmul.f32 v23, v5;
	v23 =	vunpack.i.l.bf16.f32 v24;
	v24 =	vunpack.i.u.bf16.f32 v24  }
0x231: {  	[tilespmem:s29+$0xB0] =	vst v28;
	v28 =	vld [tilespmem:s28+$0x20];
	v25 =	vmul.f32 v23, v7;
	v23 =	vmul.f32 v24, v7;
	v24 =	vunpack.i.u.bf16.f32 v61  }
0x232: {  	s7 =	simm.s32 $0x3E10;
	[tilespmem:s29+$0xC0] =	vst v63;
	v22 =	vmul.f32 v22, v5;
	v26 =	vmul.f32 v24, v3;
	v24 =	vunpack.i.u.bf16.f32 v62  }
0x233: {  	s1 =	simm.s32 $0x6250;
	s22 =	simm.s32 $0x8;
	s21 =	simm.s32 $0x2AD0;
	v30 =	vmul.f32 v27, v6;
	v27 =	vld [tilespmem:s28+$0x60];
	[tilespmem:s29+$0x140] =	vst v35;
	v24 =	vmul.f32 v24, v6  }
.LBB2_7:
0x234: {  	v32 =	vld [tilespmem:s21+$0x30];
	v33 =	vunpack.i.u.bf16.f32 v31;
	v31 =	vunpack.i.l.bf16.f32 v31;
	[tilespmem:s29+$0x150] =	vst v22;
	s26 =	sadd.s32 $0x80, s26  }
0x235: {  	v22 =	vld [tilespmem:s26+$0x30];
	[tilespmem:s29+$0xFFFFFE00] =	vst v25;
	v25 =	vmul.f32 v31, v4;
	v31 =	vmul.f32 v33, v4  }
0x236: {  	v33 =	vld [tilespmem:s26+$0xFFFFFFC0];
	[tilespmem:s29+$0xFFFFFE10] =	vst v23;
	v23 =	vunpack.i.u.bf16.f32 v28;
	v28 =	vunpack.i.l.bf16.f32 v28  }
0x237: {  	v34 =	vld [tilespmem:s21+$0xFFFFFFD0];
	[tilespmem:s29+$0xFFFFFE90] =	vst v29;
	v28 =	vmul.f32 v28, v2;
	v23 =	vmul.f32 v23, v2  }
0x238: {  	s22 =	sadd.s32 $0x8, s22;
	v29 =	vld [tilespmem:s26+$0xFFFFFFD0];
	[tilespmem:s29+$0xFFFFFEA0] =	vst v26;
	v26 =	vunpack.i.u.bf16.f32 v27;
	v27 =	vunpack.i.l.bf16.f32 v27  }
0x239: {  	p0 =	slt.u32 s22, $0x20;
	v35 =	vld [tilespmem:s21+$0xFFFFFFE0];
	[tilespmem:s29+$0xFFFFFF20] =	vst v30;
	v27 =	vmul.f32 v27, v1;
	v26 =	vmul.f32 v26, v1  }
0x23a: {  	v30 =	vld [tilespmem:s26+$0xFFFFFFE0];
	v22 =	vadd.f32 v22, v32;
	[tilespmem:s29+$0xFFFFFF30] =	vst v24  }
0x23b: {  	v24 =	vld [tilespmem:s21+$0xFFFFFFF0];
	[tilespmem:s29+$0xFFFFFFB0] =	vst v25  }
0x23c: {  	v25 =	vld [tilespmem:s26+$0xFFFFFFF0];
	v32 =	vmul.f32 $2.000000030e-01, v22;
	[tilespmem:s29+$0xFFFFFFC0] =	vst v31  }
0x23d: {  	vm0 =	vge.f32 v22, $0.0e+00;
	v29 =	vadd.f32 v29, v34;
	v31 =	vld [tilespmem:s21+$0x0];
	[tilespmem:s29+$0x40] =	vst v28  }
0x23e: {  	v28 =	vld [tilespmem:s26+$0x0];
	v22 =	vsel vm0, v22, v32;
	[tilespmem:s29+$0x50] =	vst v23  }
0x23f: {  	v23 =	vmul.f32 $2.000000030e-01, v29;
	v30 =	vadd.f32 v30, v35;
	v32 =	vld [tilespmem:s21+$0x10];
	v22 =	vmul.f32 $1.442695020e+00, v22;
	[tilespmem:s29+$0xD0] =	vst v27  }
0x240: {  	vm0 =	vge.f32 v29, $0.0e+00;
	v27 =	vld [tilespmem:s26+$0x10];
	[tilespmem:s29+$0xE0] =	vst v26  }
0x241: {  	v26 =	vmul.f32 $2.000000030e-01, v30;
	v24 =	vadd.f32 v25, v24;
	v25 =	vld [tilespmem:s21+$0x20];
	(erf) = vpow2.f32 v22;
	[tilespmem:s25+$0xFFFFFE30] =	vst v8  }
0x242: {  	v8 =	vsel vm0, v29, v23;
	vm0 =	vge.f32 v30, $0.0e+00;
	v22 =	vld [tilespmem:s26+$0x20];
	[tilespmem:s25+$0xFFFFFEB0] =	vst v9  }
0x243: {  	v9 =	vld [tilespmem:s21+$0xFFFFFFC0];
	vm1 =	vge.f32 v24, $0.0e+00;
	v23 =	vmul.f32 $2.000000030e-01, v24;
	v28 =	vadd.f32 v28, v31;
	[tilespmem:s25+$0xFFFFFEC0] =	vst v10  }
0x244: {  	v8 =	vmul.f32 $1.442695020e+00, v8;
	v10 =	vsel vm0, v30, v26;
	v26 =	vld [tilespmem:s28+$0xA0];
	[tilespmem:s25+$0xFFFFFF40] =	vst v13  }
0x245: {  	vm0 =	vge.f32 v28, $0.0e+00;
	v13 =	vmul.f32 $2.000000030e-01, v28;
	v27 =	vadd.f32 v27, v32;
	v29 =	vld [tilespmem:s28+$0xFFFFFF30];
	[tilespmem:s25+$0xFFFFFF50] =	vst v11  }
0x246: {  	v10 =	vmul.f32 $1.442695020e+00, v10;
	v11 =	vsel vm1, v24, v23;
	(erf) = vpow2.f32 v8;
	v8 =	vld [tilespmem:s28+$0xFFFFFF70];
	[tilespmem:s25+$0xFFFFFFD0] =	vst v14  }
0x247: {  	vm1 =	vge.f32 v27, $0.0e+00;
	v14 =	vmul.f32 $2.000000030e-01, v27;
	v23 =	vadd.f32 v22, v25;
	v24 =	vld [tilespmem:s28+$0xFFFFFFB0];
	[tilespmem:s25+$0xFFFFFFE0] =	vst v12  }
0x248: {  	v11 =	vmul.f32 $1.442695020e+00, v11;
	v12 =	vsel vm0, v28, v13;
	v9 =	vadd.f32 v33, v9;
	v13 =	vld [tilespmem:s28+$0xFFFFFFF0];
	[tilespmem:s25+$0x60] =	vst v16  }
0x249: {  	s29 =	sadd.s32 $0x480, s29;
	v14 =	vsel vm1, v27, v14;
	vm0 =	vge.f32 v23, $0.0e+00;
	v16 =	vmul.f32 $2.000000030e-01, v23;
	v25 =	vld [tilespmem:s28+$0x30];
	[tilespmem:s25+$0x70] =	vst v15  }
0x24a: {  	v12 =	vmul.f32 $1.442695020e+00, v12;
	vm1 =	vge.f32 v9, $0.0e+00;
	v15 =	vmul.f32 $2.000000030e-01, v9;
	v22 =	vpop (erf);
	v27 =	vld [tilespmem:s28+$0x70]  }
0x24b: {  	v14 =	vmul.f32 $1.442695020e+00, v14;
	s28 =	sadd.s32 $0x200, s28;
	v16 =	vsel vm0, v23, v16;
	[tilespmem:s29+$0x230] =	vst v22;
	(erf) = vpow2.f32 v10  }
0x24c: {  	v9 =	vsel vm1, v9, v15;
	v10 =	vmul.f32 $1.442695020e+00, v16;
	v15 =	vld [tilespmem:s28+$0xC0];
	(erf) = vpow2.f32 v11;
	[tilespmem:s25+$0xF0] =	vst v19  }
0x24d: {  	v11 =	vunpack.i.u.bf16.f32 v26;
	v9 =	vmul.f32 $1.442695020e+00, v9;
	(erf) = vpow2.f32 v12;
	[tilespmem:s25+$0x100] =	vst v18  }
0x24e: {  	v12 =	vunpack.i.l.bf16.f32 v26;
	v11 =	vmul.f32 v11, v5;
	(erf) = vpow2.f32 v14;
	[tilespmem:s25+$0x180] =	vst v21  }
0x24f: {  	v12 =	vmul.f32 v12, v5;
	(erf) = vpow2.f32 v9;
	v14 =	vpop (erf);
	v9 =	vunpack.i.u.bf16.f32 v29;
	[tilespmem:s25+$0x190] =	vst v17;
	s25 =	smov.u32 s1;
	s1 =	smov.u32 s29  }
0x250: {  	v16 =	vunpack.i.u.bf16.f32 v8;
	[tilespmem:s29+$0xFFFFFED0] =	vst v14;
	(erf) = vpow2.f32 v10;
	v10 =	vunpack.i.l.bf16.f32 v29  }
0x251: {  	v19 =	vunpack.i.l.bf16.f32 v8;
	v21 =	vunpack.i.u.bf16.f32 v24;
	v17 =	vld [tilespmem:s28+$0xFFFFFF40];
	v18 =	vunpack.i.l.bf16.f32 v15;
	[tilespmem:s25+$0x160] =	vst v12  }
0x252: {  	v8 =	vunpack.i.u.bf16.f32 v15;
	v15 =	vunpack.i.l.bf16.f32 v24;
	v12 =	vmul.f32 v22, v18;
	[tilespmem:s25+$0x170] =	vst v11  }
0x253: {  	v23 =	vunpack.i.l.bf16.f32 v13;
	v8 =	vmul.f32 v22, v8;
	v18 =	vunpack.i.u.bf16.f32 v13;
	v11 =	vld [tilespmem:s7+$0xB0];
	[tilespmem:s25+$0x210] =	vst v20;
	s7 =	smov.u32 s28  }
0x254: {  	v26 =	vunpack.i.u.bf16.f32 v27;
	v24 =	vunpack.i.u.bf16.f32 v25;
	v25 =	vunpack.i.l.bf16.f32 v25;
	[tilespmem:s29+$0x1B0] =	vst v12;
	v20 =	vpop (erf)  }
0x255: {  	v27 =	vunpack.i.l.bf16.f32 v27;
	v29 =	vmul.f32 v10, v7;
	[tilespmem:s29+$0x1C0] =	vst v8;
	v28 =	vpop (erf);
	v8 =	vmul.f32 v9, v7  }
0x256: {  	v9 =	vmul.f32 v19, v3;
	v12 =	vunpack.i.u.bf16.f32 v17;
	v10 =	vunpack.i.l.bf16.f32 v17;
	[tilespmem:s29+$0xFFFFFF60] =	vst v20;
	v17 =	vld [tilespmem:s28+$0xD0];
	v30 =	vpop (erf)  }
0x257: {  	v19 =	vmul.f32 v14, v10;
	v31 =	vmul.f32 v14, v12;
	v32 =	vld [tilespmem:s28+$0xFFFFFF80];
	[tilespmem:s29+$0xFFFFFFF0] =	vst v28;
	v33 =	vpop (erf)  }
0x258: {  	v10 =	vmul.f32 v16, v3;
	v34 =	vld [tilespmem:s28+$0xFFFFFFC0];
	[tilespmem:s29+$0x80] =	vst v30;
	v7 =	vpop (erf);
	v35 =	vunpack.i.u.bf16.f32 v11;
	v36 =	vunpack.i.l.bf16.f32 v11  }
0x259: {  	v13 =	vmul.f32 v15, v6;
	v3 =	vmov v14;
	v11 =	vmul.f32 v21, v6;
	[tilespmem:s29+$0xFFFFFE40] =	vst v7;
	v37 =	vld [tilespmem:s28+$0x0];
	v38 =	vpop (erf)  }
0x25a: {  	v14 =	vmul.f32 v23, v4;
	v12 =	vmul.f32 v18, v4;
	v4 =	vmovc v28;
	v6 =	vmov v20;
	v21 =	vld [tilespmem:s28+$0xFFFFFF00];
	[tilespmem:s29+$0x110] =	vst v33  }
0x25b: {  	v15 =	vmul.f32 v24, v2;
	v16 =	vmul.f32 v25, v2;
	v2 =	vmovc v30;
	v18 =	vld [tilespmem:s28+$0x40];
	[tilespmem:s29+$0x1A0] =	vst v38;
	v20 =	vunpack.i.l.bf16.f32 v17  }
0x25c: {  	v17 =	vunpack.i.u.bf16.f32 v17;
	[tilespmem:s29+$0xFFFFFE50] =	vst v19;
	v19 =	vunpack.i.u.bf16.f32 v32;
	v23 =	vld [tilespmem:s28+$0x80];
	v20 =	vmul.f32 v20, v22  }
0x25d: {  	v24 =	vunpack.i.l.bf16.f32 v32;
	v17 =	vmul.f32 v17, v22;
	[tilespmem:s29+$0xFFFFFE60] =	vst v31;
	v25 =	vunpack.i.u.bf16.f32 v34  }
0x25e: {  	v30 =	vunpack.i.l.bf16.f32 v34;
	v28 =	vld [tilespmem:s28+$0xFFFFFF50];
	v31 =	vunpack.i.u.bf16.f32 v37;
	v32 =	vunpack.i.l.bf16.f32 v37;
	[tilespmem:s29+$0x1D0] =	vst v20  }
0x25f: {  	v24 =	vmul.f32 v6, v24;
	v20 =	vunpack.i.u.bf16.f32 v21;
	v21 =	vunpack.i.l.bf16.f32 v21;
	[tilespmem:s29+$0x1E0] =	vst v17  }
0x260: {  	v17 =	vmul.f32 v7, v21;
	v21 =	vunpack.i.u.bf16.f32 v18;
	v18 =	vunpack.i.l.bf16.f32 v18;
	v34 =	vld [tilespmem:s28+$0xE0];
	[tilespmem:s25+$0xFFFFFE20] =	vst v29  }
0x261: {  	v20 =	vmul.f32 v7, v20;
	[tilespmem:s29+$0xFFFFFEE0] =	vst v24;
	v24 =	vunpack.i.u.bf16.f32 v23;
	v23 =	vunpack.i.l.bf16.f32 v23  }
0x262: {  	[tilespmem:s29+$0xFFFFFDC0] =	vst v17;
	v17 =	vmul.f32 v6, v19;
	v19 =	vmul.f32 v4, v30  }
0x263: {  	v25 =	vmul.f32 v4, v25;
	v29 =	vmul.f32 v2, v32;
	[tilespmem:s29+$0xFFFFFDD0] =	vst v20;
	v20 =	vunpack.i.u.bf16.f32 v28  }
0x264: {  	v28 =	vunpack.i.l.bf16.f32 v28;
	v30 =	vld [tilespmem:s28+$0xFFFFFF10];
	[tilespmem:s29+$0xFFFFFEF0] =	vst v17;
	v17 =	vmul.f32 v2, v31;
	v31 =	vmul.f32 v33, v18  }
0x265: {  	v21 =	vmul.f32 v33, v21;
	v23 =	vmul.f32 v38, v23;
	v32 =	vld [tilespmem:s28+$0xFFFFFF90];
	[tilespmem:s29+$0xFFFFFF70] =	vst v19;
	v18 =	vunpack.i.l.bf16.f32 v34  }
0x266: {  	v24 =	vmul.f32 v38, v24;
	v19 =	vunpack.i.u.bf16.f32 v34;
	[tilespmem:s29+$0xFFFFFF80] =	vst v25;
	v18 =	vmul.f32 v18, v22  }
0x267: {  	v25 =	vmul.f32 v28, v3;
	v28 =	vld [tilespmem:s28+$0xFFFFFFD0];
	[tilespmem:s29+$0x0] =	vst v29;
	v29 =	vmul.f32 v19, v22  }
0x268: {  	v34 =	vmul.f32 v20, v3;
	v19 =	vmul.f32 v27, v1;
	[tilespmem:s29+$0x1F0] =	vst v18  }
0x269: {  	v18 =	vmul.f32 v26, v1;
	v1 =	vmovc v33;
	v20 =	vunpack.i.u.bf16.f32 v30;
	v27 =	vunpack.i.l.bf16.f32 v30;
	[tilespmem:s29+$0x200] =	vst v29  }
0x26a: {  	v26 =	vmul.f32 v27, v7;
	v27 =	vunpack.i.u.bf16.f32 v32;
	v29 =	vunpack.i.l.bf16.f32 v32;
	[tilespmem:s29+$0x10] =	vst v17;
	v30 =	vld [tilespmem:s28+$0xF0]  }
0x26b: {  	v20 =	vmul.f32 v20, v7;
	v29 =	vmul.f32 v29, v6;
	v32 =	vld [tilespmem:s28+$0x10];
	[tilespmem:s29+$0x90] =	vst v31  }
0x26c: {  	v27 =	vmul.f32 v27, v6;
	v17 =	vunpack.i.u.bf16.f32 v28;
	v28 =	vunpack.i.l.bf16.f32 v28;
	[tilespmem:s29+$0xA0] =	vst v21  }
0x26d: {  	v28 =	vmul.f32 v28, v4;
	v31 =	vmul.f32 v17, v4;
	v33 =	vld [tilespmem:s28+$0x50];
	[tilespmem:s29+$0x120] =	vst v23  }
0x26e: {  	v21 =	vmul.f32 v36, v5;
	v17 =	vmul.f32 v35, v5;
	v5 =	vmov v38;
	[tilespmem:s29+$0x130] =	vst v24  }
0x26f: {  	[tilespmem:s29+$0xFFFFFDE0] =	vst v26;
	v23 =	vld [tilespmem:s28+$0x90];
	v24 =	vunpack.i.u.bf16.f32 v30;
	v26 =	vunpack.i.l.bf16.f32 v30  }
0x270: {  	[tilespmem:s29+$0xFFFFFDF0] =	vst v20;
	v20 =	vunpack.i.u.bf16.f32 v32;
	v30 =	vunpack.i.l.bf16.f32 v32;
	v24 =	vmul.f32 v24, v22  }
0x271: {  	v32 =	vld [tilespmem:s28+$0xFFFFFF20];
	[tilespmem:s29+$0xFFFFFE70] =	vst v25;
	v30 =	vmul.f32 v30, v2;
	v35 =	vmul.f32 v20, v2  }
0x272: {  	v20 =	vmul.f32 v26, v22;
	v25 =	vunpack.i.u.bf16.f32 v33;
	v33 =	vunpack.i.l.bf16.f32 v33;
	[tilespmem:s29+$0x220] =	vst v24  }
0x273: {  	[tilespmem:s29+$0xFFFFFE80] =	vst v34;
	v24 =	vmul.f32 v33, v1;
	v33 =	vmul.f32 v25, v1  }
0x274: {  	v26 =	vld [tilespmem:s28+$0xFFFFFF60];
	[tilespmem:s29+$0xFFFFFF00] =	vst v29;
	v22 =	vunpack.i.u.bf16.f32 v23;
	v23 =	vunpack.i.l.bf16.f32 v23  }
0x275: {  	[tilespmem:s29+$0xFFFFFF10] =	vst v27;
	v34 =	vmul.f32 v23, v5;
	v22 =	vmul.f32 v22, v5  }
0x276: {  	v23 =	vunpack.i.u.bf16.f32 v32;
	v25 =	vunpack.i.l.bf16.f32 v32;
	v27 =	vld [tilespmem:s28+$0xFFFFFFA0];
	[tilespmem:s29+$0xFFFFFF90] =	vst v28  }
0x277: {  	v25 =	vmul.f32 v25, v7;
	v23 =	vmul.f32 v23, v7;
	[tilespmem:s29+$0xFFFFFFA0] =	vst v31  }
.Ltmp2:
0x278: {  	v31 =	vld [tilespmem:s28+$0xFFFFFFE0];
	[tilespmem:s29+$0x20] =	vst v30;
	(pc) =	sbr.rel @p0 .LBB2_7-.Ltmp2, $4  }
0x279: {  	v28 =	vunpack.i.u.bf16.f32 v26;
	v26 =	vunpack.i.l.bf16.f32 v26;
	[tilespmem:s29+$0x30] =	vst v35  }
0x27a: {  	v29 =	vmul.f32 v26, v3;
	v26 =	vmul.f32 v28, v3;
	v28 =	vld [tilespmem:s28+$0x20];
	[tilespmem:s29+$0xB0] =	vst v24  }
0x27b: {  	v24 =	vunpack.i.u.bf16.f32 v27;
	v27 =	vunpack.i.l.bf16.f32 v27;
	[tilespmem:s29+$0xC0] =	vst v33  }
0x27c: {  	s21 =	sadd.s32 $0x80, s21;
	v30 =	vmul.f32 v27, v6;
	v24 =	vmul.f32 v24, v6;
	v27 =	vld [tilespmem:s28+$0x60];
	[tilespmem:s29+$0x140] =	vst v34  }
0x27d: {  	[tilespmem:s29+$0x150] =	vst v22  }
0x27e: {  	[tilespmem:s29+$0xFFFFFE00] =	vst v25  }
0x27f: {  	[tilespmem:s29+$0xFFFFFE10] =	vst v23  }
0x280: {  	[tilespmem:s29+$0xFFFFFE90] =	vst v29  }
0x281: {  	[tilespmem:s29+$0xFFFFFEA0] =	vst v26  }
0x282: {  	[tilespmem:s25+$0xFFFFFE30] =	vst v8  }
0x283: {  	[tilespmem:s25+$0xFFFFFEB0] =	vst v9  }
0x284: {  	[tilespmem:s25+$0xFFFFFEC0] =	vst v10  }
0x285: {  	[tilespmem:s25+$0xFFFFFF40] =	vst v13  }
0x286: {  	[tilespmem:s25+$0xFFFFFF50] =	vst v11  }
0x287: {  	[tilespmem:s25+$0xFFFFFFD0] =	vst v14  }
0x288: {  	[tilespmem:s25+$0xFFFFFFE0] =	vst v12  }
0x289: {  	[tilespmem:s25+$0x60] =	vst v16  }
0x28a: {  	[tilespmem:s25+$0x70] =	vst v15  }
0x28b: {  	[tilespmem:s25+$0xF0] =	vst v19  }
0x28c: {  	[tilespmem:s25+$0x100] =	vst v18  }
0x28d: {  	[tilespmem:s25+$0x180] =	vst v21  }
0x28e: {  	[tilespmem:s25+$0x190] =	vst v17  }
0x28f: {  	v33 =	vunpack.i.l.bf16.f32 v31;
	[tilespmem:s1+$0x210] =	vst v20  }
0x290: {  	v34 =	vunpack.i.u.bf16.f32 v31;
	v22 =	vmul.f32 v33, v4;
	[tilespmem:s29+$0xFFFFFF20] =	vst v30;
	v40 =	vld [tilespmem:s28+$0xA0]  }
0x291: {  	v23 =	vmul.f32 v34, v4;
	[tilespmem:s29+$0xFFFFFF30] =	vst v24;
	v35 =	vunpack.i.l.bf16.f32 v28  }
0x292: {  	v41 =	vld [tilespmem:s28+$0xFFFFFF30];
	v36 =	vunpack.i.u.bf16.f32 v28;
	v25 =	vmul.f32 v35, v2;
	[tilespmem:s29+$0xFFFFFFB0] =	vst v22  }
0x293: {  	v37 =	vmul.f32 v36, v2;
	[tilespmem:s29+$0xFFFFFFC0] =	vst v23;
	v38 =	vunpack.i.l.bf16.f32 v27  }
0x294: {  	v42 =	vld [tilespmem:s28+$0xFFFFFF70];
	v39 =	vunpack.i.u.bf16.f32 v27;
	v24 =	vmul.f32 v38, v1;
	[tilespmem:s29+$0x40] =	vst v25  }
0x295: {  	v23 =	vmul.f32 v39, v1;
	[tilespmem:s29+$0x50] =	vst v37;
	v43 =	vunpack.i.l.bf16.f32 v40  }
0x296: {  	v44 =	vld [tilespmem:s28+$0xFFFFFFB0];
	v8 =	vunpack.i.u.bf16.f32 v40;
	[tilespmem:s29+$0xD0] =	vst v24;
	v11 =	vmul.f32 v43, v5  }
0x297: {  	v45 =	vunpack.i.l.bf16.f32 v41;
	[tilespmem:s29+$0xE0] =	vst v23;
	v8 =	vmul.f32 v8, v5  }
0x298: {  	v46 =	vld [tilespmem:s28+$0xFFFFFFF0];
	v9 =	vunpack.i.u.bf16.f32 v41;
	v47 =	vmul.f32 v45, v7;
	[tilespmem:s1+$0x160] =	vst v11  }
0x299: {  	v48 =	vunpack.i.l.bf16.f32 v42;
	v49 =	vmul.f32 v9, v7;
	[tilespmem:s1+$0x170] =	vst v8  }
0x29a: {  	v50 =	vld [tilespmem:s28+$0x30];
	v10 =	vunpack.i.u.bf16.f32 v42;
	v13 =	vmul.f32 v48, v3;
	[tilespmem:s1+$0xFFFFFE20] =	vst v47  }
0x29b: {  	v3 =	vmul.f32 v10, v3;
	v53 =	vunpack.i.u.bf16.f32 v44;
	[tilespmem:s1+$0xFFFFFE30] =	vst v49  }
0x29c: {  	v51 =	vunpack.i.l.bf16.f32 v44;
	v52 =	vld [tilespmem:s28+$0x70];
	v55 =	vmul.f32 v53, v6;
	[tilespmem:s1+$0xFFFFFEB0] =	vst v13  }
0x29d: {  	v8 =	vmul.f32 v51, v6;
	v54 =	vunpack.i.l.bf16.f32 v46;
	[tilespmem:s1+$0xFFFFFEC0] =	vst v3  }
0x29e: {  	v3 =	vunpack.i.u.bf16.f32 v46;
	v56 =	vld [tilespmem:s7+$0xB0];
	v57 =	vmul.f32 v54, v4;
	[tilespmem:s1+$0xFFFFFF50] =	vst v55  }
0x29f: {  	v3 =	vmul.f32 v3, v4;
	[tilespmem:s1+$0xFFFFFF40] =	vst v8;
	v58 =	vunpack.i.l.bf16.f32 v50  }
0x2a0: {  	v59 =	vunpack.i.u.bf16.f32 v50;
	v60 =	vmul.f32 v58, v2;
	[tilespmem:s1+$0xFFFFFFD0] =	vst v57  }
0x2a1: {  	v2 =	vmul.f32 v59, v2;
	[tilespmem:s1+$0xFFFFFFE0] =	vst v3;
	v61 =	vunpack.i.l.bf16.f32 v52  }
0x2a2: {  	s23 =	sadd.s32 $0x1, s23;
	v3 =	vunpack.i.u.bf16.f32 v52;
	v62 =	vmul.f32 v61, v1;
	[tilespmem:s1+$0x60] =	vst v60  }
0x2a3: {  	p0 =	sne.s32 s23, $0x3E;
	s28 =	smul.u32 $0xA0, s24;
	v1 =	vmul.f32 v3, v1;
	[tilespmem:s1+$0x70] =	vst v2;
	v63 =	vunpack.i.l.bf16.f32 v56  }
.Ltmp3:
0x2a4: {  	v2 =	vunpack.i.u.bf16.f32 v56;
	v3 =	vmul.f32 v63, v5;
	[tilespmem:s1+$0xF0] =	vst v62;
	(pc) =	sbr.rel @p0 .LBB2_4-.Ltmp3, $4  }
0x2a5: {  	v2 =	vmul.f32 v2, v5;
	[tilespmem:s1+$0x100] =	vst v1  }
0x2a6: {  	s7 =	sshra.s32 s28, $0x2;
	[tilespmem:s1+$0x180] =	vst v3  }
0x2a7: {  	s29 =	sadd.s32 $0x1388, s7;
	[tilespmem:s1+$0x190] =	vst v2  }
0x2a8: {  	[spmem:s3] =	stream.indirect.scatter.add.f32 [tilespmem:s20], [sflag:$0x8], $0x90, s29, s0, $0xb8;
	[tilespmem:$0x1DA10] =	vst v63  }
0x2a9: {  	_ =	swait.ge [sflag:s14], $0xA00  }
0x2aa: {  	[sflag:s14] =	ssyncset.done $0x0  }
0x2ab: {  	[sflag:s14] =	ssyncadd.s32 $0xFFFFF600  }
0x2ac: {  	_ =	swait.ge [sflag:s15], $0x280  }
0x2ad: {  	[sflag:s15] =	ssyncset.done $0x0  }
0x2ae: {  	[sflag:s15] =	ssyncadd.s32 $0xFFFFFD80  }
0x2af: {  	_ =	swait.ge [sflag:s16], $0x280  }
0x2b0: {  	[sflag:s16] =	ssyncset.done $0x0  }
0x2b1: {  	s28 =	simm.s32 $0x7;
	[sflag:s16] =	ssyncadd.s32 $0xFFFFFD80  }
0x2b2: {  	_ =	swait.ge [sflag:s28], $0x1680  }
0x2b3: {  	[sflag:s28] =	ssyncset.done $0x0  }
0x2b4: {  	s1 =	simm.s32 $0x2750;
	[sflag:s28] =	ssyncadd.s32 $0xFFFFE980  }
0x2b5: {  	s7 =	simm.s32 $0x2C50;
	v1 =	vld [tilespmem:s1+$0x30]  }
0x2b6: {  	v2 =	vld [tilespmem:s7+$0x30]  }
0x2b7: {  	v4 =	vld [tilespmem:s1+$0xFFFFFFD0]  }
0x2b8: {  	v5 =	vld [tilespmem:s7+$0xFFFFFFD0]  }
0x2b9: {  	v6 =	vld [tilespmem:s1+$0xFFFFFFE0]  }
0x2ba: {  	v7 =	vld [tilespmem:s7+$0xFFFFFFE0]  }
0x2bb: {  	v8 =	vld [tilespmem:s7+$0xFFFFFFF0];
	v1 =	vadd.f32 v2, v1  }
0x2bc: {  	v10 =	vld [tilespmem:s1+$0x0]  }
0x2bd: {  	v11 =	vld [tilespmem:s7+$0x0];
	v9 =	vmul.f32 $2.000000030e-01, v1  }
0x2be: {  	v2 =	vld [tilespmem:s1+$0xFFFFFFF0];
	v4 =	vadd.f32 v5, v4;
	vm0 =	vge.f32 v1, $0.0e+00  }
0x2bf: {  	v3 =	vld [tilespmem:s7+$0xFFFFFFC0];
	v1 =	vsel vm0, v1, v9  }
0x2c0: {  	v5 =	vld [tilespmem:s1+$0x10];
	v12 =	vmul.f32 $2.000000030e-01, v4;
	v1 =	vmul.f32 $1.442695020e+00, v1  }
0x2c1: {  	vm14 =	vge.f32 v4, $0.0e+00;
	v9 =	vld [tilespmem:s7+$0x10]  }
0x2c2: {  	v6 =	vadd.f32 v7, v6;
	v4 =	vsel vm14, v4, v12;
	v12 =	vld [tilespmem:s1+$0xFFFFFFC0];
	(erf) = vpow2.f32 v1  }
0x2c3: {  	v7 =	vld [tilespmem:s1+$0x20];
	v10 =	vadd.f32 v11, v10;
	v4 =	vmul.f32 $1.442695020e+00, v4;
	v1 =	vadd.f32 v8, v2  }
0x2c4: {  	vm15 =	vge.f32 v6, $0.0e+00;
	v2 =	vld [tilespmem:s7+$0x20];
	v8 =	vmul.f32 $2.000000030e-01, v6  }
0x2c5: {  	vm4 =	vge.f32 v10, $0.0e+00;
	(erf) = vpow2.f32 v4;
	vm1 =	vge.f32 v1, $0.0e+00  }
0x2c6: {  	v11 =	vmul.f32 $2.000000030e-01, v1;
	v6 =	vsel vm15, v6, v8;
	v5 =	vadd.f32 v9, v5  }
0x2c7: {  	v8 =	vmul.f32 $2.000000030e-01, v10;
	v3 =	vadd.f32 v3, v12;
	v6 =	vmul.f32 $1.442695020e+00, v6  }
0x2c8: {  	v1 =	vsel vm1, v1, v11;
	v4 =	vmul.f32 $2.000000030e-01, v5;
	vm5 =	vge.f32 v5, $0.0e+00  }
0x2c9: {  	v8 =	vsel vm4, v10, v8;
	v9 =	vmul.f32 $2.000000030e-01, v3;
	v2 =	vadd.f32 v2, v7  }
0x2ca: {  	vm6 =	vge.f32 v3, $0.0e+00;
	v7 =	vmul.f32 $1.442695020e+00, v1;
	v8 =	vmul.f32 $1.442695020e+00, v8  }
0x2cb: {  	s23 =	simm.s32 $0x4750;
	v4 =	vsel vm5, v5, v4;
	v5 =	vmul.f32 $2.000000030e-01, v2;
	v1 =	vpop (erf);
	(erf) = vpow2.f32 v6  }
0x2cc: {  	s22 =	simm.s32 $0x3210;
	v3 =	vsel vm6, v3, v9;
	v4 =	vmul.f32 $1.442695020e+00, v4;
	[tilespmem:s23+$0x230] =	vst v1;
	(erf) = vpow2.f32 v7  }
0x2cd: {  	v3 =	vmul.f32 $1.442695020e+00, v3;
	v6 =	vld [tilespmem:s22+$0xC0];
	(erf) = vpow2.f32 v8  }
0x2ce: {  	vm7 =	vge.f32 v2, $0.0e+00;
	(erf) = vpow2.f32 v4  }
0x2cf: {  	v2 =	vsel vm7, v2, v5;
	(erf) = vpow2.f32 v3  }
0x2d0: {  	v2 =	vmul.f32 $1.442695020e+00, v2;
	_ =	sdelay $0x1  }
0x2d1: {  	v10 =	vpop (erf);
	(erf) = vpow2.f32 v2;
	v3 =	vunpack.i.l.bf16.f32 v6  }
0x2d2: {  	v2 =	vunpack.i.u.bf16.f32 v6;
	v3 =	vmul.f32 v1, v3  }
0x2d3: {  	[tilespmem:s23+$0xFFFFFED0] =	vst v10;
	v2 =	vmul.f32 v1, v2;
	v11 =	vpop (erf)  }
0x2d4: {  	[tilespmem:s23+$0x1B0] =	vst v3;
	v3 =	vld [tilespmem:s22+$0xFFFFFF40];
	v12 =	vpop (erf)  }
0x2d5: {  	[tilespmem:s23+$0x1C0] =	vst v2;
	v15 =	vpop (erf)  }
0x2d6: {  	[tilespmem:s23+$0xFFFFFF60] =	vst v11;
	v2 =	vld [tilespmem:s22+$0xD0];
	v18 =	vpop (erf)  }
0x2d7: {  	[tilespmem:s23+$0xFFFFFFF0] =	vst v12;
	v8 =	vpop (erf)  }
0x2d8: {  	v4 =	vld [tilespmem:s22+$0xFFFFFF80];
	[tilespmem:s23+$0xFFFFFE40] =	vst v8  }
0x2d9: {  	[tilespmem:s23+$0x80] =	vst v15;
	v5 =	vunpack.i.l.bf16.f32 v3;
	v6 =	vld [tilespmem:s22+$0xFFFFFF00]  }
0x2da: {  	[tilespmem:s23+$0x110] =	vst v18;
	v17 =	vpop (erf);
	v3 =	vunpack.i.u.bf16.f32 v3;
	v5 =	vmul.f32 v10, v5  }
0x2db: {  	v9 =	vld [tilespmem:s22+$0xFFFFFFC0];
	[tilespmem:s23+$0x1A0] =	vst v17;
	v7 =	vunpack.i.l.bf16.f32 v2;
	v3 =	vmul.f32 v10, v3  }
0x2dc: {  	v2 =	vunpack.i.u.bf16.f32 v2;
	v7 =	vmul.f32 v7, v1;
	[tilespmem:s23+$0xFFFFFE50] =	vst v5  }
0x2dd: {  	v2 =	vmul.f32 v2, v1;
	v5 =	vunpack.i.l.bf16.f32 v4;
	[tilespmem:s23+$0xFFFFFE60] =	vst v3  }
0x2de: {  	s29 =	simm.s32 $0x27D0;
	[tilespmem:s23+$0x1D0] =	vst v7;
	v7 =	vld [tilespmem:s22+$0x0];
	v5 =	vmul.f32 v11, v5;
	v13 =	vunpack.i.l.bf16.f32 v6  }
0x2df: {  	v16 =	vld [tilespmem:s29+$0x30];
	[tilespmem:s23+$0x1E0] =	vst v2;
	v2 =	vunpack.i.u.bf16.f32 v6;
	v3 =	vmul.f32 v8, v13  }
0x2e0: {  	s24 =	simm.s32 $0x2CD0;
	v6 =	vld [tilespmem:s22+$0xE0];
	v2 =	vmul.f32 v8, v2;
	[tilespmem:s23+$0xFFFFFEE0] =	vst v5;
	v5 =	vunpack.i.l.bf16.f32 v9  }
0x2e1: {  	v20 =	vld [tilespmem:s24+$0x30];
	v4 =	vunpack.i.u.bf16.f32 v4;
	v5 =	vmul.f32 v12, v5;
	[tilespmem:s23+$0xFFFFFDC0] =	vst v3  }
0x2e2: {  	v9 =	vunpack.i.u.bf16.f32 v9;
	v3 =	vmul.f32 v11, v4;
	v4 =	vld [tilespmem:s22+$0x40];
	[tilespmem:s23+$0xFFFFFDD0] =	vst v2  }
0x2e3: {  	v23 =	vld [tilespmem:s29+$0xFFFFFFD0];
	v9 =	vmul.f32 v12, v9;
	v2 =	vunpack.i.l.bf16.f32 v7;
	[tilespmem:s23+$0xFFFFFF70] =	vst v5  }
0x2e4: {  	v7 =	vunpack.i.u.bf16.f32 v7;
	[tilespmem:s23+$0xFFFFFEF0] =	vst v3;
	v3 =	vld [tilespmem:s22+$0x80];
	v2 =	vmul.f32 v15, v2  }
0x2e5: {  	v26 =	vld [tilespmem:s29+$0xFFFFFFE0];
	[tilespmem:s23+$0xFFFFFF80] =	vst v9;
	v5 =	vunpack.i.l.bf16.f32 v6;
	v7 =	vmul.f32 v15, v7  }
0x2e6: {  	v9 =	vld [tilespmem:s22+$0xFFFFFF10];
	v6 =	vunpack.i.u.bf16.f32 v6;
	v5 =	vmul.f32 v5, v1;
	[tilespmem:s23+$0x0] =	vst v2  }
0x2e7: {  	v28 =	vld [tilespmem:s24+$0xFFFFFFE0];
	v16 =	vadd.f32 v20, v16;
	v2 =	vmul.f32 v6, v1;
	[tilespmem:s23+$0x10] =	vst v7;
	v6 =	vunpack.i.l.bf16.f32 v4  }
0x2e8: {  	[tilespmem:s23+$0x1F0] =	vst v5;
	v5 =	vld [tilespmem:s22+$0xFFFFFF50];
	v4 =	vunpack.i.u.bf16.f32 v4;
	v6 =	vmul.f32 v18, v6  }
0x2e9: {  	v25 =	vld [tilespmem:s24+$0xFFFFFFD0];
	v31 =	vmul.f32 $2.000000030e-01, v16;
	[tilespmem:s23+$0x200] =	vst v2;
	v4 =	vmul.f32 v18, v4;
	v2 =	vunpack.i.l.bf16.f32 v3  }
0x2ea: {  	vm8 =	vge.f32 v16, $0.0e+00;
	v7 =	vld [tilespmem:s22+$0xFFFFFF90];
	v3 =	vunpack.i.u.bf16.f32 v3;
	v2 =	vmul.f32 v17, v2;
	[tilespmem:s23+$0x90] =	vst v6  }
0x2eb: {  	v16 =	vsel vm8, v16, v31;
	v3 =	vmul.f32 v17, v3;
	v6 =	vunpack.i.l.bf16.f32 v9;
	[tilespmem:s23+$0xA0] =	vst v4;
	v4 =	vld [tilespmem:s22+$0xFFFFFFD0]  }
0x2ec: {  	v16 =	vmul.f32 $1.442695020e+00, v16;
	v9 =	vunpack.i.u.bf16.f32 v9;
	v6 =	vmul.f32 v6, v8;
	[tilespmem:s23+$0x120] =	vst v2  }
0x2ed: {  	v26 =	vadd.f32 v28, v26;
	v28 =	vld [tilespmem:s29+$0x20];
	v9 =	vmul.f32 v9, v8;
	v2 =	vunpack.i.l.bf16.f32 v5;
	[tilespmem:s23+$0x130] =	vst v3  }
0x2ee: {  	(erf) = vpow2.f32 v16;
	v16 =	vld [tilespmem:s24+$0x20];
	v3 =	vunpack.i.u.bf16.f32 v5;
	v2 =	vmul.f32 v2, v10;
	[tilespmem:s23+$0xFFFFFDE0] =	vst v6  }
0x2ef: {  	v5 =	vld [tilespmem:s22+$0x10];
	v3 =	vmul.f32 v3, v10;
	v6 =	vunpack.i.l.bf16.f32 v7;
	[tilespmem:s23+$0xFFFFFDF0] =	vst v9;
	v7 =	vunpack.i.u.bf16.f32 v7  }
0x2f0: {  	v23 =	vadd.f32 v25, v23;
	v9 =	vld [tilespmem:s22+$0x50];
	v7 =	vmul.f32 v7, v11;
	[tilespmem:s23+$0xFFFFFE70] =	vst v2;
	v2 =	vunpack.i.l.bf16.f32 v4  }
0x2f1: {  	v6 =	vmul.f32 v6, v11;
	[tilespmem:s23+$0xFFFFFE80] =	vst v3;
	v3 =	vunpack.i.u.bf16.f32 v4;
	v4 =	vmul.f32 v2, v12;
	v2 =	vld [tilespmem:s22+$0xF0]  }
0x2f2: {  	[tilespmem:s23+$0xFFFFFF10] =	vst v7;
	v7 =	vld [tilespmem:s22+$0x90]  }
0x2f3: {  	v29 =	vld [tilespmem:s29+$0xFFFFFFF0];
	vm9 =	vge.f32 v23, $0.0e+00;
	vm10 =	vge.f32 v26, $0.0e+00;
	[tilespmem:s23+$0xFFFFFF00] =	vst v6  }
0x2f4: {  	v16 =	vadd.f32 v16, v28;
	v3 =	vmul.f32 v3, v12;
	v6 =	vunpack.i.l.bf16.f32 v5;
	[tilespmem:s23+$0xFFFFFF90] =	vst v4;
	v4 =	vld [tilespmem:s22+$0xFFFFFF20]  }
0x2f5: {  	v30 =	vld [tilespmem:s24+$0xFFFFFFF0];
	v5 =	vunpack.i.u.bf16.f32 v5;
	v6 =	vmul.f32 v6, v15;
	v13 =	vunpack.i.l.bf16.f32 v9  }
0x2f6: {  	v5 =	vmul.f32 v5, v15;
	[tilespmem:s23+$0xFFFFFFA0] =	vst v3;
	v3 =	vunpack.i.u.bf16.f32 v9;
	v9 =	vmul.f32 v13, v18;
	v13 =	vld [tilespmem:s22+$0xFFFFFF60]  }
0x2f7: {  	v33 =	vld [tilespmem:s29+$0x0];
	v3 =	vmul.f32 v3, v18;
	[tilespmem:s23+$0x20] =	vst v6;
	v14 =	vunpack.i.u.bf16.f32 v2;
	v19 =	vunpack.i.l.bf16.f32 v7  }
0x2f8: {  	v6 =	vld [tilespmem:s22+$0xFFFFFFA0];
	[tilespmem:s23+$0x30] =	vst v5;
	v7 =	vunpack.i.u.bf16.f32 v7;
	v2 =	vunpack.i.l.bf16.f32 v2;
	v14 =	vmul.f32 v14, v1  }
0x2f9: {  	v5 =	vld [tilespmem:s22+$0xFFFFFFE0];
	[tilespmem:s23+$0xB0] =	vst v9;
	v19 =	vmul.f32 v19, v17;
	v7 =	vmul.f32 v7, v17;
	v21 =	vunpack.i.l.bf16.f32 v4  }
0x2fa: {  	v34 =	vld [tilespmem:s24+$0x0];
	[tilespmem:s23+$0xC0] =	vst v3;
	v1 =	vmul.f32 v2, v1;
	v4 =	vunpack.i.u.bf16.f32 v4;
	v21 =	vmul.f32 v21, v8  }
0x2fb: {  	v3 =	vld [tilespmem:s22+$0x60];
	v4 =	vmul.f32 v4, v8;
	v24 =	vunpack.i.u.bf16.f32 v13;
	v13 =	vunpack.i.l.bf16.f32 v13;
	[tilespmem:s23+$0x140] =	vst v19  }
0x2fc: {  	v19 =	vmul.f32 $2.000000030e-01, v23;
	[tilespmem:s23+$0x150] =	vst v7;
	v7 =	vadd.f32 v30, v29;
	v13 =	vmul.f32 v13, v10  }
0x2fd: {  	v24 =	vmul.f32 v24, v10;
	v27 =	vunpack.i.u.bf16.f32 v6;
	v6 =	vunpack.i.l.bf16.f32 v6  }
0x2fe: {  	v22 =	vld [tilespmem:s24+$0xFFFFFFC0];
	v6 =	vmul.f32 v6, v11;
	v20 =	vmul.f32 v27, v11;
	v27 =	vunpack.i.l.bf16.f32 v5  }
0x2ff: {  	v25 =	vld [tilespmem:s29+$0x10];
	v5 =	vunpack.i.u.bf16.f32 v5;
	[tilespmem:s23+$0xFFFFFE00] =	vst v21;
	v21 =	vmul.f32 $2.000000030e-01, v26;
	v19 =	vsel vm9, v23, v19  }
0x300: {  	v23 =	vld [tilespmem:s29+$0xFFFFFFC0];
	[tilespmem:s23+$0xFFFFFE10] =	vst v4;
	v4 =	vadd.f32 v34, v33;
	v5 =	vmul.f32 v5, v12;
	v31 =	vunpack.i.l.bf16.f32 v3  }
0x301: {  	[tilespmem:s23+$0x220] =	vst v14;
	v3 =	vunpack.i.u.bf16.f32 v3;
	v19 =	vmul.f32 $1.442695020e+00, v19;
	v14 =	vmul.f32 v31, v18;
	v31 =	vld [tilespmem:s24+$0x10]  }
0x302: {  	vm11 =	vge.f32 v7, $0.0e+00;
	[tilespmem:s23+$0xFFFFFE90] =	vst v13;
	v13 =	vmul.f32 $2.000000030e-01, v7;
	v3 =	vmul.f32 v3, v18  }
0x303: {  	[tilespmem:s23+$0xFFFFFEA0] =	vst v24;
	v21 =	vsel vm10, v26, v21;
	vm12 =	vge.f32 v4, $0.0e+00;
	v24 =	vmul.f32 $2.000000030e-01, v4  }
0x304: {  	[tilespmem:s23+$0xFFFFFF20] =	vst v6;
	(erf) = vpow2.f32 v19;
	v6 =	vmul.f32 $1.442695020e+00, v21;
	v7 =	vsel vm11, v7, v13  }
0x305: {  	v21 =	vld [tilespmem:s22+$0xA0];
	[tilespmem:s23+$0xFFFFFFC0] =	vst v5;
	v5 =	vmul.f32 $2.000000030e-01, v16;
	v7 =	vmul.f32 $1.442695020e+00, v7;
	v4 =	vsel vm12, v4, v24  }
0x306: {  	v19 =	vadd.f32 v22, v23;
	(erf) = vpow2.f32 v6;
	v25 =	vadd.f32 v31, v25  }
0x307: {  	vm14 =	vge.f32 v16, $0.0e+00;
	v4 =	vmul.f32 $1.442695020e+00, v4;
	(erf) = vpow2.f32 v7  }
0x308: {  	v9 =	vld [tilespmem:s22+$0x20];
	v5 =	vsel vm14, v16, v5;
	v22 =	vmul.f32 $2.000000030e-01, v19;
	v13 =	vmul.f32 $2.000000030e-01, v25  }
0x309: {  	s26 =	simm.s32 $0x4BD0;
	[tilespmem:s23+$0xFFFFFF30] =	vst v20;
	v20 =	vpop (erf);
	vm15 =	vge.f32 v19, $0.0e+00;
	(erf) = vpow2.f32 v4;
	vm13 =	vge.f32 v25, $0.0e+00  }
0x30a: {  	s25 =	simm.s32 $0x3410;
	[tilespmem:s26+$0x230] =	vst v20;
	v4 =	vmul.f32 $1.442695020e+00, v5;
	v5 =	vunpack.i.l.bf16.f32 v21;
	v13 =	vsel vm13, v25, v13  }
0x30b: {  	[tilespmem:s23+$0x210] =	vst v1;
	v5 =	vmul.f32 v5, v17;
	v6 =	vmul.f32 $1.442695020e+00, v13;
	v13 =	vsel vm15, v19, v22;
	v19 =	vld [tilespmem:s25+$0xC0]  }
0x30c: {  	[tilespmem:s23+$0xE0] =	vst v3  }
0x30d: {  	v32 =	vunpack.i.l.bf16.f32 v9;
	v27 =	vmul.f32 v27, v12;
	[tilespmem:s23+$0x160] =	vst v5;
	v3 =	vpop (erf)  }
0x30e: {  	v9 =	vunpack.i.u.bf16.f32 v9;
	v32 =	vmul.f32 v32, v15;
	v5 =	vld [tilespmem:s22+$0xFFFFFF70];
	v7 =	vmul.f32 $1.442695020e+00, v13;
	[tilespmem:s26+$0xFFFFFED0] =	vst v3  }
0x30f: {  	v9 =	vmul.f32 v9, v15;
	[tilespmem:s23+$0xFFFFFFB0] =	vst v27;
	(erf) = vpow2.f32 v6;
	v6 =	vunpack.i.u.bf16.f32 v21;
	v13 =	vld [tilespmem:s25+$0xFFFFFF40]  }
0x310: {  	[tilespmem:s23+$0x40] =	vst v32;
	(erf) = vpow2.f32 v7;
	v6 =	vmul.f32 v6, v17;
	v2 =	vunpack.i.l.bf16.f32 v19  }
0x311: {  	[tilespmem:s23+$0x50] =	vst v9;
	v9 =	vld [tilespmem:s22+$0xFFFFFFB0];
	(erf) = vpow2.f32 v4;
	v4 =	vunpack.i.u.bf16.f32 v19;
	v2 =	vmul.f32 v20, v2  }
0x312: {  	[tilespmem:s23+$0xD0] =	vst v14;
	v4 =	vmul.f32 v20, v4  }
0x313: {  	[tilespmem:s26+$0x1B0] =	vst v2  }
0x314: {  	v7 =	vld [tilespmem:s22+$0xFFFFFF30];
	v24 =	vunpack.i.u.bf16.f32 v5;
	v25 =	vunpack.i.l.bf16.f32 v5;
	v5 =	vunpack.i.l.bf16.f32 v13;
	[tilespmem:s26+$0x1C0] =	vst v4  }
0x315: {  	[tilespmem:s23+$0x170] =	vst v6;
	v6 =	vpop (erf);
	v13 =	vunpack.i.u.bf16.f32 v13;
	v28 =	vmul.f32 v3, v5;
	v16 =	vld [tilespmem:s25+$0xD0]  }
0x316: {  	v27 =	vunpack.i.u.bf16.f32 v9;
	v30 =	vunpack.i.l.bf16.f32 v9;
	[tilespmem:s26+$0xFFFFFF60] =	vst v6;
	v9 =	vmul.f32 v3, v13  }
0x317: {  	v19 =	vld [tilespmem:s22+$0x30];
	v4 =	vpop (erf);
	[tilespmem:s26+$0xFFFFFE50] =	vst v28  }
0x318: {  	v26 =	vld [tilespmem:s25+$0xFFFFFF80];
	[tilespmem:s26+$0xFFFFFE60] =	vst v9;
	v2 =	vpop (erf)  }
0x319: {  	[tilespmem:s26+$0xFFFFFFF0] =	vst v4;
	v1 =	vpop (erf)  }
0x31a: {  	v21 =	vld [tilespmem:s22+$0x70];
	v22 =	vunpack.i.u.bf16.f32 v7;
	v23 =	vunpack.i.l.bf16.f32 v7;
	[tilespmem:s26+$0x80] =	vst v2;
	v7 =	vpop (erf);
	v13 =	vunpack.i.l.bf16.f32 v16  }
0x31b: {  	v57 =	vld [tilespmem:s25+$0xFFFFFFC0];
	[tilespmem:s26+$0xFFFFFE40] =	vst v7;
	v16 =	vunpack.i.u.bf16.f32 v16;
	v13 =	vmul.f32 v13, v20  }
0x31c: {  	v28 =	vunpack.i.u.bf16.f32 v19;
	[tilespmem:s26+$0x110] =	vst v1;
	v29 =	vld [tilespmem:s25+$0xFFFFFF00];
	v9 =	vmul.f32 v16, v20  }
0x31d: {  	v16 =	vunpack.i.l.bf16.f32 v19;
	v19 =	vmul.f32 v23, v8;
	v23 =	vunpack.i.l.bf16.f32 v26;
	[tilespmem:s26+$0x1D0] =	vst v13  }
0x31e: {  	v23 =	vmul.f32 v6, v23;
	[tilespmem:s26+$0x1E0] =	vst v9  }
0x31f: {  	v58 =	vunpack.i.u.bf16.f32 v21;
	v59 =	vld [tilespmem:s25+$0x0];
	[tilespmem:s23+$0xFFFFFE20] =	vst v19;
	v19 =	vunpack.i.l.bf16.f32 v21;
	v21 =	vunpack.i.u.bf16.f32 v26  }
0x320: {  	v5 =	vpop (erf);
	v8 =	vmul.f32 v22, v8;
	v22 =	vld [tilespmem:s25+$0xE0];
	[tilespmem:s26+$0xFFFFFEE0] =	vst v23;
	v23 =	vunpack.i.l.bf16.f32 v57;
	v21 =	vmul.f32 v6, v21  }
0x321: {  	[tilespmem:s26+$0x1A0] =	vst v5;
	v23 =	vmul.f32 v4, v23;
	v13 =	vunpack.i.l.bf16.f32 v29;
	v9 =	vunpack.i.u.bf16.f32 v29  }
0x322: {  	v14 =	vld [tilespmem:s22+$0xFFFFFFF0];
	[tilespmem:s26+$0xFFFFFEF0] =	vst v21;
	v13 =	vmul.f32 v7, v13;
	v26 =	vmul.f32 v7, v9  }
0x323: {  	v9 =	vmul.f32 v25, v10;
	v10 =	vmul.f32 v24, v10;
	v24 =	vld [tilespmem:s25+$0x40];
	v25 =	vunpack.i.u.bf16.f32 v57;
	[tilespmem:s26+$0xFFFFFF70] =	vst v23  }
0x324: {  	v25 =	vmul.f32 v4, v25;
	[tilespmem:s26+$0xFFFFFDD0] =	vst v26;
	v26 =	vunpack.i.l.bf16.f32 v59  }
0x325: {  	v21 =	vld [tilespmem:s25+$0x80];
	[tilespmem:s26+$0xFFFFFDC0] =	vst v13;
	v23 =	vunpack.i.l.bf16.f32 v22;
	v26 =	vmul.f32 v2, v26  }
0x326: {  	v13 =	vmul.f32 v30, v11;
	v22 =	vunpack.i.u.bf16.f32 v22;
	[tilespmem:s26+$0xFFFFFF80] =	vst v25;
	v23 =	vmul.f32 v23, v20  }
0x327: {  	v11 =	vmul.f32 v27, v11;
	v27 =	vld [tilespmem:s25+$0xFFFFFF50];
	v25 =	vunpack.i.u.bf16.f32 v59;
	v22 =	vmul.f32 v22, v20;
	[tilespmem:s26+$0x0] =	vst v26  }
0x328: {  	v31 =	vunpack.i.u.bf16.f32 v14;
	v25 =	vmul.f32 v2, v25;
	v30 =	vunpack.i.l.bf16.f32 v24;
	[tilespmem:s26+$0x1F0] =	vst v23  }
0x329: {  	v16 =	vmul.f32 v16, v15;
	v29 =	vld [tilespmem:s25+$0xFFFFFF10];
	v23 =	vunpack.i.u.bf16.f32 v24;
	[tilespmem:s26+$0x200] =	vst v22;
	v24 =	vmul.f32 v1, v30  }
0x32a: {  	v22 =	vunpack.i.u.bf16.f32 v21;
	v21 =	vunpack.i.l.bf16.f32 v21;
	v23 =	vmul.f32 v1, v23;
	[tilespmem:s26+$0x10] =	vst v25  }
0x32b: {  	v14 =	vunpack.i.l.bf16.f32 v14;
	v15 =	vmul.f32 v28, v15;
	v28 =	vld [tilespmem:s25+$0xFFFFFF90];
	v21 =	vmul.f32 v5, v21;
	[tilespmem:s26+$0x90] =	vst v24  }
0x32c: {  	v22 =	vmul.f32 v5, v22;
	v30 =	vunpack.i.u.bf16.f32 v27;
	v27 =	vunpack.i.l.bf16.f32 v27;
	[tilespmem:s26+$0xA0] =	vst v23  }
0x32d: {  	v14 =	vmul.f32 v14, v12;
	v26 =	vld [tilespmem:s22+$0xB0];
	v24 =	vmul.f32 v27, v3;
	[tilespmem:s26+$0x120] =	vst v21  }
0x32e: {  	v12 =	vmul.f32 v31, v12;
	v25 =	vld [tilespmem:s25+$0xF0];
	v31 =	vunpack.i.l.bf16.f32 v29;
	v23 =	vmul.f32 v30, v3;
	[tilespmem:s26+$0x130] =	vst v22  }
0x32f: {  	v27 =	vld [tilespmem:s25+$0xFFFFFFD0];
	v29 =	vunpack.i.u.bf16.f32 v29;
	v30 =	vmul.f32 v31, v7;
	[tilespmem:s26+$0xFFFFFE70] =	vst v24  }
0x330: {  	v22 =	vunpack.i.l.bf16.f32 v28;
	v21 =	vmul.f32 v29, v7;
	[tilespmem:s26+$0xFFFFFE80] =	vst v23  }
0x331: {  	v19 =	vmul.f32 v19, v18;
	v28 =	vunpack.i.u.bf16.f32 v28;
	v22 =	vmul.f32 v22, v6;
	[tilespmem:s26+$0xFFFFFDE0] =	vst v30  }
0x332: {  	v18 =	vmul.f32 v58, v18;
	v29 =	vld [tilespmem:s25+$0x10];
	v28 =	vmul.f32 v28, v6;
	[tilespmem:s26+$0xFFFFFDF0] =	vst v21  }
0x333: {  	v60 =	vld [tilespmem:s25+$0x50];
	v31 =	vunpack.i.u.bf16.f32 v26;
	v30 =	vunpack.i.u.bf16.f32 v25;
	v23 =	vunpack.i.l.bf16.f32 v25;
	[tilespmem:s26+$0xFFFFFF00] =	vst v22  }
0x334: {  	v61 =	vld [tilespmem:s25+$0xFFFFFF60];
	[tilespmem:s26+$0xFFFFFF10] =	vst v28;
	v21 =	vmul.f32 v30, v20;
	v30 =	vunpack.i.u.bf16.f32 v27;
	v27 =	vunpack.i.l.bf16.f32 v27  }
0x335: {  	v24 =	vunpack.i.l.bf16.f32 v26;
	v20 =	vmul.f32 v23, v20;
	v62 =	vld [tilespmem:s25+$0xFFFFFFA0];
	v26 =	vmul.f32 v27, v4  }
0x336: {  	v27 =	vmul.f32 v30, v4;
	v30 =	vld [tilespmem:s25+$0x90];
	[tilespmem:s26+$0x220] =	vst v21;
	v21 =	vmul.f32 v24, v17  }
0x337: {  	v17 =	vmul.f32 v31, v17;
	v24 =	vld [tilespmem:s25+$0xFFFFFF20];
	v25 =	vunpack.i.u.bf16.f32 v29;
	v29 =	vunpack.i.l.bf16.f32 v29  }
0x338: {  	v22 =	vunpack.i.l.bf16.f32 v60;
	v29 =	vmul.f32 v29, v2;
	v31 =	vmul.f32 v25, v2;
	[tilespmem:s26+$0xFFFFFF90] =	vst v26  }
0x339: {  	v25 =	vunpack.i.u.bf16.f32 v60;
	v28 =	vmul.f32 v22, v1;
	[tilespmem:s26+$0xFFFFFFA0] =	vst v27;
	v26 =	vunpack.i.l.bf16.f32 v61  }
0x33a: {  	v63 =	vmul.f32 v25, v1;
	[tilespmem:s26+$0x20] =	vst v29;
	v29 =	vmul.f32 v26, v3  }
0x33b: {  	[tilespmem:s26+$0x30] =	vst v31;
	v31 =	vld [tilespmem:s25+$0xFFFFFFE0];
	v27 =	vunpack.i.l.bf16.f32 v62;
	v22 =	vunpack.i.u.bf16.f32 v30;
	v23 =	vunpack.i.l.bf16.f32 v30  }
0x33c: {  	v35 =	vmul.f32 v23, v5;
	v23 =	vunpack.i.l.bf16.f32 v24;
	v24 =	vunpack.i.u.bf16.f32 v24  }
0x33d: {  	[tilespmem:s26+$0xB0] =	vst v28;
	v28 =	vld [tilespmem:s25+$0x20];
	v25 =	vmul.f32 v23, v7;
	v23 =	vmul.f32 v24, v7;
	v24 =	vunpack.i.u.bf16.f32 v61  }
0x33e: {  	s21 =	simm.s32 $0x2850;
	[tilespmem:s26+$0xC0] =	vst v63;
	v22 =	vmul.f32 v22, v5;
	v26 =	vmul.f32 v24, v3;
	v24 =	vunpack.i.u.bf16.f32 v62  }
0x33f: {  	s1 =	simm.s32 $0x4BD0;
	s7 =	simm.s32 $0x3410;
	s22 =	simm.s32 $0x8;
	v30 =	vmul.f32 v27, v6;
	v27 =	vld [tilespmem:s25+$0x60];
	[tilespmem:s26+$0x140] =	vst v35;
	v24 =	vmul.f32 v24, v6  }
.LBB2_10:
0x340: {  	v32 =	vld [tilespmem:s21+$0x30];
	v33 =	vunpack.i.u.bf16.f32 v31;
	v31 =	vunpack.i.l.bf16.f32 v31;
	[tilespmem:s26+$0x150] =	vst v22;
	s24 =	sadd.s32 $0x80, s24  }
0x341: {  	v22 =	vld [tilespmem:s24+$0x30];
	[tilespmem:s26+$0xFFFFFE00] =	vst v25;
	v25 =	vmul.f32 v31, v4;
	v31 =	vmul.f32 v33, v4  }
0x342: {  	v33 =	vld [tilespmem:s24+$0xFFFFFFC0];
	[tilespmem:s26+$0xFFFFFE10] =	vst v23;
	v23 =	vunpack.i.u.bf16.f32 v28;
	v28 =	vunpack.i.l.bf16.f32 v28  }
0x343: {  	v34 =	vld [tilespmem:s21+$0xFFFFFFD0];
	[tilespmem:s26+$0xFFFFFE90] =	vst v29;
	v28 =	vmul.f32 v28, v2;
	v23 =	vmul.f32 v23, v2  }
0x344: {  	s22 =	sadd.s32 $0x8, s22;
	v29 =	vld [tilespmem:s24+$0xFFFFFFD0];
	[tilespmem:s26+$0xFFFFFEA0] =	vst v26;
	v26 =	vunpack.i.u.bf16.f32 v27;
	v27 =	vunpack.i.l.bf16.f32 v27  }
0x345: {  	p0 =	slt.u32 s22, $0x20;
	v35 =	vld [tilespmem:s21+$0xFFFFFFE0];
	[tilespmem:s26+$0xFFFFFF20] =	vst v30;
	v27 =	vmul.f32 v27, v1;
	v26 =	vmul.f32 v26, v1  }
0x346: {  	v30 =	vld [tilespmem:s24+$0xFFFFFFE0];
	v22 =	vadd.f32 v22, v32;
	[tilespmem:s26+$0xFFFFFF30] =	vst v24  }
0x347: {  	v24 =	vld [tilespmem:s21+$0xFFFFFFF0];
	[tilespmem:s26+$0xFFFFFFB0] =	vst v25  }
0x348: {  	v25 =	vld [tilespmem:s24+$0xFFFFFFF0];
	v32 =	vmul.f32 $2.000000030e-01, v22;
	[tilespmem:s26+$0xFFFFFFC0] =	vst v31  }
0x349: {  	vm0 =	vge.f32 v22, $0.0e+00;
	v29 =	vadd.f32 v29, v34;
	v31 =	vld [tilespmem:s21+$0x0];
	[tilespmem:s26+$0x40] =	vst v28  }
0x34a: {  	v28 =	vld [tilespmem:s24+$0x0];
	v22 =	vsel vm0, v22, v32;
	[tilespmem:s26+$0x50] =	vst v23  }
0x34b: {  	v23 =	vmul.f32 $2.000000030e-01, v29;
	v30 =	vadd.f32 v30, v35;
	v32 =	vld [tilespmem:s21+$0x10];
	v22 =	vmul.f32 $1.442695020e+00, v22;
	[tilespmem:s26+$0xD0] =	vst v27  }
0x34c: {  	vm0 =	vge.f32 v29, $0.0e+00;
	v27 =	vld [tilespmem:s24+$0x10];
	[tilespmem:s26+$0xE0] =	vst v26  }
0x34d: {  	v26 =	vmul.f32 $2.000000030e-01, v30;
	v24 =	vadd.f32 v25, v24;
	v25 =	vld [tilespmem:s21+$0x20];
	(erf) = vpow2.f32 v22;
	[tilespmem:s23+$0xFFFFFE30] =	vst v8  }
0x34e: {  	v8 =	vsel vm0, v29, v23;
	vm0 =	vge.f32 v30, $0.0e+00;
	v22 =	vld [tilespmem:s24+$0x20];
	[tilespmem:s23+$0xFFFFFEB0] =	vst v9  }
0x34f: {  	v9 =	vld [tilespmem:s21+$0xFFFFFFC0];
	vm1 =	vge.f32 v24, $0.0e+00;
	v23 =	vmul.f32 $2.000000030e-01, v24;
	v28 =	vadd.f32 v28, v31;
	[tilespmem:s23+$0xFFFFFEC0] =	vst v10  }
0x350: {  	v8 =	vmul.f32 $1.442695020e+00, v8;
	v10 =	vsel vm0, v30, v26;
	v26 =	vld [tilespmem:s25+$0xA0];
	[tilespmem:s23+$0xFFFFFF40] =	vst v13  }
0x351: {  	vm0 =	vge.f32 v28, $0.0e+00;
	v13 =	vmul.f32 $2.000000030e-01, v28;
	v27 =	vadd.f32 v27, v32;
	v29 =	vld [tilespmem:s25+$0xFFFFFF30];
	[tilespmem:s23+$0xFFFFFF50] =	vst v11  }
0x352: {  	v10 =	vmul.f32 $1.442695020e+00, v10;
	v11 =	vsel vm1, v24, v23;
	(erf) = vpow2.f32 v8;
	v8 =	vld [tilespmem:s25+$0xFFFFFF70];
	[tilespmem:s23+$0xFFFFFFD0] =	vst v14  }
0x353: {  	vm1 =	vge.f32 v27, $0.0e+00;
	v14 =	vmul.f32 $2.000000030e-01, v27;
	v23 =	vadd.f32 v22, v25;
	v24 =	vld [tilespmem:s25+$0xFFFFFFB0];
	[tilespmem:s23+$0xFFFFFFE0] =	vst v12  }
0x354: {  	v11 =	vmul.f32 $1.442695020e+00, v11;
	v12 =	vsel vm0, v28, v13;
	v9 =	vadd.f32 v33, v9;
	v13 =	vld [tilespmem:s25+$0xFFFFFFF0];
	[tilespmem:s23+$0x60] =	vst v16  }
0x355: {  	s26 =	sadd.s32 $0x480, s26;
	v14 =	vsel vm1, v27, v14;
	vm0 =	vge.f32 v23, $0.0e+00;
	v16 =	vmul.f32 $2.000000030e-01, v23;
	v25 =	vld [tilespmem:s25+$0x30];
	[tilespmem:s23+$0x70] =	vst v15  }
0x356: {  	v12 =	vmul.f32 $1.442695020e+00, v12;
	vm1 =	vge.f32 v9, $0.0e+00;
	v15 =	vmul.f32 $2.000000030e-01, v9;
	v22 =	vpop (erf);
	v27 =	vld [tilespmem:s25+$0x70]  }
0x357: {  	v14 =	vmul.f32 $1.442695020e+00, v14;
	s25 =	sadd.s32 $0x200, s25;
	v16 =	vsel vm0, v23, v16;
	[tilespmem:s26+$0x230] =	vst v22;
	(erf) = vpow2.f32 v10  }
0x358: {  	v9 =	vsel vm1, v9, v15;
	v10 =	vmul.f32 $1.442695020e+00, v16;
	v15 =	vld [tilespmem:s25+$0xC0];
	(erf) = vpow2.f32 v11;
	[tilespmem:s23+$0xF0] =	vst v19  }
0x359: {  	v11 =	vunpack.i.u.bf16.f32 v26;
	v9 =	vmul.f32 $1.442695020e+00, v9;
	(erf) = vpow2.f32 v12;
	[tilespmem:s23+$0x100] =	vst v18  }
0x35a: {  	v12 =	vunpack.i.l.bf16.f32 v26;
	v11 =	vmul.f32 v11, v5;
	(erf) = vpow2.f32 v14;
	[tilespmem:s23+$0x180] =	vst v21  }
0x35b: {  	v12 =	vmul.f32 v12, v5;
	(erf) = vpow2.f32 v9;
	v14 =	vpop (erf);
	v9 =	vunpack.i.u.bf16.f32 v29;
	[tilespmem:s23+$0x190] =	vst v17;
	s23 =	smov.u32 s1;
	s1 =	smov.u32 s26  }
0x35c: {  	v16 =	vunpack.i.u.bf16.f32 v8;
	[tilespmem:s26+$0xFFFFFED0] =	vst v14;
	(erf) = vpow2.f32 v10;
	v10 =	vunpack.i.l.bf16.f32 v29  }
0x35d: {  	v19 =	vunpack.i.l.bf16.f32 v8;
	v21 =	vunpack.i.u.bf16.f32 v24;
	v17 =	vld [tilespmem:s25+$0xFFFFFF40];
	v18 =	vunpack.i.l.bf16.f32 v15;
	[tilespmem:s23+$0x160] =	vst v12  }
0x35e: {  	v8 =	vunpack.i.u.bf16.f32 v15;
	v15 =	vunpack.i.l.bf16.f32 v24;
	v12 =	vmul.f32 v22, v18;
	[tilespmem:s23+$0x170] =	vst v11  }
0x35f: {  	v23 =	vunpack.i.l.bf16.f32 v13;
	v8 =	vmul.f32 v22, v8;
	v18 =	vunpack.i.u.bf16.f32 v13;
	v11 =	vld [tilespmem:s7+$0xB0];
	[tilespmem:s23+$0x210] =	vst v20;
	s7 =	smov.u32 s25  }
0x360: {  	v26 =	vunpack.i.u.bf16.f32 v27;
	v24 =	vunpack.i.u.bf16.f32 v25;
	v25 =	vunpack.i.l.bf16.f32 v25;
	[tilespmem:s26+$0x1B0] =	vst v12;
	v20 =	vpop (erf)  }
0x361: {  	v27 =	vunpack.i.l.bf16.f32 v27;
	v29 =	vmul.f32 v10, v7;
	[tilespmem:s26+$0x1C0] =	vst v8;
	v28 =	vpop (erf);
	v8 =	vmul.f32 v9, v7  }
0x362: {  	v9 =	vmul.f32 v19, v3;
	v12 =	vunpack.i.u.bf16.f32 v17;
	v10 =	vunpack.i.l.bf16.f32 v17;
	[tilespmem:s26+$0xFFFFFF60] =	vst v20;
	v17 =	vld [tilespmem:s25+$0xD0];
	v30 =	vpop (erf)  }
0x363: {  	v19 =	vmul.f32 v14, v10;
	v31 =	vmul.f32 v14, v12;
	v32 =	vld [tilespmem:s25+$0xFFFFFF80];
	[tilespmem:s26+$0xFFFFFFF0] =	vst v28;
	v33 =	vpop (erf)  }
0x364: {  	v10 =	vmul.f32 v16, v3;
	v34 =	vld [tilespmem:s25+$0xFFFFFFC0];
	[tilespmem:s26+$0x80] =	vst v30;
	v7 =	vpop (erf);
	v35 =	vunpack.i.u.bf16.f32 v11;
	v36 =	vunpack.i.l.bf16.f32 v11  }
0x365: {  	v13 =	vmul.f32 v15, v6;
	v3 =	vmov v14;
	v11 =	vmul.f32 v21, v6;
	[tilespmem:s26+$0xFFFFFE40] =	vst v7;
	v37 =	vld [tilespmem:s25+$0x0];
	v38 =	vpop (erf)  }
0x366: {  	v14 =	vmul.f32 v23, v4;
	v12 =	vmul.f32 v18, v4;
	v4 =	vmovc v28;
	v6 =	vmov v20;
	v21 =	vld [tilespmem:s25+$0xFFFFFF00];
	[tilespmem:s26+$0x110] =	vst v33  }
0x367: {  	v15 =	vmul.f32 v24, v2;
	v16 =	vmul.f32 v25, v2;
	v2 =	vmovc v30;
	v18 =	vld [tilespmem:s25+$0x40];
	[tilespmem:s26+$0x1A0] =	vst v38;
	v20 =	vunpack.i.l.bf16.f32 v17  }
0x368: {  	v17 =	vunpack.i.u.bf16.f32 v17;
	[tilespmem:s26+$0xFFFFFE50] =	vst v19;
	v19 =	vunpack.i.u.bf16.f32 v32;
	v23 =	vld [tilespmem:s25+$0x80];
	v20 =	vmul.f32 v20, v22  }
0x369: {  	v24 =	vunpack.i.l.bf16.f32 v32;
	v17 =	vmul.f32 v17, v22;
	[tilespmem:s26+$0xFFFFFE60] =	vst v31;
	v25 =	vunpack.i.u.bf16.f32 v34  }
0x36a: {  	v30 =	vunpack.i.l.bf16.f32 v34;
	v28 =	vld [tilespmem:s25+$0xFFFFFF50];
	v31 =	vunpack.i.u.bf16.f32 v37;
	v32 =	vunpack.i.l.bf16.f32 v37;
	[tilespmem:s26+$0x1D0] =	vst v20  }
0x36b: {  	v24 =	vmul.f32 v6, v24;
	v20 =	vunpack.i.u.bf16.f32 v21;
	v21 =	vunpack.i.l.bf16.f32 v21;
	[tilespmem:s26+$0x1E0] =	vst v17  }
0x36c: {  	v17 =	vmul.f32 v7, v21;
	v21 =	vunpack.i.u.bf16.f32 v18;
	v18 =	vunpack.i.l.bf16.f32 v18;
	v34 =	vld [tilespmem:s25+$0xE0];
	[tilespmem:s23+$0xFFFFFE20] =	vst v29  }
0x36d: {  	v20 =	vmul.f32 v7, v20;
	[tilespmem:s26+$0xFFFFFEE0] =	vst v24;
	v24 =	vunpack.i.u.bf16.f32 v23;
	v23 =	vunpack.i.l.bf16.f32 v23  }
0x36e: {  	[tilespmem:s26+$0xFFFFFDC0] =	vst v17;
	v17 =	vmul.f32 v6, v19;
	v19 =	vmul.f32 v4, v30  }
0x36f: {  	v25 =	vmul.f32 v4, v25;
	v29 =	vmul.f32 v2, v32;
	[tilespmem:s26+$0xFFFFFDD0] =	vst v20;
	v20 =	vunpack.i.u.bf16.f32 v28  }
0x370: {  	v28 =	vunpack.i.l.bf16.f32 v28;
	v30 =	vld [tilespmem:s25+$0xFFFFFF10];
	[tilespmem:s26+$0xFFFFFEF0] =	vst v17;
	v17 =	vmul.f32 v2, v31;
	v31 =	vmul.f32 v33, v18  }
0x371: {  	v21 =	vmul.f32 v33, v21;
	v23 =	vmul.f32 v38, v23;
	v32 =	vld [tilespmem:s25+$0xFFFFFF90];
	[tilespmem:s26+$0xFFFFFF70] =	vst v19;
	v18 =	vunpack.i.l.bf16.f32 v34  }
0x372: {  	v24 =	vmul.f32 v38, v24;
	v19 =	vunpack.i.u.bf16.f32 v34;
	[tilespmem:s26+$0xFFFFFF80] =	vst v25;
	v18 =	vmul.f32 v18, v22  }
0x373: {  	v25 =	vmul.f32 v28, v3;
	v28 =	vld [tilespmem:s25+$0xFFFFFFD0];
	[tilespmem:s26+$0x0] =	vst v29;
	v29 =	vmul.f32 v19, v22  }
0x374: {  	v34 =	vmul.f32 v20, v3;
	v19 =	vmul.f32 v27, v1;
	[tilespmem:s26+$0x1F0] =	vst v18  }
0x375: {  	v18 =	vmul.f32 v26, v1;
	v1 =	vmovc v33;
	v20 =	vunpack.i.u.bf16.f32 v30;
	v27 =	vunpack.i.l.bf16.f32 v30;
	[tilespmem:s26+$0x200] =	vst v29  }
0x376: {  	v26 =	vmul.f32 v27, v7;
	v27 =	vunpack.i.u.bf16.f32 v32;
	v29 =	vunpack.i.l.bf16.f32 v32;
	[tilespmem:s26+$0x10] =	vst v17;
	v30 =	vld [tilespmem:s25+$0xF0]  }
0x377: {  	v20 =	vmul.f32 v20, v7;
	v29 =	vmul.f32 v29, v6;
	v32 =	vld [tilespmem:s25+$0x10];
	[tilespmem:s26+$0x90] =	vst v31  }
0x378: {  	v27 =	vmul.f32 v27, v6;
	v17 =	vunpack.i.u.bf16.f32 v28;
	v28 =	vunpack.i.l.bf16.f32 v28;
	[tilespmem:s26+$0xA0] =	vst v21  }
0x379: {  	v28 =	vmul.f32 v28, v4;
	v31 =	vmul.f32 v17, v4;
	v33 =	vld [tilespmem:s25+$0x50];
	[tilespmem:s26+$0x120] =	vst v23  }
0x37a: {  	v21 =	vmul.f32 v36, v5;
	v17 =	vmul.f32 v35, v5;
	v5 =	vmov v38;
	[tilespmem:s26+$0x130] =	vst v24  }
0x37b: {  	[tilespmem:s26+$0xFFFFFDE0] =	vst v26;
	v23 =	vld [tilespmem:s25+$0x90];
	v24 =	vunpack.i.u.bf16.f32 v30;
	v26 =	vunpack.i.l.bf16.f32 v30  }
0x37c: {  	[tilespmem:s26+$0xFFFFFDF0] =	vst v20;
	v20 =	vunpack.i.u.bf16.f32 v32;
	v30 =	vunpack.i.l.bf16.f32 v32;
	v24 =	vmul.f32 v24, v22  }
0x37d: {  	v32 =	vld [tilespmem:s25+$0xFFFFFF20];
	[tilespmem:s26+$0xFFFFFE70] =	vst v25;
	v30 =	vmul.f32 v30, v2;
	v35 =	vmul.f32 v20, v2  }
0x37e: {  	v20 =	vmul.f32 v26, v22;
	v25 =	vunpack.i.u.bf16.f32 v33;
	v33 =	vunpack.i.l.bf16.f32 v33;
	[tilespmem:s26+$0x220] =	vst v24  }
0x37f: {  	[tilespmem:s26+$0xFFFFFE80] =	vst v34;
	v24 =	vmul.f32 v33, v1;
	v33 =	vmul.f32 v25, v1  }
0x380: {  	v26 =	vld [tilespmem:s25+$0xFFFFFF60];
	[tilespmem:s26+$0xFFFFFF00] =	vst v29;
	v22 =	vunpack.i.u.bf16.f32 v23;
	v23 =	vunpack.i.l.bf16.f32 v23  }
0x381: {  	[tilespmem:s26+$0xFFFFFF10] =	vst v27;
	v34 =	vmul.f32 v23, v5;
	v22 =	vmul.f32 v22, v5  }
0x382: {  	v23 =	vunpack.i.u.bf16.f32 v32;
	v25 =	vunpack.i.l.bf16.f32 v32;
	v27 =	vld [tilespmem:s25+$0xFFFFFFA0];
	[tilespmem:s26+$0xFFFFFF90] =	vst v28  }
0x383: {  	v25 =	vmul.f32 v25, v7;
	v23 =	vmul.f32 v23, v7;
	[tilespmem:s26+$0xFFFFFFA0] =	vst v31  }
.Ltmp4:
0x384: {  	v31 =	vld [tilespmem:s25+$0xFFFFFFE0];
	[tilespmem:s26+$0x20] =	vst v30;
	(pc) =	sbr.rel @p0 .LBB2_10-.Ltmp4, $4  }
0x385: {  	v28 =	vunpack.i.u.bf16.f32 v26;
	v26 =	vunpack.i.l.bf16.f32 v26;
	[tilespmem:s26+$0x30] =	vst v35  }
0x386: {  	v29 =	vmul.f32 v26, v3;
	v26 =	vmul.f32 v28, v3;
	v28 =	vld [tilespmem:s25+$0x20];
	[tilespmem:s26+$0xB0] =	vst v24  }
0x387: {  	v24 =	vunpack.i.u.bf16.f32 v27;
	v27 =	vunpack.i.l.bf16.f32 v27;
	[tilespmem:s26+$0xC0] =	vst v33  }
0x388: {  	s21 =	sadd.s32 $0x80, s21;
	v30 =	vmul.f32 v27, v6;
	v24 =	vmul.f32 v24, v6;
	v27 =	vld [tilespmem:s25+$0x60];
	[tilespmem:s26+$0x140] =	vst v34  }
0x389: {  	[tilespmem:s26+$0x150] =	vst v22  }
0x38a: {  	[tilespmem:s26+$0xFFFFFE00] =	vst v25  }
0x38b: {  	[tilespmem:s26+$0xFFFFFE10] =	vst v23  }
0x38c: {  	[tilespmem:s26+$0xFFFFFE90] =	vst v29  }
0x38d: {  	[tilespmem:s26+$0xFFFFFEA0] =	vst v26  }
0x38e: {  	[tilespmem:s23+$0xFFFFFE30] =	vst v8  }
0x38f: {  	[tilespmem:s23+$0xFFFFFEB0] =	vst v9  }
0x390: {  	[tilespmem:s23+$0xFFFFFEC0] =	vst v10  }
0x391: {  	[tilespmem:s23+$0xFFFFFF40] =	vst v13  }
0x392: {  	[tilespmem:s23+$0xFFFFFF50] =	vst v11  }
0x393: {  	[tilespmem:s23+$0xFFFFFFD0] =	vst v14  }
0x394: {  	[tilespmem:s23+$0xFFFFFFE0] =	vst v12  }
0x395: {  	[tilespmem:s23+$0x60] =	vst v16  }
0x396: {  	[tilespmem:s23+$0x70] =	vst v15  }
0x397: {  	[tilespmem:s23+$0xF0] =	vst v19  }
0x398: {  	[tilespmem:s23+$0x100] =	vst v18  }
0x399: {  	[tilespmem:s23+$0x180] =	vst v21  }
0x39a: {  	[tilespmem:s23+$0x190] =	vst v17  }
0x39b: {  	v33 =	vunpack.i.l.bf16.f32 v31;
	[tilespmem:s1+$0x210] =	vst v20  }
0x39c: {  	v34 =	vunpack.i.u.bf16.f32 v31;
	v22 =	vmul.f32 v33, v4;
	[tilespmem:s26+$0xFFFFFF20] =	vst v30;
	v40 =	vld [tilespmem:s25+$0xA0]  }
0x39d: {  	v23 =	vmul.f32 v34, v4;
	[tilespmem:s26+$0xFFFFFF30] =	vst v24;
	v35 =	vunpack.i.l.bf16.f32 v28  }
0x39e: {  	v41 =	vld [tilespmem:s25+$0xFFFFFF30];
	v36 =	vunpack.i.u.bf16.f32 v28;
	v25 =	vmul.f32 v35, v2;
	[tilespmem:s26+$0xFFFFFFB0] =	vst v22  }
0x39f: {  	v37 =	vmul.f32 v36, v2;
	[tilespmem:s26+$0xFFFFFFC0] =	vst v23;
	v38 =	vunpack.i.l.bf16.f32 v27  }
0x3a0: {  	v42 =	vld [tilespmem:s25+$0xFFFFFF70];
	v39 =	vunpack.i.u.bf16.f32 v27;
	v24 =	vmul.f32 v38, v1;
	[tilespmem:s26+$0x40] =	vst v25  }
0x3a1: {  	v23 =	vmul.f32 v39, v1;
	[tilespmem:s26+$0x50] =	vst v37;
	v43 =	vunpack.i.l.bf16.f32 v40  }
0x3a2: {  	v44 =	vld [tilespmem:s25+$0xFFFFFFB0];
	v8 =	vunpack.i.u.bf16.f32 v40;
	[tilespmem:s26+$0xD0] =	vst v24;
	v11 =	vmul.f32 v43, v5  }
0x3a3: {  	v45 =	vunpack.i.l.bf16.f32 v41;
	[tilespmem:s26+$0xE0] =	vst v23;
	v8 =	vmul.f32 v8, v5  }
0x3a4: {  	v46 =	vld [tilespmem:s25+$0xFFFFFFF0];
	v9 =	vunpack.i.u.bf16.f32 v41;
	v47 =	vmul.f32 v45, v7;
	[tilespmem:s1+$0x160] =	vst v11  }
0x3a5: {  	v48 =	vunpack.i.l.bf16.f32 v42;
	v49 =	vmul.f32 v9, v7;
	[tilespmem:s1+$0x170] =	vst v8  }
0x3a6: {  	v50 =	vld [tilespmem:s25+$0x30];
	v10 =	vunpack.i.u.bf16.f32 v42;
	v13 =	vmul.f32 v48, v3;
	[tilespmem:s1+$0xFFFFFE20] =	vst v47  }
0x3a7: {  	v3 =	vmul.f32 v10, v3;
	v53 =	vunpack.i.u.bf16.f32 v44;
	[tilespmem:s1+$0xFFFFFE30] =	vst v49  }
0x3a8: {  	v51 =	vunpack.i.l.bf16.f32 v44;
	v52 =	vld [tilespmem:s25+$0x70];
	v55 =	vmul.f32 v53, v6;
	[tilespmem:s1+$0xFFFFFEB0] =	vst v13  }
0x3a9: {  	v8 =	vmul.f32 v51, v6;
	v54 =	vunpack.i.l.bf16.f32 v46;
	[tilespmem:s1+$0xFFFFFEC0] =	vst v3  }
0x3aa: {  	v3 =	vunpack.i.u.bf16.f32 v46;
	v56 =	vld [tilespmem:s7+$0xB0];
	v57 =	vmul.f32 v54, v4;
	[tilespmem:s1+$0xFFFFFF50] =	vst v55  }
0x3ab: {  	v3 =	vmul.f32 v3, v4;
	[tilespmem:s1+$0xFFFFFF40] =	vst v8;
	v58 =	vunpack.i.l.bf16.f32 v50  }
0x3ac: {  	v59 =	vunpack.i.u.bf16.f32 v50;
	v60 =	vmul.f32 v58, v2;
	[tilespmem:s1+$0xFFFFFFD0] =	vst v57  }
0x3ad: {  	v2 =	vmul.f32 v59, v2;
	[tilespmem:s1+$0xFFFFFFE0] =	vst v3;
	v61 =	vunpack.i.l.bf16.f32 v52  }
0x3ae: {  	v3 =	vunpack.i.u.bf16.f32 v52;
	v62 =	vmul.f32 v61, v1;
	[tilespmem:s1+$0x60] =	vst v60  }
0x3af: {  	v1 =	vmul.f32 v3, v1;
	[tilespmem:s1+$0x70] =	vst v2;
	v63 =	vunpack.i.l.bf16.f32 v56  }
0x3b0: {  	v2 =	vunpack.i.u.bf16.f32 v56;
	v3 =	vmul.f32 v63, v5;
	[tilespmem:s1+$0xF0] =	vst v62  }
0x3b1: {  	v2 =	vmul.f32 v2, v5;
	[tilespmem:s1+$0x100] =	vst v1  }
0x3b2: {  	[tilespmem:s1+$0x180] =	vst v3  }
0x3b3: {  	s24 =	simm.s32 $0x26E8;
	[tilespmem:s1+$0x190] =	vst v2  }
0x3b4: {  	[spmem:s3] =	stream.indirect.scatter.add.f32 [tilespmem:s30], [sflag:$0x7], $0x90, s24, s0, $0xb8;
	[tilespmem:$0x1DA10] =	vst v63  }
0x3b5: {  	_ =	swait.ge [sflag:s28], $0x1680  }
0x3b6: {  	[sflag:s28] =	ssyncset.done $0x0  }
0x3b7: {  	s25 =	simm.s32 $0x8;
	[sflag:s28] =	ssyncadd.s32 $0xFFFFE980  }
0x3b8: {  	_ =	swait.ge [sflag:s25], $0x1680  }
0x3b9: {  	[sflag:s25] =	ssyncset.done $0x0  }
0x3ba: {  	s23 =	simm.s32 $0x0;
	s26 =	rddreg [dreg:$0x13];
	[sflag:s25] =	ssyncadd.s32 $0xFFFFE980  }
0x3bb: {  	[tilespmem:s23], [sflag:$0x9] =	stream.linear.gather [hbm4b:s26+s23], $0x1388, $0x38;
	[tilespmem:$0x1DA10] =	vst v63  }
0x3bc: {  	_ =	swait.ge [sflag:s31], $0x1388  }
0x3bd: {  	[sflag:s31] =	ssyncset.done $0x0  }
0x3be: {  	s29 =	simm.s32 $0x1388;
	s28 =	rddreg [dreg:$0x14];
	[sflag:s31] =	ssyncadd.s32 $0xFFFFEC78  }
0x3bf: {  	[tilespmem:s29], [sflag:$0x9] =	stream.linear.gather [hbm4b:s28+s23], $0x1388, $0x38;
	[tilespmem:$0x1DA10] =	vst v63  }
0x3c0: {  	_ =	swait.ge [sflag:s31], $0x1388  }
0x3c1: {  	[sflag:s31] =	ssyncset.done $0x0  }
0x3c2: {  	[sflag:s31] =	ssyncadd.s32 $0xFFFFEC78  }
0x3c3: {  	[tilespmem:s8], [sflag:$0x1] =	stream.indirect.gather [hbm4b:s2+s0], $0x40, s23, s0, $0xb8;
	[tilespmem:$0x1DA10] =	vst v63  }
0x3c4: {  	_ = 	snop  }
0x3c5: {  	[tilespmem:s9], [sflag:$0x3] =	stream.indirect.gather [hbm4b:s5+s0], $0x10, s23, s0, $0xb8;
	[tilespmem:$0x1DA10] =	vst v63  }
0x3c6: {  	_ = 	snop  }
0x3c7: {  	[tilespmem:s10], [sflag:$0x5] =	stream.indirect.gather [hbm4b:s6+s0], $0x10, s29, s0, $0xb8;
	[tilespmem:$0x1DA10] =	vst v63  }
.LBB2_12:
0x3c8: {  	s24 =	sshllo.u32 s23, $0x1  }
0x3c9: {  	s1 =	smul.u32 $0x28, s24;
	_ =	sdelay $0x1  }
0x3ca: {  	[tilespmem:s11], [sflag:$0x2] =	stream.indirect.gather [hbm4b:s2+s0], $0x40, s1, s0, $0xb8;
	[tilespmem:$0x1DA10] =	vst v63  }
0x3cb: {  	_ = 	snop  }
0x3cc: {  	[tilespmem:s12], [sflag:$0x4] =	stream.indirect.gather [hbm4b:s5+s0], $0x10, s1, s0, $0xb8;
	[tilespmem:$0x1DA10] =	vst v63  }
0x3cd: {  	s1 =	sadd.s32 $0x1388, s1  }
0x3ce: {  	[tilespmem:s13], [sflag:$0x6] =	stream.indirect.gather [hbm4b:s6+s0], $0x10, s1, s0, $0xb8;
	[tilespmem:$0x1DA10] =	vst v63  }
0x3cf: {  	_ =	swait.ge [sflag:s14], $0xA00  }
0x3d0: {  	[sflag:s14] =	ssyncset.done $0x0  }
0x3d1: {  	[sflag:s14] =	ssyncadd.s32 $0xFFFFF600  }
0x3d2: {  	_ =	swait.ge [sflag:s15], $0x280  }
0x3d3: {  	[sflag:s15] =	ssyncset.done $0x0  }
0x3d4: {  	[sflag:s15] =	ssyncadd.s32 $0xFFFFFD80  }
0x3d5: {  	_ =	swait.ge [sflag:s16], $0x280  }
0x3d6: {  	p0 =	seq.s32 s23, $0x0;
	[sflag:s16] =	ssyncset.done $0x0  }
0x3d7: {  	s1 =	simm.s32 @!p0 $0x7;
	[sflag:s16] =	ssyncadd.s32 $0xFFFFFD80  }
0x3d8: {  	_ =	swait.ge @!p0 [sflag:s1], $0x1680  }
0x3d9: {  	[sflag:s1] =	ssyncset.done @!p0 $0x0  }
0x3da: {  	s26 =	simm.s32 $0x2750;
	[sflag:s1] =	ssyncadd.s32 @!p0 $0xFFFFE980  }
0x3db: {  	s7 =	simm.s32 $0x2C50;
	v1 =	vld [tilespmem:s26+$0x30]  }
0x3dc: {  	v2 =	vld [tilespmem:s7+$0x30]  }
0x3dd: {  	v4 =	vld [tilespmem:s26+$0xFFFFFFD0]  }
0x3de: {  	v5 =	vld [tilespmem:s7+$0xFFFFFFD0]  }
0x3df: {  	v6 =	vld [tilespmem:s26+$0xFFFFFFE0]  }
0x3e0: {  	v7 =	vld [tilespmem:s7+$0xFFFFFFE0]  }
0x3e1: {  	v8 =	vld [tilespmem:s7+$0xFFFFFFF0];
	v1 =	vadd.f32 v2, v1  }
0x3e2: {  	v10 =	vld [tilespmem:s26+$0x0]  }
0x3e3: {  	v11 =	vld [tilespmem:s7+$0x0];
	v9 =	vmul.f32 $2.000000030e-01, v1  }
0x3e4: {  	v2 =	vld [tilespmem:s26+$0xFFFFFFF0];
	v4 =	vadd.f32 v5, v4;
	vm0 =	vge.f32 v1, $0.0e+00  }
0x3e5: {  	v3 =	vld [tilespmem:s7+$0xFFFFFFC0];
	v1 =	vsel vm0, v1, v9  }
0x3e6: {  	v5 =	vld [tilespmem:s26+$0x10];
	v12 =	vmul.f32 $2.000000030e-01, v4;
	v1 =	vmul.f32 $1.442695020e+00, v1  }
0x3e7: {  	vm14 =	vge.f32 v4, $0.0e+00;
	v9 =	vld [tilespmem:s7+$0x10]  }
0x3e8: {  	v6 =	vadd.f32 v7, v6;
	v4 =	vsel vm14, v4, v12;
	v12 =	vld [tilespmem:s26+$0xFFFFFFC0];
	(erf) = vpow2.f32 v1  }
0x3e9: {  	v7 =	vld [tilespmem:s26+$0x20];
	v10 =	vadd.f32 v11, v10;
	v4 =	vmul.f32 $1.442695020e+00, v4;
	v1 =	vadd.f32 v8, v2  }
0x3ea: {  	vm15 =	vge.f32 v6, $0.0e+00;
	v2 =	vld [tilespmem:s7+$0x20];
	v8 =	vmul.f32 $2.000000030e-01, v6  }
0x3eb: {  	vm4 =	vge.f32 v10, $0.0e+00;
	(erf) = vpow2.f32 v4;
	vm1 =	vge.f32 v1, $0.0e+00  }
0x3ec: {  	v11 =	vmul.f32 $2.000000030e-01, v1;
	v6 =	vsel vm15, v6, v8;
	v5 =	vadd.f32 v9, v5  }
0x3ed: {  	v8 =	vmul.f32 $2.000000030e-01, v10;
	v3 =	vadd.f32 v3, v12;
	v6 =	vmul.f32 $1.442695020e+00, v6  }
0x3ee: {  	v1 =	vsel vm1, v1, v11;
	v4 =	vmul.f32 $2.000000030e-01, v5;
	vm5 =	vge.f32 v5, $0.0e+00  }
0x3ef: {  	v8 =	vsel vm4, v10, v8;
	v9 =	vmul.f32 $2.000000030e-01, v3;
	v2 =	vadd.f32 v2, v7  }
0x3f0: {  	vm6 =	vge.f32 v3, $0.0e+00;
	v7 =	vmul.f32 $1.442695020e+00, v1;
	v8 =	vmul.f32 $1.442695020e+00, v8  }
0x3f1: {  	s25 =	simm.s32 $0x4750;
	v4 =	vsel vm5, v5, v4;
	v5 =	vmul.f32 $2.000000030e-01, v2;
	v1 =	vpop (erf);
	(erf) = vpow2.f32 v6  }
0x3f2: {  	s21 =	simm.s32 $0x3210;
	v3 =	vsel vm6, v3, v9;
	v4 =	vmul.f32 $1.442695020e+00, v4;
	[tilespmem:s25+$0x230] =	vst v1;
	(erf) = vpow2.f32 v7  }
0x3f3: {  	v3 =	vmul.f32 $1.442695020e+00, v3;
	v6 =	vld [tilespmem:s21+$0xC0];
	(erf) = vpow2.f32 v8  }
0x3f4: {  	vm7 =	vge.f32 v2, $0.0e+00;
	(erf) = vpow2.f32 v4  }
0x3f5: {  	v2 =	vsel vm7, v2, v5;
	(erf) = vpow2.f32 v3  }
0x3f6: {  	v2 =	vmul.f32 $1.442695020e+00, v2;
	_ =	sdelay $0x1  }
0x3f7: {  	v10 =	vpop (erf);
	(erf) = vpow2.f32 v2;
	v3 =	vunpack.i.l.bf16.f32 v6  }
0x3f8: {  	v2 =	vunpack.i.u.bf16.f32 v6;
	v3 =	vmul.f32 v1, v3  }
0x3f9: {  	[tilespmem:s25+$0xFFFFFED0] =	vst v10;
	v2 =	vmul.f32 v1, v2;
	v11 =	vpop (erf)  }
0x3fa: {  	[tilespmem:s25+$0x1B0] =	vst v3;
	v3 =	vld [tilespmem:s21+$0xFFFFFF40];
	v12 =	vpop (erf)  }
0x3fb: {  	[tilespmem:s25+$0x1C0] =	vst v2;
	v15 =	vpop (erf)  }
0x3fc: {  	[tilespmem:s25+$0xFFFFFF60] =	vst v11;
	v2 =	vld [tilespmem:s21+$0xD0];
	v18 =	vpop (erf)  }
0x3fd: {  	[tilespmem:s25+$0xFFFFFFF0] =	vst v12;
	v8 =	vpop (erf)  }
0x3fe: {  	v4 =	vld [tilespmem:s21+$0xFFFFFF80];
	[tilespmem:s25+$0xFFFFFE40] =	vst v8  }
0x3ff: {  	[tilespmem:s25+$0x80] =	vst v15;
	v5 =	vunpack.i.l.bf16.f32 v3;
	v6 =	vld [tilespmem:s21+$0xFFFFFF00]  }
0x400: {  	[tilespmem:s25+$0x110] =	vst v18;
	v17 =	vpop (erf);
	v3 =	vunpack.i.u.bf16.f32 v3;
	v5 =	vmul.f32 v10, v5  }
0x401: {  	v9 =	vld [tilespmem:s21+$0xFFFFFFC0];
	[tilespmem:s25+$0x1A0] =	vst v17;
	v7 =	vunpack.i.l.bf16.f32 v2;
	v3 =	vmul.f32 v10, v3  }
0x402: {  	v2 =	vunpack.i.u.bf16.f32 v2;
	v7 =	vmul.f32 v7, v1;
	[tilespmem:s25+$0xFFFFFE50] =	vst v5  }
0x403: {  	v2 =	vmul.f32 v2, v1;
	v5 =	vunpack.i.l.bf16.f32 v4;
	[tilespmem:s25+$0xFFFFFE60] =	vst v3  }
0x404: {  	s22 =	simm.s32 $0x27D0;
	[tilespmem:s25+$0x1D0] =	vst v7;
	v7 =	vld [tilespmem:s21+$0x0];
	v5 =	vmul.f32 v11, v5;
	v13 =	vunpack.i.l.bf16.f32 v6  }
0x405: {  	v16 =	vld [tilespmem:s22+$0x30];
	[tilespmem:s25+$0x1E0] =	vst v2;
	v2 =	vunpack.i.u.bf16.f32 v6;
	v3 =	vmul.f32 v8, v13  }
0x406: {  	s26 =	simm.s32 $0x2CD0;
	v6 =	vld [tilespmem:s21+$0xE0];
	v2 =	vmul.f32 v8, v2;
	[tilespmem:s25+$0xFFFFFEE0] =	vst v5;
	v5 =	vunpack.i.l.bf16.f32 v9  }
0x407: {  	v20 =	vld [tilespmem:s26+$0x30];
	v4 =	vunpack.i.u.bf16.f32 v4;
	v5 =	vmul.f32 v12, v5;
	[tilespmem:s25+$0xFFFFFDC0] =	vst v3  }
0x408: {  	v9 =	vunpack.i.u.bf16.f32 v9;
	v3 =	vmul.f32 v11, v4;
	v4 =	vld [tilespmem:s21+$0x40];
	[tilespmem:s25+$0xFFFFFDD0] =	vst v2  }
0x409: {  	v23 =	vld [tilespmem:s22+$0xFFFFFFD0];
	v9 =	vmul.f32 v12, v9;
	v2 =	vunpack.i.l.bf16.f32 v7;
	[tilespmem:s25+$0xFFFFFF70] =	vst v5  }
0x40a: {  	v7 =	vunpack.i.u.bf16.f32 v7;
	[tilespmem:s25+$0xFFFFFEF0] =	vst v3;
	v3 =	vld [tilespmem:s21+$0x80];
	v2 =	vmul.f32 v15, v2  }
0x40b: {  	v26 =	vld [tilespmem:s22+$0xFFFFFFE0];
	[tilespmem:s25+$0xFFFFFF80] =	vst v9;
	v5 =	vunpack.i.l.bf16.f32 v6;
	v7 =	vmul.f32 v15, v7  }
0x40c: {  	v9 =	vld [tilespmem:s21+$0xFFFFFF10];
	v6 =	vunpack.i.u.bf16.f32 v6;
	v5 =	vmul.f32 v5, v1;
	[tilespmem:s25+$0x0] =	vst v2  }
0x40d: {  	v28 =	vld [tilespmem:s26+$0xFFFFFFE0];
	v16 =	vadd.f32 v20, v16;
	v2 =	vmul.f32 v6, v1;
	[tilespmem:s25+$0x10] =	vst v7;
	v6 =	vunpack.i.l.bf16.f32 v4  }
0x40e: {  	[tilespmem:s25+$0x1F0] =	vst v5;
	v5 =	vld [tilespmem:s21+$0xFFFFFF50];
	v4 =	vunpack.i.u.bf16.f32 v4;
	v6 =	vmul.f32 v18, v6  }
0x40f: {  	v25 =	vld [tilespmem:s26+$0xFFFFFFD0];
	v31 =	vmul.f32 $2.000000030e-01, v16;
	[tilespmem:s25+$0x200] =	vst v2;
	v4 =	vmul.f32 v18, v4;
	v2 =	vunpack.i.l.bf16.f32 v3  }
0x410: {  	vm8 =	vge.f32 v16, $0.0e+00;
	v7 =	vld [tilespmem:s21+$0xFFFFFF90];
	v3 =	vunpack.i.u.bf16.f32 v3;
	v2 =	vmul.f32 v17, v2;
	[tilespmem:s25+$0x90] =	vst v6  }
0x411: {  	v16 =	vsel vm8, v16, v31;
	v3 =	vmul.f32 v17, v3;
	v6 =	vunpack.i.l.bf16.f32 v9;
	[tilespmem:s25+$0xA0] =	vst v4;
	v4 =	vld [tilespmem:s21+$0xFFFFFFD0]  }
0x412: {  	v16 =	vmul.f32 $1.442695020e+00, v16;
	v9 =	vunpack.i.u.bf16.f32 v9;
	v6 =	vmul.f32 v6, v8;
	[tilespmem:s25+$0x120] =	vst v2  }
0x413: {  	v26 =	vadd.f32 v28, v26;
	v28 =	vld [tilespmem:s22+$0x20];
	v9 =	vmul.f32 v9, v8;
	v2 =	vunpack.i.l.bf16.f32 v5;
	[tilespmem:s25+$0x130] =	vst v3  }
0x414: {  	(erf) = vpow2.f32 v16;
	v16 =	vld [tilespmem:s26+$0x20];
	v3 =	vunpack.i.u.bf16.f32 v5;
	v2 =	vmul.f32 v2, v10;
	[tilespmem:s25+$0xFFFFFDE0] =	vst v6  }
0x415: {  	v5 =	vld [tilespmem:s21+$0x10];
	v3 =	vmul.f32 v3, v10;
	v6 =	vunpack.i.l.bf16.f32 v7;
	[tilespmem:s25+$0xFFFFFDF0] =	vst v9;
	v7 =	vunpack.i.u.bf16.f32 v7  }
0x416: {  	v23 =	vadd.f32 v25, v23;
	v9 =	vld [tilespmem:s21+$0x50];
	v7 =	vmul.f32 v7, v11;
	[tilespmem:s25+$0xFFFFFE70] =	vst v2;
	v2 =	vunpack.i.l.bf16.f32 v4  }
0x417: {  	v6 =	vmul.f32 v6, v11;
	[tilespmem:s25+$0xFFFFFE80] =	vst v3;
	v3 =	vunpack.i.u.bf16.f32 v4;
	v4 =	vmul.f32 v2, v12;
	v2 =	vld [tilespmem:s21+$0xF0]  }
0x418: {  	[tilespmem:s25+$0xFFFFFF10] =	vst v7;
	v7 =	vld [tilespmem:s21+$0x90]  }
0x419: {  	v29 =	vld [tilespmem:s22+$0xFFFFFFF0];
	vm9 =	vge.f32 v23, $0.0e+00;
	vm10 =	vge.f32 v26, $0.0e+00;
	[tilespmem:s25+$0xFFFFFF00] =	vst v6  }
0x41a: {  	v16 =	vadd.f32 v16, v28;
	v3 =	vmul.f32 v3, v12;
	v6 =	vunpack.i.l.bf16.f32 v5;
	[tilespmem:s25+$0xFFFFFF90] =	vst v4;
	v4 =	vld [tilespmem:s21+$0xFFFFFF20]  }
0x41b: {  	v33 =	vld [tilespmem:s22+$0x0];
	v5 =	vunpack.i.u.bf16.f32 v5;
	v6 =	vmul.f32 v6, v15;
	v13 =	vunpack.i.l.bf16.f32 v9  }
0x41c: {  	v5 =	vmul.f32 v5, v15;
	[tilespmem:s25+$0xFFFFFFA0] =	vst v3;
	v3 =	vunpack.i.u.bf16.f32 v9;
	v9 =	vmul.f32 v13, v18;
	v13 =	vld [tilespmem:s21+$0xFFFFFF60]  }
0x41d: {  	v30 =	vld [tilespmem:s26+$0xFFFFFFF0];
	v3 =	vmul.f32 v3, v18;
	[tilespmem:s25+$0x20] =	vst v6;
	v14 =	vunpack.i.u.bf16.f32 v2;
	v19 =	vunpack.i.l.bf16.f32 v7  }
0x41e: {  	v6 =	vld [tilespmem:s21+$0xFFFFFFA0];
	[tilespmem:s25+$0x30] =	vst v5;
	v7 =	vunpack.i.u.bf16.f32 v7;
	v2 =	vunpack.i.l.bf16.f32 v2;
	v14 =	vmul.f32 v14, v1  }
0x41f: {  	v5 =	vld [tilespmem:s21+$0xFFFFFFE0];
	[tilespmem:s25+$0xB0] =	vst v9;
	v19 =	vmul.f32 v19, v17;
	v7 =	vmul.f32 v7, v17;
	v21 =	vunpack.i.l.bf16.f32 v4  }
0x420: {  	v34 =	vld [tilespmem:s26+$0x0];
	[tilespmem:s25+$0xC0] =	vst v3;
	v1 =	vmul.f32 v2, v1;
	v4 =	vunpack.i.u.bf16.f32 v4;
	v21 =	vmul.f32 v21, v8  }
0x421: {  	v3 =	vld [tilespmem:s21+$0x60];
	v4 =	vmul.f32 v4, v8;
	v24 =	vunpack.i.u.bf16.f32 v13;
	v13 =	vunpack.i.l.bf16.f32 v13;
	[tilespmem:s25+$0x140] =	vst v19  }
0x422: {  	v19 =	vmul.f32 $2.000000030e-01, v23;
	[tilespmem:s25+$0x150] =	vst v7;
	v7 =	vadd.f32 v30, v29;
	v13 =	vmul.f32 v13, v10  }
0x423: {  	v24 =	vmul.f32 v24, v10;
	v27 =	vunpack.i.u.bf16.f32 v6;
	v6 =	vunpack.i.l.bf16.f32 v6  }
0x424: {  	v22 =	vld [tilespmem:s26+$0xFFFFFFC0];
	v6 =	vmul.f32 v6, v11;
	v20 =	vmul.f32 v27, v11;
	v27 =	vunpack.i.l.bf16.f32 v5  }
0x425: {  	v25 =	vld [tilespmem:s22+$0x10];
	v5 =	vunpack.i.u.bf16.f32 v5;
	[tilespmem:s25+$0xFFFFFE00] =	vst v21;
	v21 =	vmul.f32 $2.000000030e-01, v26;
	v19 =	vsel vm9, v23, v19  }
0x426: {  	v23 =	vld [tilespmem:s22+$0xFFFFFFC0];
	[tilespmem:s25+$0xFFFFFE10] =	vst v4;
	v4 =	vadd.f32 v34, v33;
	v5 =	vmul.f32 v5, v12;
	v31 =	vunpack.i.l.bf16.f32 v3  }
0x427: {  	[tilespmem:s25+$0x220] =	vst v14;
	v3 =	vunpack.i.u.bf16.f32 v3;
	v19 =	vmul.f32 $1.442695020e+00, v19;
	v14 =	vmul.f32 v31, v18;
	v31 =	vld [tilespmem:s26+$0x10]  }
0x428: {  	vm11 =	vge.f32 v7, $0.0e+00;
	[tilespmem:s25+$0xFFFFFE90] =	vst v13;
	v13 =	vmul.f32 $2.000000030e-01, v7;
	v3 =	vmul.f32 v3, v18  }
0x429: {  	[tilespmem:s25+$0xFFFFFEA0] =	vst v24;
	v21 =	vsel vm10, v26, v21;
	vm12 =	vge.f32 v4, $0.0e+00;
	v24 =	vmul.f32 $2.000000030e-01, v4  }
0x42a: {  	[tilespmem:s25+$0xFFFFFF20] =	vst v6;
	(erf) = vpow2.f32 v19;
	v6 =	vmul.f32 $1.442695020e+00, v21;
	v7 =	vsel vm11, v7, v13  }
0x42b: {  	v21 =	vld [tilespmem:s21+$0xA0];
	[tilespmem:s25+$0xFFFFFFC0] =	vst v5;
	v5 =	vmul.f32 $2.000000030e-01, v16;
	v7 =	vmul.f32 $1.442695020e+00, v7;
	v4 =	vsel vm12, v4, v24  }
0x42c: {  	v19 =	vadd.f32 v22, v23;
	(erf) = vpow2.f32 v6;
	v25 =	vadd.f32 v31, v25  }
0x42d: {  	vm14 =	vge.f32 v16, $0.0e+00;
	v4 =	vmul.f32 $1.442695020e+00, v4;
	(erf) = vpow2.f32 v7  }
0x42e: {  	v9 =	vld [tilespmem:s21+$0x20];
	v5 =	vsel vm14, v16, v5;
	v22 =	vmul.f32 $2.000000030e-01, v19;
	v13 =	vmul.f32 $2.000000030e-01, v25  }
0x42f: {  	s29 =	simm.s32 $0x4BD0;
	[tilespmem:s25+$0xFFFFFF30] =	vst v20;
	v20 =	vpop (erf);
	vm15 =	vge.f32 v19, $0.0e+00;
	(erf) = vpow2.f32 v4;
	vm13 =	vge.f32 v25, $0.0e+00  }
0x430: {  	s28 =	simm.s32 $0x3410;
	[tilespmem:s29+$0x230] =	vst v20;
	v4 =	vmul.f32 $1.442695020e+00, v5;
	v5 =	vunpack.i.l.bf16.f32 v21;
	v13 =	vsel vm13, v25, v13  }
0x431: {  	[tilespmem:s25+$0x210] =	vst v1;
	v5 =	vmul.f32 v5, v17;
	v6 =	vmul.f32 $1.442695020e+00, v13;
	v13 =	vsel vm15, v19, v22;
	v19 =	vld [tilespmem:s28+$0xC0]  }
0x432: {  	[tilespmem:s25+$0xE0] =	vst v3  }
0x433: {  	v32 =	vunpack.i.l.bf16.f32 v9;
	v27 =	vmul.f32 v27, v12;
	[tilespmem:s25+$0x160] =	vst v5;
	v3 =	vpop (erf)  }
0x434: {  	v9 =	vunpack.i.u.bf16.f32 v9;
	v32 =	vmul.f32 v32, v15;
	v5 =	vld [tilespmem:s21+$0xFFFFFF70];
	v7 =	vmul.f32 $1.442695020e+00, v13;
	[tilespmem:s29+$0xFFFFFED0] =	vst v3  }
0x435: {  	v9 =	vmul.f32 v9, v15;
	[tilespmem:s25+$0xFFFFFFB0] =	vst v27;
	(erf) = vpow2.f32 v6;
	v6 =	vunpack.i.u.bf16.f32 v21;
	v13 =	vld [tilespmem:s28+$0xFFFFFF40]  }
0x436: {  	[tilespmem:s25+$0x40] =	vst v32;
	(erf) = vpow2.f32 v7;
	v6 =	vmul.f32 v6, v17;
	v2 =	vunpack.i.l.bf16.f32 v19  }
0x437: {  	[tilespmem:s25+$0x50] =	vst v9;
	v9 =	vld [tilespmem:s21+$0xFFFFFFB0];
	(erf) = vpow2.f32 v4;
	v4 =	vunpack.i.u.bf16.f32 v19;
	v2 =	vmul.f32 v20, v2  }
0x438: {  	[tilespmem:s25+$0xD0] =	vst v14;
	v4 =	vmul.f32 v20, v4  }
0x439: {  	[tilespmem:s29+$0x1B0] =	vst v2  }
0x43a: {  	v7 =	vld [tilespmem:s21+$0xFFFFFF30];
	v24 =	vunpack.i.u.bf16.f32 v5;
	v25 =	vunpack.i.l.bf16.f32 v5;
	v5 =	vunpack.i.l.bf16.f32 v13;
	[tilespmem:s29+$0x1C0] =	vst v4  }
0x43b: {  	[tilespmem:s25+$0x170] =	vst v6;
	v6 =	vpop (erf);
	v13 =	vunpack.i.u.bf16.f32 v13;
	v28 =	vmul.f32 v3, v5;
	v16 =	vld [tilespmem:s28+$0xD0]  }
0x43c: {  	v27 =	vunpack.i.u.bf16.f32 v9;
	v30 =	vunpack.i.l.bf16.f32 v9;
	[tilespmem:s29+$0xFFFFFF60] =	vst v6;
	v9 =	vmul.f32 v3, v13  }
0x43d: {  	v19 =	vld [tilespmem:s21+$0x30];
	v4 =	vpop (erf);
	[tilespmem:s29+$0xFFFFFE50] =	vst v28  }
0x43e: {  	v26 =	vld [tilespmem:s28+$0xFFFFFF80];
	[tilespmem:s29+$0xFFFFFE60] =	vst v9;
	v2 =	vpop (erf)  }
0x43f: {  	[tilespmem:s29+$0xFFFFFFF0] =	vst v4;
	v1 =	vpop (erf)  }
0x440: {  	v21 =	vld [tilespmem:s21+$0x70];
	v22 =	vunpack.i.u.bf16.f32 v7;
	v23 =	vunpack.i.l.bf16.f32 v7;
	[tilespmem:s29+$0x80] =	vst v2;
	v7 =	vpop (erf);
	v13 =	vunpack.i.l.bf16.f32 v16  }
0x441: {  	v57 =	vld [tilespmem:s28+$0xFFFFFFC0];
	[tilespmem:s29+$0xFFFFFE40] =	vst v7;
	v16 =	vunpack.i.u.bf16.f32 v16;
	v13 =	vmul.f32 v13, v20  }
0x442: {  	v28 =	vunpack.i.u.bf16.f32 v19;
	[tilespmem:s29+$0x110] =	vst v1;
	v29 =	vld [tilespmem:s28+$0xFFFFFF00];
	v9 =	vmul.f32 v16, v20  }
0x443: {  	v16 =	vunpack.i.l.bf16.f32 v19;
	v19 =	vmul.f32 v23, v8;
	v23 =	vunpack.i.l.bf16.f32 v26;
	[tilespmem:s29+$0x1D0] =	vst v13  }
0x444: {  	v23 =	vmul.f32 v6, v23;
	[tilespmem:s29+$0x1E0] =	vst v9  }
0x445: {  	v58 =	vunpack.i.u.bf16.f32 v21;
	v59 =	vld [tilespmem:s28+$0x0];
	[tilespmem:s25+$0xFFFFFE20] =	vst v19;
	v19 =	vunpack.i.l.bf16.f32 v21;
	v21 =	vunpack.i.u.bf16.f32 v26  }
0x446: {  	v5 =	vpop (erf);
	v8 =	vmul.f32 v22, v8;
	v22 =	vld [tilespmem:s28+$0xE0];
	[tilespmem:s29+$0xFFFFFEE0] =	vst v23;
	v23 =	vunpack.i.l.bf16.f32 v57;
	v21 =	vmul.f32 v6, v21  }
0x447: {  	[tilespmem:s29+$0x1A0] =	vst v5;
	v23 =	vmul.f32 v4, v23;
	v13 =	vunpack.i.l.bf16.f32 v29;
	v9 =	vunpack.i.u.bf16.f32 v29  }
0x448: {  	v14 =	vld [tilespmem:s21+$0xFFFFFFF0];
	[tilespmem:s29+$0xFFFFFEF0] =	vst v21;
	v13 =	vmul.f32 v7, v13;
	v26 =	vmul.f32 v7, v9  }
0x449: {  	v9 =	vmul.f32 v25, v10;
	v10 =	vmul.f32 v24, v10;
	v24 =	vld [tilespmem:s28+$0x40];
	v25 =	vunpack.i.u.bf16.f32 v57;
	[tilespmem:s29+$0xFFFFFF70] =	vst v23  }
0x44a: {  	v25 =	vmul.f32 v4, v25;
	[tilespmem:s29+$0xFFFFFDD0] =	vst v26;
	v26 =	vunpack.i.l.bf16.f32 v59  }
0x44b: {  	v21 =	vld [tilespmem:s28+$0x80];
	[tilespmem:s29+$0xFFFFFDC0] =	vst v13;
	v23 =	vunpack.i.l.bf16.f32 v22;
	v26 =	vmul.f32 v2, v26  }
0x44c: {  	v13 =	vmul.f32 v30, v11;
	v22 =	vunpack.i.u.bf16.f32 v22;
	[tilespmem:s29+$0xFFFFFF80] =	vst v25;
	v23 =	vmul.f32 v23, v20  }
0x44d: {  	v11 =	vmul.f32 v27, v11;
	v27 =	vld [tilespmem:s28+$0xFFFFFF50];
	v25 =	vunpack.i.u.bf16.f32 v59;
	v22 =	vmul.f32 v22, v20;
	[tilespmem:s29+$0x0] =	vst v26  }
0x44e: {  	v31 =	vunpack.i.u.bf16.f32 v14;
	v25 =	vmul.f32 v2, v25;
	v30 =	vunpack.i.l.bf16.f32 v24;
	[tilespmem:s29+$0x1F0] =	vst v23  }
0x44f: {  	v16 =	vmul.f32 v16, v15;
	v29 =	vld [tilespmem:s28+$0xFFFFFF10];
	v23 =	vunpack.i.u.bf16.f32 v24;
	[tilespmem:s29+$0x200] =	vst v22;
	v24 =	vmul.f32 v1, v30  }
0x450: {  	v22 =	vunpack.i.u.bf16.f32 v21;
	v21 =	vunpack.i.l.bf16.f32 v21;
	v23 =	vmul.f32 v1, v23;
	[tilespmem:s29+$0x10] =	vst v25  }
0x451: {  	v14 =	vunpack.i.l.bf16.f32 v14;
	v15 =	vmul.f32 v28, v15;
	v28 =	vld [tilespmem:s28+$0xFFFFFF90];
	v21 =	vmul.f32 v5, v21;
	[tilespmem:s29+$0x90] =	vst v24  }
0x452: {  	v22 =	vmul.f32 v5, v22;
	v30 =	vunpack.i.u.bf16.f32 v27;
	v27 =	vunpack.i.l.bf16.f32 v27;
	[tilespmem:s29+$0xA0] =	vst v23  }
0x453: {  	v14 =	vmul.f32 v14, v12;
	v26 =	vld [tilespmem:s21+$0xB0];
	v24 =	vmul.f32 v27, v3;
	[tilespmem:s29+$0x120] =	vst v21  }
0x454: {  	v12 =	vmul.f32 v31, v12;
	v25 =	vld [tilespmem:s28+$0xF0];
	v31 =	vunpack.i.l.bf16.f32 v29;
	v23 =	vmul.f32 v30, v3;
	[tilespmem:s29+$0x130] =	vst v22  }
0x455: {  	v27 =	vld [tilespmem:s28+$0xFFFFFFD0];
	v29 =	vunpack.i.u.bf16.f32 v29;
	v30 =	vmul.f32 v31, v7;
	[tilespmem:s29+$0xFFFFFE70] =	vst v24  }
0x456: {  	v22 =	vunpack.i.l.bf16.f32 v28;
	v21 =	vmul.f32 v29, v7;
	[tilespmem:s29+$0xFFFFFE80] =	vst v23  }
0x457: {  	v19 =	vmul.f32 v19, v18;
	v28 =	vunpack.i.u.bf16.f32 v28;
	v22 =	vmul.f32 v22, v6;
	[tilespmem:s29+$0xFFFFFDE0] =	vst v30  }
0x458: {  	v18 =	vmul.f32 v58, v18;
	v29 =	vld [tilespmem:s28+$0x10];
	v28 =	vmul.f32 v28, v6;
	[tilespmem:s29+$0xFFFFFDF0] =	vst v21  }
0x459: {  	v60 =	vld [tilespmem:s28+$0x50];
	v31 =	vunpack.i.u.bf16.f32 v26;
	v30 =	vunpack.i.u.bf16.f32 v25;
	v23 =	vunpack.i.l.bf16.f32 v25;
	[tilespmem:s29+$0xFFFFFF00] =	vst v22  }
0x45a: {  	v61 =	vld [tilespmem:s28+$0xFFFFFF60];
	[tilespmem:s29+$0xFFFFFF10] =	vst v28;
	v21 =	vmul.f32 v30, v20;
	v30 =	vunpack.i.u.bf16.f32 v27;
	v27 =	vunpack.i.l.bf16.f32 v27  }
0x45b: {  	v24 =	vunpack.i.l.bf16.f32 v26;
	v20 =	vmul.f32 v23, v20;
	v62 =	vld [tilespmem:s28+$0xFFFFFFA0];
	v26 =	vmul.f32 v27, v4  }
0x45c: {  	v27 =	vmul.f32 v30, v4;
	v30 =	vld [tilespmem:s28+$0x90];
	[tilespmem:s29+$0x220] =	vst v21;
	v21 =	vmul.f32 v24, v17  }
0x45d: {  	v17 =	vmul.f32 v31, v17;
	v24 =	vld [tilespmem:s28+$0xFFFFFF20];
	v25 =	vunpack.i.u.bf16.f32 v29;
	v29 =	vunpack.i.l.bf16.f32 v29  }
0x45e: {  	v22 =	vunpack.i.l.bf16.f32 v60;
	v29 =	vmul.f32 v29, v2;
	v31 =	vmul.f32 v25, v2;
	[tilespmem:s29+$0xFFFFFF90] =	vst v26  }
0x45f: {  	v25 =	vunpack.i.u.bf16.f32 v60;
	v28 =	vmul.f32 v22, v1;
	[tilespmem:s29+$0xFFFFFFA0] =	vst v27;
	v26 =	vunpack.i.l.bf16.f32 v61  }
0x460: {  	v63 =	vmul.f32 v25, v1;
	[tilespmem:s29+$0x20] =	vst v29;
	v29 =	vmul.f32 v26, v3  }
0x461: {  	[tilespmem:s29+$0x30] =	vst v31;
	v31 =	vld [tilespmem:s28+$0xFFFFFFE0];
	v27 =	vunpack.i.l.bf16.f32 v62;
	v22 =	vunpack.i.u.bf16.f32 v30;
	v23 =	vunpack.i.l.bf16.f32 v30  }
0x462: {  	v35 =	vmul.f32 v23, v5;
	v23 =	vunpack.i.l.bf16.f32 v24;
	v24 =	vunpack.i.u.bf16.f32 v24  }
0x463: {  	[tilespmem:s29+$0xB0] =	vst v28;
	v28 =	vld [tilespmem:s28+$0x20];
	v25 =	vmul.f32 v23, v7;
	v23 =	vmul.f32 v24, v7;
	v24 =	vunpack.i.u.bf16.f32 v61  }
0x464: {  	s1 =	simm.s32 $0x4BD0;
	[tilespmem:s29+$0xC0] =	vst v63;
	v22 =	vmul.f32 v22, v5;
	v26 =	vmul.f32 v24, v3;
	v24 =	vunpack.i.u.bf16.f32 v62  }
0x465: {  	s7 =	simm.s32 $0x3410;
	s22 =	simm.s32 $0x8;
	s21 =	simm.s32 $0x2850;
	v30 =	vmul.f32 v27, v6;
	v27 =	vld [tilespmem:s28+$0x60];
	[tilespmem:s29+$0x140] =	vst v35;
	v24 =	vmul.f32 v24, v6  }
.LBB2_13:
0x466: {  	v32 =	vld [tilespmem:s21+$0x30];
	v33 =	vunpack.i.u.bf16.f32 v31;
	v31 =	vunpack.i.l.bf16.f32 v31;
	[tilespmem:s29+$0x150] =	vst v22;
	s26 =	sadd.s32 $0x80, s26  }
0x467: {  	v22 =	vld [tilespmem:s26+$0x30];
	[tilespmem:s29+$0xFFFFFE00] =	vst v25;
	v25 =	vmul.f32 v31, v4;
	v31 =	vmul.f32 v33, v4  }
0x468: {  	v33 =	vld [tilespmem:s26+$0xFFFFFFC0];
	[tilespmem:s29+$0xFFFFFE10] =	vst v23;
	v23 =	vunpack.i.u.bf16.f32 v28;
	v28 =	vunpack.i.l.bf16.f32 v28  }
0x469: {  	v34 =	vld [tilespmem:s21+$0xFFFFFFD0];
	[tilespmem:s29+$0xFFFFFE90] =	vst v29;
	v28 =	vmul.f32 v28, v2;
	v23 =	vmul.f32 v23, v2  }
0x46a: {  	s22 =	sadd.s32 $0x8, s22;
	v29 =	vld [tilespmem:s26+$0xFFFFFFD0];
	[tilespmem:s29+$0xFFFFFEA0] =	vst v26;
	v26 =	vunpack.i.u.bf16.f32 v27;
	v27 =	vunpack.i.l.bf16.f32 v27  }
0x46b: {  	p1 =	slt.u32 s22, $0x20;
	v35 =	vld [tilespmem:s21+$0xFFFFFFE0];
	[tilespmem:s29+$0xFFFFFF20] =	vst v30;
	v27 =	vmul.f32 v27, v1;
	v26 =	vmul.f32 v26, v1  }
0x46c: {  	v30 =	vld [tilespmem:s26+$0xFFFFFFE0];
	v22 =	vadd.f32 v22, v32;
	[tilespmem:s29+$0xFFFFFF30] =	vst v24  }
0x46d: {  	v24 =	vld [tilespmem:s21+$0xFFFFFFF0];
	[tilespmem:s29+$0xFFFFFFB0] =	vst v25  }
0x46e: {  	v25 =	vld [tilespmem:s26+$0xFFFFFFF0];
	v32 =	vmul.f32 $2.000000030e-01, v22;
	[tilespmem:s29+$0xFFFFFFC0] =	vst v31  }
0x46f: {  	vm0 =	vge.f32 v22, $0.0e+00;
	v29 =	vadd.f32 v29, v34;
	v31 =	vld [tilespmem:s21+$0x0];
	[tilespmem:s29+$0x40] =	vst v28  }
0x470: {  	v28 =	vld [tilespmem:s26+$0x0];
	v22 =	vsel vm0, v22, v32;
	[tilespmem:s29+$0x50] =	vst v23  }
0x471: {  	v23 =	vmul.f32 $2.000000030e-01, v29;
	v30 =	vadd.f32 v30, v35;
	v32 =	vld [tilespmem:s21+$0x10];
	v22 =	vmul.f32 $1.442695020e+00, v22;
	[tilespmem:s29+$0xD0] =	vst v27  }
0x472: {  	vm0 =	vge.f32 v29, $0.0e+00;
	v27 =	vld [tilespmem:s26+$0x10];
	[tilespmem:s29+$0xE0] =	vst v26  }
0x473: {  	v26 =	vmul.f32 $2.000000030e-01, v30;
	v24 =	vadd.f32 v25, v24;
	v25 =	vld [tilespmem:s21+$0x20];
	(erf) = vpow2.f32 v22;
	[tilespmem:s25+$0xFFFFFE30] =	vst v8  }
0x474: {  	v8 =	vsel vm0, v29, v23;
	vm0 =	vge.f32 v30, $0.0e+00;
	v22 =	vld [tilespmem:s26+$0x20];
	[tilespmem:s25+$0xFFFFFEB0] =	vst v9  }
0x475: {  	v9 =	vld [tilespmem:s21+$0xFFFFFFC0];
	vm1 =	vge.f32 v24, $0.0e+00;
	v23 =	vmul.f32 $2.000000030e-01, v24;
	v28 =	vadd.f32 v28, v31;
	[tilespmem:s25+$0xFFFFFEC0] =	vst v10  }
0x476: {  	v8 =	vmul.f32 $1.442695020e+00, v8;
	v10 =	vsel vm0, v30, v26;
	v26 =	vld [tilespmem:s28+$0xA0];
	[tilespmem:s25+$0xFFFFFF40] =	vst v13  }
0x477: {  	vm0 =	vge.f32 v28, $0.0e+00;
	v13 =	vmul.f32 $2.000000030e-01, v28;
	v27 =	vadd.f32 v27, v32;
	v29 =	vld [tilespmem:s28+$0xFFFFFF30];
	[tilespmem:s25+$0xFFFFFF50] =	vst v11  }
0x478: {  	v10 =	vmul.f32 $1.442695020e+00, v10;
	v11 =	vsel vm1, v24, v23;
	(erf) = vpow2.f32 v8;
	v8 =	vld [tilespmem:s28+$0xFFFFFF70];
	[tilespmem:s25+$0xFFFFFFD0] =	vst v14  }
0x479: {  	vm1 =	vge.f32 v27, $0.0e+00;
	v14 =	vmul.f32 $2.000000030e-01, v27;
	v23 =	vadd.f32 v22, v25;
	v24 =	vld [tilespmem:s28+$0xFFFFFFB0];
	[tilespmem:s25+$0xFFFFFFE0] =	vst v12  }
0x47a: {  	v11 =	vmul.f32 $1.442695020e+00, v11;
	v12 =	vsel vm0, v28, v13;
	v9 =	vadd.f32 v33, v9;
	v13 =	vld [tilespmem:s28+$0xFFFFFFF0];
	[tilespmem:s25+$0x60] =	vst v16  }
0x47b: {  	s29 =	sadd.s32 $0x480, s29;
	v14 =	vsel vm1, v27, v14;
	vm0 =	vge.f32 v23, $0.0e+00;
	v16 =	vmul.f32 $2.000000030e-01, v23;
	v25 =	vld [tilespmem:s28+$0x30];
	[tilespmem:s25+$0x70] =	vst v15  }
0x47c: {  	v12 =	vmul.f32 $1.442695020e+00, v12;
	vm1 =	vge.f32 v9, $0.0e+00;
	v15 =	vmul.f32 $2.000000030e-01, v9;
	v22 =	vpop (erf);
	v27 =	vld [tilespmem:s28+$0x70]  }
0x47d: {  	v14 =	vmul.f32 $1.442695020e+00, v14;
	s28 =	sadd.s32 $0x200, s28;
	v16 =	vsel vm0, v23, v16;
	[tilespmem:s29+$0x230] =	vst v22;
	(erf) = vpow2.f32 v10  }
0x47e: {  	v9 =	vsel vm1, v9, v15;
	v10 =	vmul.f32 $1.442695020e+00, v16;
	v15 =	vld [tilespmem:s28+$0xC0];
	(erf) = vpow2.f32 v11;
	[tilespmem:s25+$0xF0] =	vst v19  }
0x47f: {  	v11 =	vunpack.i.u.bf16.f32 v26;
	v9 =	vmul.f32 $1.442695020e+00, v9;
	(erf) = vpow2.f32 v12;
	[tilespmem:s25+$0x100] =	vst v18  }
0x480: {  	v12 =	vunpack.i.l.bf16.f32 v26;
	v11 =	vmul.f32 v11, v5;
	(erf) = vpow2.f32 v14;
	[tilespmem:s25+$0x180] =	vst v21  }
0x481: {  	v12 =	vmul.f32 v12, v5;
	(erf) = vpow2.f32 v9;
	v14 =	vpop (erf);
	v9 =	vunpack.i.u.bf16.f32 v29;
	[tilespmem:s25+$0x190] =	vst v17;
	s25 =	smov.u32 s1;
	s1 =	smov.u32 s29  }
0x482: {  	v16 =	vunpack.i.u.bf16.f32 v8;
	[tilespmem:s29+$0xFFFFFED0] =	vst v14;
	(erf) = vpow2.f32 v10;
	v10 =	vunpack.i.l.bf16.f32 v29  }
0x483: {  	v19 =	vunpack.i.l.bf16.f32 v8;
	v21 =	vunpack.i.u.bf16.f32 v24;
	v17 =	vld [tilespmem:s28+$0xFFFFFF40];
	v18 =	vunpack.i.l.bf16.f32 v15;
	[tilespmem:s25+$0x160] =	vst v12  }
0x484: {  	v8 =	vunpack.i.u.bf16.f32 v15;
	v15 =	vunpack.i.l.bf16.f32 v24;
	v12 =	vmul.f32 v22, v18;
	[tilespmem:s25+$0x170] =	vst v11  }
0x485: {  	v23 =	vunpack.i.l.bf16.f32 v13;
	v8 =	vmul.f32 v22, v8;
	v18 =	vunpack.i.u.bf16.f32 v13;
	v11 =	vld [tilespmem:s7+$0xB0];
	[tilespmem:s25+$0x210] =	vst v20;
	s7 =	smov.u32 s28  }
0x486: {  	v26 =	vunpack.i.u.bf16.f32 v27;
	v24 =	vunpack.i.u.bf16.f32 v25;
	v25 =	vunpack.i.l.bf16.f32 v25;
	[tilespmem:s29+$0x1B0] =	vst v12;
	v20 =	vpop (erf)  }
0x487: {  	v27 =	vunpack.i.l.bf16.f32 v27;
	v29 =	vmul.f32 v10, v7;
	[tilespmem:s29+$0x1C0] =	vst v8;
	v28 =	vpop (erf);
	v8 =	vmul.f32 v9, v7  }
0x488: {  	v9 =	vmul.f32 v19, v3;
	v12 =	vunpack.i.u.bf16.f32 v17;
	v10 =	vunpack.i.l.bf16.f32 v17;
	[tilespmem:s29+$0xFFFFFF60] =	vst v20;
	v17 =	vld [tilespmem:s28+$0xD0];
	v30 =	vpop (erf)  }
0x489: {  	v19 =	vmul.f32 v14, v10;
	v31 =	vmul.f32 v14, v12;
	v32 =	vld [tilespmem:s28+$0xFFFFFF80];
	[tilespmem:s29+$0xFFFFFFF0] =	vst v28;
	v33 =	vpop (erf)  }
0x48a: {  	v10 =	vmul.f32 v16, v3;
	v34 =	vld [tilespmem:s28+$0xFFFFFFC0];
	[tilespmem:s29+$0x80] =	vst v30;
	v7 =	vpop (erf);
	v35 =	vunpack.i.u.bf16.f32 v11;
	v36 =	vunpack.i.l.bf16.f32 v11  }
0x48b: {  	v13 =	vmul.f32 v15, v6;
	v3 =	vmov v14;
	v11 =	vmul.f32 v21, v6;
	[tilespmem:s29+$0xFFFFFE40] =	vst v7;
	v37 =	vld [tilespmem:s28+$0x0];
	v38 =	vpop (erf)  }
0x48c: {  	v14 =	vmul.f32 v23, v4;
	v12 =	vmul.f32 v18, v4;
	v4 =	vmovc v28;
	v6 =	vmov v20;
	v21 =	vld [tilespmem:s28+$0xFFFFFF00];
	[tilespmem:s29+$0x110] =	vst v33  }
0x48d: {  	v15 =	vmul.f32 v24, v2;
	v16 =	vmul.f32 v25, v2;
	v2 =	vmovc v30;
	v18 =	vld [tilespmem:s28+$0x40];
	[tilespmem:s29+$0x1A0] =	vst v38;
	v20 =	vunpack.i.l.bf16.f32 v17  }
0x48e: {  	v17 =	vunpack.i.u.bf16.f32 v17;
	[tilespmem:s29+$0xFFFFFE50] =	vst v19;
	v19 =	vunpack.i.u.bf16.f32 v32;
	v23 =	vld [tilespmem:s28+$0x80];
	v20 =	vmul.f32 v20, v22  }
0x48f: {  	v24 =	vunpack.i.l.bf16.f32 v32;
	v17 =	vmul.f32 v17, v22;
	[tilespmem:s29+$0xFFFFFE60] =	vst v31;
	v25 =	vunpack.i.u.bf16.f32 v34  }
0x490: {  	v30 =	vunpack.i.l.bf16.f32 v34;
	v28 =	vld [tilespmem:s28+$0xFFFFFF50];
	v31 =	vunpack.i.u.bf16.f32 v37;
	v32 =	vunpack.i.l.bf16.f32 v37;
	[tilespmem:s29+$0x1D0] =	vst v20  }
0x491: {  	v24 =	vmul.f32 v6, v24;
	v20 =	vunpack.i.u.bf16.f32 v21;
	v21 =	vunpack.i.l.bf16.f32 v21;
	[tilespmem:s29+$0x1E0] =	vst v17  }
0x492: {  	v17 =	vmul.f32 v7, v21;
	v21 =	vunpack.i.u.bf16.f32 v18;
	v18 =	vunpack.i.l.bf16.f32 v18;
	v34 =	vld [tilespmem:s28+$0xE0];
	[tilespmem:s25+$0xFFFFFE20] =	vst v29  }
0x493: {  	v20 =	vmul.f32 v7, v20;
	[tilespmem:s29+$0xFFFFFEE0] =	vst v24;
	v24 =	vunpack.i.u.bf16.f32 v23;
	v23 =	vunpack.i.l.bf16.f32 v23  }
0x494: {  	[tilespmem:s29+$0xFFFFFDC0] =	vst v17;
	v17 =	vmul.f32 v6, v19;
	v19 =	vmul.f32 v4, v30  }
0x495: {  	v25 =	vmul.f32 v4, v25;
	v29 =	vmul.f32 v2, v32;
	[tilespmem:s29+$0xFFFFFDD0] =	vst v20;
	v20 =	vunpack.i.u.bf16.f32 v28  }
0x496: {  	v28 =	vunpack.i.l.bf16.f32 v28;
	v30 =	vld [tilespmem:s28+$0xFFFFFF10];
	[tilespmem:s29+$0xFFFFFEF0] =	vst v17;
	v17 =	vmul.f32 v2, v31;
	v31 =	vmul.f32 v33, v18  }
0x497: {  	v21 =	vmul.f32 v33, v21;
	v23 =	vmul.f32 v38, v23;
	v32 =	vld [tilespmem:s28+$0xFFFFFF90];
	[tilespmem:s29+$0xFFFFFF70] =	vst v19;
	v18 =	vunpack.i.l.bf16.f32 v34  }
0x498: {  	v24 =	vmul.f32 v38, v24;
	v19 =	vunpack.i.u.bf16.f32 v34;
	[tilespmem:s29+$0xFFFFFF80] =	vst v25;
	v18 =	vmul.f32 v18, v22  }
0x499: {  	v25 =	vmul.f32 v28, v3;
	v28 =	vld [tilespmem:s28+$0xFFFFFFD0];
	[tilespmem:s29+$0x0] =	vst v29;
	v29 =	vmul.f32 v19, v22  }
0x49a: {  	v34 =	vmul.f32 v20, v3;
	v19 =	vmul.f32 v27, v1;
	[tilespmem:s29+$0x1F0] =	vst v18  }
0x49b: {  	v18 =	vmul.f32 v26, v1;
	v1 =	vmovc v33;
	v20 =	vunpack.i.u.bf16.f32 v30;
	v27 =	vunpack.i.l.bf16.f32 v30;
	[tilespmem:s29+$0x200] =	vst v29  }
0x49c: {  	v26 =	vmul.f32 v27, v7;
	v27 =	vunpack.i.u.bf16.f32 v32;
	v29 =	vunpack.i.l.bf16.f32 v32;
	[tilespmem:s29+$0x10] =	vst v17;
	v30 =	vld [tilespmem:s28+$0xF0]  }
0x49d: {  	v20 =	vmul.f32 v20, v7;
	v29 =	vmul.f32 v29, v6;
	v32 =	vld [tilespmem:s28+$0x10];
	[tilespmem:s29+$0x90] =	vst v31  }
0x49e: {  	v27 =	vmul.f32 v27, v6;
	v17 =	vunpack.i.u.bf16.f32 v28;
	v28 =	vunpack.i.l.bf16.f32 v28;
	[tilespmem:s29+$0xA0] =	vst v21  }
0x49f: {  	v28 =	vmul.f32 v28, v4;
	v31 =	vmul.f32 v17, v4;
	v33 =	vld [tilespmem:s28+$0x50];
	[tilespmem:s29+$0x120] =	vst v23  }
0x4a0: {  	v21 =	vmul.f32 v36, v5;
	v17 =	vmul.f32 v35, v5;
	v5 =	vmov v38;
	[tilespmem:s29+$0x130] =	vst v24  }
0x4a1: {  	[tilespmem:s29+$0xFFFFFDE0] =	vst v26;
	v23 =	vld [tilespmem:s28+$0x90];
	v24 =	vunpack.i.u.bf16.f32 v30;
	v26 =	vunpack.i.l.bf16.f32 v30  }
0x4a2: {  	[tilespmem:s29+$0xFFFFFDF0] =	vst v20;
	v20 =	vunpack.i.u.bf16.f32 v32;
	v30 =	vunpack.i.l.bf16.f32 v32;
	v24 =	vmul.f32 v24, v22  }
0x4a3: {  	v32 =	vld [tilespmem:s28+$0xFFFFFF20];
	[tilespmem:s29+$0xFFFFFE70] =	vst v25;
	v30 =	vmul.f32 v30, v2;
	v35 =	vmul.f32 v20, v2  }
0x4a4: {  	v20 =	vmul.f32 v26, v22;
	v25 =	vunpack.i.u.bf16.f32 v33;
	v33 =	vunpack.i.l.bf16.f32 v33;
	[tilespmem:s29+$0x220] =	vst v24  }
0x4a5: {  	[tilespmem:s29+$0xFFFFFE80] =	vst v34;
	v24 =	vmul.f32 v33, v1;
	v33 =	vmul.f32 v25, v1  }
0x4a6: {  	v26 =	vld [tilespmem:s28+$0xFFFFFF60];
	[tilespmem:s29+$0xFFFFFF00] =	vst v29;
	v22 =	vunpack.i.u.bf16.f32 v23;
	v23 =	vunpack.i.l.bf16.f32 v23  }
0x4a7: {  	[tilespmem:s29+$0xFFFFFF10] =	vst v27;
	v34 =	vmul.f32 v23, v5;
	v22 =	vmul.f32 v22, v5  }
0x4a8: {  	v23 =	vunpack.i.u.bf16.f32 v32;
	v25 =	vunpack.i.l.bf16.f32 v32;
	v27 =	vld [tilespmem:s28+$0xFFFFFFA0];
	[tilespmem:s29+$0xFFFFFF90] =	vst v28  }
0x4a9: {  	v25 =	vmul.f32 v25, v7;
	v23 =	vmul.f32 v23, v7;
	[tilespmem:s29+$0xFFFFFFA0] =	vst v31  }
.Ltmp5:
0x4aa: {  	v31 =	vld [tilespmem:s28+$0xFFFFFFE0];
	[tilespmem:s29+$0x20] =	vst v30;
	(pc) =	sbr.rel @p1 .LBB2_13-.Ltmp5, $4  }
0x4ab: {  	v28 =	vunpack.i.u.bf16.f32 v26;
	v26 =	vunpack.i.l.bf16.f32 v26;
	[tilespmem:s29+$0x30] =	vst v35  }
0x4ac: {  	v29 =	vmul.f32 v26, v3;
	v26 =	vmul.f32 v28, v3;
	v28 =	vld [tilespmem:s28+$0x20];
	[tilespmem:s29+$0xB0] =	vst v24  }
0x4ad: {  	v24 =	vunpack.i.u.bf16.f32 v27;
	v27 =	vunpack.i.l.bf16.f32 v27;
	[tilespmem:s29+$0xC0] =	vst v33  }
0x4ae: {  	s21 =	sadd.s32 $0x80, s21;
	v30 =	vmul.f32 v27, v6;
	v24 =	vmul.f32 v24, v6;
	v27 =	vld [tilespmem:s28+$0x60];
	[tilespmem:s29+$0x140] =	vst v34  }
0x4af: {  	[tilespmem:s29+$0x150] =	vst v22  }
0x4b0: {  	[tilespmem:s29+$0xFFFFFE00] =	vst v25  }
0x4b1: {  	[tilespmem:s29+$0xFFFFFE10] =	vst v23  }
0x4b2: {  	[tilespmem:s29+$0xFFFFFE90] =	vst v29  }
0x4b3: {  	[tilespmem:s29+$0xFFFFFEA0] =	vst v26  }
0x4b4: {  	[tilespmem:s25+$0xFFFFFE30] =	vst v8  }
0x4b5: {  	[tilespmem:s25+$0xFFFFFEB0] =	vst v9  }
0x4b6: {  	[tilespmem:s25+$0xFFFFFEC0] =	vst v10  }
0x4b7: {  	[tilespmem:s25+$0xFFFFFF40] =	vst v13  }
0x4b8: {  	[tilespmem:s25+$0xFFFFFF50] =	vst v11  }
0x4b9: {  	[tilespmem:s25+$0xFFFFFFD0] =	vst v14  }
0x4ba: {  	[tilespmem:s25+$0xFFFFFFE0] =	vst v12  }
0x4bb: {  	[tilespmem:s25+$0x60] =	vst v16  }
0x4bc: {  	[tilespmem:s25+$0x70] =	vst v15  }
0x4bd: {  	[tilespmem:s25+$0xF0] =	vst v19  }
0x4be: {  	[tilespmem:s25+$0x100] =	vst v18  }
0x4bf: {  	[tilespmem:s25+$0x180] =	vst v21  }
0x4c0: {  	[tilespmem:s25+$0x190] =	vst v17  }
0x4c1: {  	v22 =	vunpack.i.l.bf16.f32 v31;
	[tilespmem:s1+$0x210] =	vst v20;
	v8 =	vld [tilespmem:s28+$0xA0]  }
0x4c2: {  	v23 =	vunpack.i.u.bf16.f32 v31;
	v22 =	vmul.f32 v22, v4;
	[tilespmem:s29+$0xFFFFFF20] =	vst v30  }
0x4c3: {  	v23 =	vmul.f32 v23, v4;
	[tilespmem:s29+$0xFFFFFF30] =	vst v24;
	v25 =	vunpack.i.l.bf16.f32 v28  }
0x4c4: {  	v9 =	vld [tilespmem:s28+$0xFFFFFF30];
	v24 =	vunpack.i.u.bf16.f32 v28;
	v25 =	vmul.f32 v25, v2;
	[tilespmem:s29+$0xFFFFFFB0] =	vst v22  }
0x4c5: {  	v22 =	vmul.f32 v24, v2;
	[tilespmem:s29+$0xFFFFFFC0] =	vst v23;
	v24 =	vunpack.i.l.bf16.f32 v27  }
0x4c6: {  	v10 =	vld [tilespmem:s28+$0xFFFFFF70];
	v24 =	vmul.f32 v24, v1;
	[tilespmem:s29+$0x40] =	vst v25;
	v11 =	vunpack.i.l.bf16.f32 v8  }
0x4c7: {  	[tilespmem:s29+$0x50] =	vst v22;
	v8 =	vunpack.i.u.bf16.f32 v8;
	v11 =	vmul.f32 v11, v5  }
0x4c8: {  	v12 =	vld [tilespmem:s28+$0xFFFFFFB0];
	v23 =	vunpack.i.u.bf16.f32 v27;
	[tilespmem:s29+$0xD0] =	vst v24;
	v8 =	vmul.f32 v8, v5  }
0x4c9: {  	v23 =	vmul.f32 v23, v1;
	v13 =	vunpack.i.l.bf16.f32 v9;
	[tilespmem:s1+$0x160] =	vst v11  }
0x4ca: {  	v9 =	vunpack.i.u.bf16.f32 v9;
	v11 =	vld [tilespmem:s28+$0xFFFFFFF0];
	[tilespmem:s1+$0x170] =	vst v8;
	v8 =	vmul.f32 v13, v7  }
0x4cb: {  	[tilespmem:s29+$0xE0] =	vst v23;
	v13 =	vunpack.i.l.bf16.f32 v10;
	v7 =	vmul.f32 v9, v7  }
0x4cc: {  	v9 =	vld [tilespmem:s28+$0x30];
	v10 =	vunpack.i.u.bf16.f32 v10;
	v13 =	vmul.f32 v13, v3;
	[tilespmem:s1+$0xFFFFFE20] =	vst v8  }
0x4cd: {  	v3 =	vmul.f32 v10, v3;
	v8 =	vunpack.i.l.bf16.f32 v12;
	[tilespmem:s1+$0xFFFFFE30] =	vst v7  }
0x4ce: {  	v10 =	vunpack.i.u.bf16.f32 v12;
	v7 =	vld [tilespmem:s28+$0x70];
	v8 =	vmul.f32 v8, v6;
	[tilespmem:s1+$0xFFFFFEB0] =	vst v13  }
0x4cf: {  	v6 =	vmul.f32 v10, v6;
	[tilespmem:s1+$0xFFFFFEC0] =	vst v3;
	v12 =	vunpack.i.l.bf16.f32 v11  }
0x4d0: {  	v10 =	vld [tilespmem:s7+$0xB0];
	v3 =	vunpack.i.u.bf16.f32 v11;
	[tilespmem:s1+$0xFFFFFF40] =	vst v8;
	v11 =	vmul.f32 v12, v4  }
0x4d1: {  	v8 =	vunpack.i.l.bf16.f32 v9;
	[tilespmem:s1+$0xFFFFFF50] =	vst v6;
	v3 =	vmul.f32 v3, v4  }
0x4d2: {  	v4 =	vunpack.i.u.bf16.f32 v9;
	v6 =	vmul.f32 v8, v2;
	[tilespmem:s1+$0xFFFFFFD0] =	vst v11  }
0x4d3: {  	v8 =	vunpack.i.l.bf16.f32 v7;
	v2 =	vmul.f32 v4, v2;
	[tilespmem:s1+$0xFFFFFFE0] =	vst v3  }
0x4d4: {  	v3 =	vunpack.i.u.bf16.f32 v7;
	v4 =	vmul.f32 v8, v1;
	[tilespmem:s1+$0x60] =	vst v6  }
0x4d5: {  	v6 =	vunpack.i.l.bf16.f32 v10;
	v1 =	vmul.f32 v3, v1;
	[tilespmem:s1+$0x70] =	vst v2  }
0x4d6: {  	s22 =	smul.u32 $0x140, s23;
	v2 =	vunpack.i.u.bf16.f32 v10;
	v3 =	vmul.f32 v6, v5;
	[tilespmem:s1+$0xF0] =	vst v4  }
0x4d7: {  	v2 =	vmul.f32 v2, v5;
	[tilespmem:s1+$0x100] =	vst v1  }
0x4d8: {  	s7 =	sshra.s32 s22, $0x2;
	[tilespmem:s1+$0x180] =	vst v3  }
0x4d9: {  	s26 =	smul.u32 $0x50, s23;
	s25 =	sadd.s32 $0x1388, s7;
	[tilespmem:s1+$0x190] =	vst v2  }
0x4da: {  	[spmem:s3] =	stream.indirect.scatter.add.f32 [tilespmem:s30], [sflag:$0x7], $0x90, s25, s0, $0xb8;
	[tilespmem:$0x1DA10] =	vst v63  }
0x4db: {  	s21 =	sadd.s32 $0x50, s26  }
0x4dc: {  	[tilespmem:s8], [sflag:$0x1] =	stream.indirect.gather [hbm4b:s2+s0], $0x40, s21, s0, $0xb8;
	[tilespmem:$0x1DA10] =	vst v63  }
0x4dd: {  	_ = 	snop  }
0x4de: {  	[tilespmem:s9], [sflag:$0x3] =	stream.indirect.gather [hbm4b:s5+s0], $0x10, s21, s0, $0xb8;
	[tilespmem:$0x1DA10] =	vst v63  }
0x4df: {  	s22 =	sadd.s32 $0x13D8, s26  }
0x4e0: {  	[tilespmem:s10], [sflag:$0x5] =	stream.indirect.gather [hbm4b:s6+s0], $0x10, s22, s0, $0xb8;
	[tilespmem:$0x1DA10] =	vst v63  }
0x4e1: {  	_ =	swait.ge [sflag:s17], $0xA00  }
0x4e2: {  	[sflag:s17] =	ssyncset.done $0x0  }
0x4e3: {  	[sflag:s17] =	ssyncadd.s32 $0xFFFFF600  }
0x4e4: {  	_ =	swait.ge [sflag:s18], $0x280  }
0x4e5: {  	[sflag:s18] =	ssyncset.done $0x0  }
0x4e6: {  	[sflag:s18] =	ssyncadd.s32 $0xFFFFFD80  }
0x4e7: {  	_ =	swait.ge [sflag:s19], $0x280  }
0x4e8: {  	[sflag:s19] =	ssyncset.done $0x0  }
0x4e9: {  	s1 =	simm.s32 @!p0 $0x8;
	[sflag:s19] =	ssyncadd.s32 $0xFFFFFD80  }
0x4ea: {  	_ =	swait.ge @!p0 [sflag:s1], $0x1680  }
0x4eb: {  	[sflag:s1] =	ssyncset.done @!p0 $0x0  }
0x4ec: {  	s25 =	simm.s32 $0x29D0;
	[sflag:s1] =	ssyncadd.s32 @!p0 $0xFFFFE980  }
0x4ed: {  	s26 =	simm.s32 $0x2ED0;
	v1 =	vld [tilespmem:s25+$0x30]  }
0x4ee: {  	v2 =	vld [tilespmem:s26+$0x30]  }
0x4ef: {  	v4 =	vld [tilespmem:s25+$0xFFFFFFD0]  }
0x4f0: {  	v5 =	vld [tilespmem:s26+$0xFFFFFFD0]  }
0x4f1: {  	v6 =	vld [tilespmem:s25+$0xFFFFFFE0]  }
0x4f2: {  	v7 =	vld [tilespmem:s26+$0xFFFFFFE0]  }
0x4f3: {  	v8 =	vld [tilespmem:s26+$0xFFFFFFF0];
	v1 =	vadd.f32 v2, v1  }
0x4f4: {  	v10 =	vld [tilespmem:s25+$0x0]  }
0x4f5: {  	v11 =	vld [tilespmem:s26+$0x0];
	v9 =	vmul.f32 $2.000000030e-01, v1  }
0x4f6: {  	v2 =	vld [tilespmem:s25+$0xFFFFFFF0];
	v4 =	vadd.f32 v5, v4;
	vm0 =	vge.f32 v1, $0.0e+00  }
0x4f7: {  	v3 =	vld [tilespmem:s26+$0xFFFFFFC0];
	v1 =	vsel vm0, v1, v9  }
0x4f8: {  	v5 =	vld [tilespmem:s25+$0x10];
	v12 =	vmul.f32 $2.000000030e-01, v4;
	v1 =	vmul.f32 $1.442695020e+00, v1  }
0x4f9: {  	vm14 =	vge.f32 v4, $0.0e+00;
	v9 =	vld [tilespmem:s26+$0x10]  }
0x4fa: {  	v6 =	vadd.f32 v7, v6;
	v4 =	vsel vm14, v4, v12;
	v12 =	vld [tilespmem:s25+$0xFFFFFFC0];
	(erf) = vpow2.f32 v1  }
0x4fb: {  	v7 =	vld [tilespmem:s25+$0x20];
	v10 =	vadd.f32 v11, v10;
	v4 =	vmul.f32 $1.442695020e+00, v4;
	v1 =	vadd.f32 v8, v2  }
0x4fc: {  	vm15 =	vge.f32 v6, $0.0e+00;
	v2 =	vld [tilespmem:s26+$0x20];
	v8 =	vmul.f32 $2.000000030e-01, v6  }
0x4fd: {  	vm4 =	vge.f32 v10, $0.0e+00;
	(erf) = vpow2.f32 v4;
	vm1 =	vge.f32 v1, $0.0e+00  }
0x4fe: {  	v11 =	vmul.f32 $2.000000030e-01, v1;
	v6 =	vsel vm15, v6, v8;
	v5 =	vadd.f32 v9, v5  }
0x4ff: {  	v8 =	vmul.f32 $2.000000030e-01, v10;
	v3 =	vadd.f32 v3, v12;
	v6 =	vmul.f32 $1.442695020e+00, v6  }
0x500: {  	v1 =	vsel vm1, v1, v11;
	v4 =	vmul.f32 $2.000000030e-01, v5;
	vm5 =	vge.f32 v5, $0.0e+00  }
0x501: {  	v8 =	vsel vm4, v10, v8;
	v9 =	vmul.f32 $2.000000030e-01, v3;
	v2 =	vadd.f32 v2, v7  }
0x502: {  	vm6 =	vge.f32 v3, $0.0e+00;
	v7 =	vmul.f32 $1.442695020e+00, v1;
	v8 =	vmul.f32 $1.442695020e+00, v8  }
0x503: {  	s25 =	simm.s32 $0x5DD0;
	v4 =	vsel vm5, v5, v4;
	v5 =	vmul.f32 $2.000000030e-01, v2;
	v1 =	vpop (erf);
	(erf) = vpow2.f32 v6  }
0x504: {  	s21 =	simm.s32 $0x3C10;
	v3 =	vsel vm6, v3, v9;
	v4 =	vmul.f32 $1.442695020e+00, v4;
	[tilespmem:s25+$0x230] =	vst v1;
	(erf) = vpow2.f32 v7  }
0x505: {  	v3 =	vmul.f32 $1.442695020e+00, v3;
	v6 =	vld [tilespmem:s21+$0xC0];
	(erf) = vpow2.f32 v8  }
0x506: {  	vm7 =	vge.f32 v2, $0.0e+00;
	(erf) = vpow2.f32 v4  }
0x507: {  	v2 =	vsel vm7, v2, v5;
	(erf) = vpow2.f32 v3  }
0x508: {  	v2 =	vmul.f32 $1.442695020e+00, v2;
	_ =	sdelay $0x1  }
0x509: {  	v10 =	vpop (erf);
	(erf) = vpow2.f32 v2;
	v3 =	vunpack.i.l.bf16.f32 v6  }
0x50a: {  	v2 =	vunpack.i.u.bf16.f32 v6;
	v3 =	vmul.f32 v1, v3  }
0x50b: {  	[tilespmem:s25+$0xFFFFFED0] =	vst v10;
	v2 =	vmul.f32 v1, v2;
	v11 =	vpop (erf)  }
0x50c: {  	[tilespmem:s25+$0x1B0] =	vst v3;
	v3 =	vld [tilespmem:s21+$0xFFFFFF40];
	v12 =	vpop (erf)  }
0x50d: {  	[tilespmem:s25+$0x1C0] =	vst v2;
	v15 =	vpop (erf)  }
0x50e: {  	[tilespmem:s25+$0xFFFFFF60] =	vst v11;
	v2 =	vld [tilespmem:s21+$0xD0];
	v18 =	vpop (erf)  }
0x50f: {  	[tilespmem:s25+$0xFFFFFFF0] =	vst v12;
	v8 =	vpop (erf)  }
0x510: {  	v4 =	vld [tilespmem:s21+$0xFFFFFF80];
	[tilespmem:s25+$0xFFFFFE40] =	vst v8  }
0x511: {  	[tilespmem:s25+$0x80] =	vst v15;
	v5 =	vunpack.i.l.bf16.f32 v3;
	v6 =	vld [tilespmem:s21+$0xFFFFFF00]  }
0x512: {  	[tilespmem:s25+$0x110] =	vst v18;
	v17 =	vpop (erf);
	v3 =	vunpack.i.u.bf16.f32 v3;
	v5 =	vmul.f32 v10, v5  }
0x513: {  	v9 =	vld [tilespmem:s21+$0xFFFFFFC0];
	[tilespmem:s25+$0x1A0] =	vst v17;
	v7 =	vunpack.i.l.bf16.f32 v2;
	v3 =	vmul.f32 v10, v3  }
0x514: {  	v2 =	vunpack.i.u.bf16.f32 v2;
	v7 =	vmul.f32 v7, v1;
	[tilespmem:s25+$0xFFFFFE50] =	vst v5  }
0x515: {  	v2 =	vmul.f32 v2, v1;
	v5 =	vunpack.i.l.bf16.f32 v4;
	[tilespmem:s25+$0xFFFFFE60] =	vst v3  }
0x516: {  	s22 =	simm.s32 $0x2A50;
	[tilespmem:s25+$0x1D0] =	vst v7;
	v7 =	vld [tilespmem:s21+$0x0];
	v5 =	vmul.f32 v11, v5;
	v13 =	vunpack.i.l.bf16.f32 v6  }
0x517: {  	v16 =	vld [tilespmem:s22+$0x30];
	[tilespmem:s25+$0x1E0] =	vst v2;
	v2 =	vunpack.i.u.bf16.f32 v6;
	v3 =	vmul.f32 v8, v13  }
0x518: {  	s26 =	simm.s32 $0x2F50;
	v6 =	vld [tilespmem:s21+$0xE0];
	v2 =	vmul.f32 v8, v2;
	[tilespmem:s25+$0xFFFFFEE0] =	vst v5;
	v5 =	vunpack.i.l.bf16.f32 v9  }
0x519: {  	v20 =	vld [tilespmem:s26+$0x30];
	v4 =	vunpack.i.u.bf16.f32 v4;
	v5 =	vmul.f32 v12, v5;
	[tilespmem:s25+$0xFFFFFDC0] =	vst v3  }
0x51a: {  	v9 =	vunpack.i.u.bf16.f32 v9;
	v3 =	vmul.f32 v11, v4;
	v4 =	vld [tilespmem:s21+$0x40];
	[tilespmem:s25+$0xFFFFFDD0] =	vst v2  }
0x51b: {  	v23 =	vld [tilespmem:s22+$0xFFFFFFD0];
	v9 =	vmul.f32 v12, v9;
	v2 =	vunpack.i.l.bf16.f32 v7;
	[tilespmem:s25+$0xFFFFFF70] =	vst v5  }
0x51c: {  	v7 =	vunpack.i.u.bf16.f32 v7;
	[tilespmem:s25+$0xFFFFFEF0] =	vst v3;
	v3 =	vld [tilespmem:s21+$0x80];
	v2 =	vmul.f32 v15, v2  }
0x51d: {  	v26 =	vld [tilespmem:s22+$0xFFFFFFE0];
	[tilespmem:s25+$0xFFFFFF80] =	vst v9;
	v5 =	vunpack.i.l.bf16.f32 v6;
	v7 =	vmul.f32 v15, v7  }
0x51e: {  	v9 =	vld [tilespmem:s21+$0xFFFFFF10];
	v6 =	vunpack.i.u.bf16.f32 v6;
	v5 =	vmul.f32 v5, v1;
	[tilespmem:s25+$0x0] =	vst v2  }
0x51f: {  	v28 =	vld [tilespmem:s26+$0xFFFFFFE0];
	v16 =	vadd.f32 v20, v16;
	v2 =	vmul.f32 v6, v1;
	[tilespmem:s25+$0x10] =	vst v7;
	v6 =	vunpack.i.l.bf16.f32 v4  }
0x520: {  	[tilespmem:s25+$0x1F0] =	vst v5;
	v5 =	vld [tilespmem:s21+$0xFFFFFF50];
	v4 =	vunpack.i.u.bf16.f32 v4;
	v6 =	vmul.f32 v18, v6  }
0x521: {  	v25 =	vld [tilespmem:s26+$0xFFFFFFD0];
	v31 =	vmul.f32 $2.000000030e-01, v16;
	[tilespmem:s25+$0x200] =	vst v2;
	v4 =	vmul.f32 v18, v4;
	v2 =	vunpack.i.l.bf16.f32 v3  }
0x522: {  	vm8 =	vge.f32 v16, $0.0e+00;
	v7 =	vld [tilespmem:s21+$0xFFFFFF90];
	v3 =	vunpack.i.u.bf16.f32 v3;
	v2 =	vmul.f32 v17, v2;
	[tilespmem:s25+$0x90] =	vst v6  }
0x523: {  	v16 =	vsel vm8, v16, v31;
	v3 =	vmul.f32 v17, v3;
	v6 =	vunpack.i.l.bf16.f32 v9;
	[tilespmem:s25+$0xA0] =	vst v4;
	v4 =	vld [tilespmem:s21+$0xFFFFFFD0]  }
0x524: {  	v16 =	vmul.f32 $1.442695020e+00, v16;
	v9 =	vunpack.i.u.bf16.f32 v9;
	v6 =	vmul.f32 v6, v8;
	[tilespmem:s25+$0x120] =	vst v2  }
0x525: {  	v26 =	vadd.f32 v28, v26;
	v28 =	vld [tilespmem:s22+$0x20];
	v9 =	vmul.f32 v9, v8;
	v2 =	vunpack.i.l.bf16.f32 v5;
	[tilespmem:s25+$0x130] =	vst v3  }
0x526: {  	(erf) = vpow2.f32 v16;
	v16 =	vld [tilespmem:s26+$0x20];
	v3 =	vunpack.i.u.bf16.f32 v5;
	v2 =	vmul.f32 v2, v10;
	[tilespmem:s25+$0xFFFFFDE0] =	vst v6  }
0x527: {  	v5 =	vld [tilespmem:s21+$0x10];
	v3 =	vmul.f32 v3, v10;
	v6 =	vunpack.i.l.bf16.f32 v7;
	[tilespmem:s25+$0xFFFFFDF0] =	vst v9;
	v7 =	vunpack.i.u.bf16.f32 v7  }
0x528: {  	v23 =	vadd.f32 v25, v23;
	v9 =	vld [tilespmem:s21+$0x50];
	v7 =	vmul.f32 v7, v11;
	[tilespmem:s25+$0xFFFFFE70] =	vst v2;
	v2 =	vunpack.i.l.bf16.f32 v4  }
0x529: {  	v6 =	vmul.f32 v6, v11;
	[tilespmem:s25+$0xFFFFFE80] =	vst v3;
	v3 =	vunpack.i.u.bf16.f32 v4;
	v4 =	vmul.f32 v2, v12;
	v2 =	vld [tilespmem:s21+$0xF0]  }
0x52a: {  	[tilespmem:s25+$0xFFFFFF10] =	vst v7;
	v7 =	vld [tilespmem:s21+$0x90]  }
0x52b: {  	v29 =	vld [tilespmem:s22+$0xFFFFFFF0];
	vm9 =	vge.f32 v23, $0.0e+00;
	vm10 =	vge.f32 v26, $0.0e+00;
	[tilespmem:s25+$0xFFFFFF00] =	vst v6  }
0x52c: {  	v16 =	vadd.f32 v16, v28;
	v3 =	vmul.f32 v3, v12;
	v6 =	vunpack.i.l.bf16.f32 v5;
	[tilespmem:s25+$0xFFFFFF90] =	vst v4;
	v4 =	vld [tilespmem:s21+$0xFFFFFF20]  }
0x52d: {  	v33 =	vld [tilespmem:s22+$0x0];
	v5 =	vunpack.i.u.bf16.f32 v5;
	v6 =	vmul.f32 v6, v15;
	v13 =	vunpack.i.l.bf16.f32 v9  }
0x52e: {  	v5 =	vmul.f32 v5, v15;
	[tilespmem:s25+$0xFFFFFFA0] =	vst v3;
	v3 =	vunpack.i.u.bf16.f32 v9;
	v9 =	vmul.f32 v13, v18;
	v13 =	vld [tilespmem:s21+$0xFFFFFF60]  }
0x52f: {  	v30 =	vld [tilespmem:s26+$0xFFFFFFF0];
	v3 =	vmul.f32 v3, v18;
	[tilespmem:s25+$0x20] =	vst v6;
	v14 =	vunpack.i.u.bf16.f32 v2;
	v19 =	vunpack.i.l.bf16.f32 v7  }
0x530: {  	v6 =	vld [tilespmem:s21+$0xFFFFFFA0];
	[tilespmem:s25+$0x30] =	vst v5;
	v7 =	vunpack.i.u.bf16.f32 v7;
	v2 =	vunpack.i.l.bf16.f32 v2;
	v14 =	vmul.f32 v14, v1  }
0x531: {  	v5 =	vld [tilespmem:s21+$0xFFFFFFE0];
	[tilespmem:s25+$0xB0] =	vst v9;
	v19 =	vmul.f32 v19, v17;
	v7 =	vmul.f32 v7, v17;
	v21 =	vunpack.i.l.bf16.f32 v4  }
0x532: {  	v34 =	vld [tilespmem:s26+$0x0];
	[tilespmem:s25+$0xC0] =	vst v3;
	v1 =	vmul.f32 v2, v1;
	v4 =	vunpack.i.u.bf16.f32 v4;
	v21 =	vmul.f32 v21, v8  }
0x533: {  	v3 =	vld [tilespmem:s21+$0x60];
	v4 =	vmul.f32 v4, v8;
	v24 =	vunpack.i.u.bf16.f32 v13;
	v13 =	vunpack.i.l.bf16.f32 v13;
	[tilespmem:s25+$0x140] =	vst v19  }
0x534: {  	v19 =	vmul.f32 $2.000000030e-01, v23;
	[tilespmem:s25+$0x150] =	vst v7;
	v7 =	vadd.f32 v30, v29;
	v13 =	vmul.f32 v13, v10  }
0x535: {  	v24 =	vmul.f32 v24, v10;
	v27 =	vunpack.i.u.bf16.f32 v6;
	v6 =	vunpack.i.l.bf16.f32 v6  }
0x536: {  	v22 =	vld [tilespmem:s26+$0xFFFFFFC0];
	v6 =	vmul.f32 v6, v11;
	v20 =	vmul.f32 v27, v11;
	v27 =	vunpack.i.l.bf16.f32 v5  }
0x537: {  	v25 =	vld [tilespmem:s22+$0x10];
	v5 =	vunpack.i.u.bf16.f32 v5;
	[tilespmem:s25+$0xFFFFFE00] =	vst v21;
	v21 =	vmul.f32 $2.000000030e-01, v26;
	v19 =	vsel vm9, v23, v19  }
0x538: {  	v23 =	vld [tilespmem:s22+$0xFFFFFFC0];
	[tilespmem:s25+$0xFFFFFE10] =	vst v4;
	v4 =	vadd.f32 v34, v33;
	v5 =	vmul.f32 v5, v12;
	v31 =	vunpack.i.l.bf16.f32 v3  }
0x539: {  	[tilespmem:s25+$0x220] =	vst v14;
	v3 =	vunpack.i.u.bf16.f32 v3;
	v19 =	vmul.f32 $1.442695020e+00, v19;
	v14 =	vmul.f32 v31, v18;
	v31 =	vld [tilespmem:s26+$0x10]  }
0x53a: {  	vm11 =	vge.f32 v7, $0.0e+00;
	[tilespmem:s25+$0xFFFFFE90] =	vst v13;
	v13 =	vmul.f32 $2.000000030e-01, v7;
	v3 =	vmul.f32 v3, v18  }
0x53b: {  	[tilespmem:s25+$0xFFFFFEA0] =	vst v24;
	v21 =	vsel vm10, v26, v21;
	vm12 =	vge.f32 v4, $0.0e+00;
	v24 =	vmul.f32 $2.000000030e-01, v4  }
0x53c: {  	[tilespmem:s25+$0xFFFFFF20] =	vst v6;
	(erf) = vpow2.f32 v19;
	v6 =	vmul.f32 $1.442695020e+00, v21;
	v7 =	vsel vm11, v7, v13  }
0x53d: {  	v21 =	vld [tilespmem:s21+$0xA0];
	[tilespmem:s25+$0xFFFFFFC0] =	vst v5;
	v5 =	vmul.f32 $2.000000030e-01, v16;
	v7 =	vmul.f32 $1.442695020e+00, v7;
	v4 =	vsel vm12, v4, v24  }
0x53e: {  	v19 =	vadd.f32 v22, v23;
	(erf) = vpow2.f32 v6;
	v25 =	vadd.f32 v31, v25  }
0x53f: {  	vm14 =	vge.f32 v16, $0.0e+00;
	v4 =	vmul.f32 $1.442695020e+00, v4;
	(erf) = vpow2.f32 v7  }
0x540: {  	v9 =	vld [tilespmem:s21+$0x20];
	v5 =	vsel vm14, v16, v5;
	v22 =	vmul.f32 $2.000000030e-01, v19;
	v13 =	vmul.f32 $2.000000030e-01, v25  }
0x541: {  	s29 =	simm.s32 $0x6250;
	[tilespmem:s25+$0xFFFFFF30] =	vst v20;
	v20 =	vpop (erf);
	vm15 =	vge.f32 v19, $0.0e+00;
	(erf) = vpow2.f32 v4;
	vm13 =	vge.f32 v25, $0.0e+00  }
0x542: {  	s28 =	simm.s32 $0x3E10;
	[tilespmem:s29+$0x230] =	vst v20;
	v4 =	vmul.f32 $1.442695020e+00, v5;
	v5 =	vunpack.i.l.bf16.f32 v21;
	v13 =	vsel vm13, v25, v13  }
0x543: {  	[tilespmem:s25+$0x210] =	vst v1;
	v5 =	vmul.f32 v5, v17;
	v6 =	vmul.f32 $1.442695020e+00, v13;
	v13 =	vsel vm15, v19, v22;
	v19 =	vld [tilespmem:s28+$0xC0]  }
0x544: {  	[tilespmem:s25+$0xE0] =	vst v3  }
0x545: {  	v32 =	vunpack.i.l.bf16.f32 v9;
	v27 =	vmul.f32 v27, v12;
	[tilespmem:s25+$0x160] =	vst v5;
	v3 =	vpop (erf)  }
0x546: {  	v9 =	vunpack.i.u.bf16.f32 v9;
	v32 =	vmul.f32 v32, v15;
	v5 =	vld [tilespmem:s21+$0xFFFFFF70];
	v7 =	vmul.f32 $1.442695020e+00, v13;
	[tilespmem:s29+$0xFFFFFED0] =	vst v3  }
0x547: {  	v9 =	vmul.f32 v9, v15;
	[tilespmem:s25+$0xFFFFFFB0] =	vst v27;
	(erf) = vpow2.f32 v6;
	v6 =	vunpack.i.u.bf16.f32 v21;
	v13 =	vld [tilespmem:s28+$0xFFFFFF40]  }
0x548: {  	[tilespmem:s25+$0x40] =	vst v32;
	(erf) = vpow2.f32 v7;
	v6 =	vmul.f32 v6, v17;
	v2 =	vunpack.i.l.bf16.f32 v19  }
0x549: {  	[tilespmem:s25+$0x50] =	vst v9;
	v9 =	vld [tilespmem:s21+$0xFFFFFFB0];
	(erf) = vpow2.f32 v4;
	v4 =	vunpack.i.u.bf16.f32 v19;
	v2 =	vmul.f32 v20, v2  }
0x54a: {  	[tilespmem:s25+$0xD0] =	vst v14;
	v4 =	vmul.f32 v20, v4  }
0x54b: {  	[tilespmem:s29+$0x1B0] =	vst v2  }
0x54c: {  	v7 =	vld [tilespmem:s21+$0xFFFFFF30];
	v24 =	vunpack.i.u.bf16.f32 v5;
	v25 =	vunpack.i.l.bf16.f32 v5;
	v5 =	vunpack.i.l.bf16.f32 v13;
	[tilespmem:s29+$0x1C0] =	vst v4  }
0x54d: {  	[tilespmem:s25+$0x170] =	vst v6;
	v6 =	vpop (erf);
	v13 =	vunpack.i.u.bf16.f32 v13;
	v28 =	vmul.f32 v3, v5;
	v16 =	vld [tilespmem:s28+$0xD0]  }
0x54e: {  	v27 =	vunpack.i.u.bf16.f32 v9;
	v30 =	vunpack.i.l.bf16.f32 v9;
	[tilespmem:s29+$0xFFFFFF60] =	vst v6;
	v9 =	vmul.f32 v3, v13  }
0x54f: {  	v19 =	vld [tilespmem:s21+$0x30];
	v4 =	vpop (erf);
	[tilespmem:s29+$0xFFFFFE50] =	vst v28  }
0x550: {  	v26 =	vld [tilespmem:s28+$0xFFFFFF80];
	[tilespmem:s29+$0xFFFFFE60] =	vst v9;
	v2 =	vpop (erf)  }
0x551: {  	[tilespmem:s29+$0xFFFFFFF0] =	vst v4;
	v1 =	vpop (erf)  }
0x552: {  	v21 =	vld [tilespmem:s21+$0x70];
	v22 =	vunpack.i.u.bf16.f32 v7;
	v23 =	vunpack.i.l.bf16.f32 v7;
	[tilespmem:s29+$0x80] =	vst v2;
	v7 =	vpop (erf);
	v13 =	vunpack.i.l.bf16.f32 v16  }
0x553: {  	v57 =	vld [tilespmem:s28+$0xFFFFFFC0];
	[tilespmem:s29+$0xFFFFFE40] =	vst v7;
	v16 =	vunpack.i.u.bf16.f32 v16;
	v13 =	vmul.f32 v13, v20  }
0x554: {  	v28 =	vunpack.i.u.bf16.f32 v19;
	[tilespmem:s29+$0x110] =	vst v1;
	v29 =	vld [tilespmem:s28+$0xFFFFFF00];
	v9 =	vmul.f32 v16, v20  }
0x555: {  	v16 =	vunpack.i.l.bf16.f32 v19;
	v19 =	vmul.f32 v23, v8;
	v23 =	vunpack.i.l.bf16.f32 v26;
	[tilespmem:s29+$0x1D0] =	vst v13  }
0x556: {  	v23 =	vmul.f32 v6, v23;
	[tilespmem:s29+$0x1E0] =	vst v9  }
0x557: {  	v58 =	vunpack.i.u.bf16.f32 v21;
	v59 =	vld [tilespmem:s28+$0x0];
	[tilespmem:s25+$0xFFFFFE20] =	vst v19;
	v19 =	vunpack.i.l.bf16.f32 v21;
	v21 =	vunpack.i.u.bf16.f32 v26  }
0x558: {  	v5 =	vpop (erf);
	v8 =	vmul.f32 v22, v8;
	v22 =	vld [tilespmem:s28+$0xE0];
	[tilespmem:s29+$0xFFFFFEE0] =	vst v23;
	v23 =	vunpack.i.l.bf16.f32 v57;
	v21 =	vmul.f32 v6, v21  }
0x559: {  	[tilespmem:s29+$0x1A0] =	vst v5;
	v23 =	vmul.f32 v4, v23;
	v13 =	vunpack.i.l.bf16.f32 v29;
	v9 =	vunpack.i.u.bf16.f32 v29  }
0x55a: {  	v14 =	vld [tilespmem:s21+$0xFFFFFFF0];
	[tilespmem:s29+$0xFFFFFEF0] =	vst v21;
	v13 =	vmul.f32 v7, v13;
	v26 =	vmul.f32 v7, v9  }
0x55b: {  	v9 =	vmul.f32 v25, v10;
	v10 =	vmul.f32 v24, v10;
	v24 =	vld [tilespmem:s28+$0x40];
	v25 =	vunpack.i.u.bf16.f32 v57;
	[tilespmem:s29+$0xFFFFFF70] =	vst v23  }
0x55c: {  	v25 =	vmul.f32 v4, v25;
	[tilespmem:s29+$0xFFFFFDD0] =	vst v26;
	v26 =	vunpack.i.l.bf16.f32 v59  }
0x55d: {  	v21 =	vld [tilespmem:s28+$0x80];
	[tilespmem:s29+$0xFFFFFDC0] =	vst v13;
	v23 =	vunpack.i.l.bf16.f32 v22;
	v26 =	vmul.f32 v2, v26  }
0x55e: {  	v13 =	vmul.f32 v30, v11;
	v22 =	vunpack.i.u.bf16.f32 v22;
	[tilespmem:s29+$0xFFFFFF80] =	vst v25;
	v23 =	vmul.f32 v23, v20  }
0x55f: {  	v11 =	vmul.f32 v27, v11;
	v27 =	vld [tilespmem:s28+$0xFFFFFF50];
	v25 =	vunpack.i.u.bf16.f32 v59;
	v22 =	vmul.f32 v22, v20;
	[tilespmem:s29+$0x0] =	vst v26  }
0x560: {  	v31 =	vunpack.i.u.bf16.f32 v14;
	v25 =	vmul.f32 v2, v25;
	v30 =	vunpack.i.l.bf16.f32 v24;
	[tilespmem:s29+$0x1F0] =	vst v23  }
0x561: {  	v16 =	vmul.f32 v16, v15;
	v29 =	vld [tilespmem:s28+$0xFFFFFF10];
	v23 =	vunpack.i.u.bf16.f32 v24;
	[tilespmem:s29+$0x200] =	vst v22;
	v24 =	vmul.f32 v1, v30  }
0x562: {  	v22 =	vunpack.i.u.bf16.f32 v21;
	v21 =	vunpack.i.l.bf16.f32 v21;
	v23 =	vmul.f32 v1, v23;
	[tilespmem:s29+$0x10] =	vst v25  }
0x563: {  	v14 =	vunpack.i.l.bf16.f32 v14;
	v15 =	vmul.f32 v28, v15;
	v28 =	vld [tilespmem:s28+$0xFFFFFF90];
	v21 =	vmul.f32 v5, v21;
	[tilespmem:s29+$0x90] =	vst v24  }
0x564: {  	v22 =	vmul.f32 v5, v22;
	v30 =	vunpack.i.u.bf16.f32 v27;
	v27 =	vunpack.i.l.bf16.f32 v27;
	[tilespmem:s29+$0xA0] =	vst v23  }
0x565: {  	v14 =	vmul.f32 v14, v12;
	v26 =	vld [tilespmem:s21+$0xB0];
	v24 =	vmul.f32 v27, v3;
	[tilespmem:s29+$0x120] =	vst v21  }
0x566: {  	v12 =	vmul.f32 v31, v12;
	v25 =	vld [tilespmem:s28+$0xF0];
	v31 =	vunpack.i.l.bf16.f32 v29;
	v23 =	vmul.f32 v30, v3;
	[tilespmem:s29+$0x130] =	vst v22  }
0x567: {  	v27 =	vld [tilespmem:s28+$0xFFFFFFD0];
	v29 =	vunpack.i.u.bf16.f32 v29;
	v30 =	vmul.f32 v31, v7;
	[tilespmem:s29+$0xFFFFFE70] =	vst v24  }
0x568: {  	v22 =	vunpack.i.l.bf16.f32 v28;
	v21 =	vmul.f32 v29, v7;
	[tilespmem:s29+$0xFFFFFE80] =	vst v23  }
0x569: {  	v19 =	vmul.f32 v19, v18;
	v28 =	vunpack.i.u.bf16.f32 v28;
	v22 =	vmul.f32 v22, v6;
	[tilespmem:s29+$0xFFFFFDE0] =	vst v30  }
0x56a: {  	v18 =	vmul.f32 v58, v18;
	v29 =	vld [tilespmem:s28+$0x10];
	v28 =	vmul.f32 v28, v6;
	[tilespmem:s29+$0xFFFFFDF0] =	vst v21  }
0x56b: {  	v60 =	vld [tilespmem:s28+$0x50];
	v31 =	vunpack.i.u.bf16.f32 v26;
	v30 =	vunpack.i.u.bf16.f32 v25;
	v23 =	vunpack.i.l.bf16.f32 v25;
	[tilespmem:s29+$0xFFFFFF00] =	vst v22  }
0x56c: {  	v61 =	vld [tilespmem:s28+$0xFFFFFF60];
	[tilespmem:s29+$0xFFFFFF10] =	vst v28;
	v21 =	vmul.f32 v30, v20;
	v30 =	vunpack.i.u.bf16.f32 v27;
	v27 =	vunpack.i.l.bf16.f32 v27  }
0x56d: {  	v24 =	vunpack.i.l.bf16.f32 v26;
	v20 =	vmul.f32 v23, v20;
	v62 =	vld [tilespmem:s28+$0xFFFFFFA0];
	v26 =	vmul.f32 v27, v4  }
0x56e: {  	v27 =	vmul.f32 v30, v4;
	v30 =	vld [tilespmem:s28+$0x90];
	[tilespmem:s29+$0x220] =	vst v21;
	v21 =	vmul.f32 v24, v17  }
0x56f: {  	v17 =	vmul.f32 v31, v17;
	v24 =	vld [tilespmem:s28+$0xFFFFFF20];
	v25 =	vunpack.i.u.bf16.f32 v29;
	v29 =	vunpack.i.l.bf16.f32 v29  }
0x570: {  	v22 =	vunpack.i.l.bf16.f32 v60;
	v29 =	vmul.f32 v29, v2;
	v31 =	vmul.f32 v25, v2;
	[tilespmem:s29+$0xFFFFFF90] =	vst v26  }
0x571: {  	v25 =	vunpack.i.u.bf16.f32 v60;
	v28 =	vmul.f32 v22, v1;
	[tilespmem:s29+$0xFFFFFFA0] =	vst v27;
	v26 =	vunpack.i.l.bf16.f32 v61  }
0x572: {  	v63 =	vmul.f32 v25, v1;
	[tilespmem:s29+$0x20] =	vst v29;
	v29 =	vmul.f32 v26, v3  }
0x573: {  	[tilespmem:s29+$0x30] =	vst v31;
	v31 =	vld [tilespmem:s28+$0xFFFFFFE0];
	v27 =	vunpack.i.l.bf16.f32 v62;
	v22 =	vunpack.i.u.bf16.f32 v30;
	v23 =	vunpack.i.l.bf16.f32 v30  }
0x574: {  	v35 =	vmul.f32 v23, v5;
	v23 =	vunpack.i.l.bf16.f32 v24;
	v24 =	vunpack.i.u.bf16.f32 v24  }
0x575: {  	[tilespmem:s29+$0xB0] =	vst v28;
	v28 =	vld [tilespmem:s28+$0x20];
	v25 =	vmul.f32 v23, v7;
	v23 =	vmul.f32 v24, v7;
	v24 =	vunpack.i.u.bf16.f32 v61  }
0x576: {  	s7 =	simm.s32 $0x3E10;
	[tilespmem:s29+$0xC0] =	vst v63;
	v22 =	vmul.f32 v22, v5;
	v26 =	vmul.f32 v24, v3;
	v24 =	vunpack.i.u.bf16.f32 v62  }
0x577: {  	s1 =	simm.s32 $0x6250;
	s22 =	simm.s32 $0x8;
	s21 =	simm.s32 $0x2AD0;
	v30 =	vmul.f32 v27, v6;
	v27 =	vld [tilespmem:s28+$0x60];
	[tilespmem:s29+$0x140] =	vst v35;
	v24 =	vmul.f32 v24, v6  }
.LBB2_15:
0x578: {  	v32 =	vld [tilespmem:s21+$0x30];
	v33 =	vunpack.i.u.bf16.f32 v31;
	v31 =	vunpack.i.l.bf16.f32 v31;
	[tilespmem:s29+$0x150] =	vst v22;
	s26 =	sadd.s32 $0x80, s26  }
0x579: {  	v22 =	vld [tilespmem:s26+$0x30];
	[tilespmem:s29+$0xFFFFFE00] =	vst v25;
	v25 =	vmul.f32 v31, v4;
	v31 =	vmul.f32 v33, v4  }
0x57a: {  	v33 =	vld [tilespmem:s26+$0xFFFFFFC0];
	[tilespmem:s29+$0xFFFFFE10] =	vst v23;
	v23 =	vunpack.i.u.bf16.f32 v28;
	v28 =	vunpack.i.l.bf16.f32 v28  }
0x57b: {  	v34 =	vld [tilespmem:s21+$0xFFFFFFD0];
	[tilespmem:s29+$0xFFFFFE90] =	vst v29;
	v28 =	vmul.f32 v28, v2;
	v23 =	vmul.f32 v23, v2  }
0x57c: {  	s22 =	sadd.s32 $0x8, s22;
	v29 =	vld [tilespmem:s26+$0xFFFFFFD0];
	[tilespmem:s29+$0xFFFFFEA0] =	vst v26;
	v26 =	vunpack.i.u.bf16.f32 v27;
	v27 =	vunpack.i.l.bf16.f32 v27  }
0x57d: {  	p0 =	slt.u32 s22, $0x20;
	v35 =	vld [tilespmem:s21+$0xFFFFFFE0];
	[tilespmem:s29+$0xFFFFFF20] =	vst v30;
	v27 =	vmul.f32 v27, v1;
	v26 =	vmul.f32 v26, v1  }
0x57e: {  	v30 =	vld [tilespmem:s26+$0xFFFFFFE0];
	v22 =	vadd.f32 v22, v32;
	[tilespmem:s29+$0xFFFFFF30] =	vst v24  }
0x57f: {  	v24 =	vld [tilespmem:s21+$0xFFFFFFF0];
	[tilespmem:s29+$0xFFFFFFB0] =	vst v25  }
0x580: {  	v25 =	vld [tilespmem:s26+$0xFFFFFFF0];
	v32 =	vmul.f32 $2.000000030e-01, v22;
	[tilespmem:s29+$0xFFFFFFC0] =	vst v31  }
0x581: {  	vm0 =	vge.f32 v22, $0.0e+00;
	v29 =	vadd.f32 v29, v34;
	v31 =	vld [tilespmem:s21+$0x0];
	[tilespmem:s29+$0x40] =	vst v28  }
0x582: {  	v28 =	vld [tilespmem:s26+$0x0];
	v22 =	vsel vm0, v22, v32;
	[tilespmem:s29+$0x50] =	vst v23  }
0x583: {  	v23 =	vmul.f32 $2.000000030e-01, v29;
	v30 =	vadd.f32 v30, v35;
	v32 =	vld [tilespmem:s21+$0x10];
	v22 =	vmul.f32 $1.442695020e+00, v22;
	[tilespmem:s29+$0xD0] =	vst v27  }
0x584: {  	vm0 =	vge.f32 v29, $0.0e+00;
	v27 =	vld [tilespmem:s26+$0x10];
	[tilespmem:s29+$0xE0] =	vst v26  }
0x585: {  	v26 =	vmul.f32 $2.000000030e-01, v30;
	v24 =	vadd.f32 v25, v24;
	v25 =	vld [tilespmem:s21+$0x20];
	(erf) = vpow2.f32 v22;
	[tilespmem:s25+$0xFFFFFE30] =	vst v8  }
0x586: {  	v8 =	vsel vm0, v29, v23;
	vm0 =	vge.f32 v30, $0.0e+00;
	v22 =	vld [tilespmem:s26+$0x20];
	[tilespmem:s25+$0xFFFFFEB0] =	vst v9  }
0x587: {  	v9 =	vld [tilespmem:s21+$0xFFFFFFC0];
	vm1 =	vge.f32 v24, $0.0e+00;
	v23 =	vmul.f32 $2.000000030e-01, v24;
	v28 =	vadd.f32 v28, v31;
	[tilespmem:s25+$0xFFFFFEC0] =	vst v10  }
0x588: {  	v8 =	vmul.f32 $1.442695020e+00, v8;
	v10 =	vsel vm0, v30, v26;
	v26 =	vld [tilespmem:s28+$0xA0];
	[tilespmem:s25+$0xFFFFFF40] =	vst v13  }
0x589: {  	vm0 =	vge.f32 v28, $0.0e+00;
	v13 =	vmul.f32 $2.000000030e-01, v28;
	v27 =	vadd.f32 v27, v32;
	v29 =	vld [tilespmem:s28+$0xFFFFFF30];
	[tilespmem:s25+$0xFFFFFF50] =	vst v11  }
0x58a: {  	v10 =	vmul.f32 $1.442695020e+00, v10;
	v11 =	vsel vm1, v24, v23;
	(erf) = vpow2.f32 v8;
	v8 =	vld [tilespmem:s28+$0xFFFFFF70];
	[tilespmem:s25+$0xFFFFFFD0] =	vst v14  }
0x58b: {  	vm1 =	vge.f32 v27, $0.0e+00;
	v14 =	vmul.f32 $2.000000030e-01, v27;
	v23 =	vadd.f32 v22, v25;
	v24 =	vld [tilespmem:s28+$0xFFFFFFB0];
	[tilespmem:s25+$0xFFFFFFE0] =	vst v12  }
0x58c: {  	v11 =	vmul.f32 $1.442695020e+00, v11;
	v12 =	vsel vm0, v28, v13;
	v9 =	vadd.f32 v33, v9;
	v13 =	vld [tilespmem:s28+$0xFFFFFFF0];
	[tilespmem:s25+$0x60] =	vst v16  }
0x58d: {  	s29 =	sadd.s32 $0x480, s29;
	v14 =	vsel vm1, v27, v14;
	vm0 =	vge.f32 v23, $0.0e+00;
	v16 =	vmul.f32 $2.000000030e-01, v23;
	v25 =	vld [tilespmem:s28+$0x30];
	[tilespmem:s25+$0x70] =	vst v15  }
0x58e: {  	v12 =	vmul.f32 $1.442695020e+00, v12;
	vm1 =	vge.f32 v9, $0.0e+00;
	v15 =	vmul.f32 $2.000000030e-01, v9;
	v22 =	vpop (erf);
	v27 =	vld [tilespmem:s28+$0x70]  }
0x58f: {  	v14 =	vmul.f32 $1.442695020e+00, v14;
	s28 =	sadd.s32 $0x200, s28;
	v16 =	vsel vm0, v23, v16;
	[tilespmem:s29+$0x230] =	vst v22;
	(erf) = vpow2.f32 v10  }
0x590: {  	v9 =	vsel vm1, v9, v15;
	v10 =	vmul.f32 $1.442695020e+00, v16;
	v15 =	vld [tilespmem:s28+$0xC0];
	(erf) = vpow2.f32 v11;
	[tilespmem:s25+$0xF0] =	vst v19  }
0x591: {  	v11 =	vunpack.i.u.bf16.f32 v26;
	v9 =	vmul.f32 $1.442695020e+00, v9;
	(erf) = vpow2.f32 v12;
	[tilespmem:s25+$0x100] =	vst v18  }
0x592: {  	v12 =	vunpack.i.l.bf16.f32 v26;
	v11 =	vmul.f32 v11, v5;
	(erf) = vpow2.f32 v14;
	[tilespmem:s25+$0x180] =	vst v21  }
0x593: {  	v12 =	vmul.f32 v12, v5;
	(erf) = vpow2.f32 v9;
	v14 =	vpop (erf);
	v9 =	vunpack.i.u.bf16.f32 v29;
	[tilespmem:s25+$0x190] =	vst v17;
	s25 =	smov.u32 s1;
	s1 =	smov.u32 s29  }
0x594: {  	v16 =	vunpack.i.u.bf16.f32 v8;
	[tilespmem:s29+$0xFFFFFED0] =	vst v14;
	(erf) = vpow2.f32 v10;
	v10 =	vunpack.i.l.bf16.f32 v29  }
0x595: {  	v19 =	vunpack.i.l.bf16.f32 v8;
	v21 =	vunpack.i.u.bf16.f32 v24;
	v17 =	vld [tilespmem:s28+$0xFFFFFF40];
	v18 =	vunpack.i.l.bf16.f32 v15;
	[tilespmem:s25+$0x160] =	vst v12  }
0x596: {  	v8 =	vunpack.i.u.bf16.f32 v15;
	v15 =	vunpack.i.l.bf16.f32 v24;
	v12 =	vmul.f32 v22, v18;
	[tilespmem:s25+$0x170] =	vst v11  }
0x597: {  	v23 =	vunpack.i.l.bf16.f32 v13;
	v8 =	vmul.f32 v22, v8;
	v18 =	vunpack.i.u.bf16.f32 v13;
	v11 =	vld [tilespmem:s7+$0xB0];
	[tilespmem:s25+$0x210] =	vst v20;
	s7 =	smov.u32 s28  }
0x598: {  	v26 =	vunpack.i.u.bf16.f32 v27;
	v24 =	vunpack.i.u.bf16.f32 v25;
	v25 =	vunpack.i.l.bf16.f32 v25;
	[tilespmem:s29+$0x1B0] =	vst v12;
	v20 =	vpop (erf)  }
0x599: {  	v27 =	vunpack.i.l.bf16.f32 v27;
	v29 =	vmul.f32 v10, v7;
	[tilespmem:s29+$0x1C0] =	vst v8;
	v28 =	vpop (erf);
	v8 =	vmul.f32 v9, v7  }
0x59a: {  	v9 =	vmul.f32 v19, v3;
	v12 =	vunpack.i.u.bf16.f32 v17;
	v10 =	vunpack.i.l.bf16.f32 v17;
	[tilespmem:s29+$0xFFFFFF60] =	vst v20;
	v17 =	vld [tilespmem:s28+$0xD0];
	v30 =	vpop (erf)  }
0x59b: {  	v19 =	vmul.f32 v14, v10;
	v31 =	vmul.f32 v14, v12;
	v32 =	vld [tilespmem:s28+$0xFFFFFF80];
	[tilespmem:s29+$0xFFFFFFF0] =	vst v28;
	v33 =	vpop (erf)  }
0x59c: {  	v10 =	vmul.f32 v16, v3;
	v34 =	vld [tilespmem:s28+$0xFFFFFFC0];
	[tilespmem:s29+$0x80] =	vst v30;
	v7 =	vpop (erf);
	v35 =	vunpack.i.u.bf16.f32 v11;
	v36 =	vunpack.i.l.bf16.f32 v11  }
0x59d: {  	v13 =	vmul.f32 v15, v6;
	v3 =	vmov v14;
	v11 =	vmul.f32 v21, v6;
	[tilespmem:s29+$0xFFFFFE40] =	vst v7;
	v37 =	vld [tilespmem:s28+$0x0];
	v38 =	vpop (erf)  }
0x59e: {  	v14 =	vmul.f32 v23, v4;
	v12 =	vmul.f32 v18, v4;
	v4 =	vmovc v28;
	v6 =	vmov v20;
	v21 =	vld [tilespmem:s28+$0xFFFFFF00];
	[tilespmem:s29+$0x110] =	vst v33  }
0x59f: {  	v15 =	vmul.f32 v24, v2;
	v16 =	vmul.f32 v25, v2;
	v2 =	vmovc v30;
	v18 =	vld [tilespmem:s28+$0x40];
	[tilespmem:s29+$0x1A0] =	vst v38;
	v20 =	vunpack.i.l.bf16.f32 v17  }
0x5a0: {  	v17 =	vunpack.i.u.bf16.f32 v17;
	[tilespmem:s29+$0xFFFFFE50] =	vst v19;
	v19 =	vunpack.i.u.bf16.f32 v32;
	v23 =	vld [tilespmem:s28+$0x80];
	v20 =	vmul.f32 v20, v22  }
0x5a1: {  	v24 =	vunpack.i.l.bf16.f32 v32;
	v17 =	vmul.f32 v17, v22;
	[tilespmem:s29+$0xFFFFFE60] =	vst v31;
	v25 =	vunpack.i.u.bf16.f32 v34  }
0x5a2: {  	v30 =	vunpack.i.l.bf16.f32 v34;
	v28 =	vld [tilespmem:s28+$0xFFFFFF50];
	v31 =	vunpack.i.u.bf16.f32 v37;
	v32 =	vunpack.i.l.bf16.f32 v37;
	[tilespmem:s29+$0x1D0] =	vst v20  }
0x5a3: {  	v24 =	vmul.f32 v6, v24;
	v20 =	vunpack.i.u.bf16.f32 v21;
	v21 =	vunpack.i.l.bf16.f32 v21;
	[tilespmem:s29+$0x1E0] =	vst v17  }
0x5a4: {  	v17 =	vmul.f32 v7, v21;
	v21 =	vunpack.i.u.bf16.f32 v18;
	v18 =	vunpack.i.l.bf16.f32 v18;
	v34 =	vld [tilespmem:s28+$0xE0];
	[tilespmem:s25+$0xFFFFFE20] =	vst v29  }
0x5a5: {  	v20 =	vmul.f32 v7, v20;
	[tilespmem:s29+$0xFFFFFEE0] =	vst v24;
	v24 =	vunpack.i.u.bf16.f32 v23;
	v23 =	vunpack.i.l.bf16.f32 v23  }
0x5a6: {  	[tilespmem:s29+$0xFFFFFDC0] =	vst v17;
	v17 =	vmul.f32 v6, v19;
	v19 =	vmul.f32 v4, v30  }
0x5a7: {  	v25 =	vmul.f32 v4, v25;
	v29 =	vmul.f32 v2, v32;
	[tilespmem:s29+$0xFFFFFDD0] =	vst v20;
	v20 =	vunpack.i.u.bf16.f32 v28  }
0x5a8: {  	v28 =	vunpack.i.l.bf16.f32 v28;
	v30 =	vld [tilespmem:s28+$0xFFFFFF10];
	[tilespmem:s29+$0xFFFFFEF0] =	vst v17;
	v17 =	vmul.f32 v2, v31;
	v31 =	vmul.f32 v33, v18  }
0x5a9: {  	v21 =	vmul.f32 v33, v21;
	v23 =	vmul.f32 v38, v23;
	v32 =	vld [tilespmem:s28+$0xFFFFFF90];
	[tilespmem:s29+$0xFFFFFF70] =	vst v19;
	v18 =	vunpack.i.l.bf16.f32 v34  }
0x5aa: {  	v24 =	vmul.f32 v38, v24;
	v19 =	vunpack.i.u.bf16.f32 v34;
	[tilespmem:s29+$0xFFFFFF80] =	vst v25;
	v18 =	vmul.f32 v18, v22  }
0x5ab: {  	v25 =	vmul.f32 v28, v3;
	v28 =	vld [tilespmem:s28+$0xFFFFFFD0];
	[tilespmem:s29+$0x0] =	vst v29;
	v29 =	vmul.f32 v19, v22  }
0x5ac: {  	v34 =	vmul.f32 v20, v3;
	v19 =	vmul.f32 v27, v1;
	[tilespmem:s29+$0x1F0] =	vst v18  }
0x5ad: {  	v18 =	vmul.f32 v26, v1;
	v1 =	vmovc v33;
	v20 =	vunpack.i.u.bf16.f32 v30;
	v27 =	vunpack.i.l.bf16.f32 v30;
	[tilespmem:s29+$0x200] =	vst v29  }
0x5ae: {  	v26 =	vmul.f32 v27, v7;
	v27 =	vunpack.i.u.bf16.f32 v32;
	v29 =	vunpack.i.l.bf16.f32 v32;
	[tilespmem:s29+$0x10] =	vst v17;
	v30 =	vld [tilespmem:s28+$0xF0]  }
0x5af: {  	v20 =	vmul.f32 v20, v7;
	v29 =	vmul.f32 v29, v6;
	v32 =	vld [tilespmem:s28+$0x10];
	[tilespmem:s29+$0x90] =	vst v31  }
0x5b0: {  	v27 =	vmul.f32 v27, v6;
	v17 =	vunpack.i.u.bf16.f32 v28;
	v28 =	vunpack.i.l.bf16.f32 v28;
	[tilespmem:s29+$0xA0] =	vst v21  }
0x5b1: {  	v28 =	vmul.f32 v28, v4;
	v31 =	vmul.f32 v17, v4;
	v33 =	vld [tilespmem:s28+$0x50];
	[tilespmem:s29+$0x120] =	vst v23  }
0x5b2: {  	v21 =	vmul.f32 v36, v5;
	v17 =	vmul.f32 v35, v5;
	v5 =	vmov v38;
	[tilespmem:s29+$0x130] =	vst v24  }
0x5b3: {  	[tilespmem:s29+$0xFFFFFDE0] =	vst v26;
	v23 =	vld [tilespmem:s28+$0x90];
	v24 =	vunpack.i.u.bf16.f32 v30;
	v26 =	vunpack.i.l.bf16.f32 v30  }
0x5b4: {  	[tilespmem:s29+$0xFFFFFDF0] =	vst v20;
	v20 =	vunpack.i.u.bf16.f32 v32;
	v30 =	vunpack.i.l.bf16.f32 v32;
	v24 =	vmul.f32 v24, v22  }
0x5b5: {  	v32 =	vld [tilespmem:s28+$0xFFFFFF20];
	[tilespmem:s29+$0xFFFFFE70] =	vst v25;
	v30 =	vmul.f32 v30, v2;
	v35 =	vmul.f32 v20, v2  }
0x5b6: {  	v20 =	vmul.f32 v26, v22;
	v25 =	vunpack.i.u.bf16.f32 v33;
	v33 =	vunpack.i.l.bf16.f32 v33;
	[tilespmem:s29+$0x220] =	vst v24  }
0x5b7: {  	[tilespmem:s29+$0xFFFFFE80] =	vst v34;
	v24 =	vmul.f32 v33, v1;
	v33 =	vmul.f32 v25, v1  }
0x5b8: {  	v26 =	vld [tilespmem:s28+$0xFFFFFF60];
	[tilespmem:s29+$0xFFFFFF00] =	vst v29;
	v22 =	vunpack.i.u.bf16.f32 v23;
	v23 =	vunpack.i.l.bf16.f32 v23  }
0x5b9: {  	[tilespmem:s29+$0xFFFFFF10] =	vst v27;
	v34 =	vmul.f32 v23, v5;
	v22 =	vmul.f32 v22, v5  }
0x5ba: {  	v23 =	vunpack.i.u.bf16.f32 v32;
	v25 =	vunpack.i.l.bf16.f32 v32;
	v27 =	vld [tilespmem:s28+$0xFFFFFFA0];
	[tilespmem:s29+$0xFFFFFF90] =	vst v28  }
0x5bb: {  	v25 =	vmul.f32 v25, v7;
	v23 =	vmul.f32 v23, v7;
	[tilespmem:s29+$0xFFFFFFA0] =	vst v31  }
.Ltmp6:
0x5bc: {  	v31 =	vld [tilespmem:s28+$0xFFFFFFE0];
	[tilespmem:s29+$0x20] =	vst v30;
	(pc) =	sbr.rel @p0 .LBB2_15-.Ltmp6, $4  }
0x5bd: {  	v28 =	vunpack.i.u.bf16.f32 v26;
	v26 =	vunpack.i.l.bf16.f32 v26;
	[tilespmem:s29+$0x30] =	vst v35  }
0x5be: {  	v29 =	vmul.f32 v26, v3;
	v26 =	vmul.f32 v28, v3;
	v28 =	vld [tilespmem:s28+$0x20];
	[tilespmem:s29+$0xB0] =	vst v24  }
0x5bf: {  	v24 =	vunpack.i.u.bf16.f32 v27;
	v27 =	vunpack.i.l.bf16.f32 v27;
	[tilespmem:s29+$0xC0] =	vst v33  }
0x5c0: {  	s21 =	sadd.s32 $0x80, s21;
	v30 =	vmul.f32 v27, v6;
	v24 =	vmul.f32 v24, v6;
	v27 =	vld [tilespmem:s28+$0x60];
	[tilespmem:s29+$0x140] =	vst v34  }
0x5c1: {  	[tilespmem:s29+$0x150] =	vst v22  }
0x5c2: {  	[tilespmem:s29+$0xFFFFFE00] =	vst v25  }
0x5c3: {  	[tilespmem:s29+$0xFFFFFE10] =	vst v23  }
0x5c4: {  	[tilespmem:s29+$0xFFFFFE90] =	vst v29  }
0x5c5: {  	[tilespmem:s29+$0xFFFFFEA0] =	vst v26  }
0x5c6: {  	[tilespmem:s25+$0xFFFFFE30] =	vst v8  }
0x5c7: {  	[tilespmem:s25+$0xFFFFFEB0] =	vst v9  }
0x5c8: {  	[tilespmem:s25+$0xFFFFFEC0] =	vst v10  }
0x5c9: {  	[tilespmem:s25+$0xFFFFFF40] =	vst v13  }
0x5ca: {  	[tilespmem:s25+$0xFFFFFF50] =	vst v11  }
0x5cb: {  	[tilespmem:s25+$0xFFFFFFD0] =	vst v14  }
0x5cc: {  	[tilespmem:s25+$0xFFFFFFE0] =	vst v12  }
0x5cd: {  	[tilespmem:s25+$0x60] =	vst v16  }
0x5ce: {  	[tilespmem:s25+$0x70] =	vst v15  }
0x5cf: {  	[tilespmem:s25+$0xF0] =	vst v19  }
0x5d0: {  	[tilespmem:s25+$0x100] =	vst v18  }
0x5d1: {  	[tilespmem:s25+$0x180] =	vst v21  }
0x5d2: {  	[tilespmem:s25+$0x190] =	vst v17  }
0x5d3: {  	v33 =	vunpack.i.l.bf16.f32 v31;
	[tilespmem:s1+$0x210] =	vst v20  }
0x5d4: {  	v34 =	vunpack.i.u.bf16.f32 v31;
	v22 =	vmul.f32 v33, v4;
	[tilespmem:s29+$0xFFFFFF20] =	vst v30;
	v40 =	vld [tilespmem:s28+$0xA0]  }
0x5d5: {  	v23 =	vmul.f32 v34, v4;
	[tilespmem:s29+$0xFFFFFF30] =	vst v24;
	v35 =	vunpack.i.l.bf16.f32 v28  }
0x5d6: {  	v41 =	vld [tilespmem:s28+$0xFFFFFF30];
	v36 =	vunpack.i.u.bf16.f32 v28;
	v25 =	vmul.f32 v35, v2;
	[tilespmem:s29+$0xFFFFFFB0] =	vst v22  }
0x5d7: {  	v37 =	vmul.f32 v36, v2;
	[tilespmem:s29+$0xFFFFFFC0] =	vst v23;
	v38 =	vunpack.i.l.bf16.f32 v27  }
0x5d8: {  	v42 =	vld [tilespmem:s28+$0xFFFFFF70];
	v39 =	vunpack.i.u.bf16.f32 v27;
	v24 =	vmul.f32 v38, v1;
	[tilespmem:s29+$0x40] =	vst v25  }
0x5d9: {  	v23 =	vmul.f32 v39, v1;
	[tilespmem:s29+$0x50] =	vst v37;
	v43 =	vunpack.i.l.bf16.f32 v40  }
0x5da: {  	v44 =	vld [tilespmem:s28+$0xFFFFFFB0];
	v8 =	vunpack.i.u.bf16.f32 v40;
	[tilespmem:s29+$0xD0] =	vst v24;
	v11 =	vmul.f32 v43, v5  }
0x5db: {  	v45 =	vunpack.i.l.bf16.f32 v41;
	[tilespmem:s29+$0xE0] =	vst v23;
	v8 =	vmul.f32 v8, v5  }
0x5dc: {  	v46 =	vld [tilespmem:s28+$0xFFFFFFF0];
	v9 =	vunpack.i.u.bf16.f32 v41;
	v47 =	vmul.f32 v45, v7;
	[tilespmem:s1+$0x160] =	vst v11  }
0x5dd: {  	v48 =	vunpack.i.l.bf16.f32 v42;
	v49 =	vmul.f32 v9, v7;
	[tilespmem:s1+$0x170] =	vst v8  }
0x5de: {  	v50 =	vld [tilespmem:s28+$0x30];
	v10 =	vunpack.i.u.bf16.f32 v42;
	v13 =	vmul.f32 v48, v3;
	[tilespmem:s1+$0xFFFFFE20] =	vst v47  }
0x5df: {  	v3 =	vmul.f32 v10, v3;
	v53 =	vunpack.i.u.bf16.f32 v44;
	[tilespmem:s1+$0xFFFFFE30] =	vst v49  }
0x5e0: {  	v51 =	vunpack.i.l.bf16.f32 v44;
	v52 =	vld [tilespmem:s28+$0x70];
	v55 =	vmul.f32 v53, v6;
	[tilespmem:s1+$0xFFFFFEB0] =	vst v13  }
0x5e1: {  	v8 =	vmul.f32 v51, v6;
	v54 =	vunpack.i.l.bf16.f32 v46;
	[tilespmem:s1+$0xFFFFFEC0] =	vst v3  }
0x5e2: {  	v3 =	vunpack.i.u.bf16.f32 v46;
	v56 =	vld [tilespmem:s7+$0xB0];
	v57 =	vmul.f32 v54, v4;
	[tilespmem:s1+$0xFFFFFF50] =	vst v55  }
0x5e3: {  	v3 =	vmul.f32 v3, v4;
	[tilespmem:s1+$0xFFFFFF40] =	vst v8;
	v58 =	vunpack.i.l.bf16.f32 v50  }
0x5e4: {  	v59 =	vunpack.i.u.bf16.f32 v50;
	v60 =	vmul.f32 v58, v2;
	[tilespmem:s1+$0xFFFFFFD0] =	vst v57  }
0x5e5: {  	v2 =	vmul.f32 v59, v2;
	[tilespmem:s1+$0xFFFFFFE0] =	vst v3;
	v61 =	vunpack.i.l.bf16.f32 v52  }
0x5e6: {  	s23 =	sadd.s32 $0x1, s23;
	v3 =	vunpack.i.u.bf16.f32 v52;
	v62 =	vmul.f32 v61, v1;
	[tilespmem:s1+$0x60] =	vst v60  }
0x5e7: {  	p0 =	sne.s32 s23, $0x3E;
	s28 =	smul.u32 $0xA0, s24;
	v1 =	vmul.f32 v3, v1;
	[tilespmem:s1+$0x70] =	vst v2;
	v63 =	vunpack.i.l.bf16.f32 v56  }
.Ltmp7:
0x5e8: {  	v2 =	vunpack.i.u.bf16.f32 v56;
	v3 =	vmul.f32 v63, v5;
	[tilespmem:s1+$0xF0] =	vst v62;
	(pc) =	sbr.rel @p0 .LBB2_12-.Ltmp7, $4  }
0x5e9: {  	v2 =	vmul.f32 v2, v5;
	[tilespmem:s1+$0x100] =	vst v1  }
0x5ea: {  	s7 =	sshra.s32 s28, $0x2;
	[tilespmem:s1+$0x180] =	vst v3  }
0x5eb: {  	s29 =	sadd.s32 $0x1388, s7;
	[tilespmem:s1+$0x190] =	vst v2  }
0x5ec: {  	[spmem:s3] =	stream.indirect.scatter.add.f32 [tilespmem:s20], [sflag:$0x8], $0x90, s29, s0, $0xb8;
	[tilespmem:$0x1DA10] =	vst v63  }
0x5ed: {  	_ =	swait.ge [sflag:s14], $0xA00  }
0x5ee: {  	[sflag:s14] =	ssyncset.done $0x0  }
0x5ef: {  	[sflag:s14] =	ssyncadd.s32 $0xFFFFF600  }
0x5f0: {  	_ =	swait.ge [sflag:s15], $0x280  }
0x5f1: {  	[sflag:s15] =	ssyncset.done $0x0  }
0x5f2: {  	[sflag:s15] =	ssyncadd.s32 $0xFFFFFD80  }
0x5f3: {  	_ =	swait.ge [sflag:s16], $0x280  }
0x5f4: {  	[sflag:s16] =	ssyncset.done $0x0  }
0x5f5: {  	s28 =	simm.s32 $0x7;
	[sflag:s16] =	ssyncadd.s32 $0xFFFFFD80  }
0x5f6: {  	_ =	swait.ge [sflag:s28], $0x1680  }
0x5f7: {  	[sflag:s28] =	ssyncset.done $0x0  }
0x5f8: {  	s1 =	simm.s32 $0x2750;
	[sflag:s28] =	ssyncadd.s32 $0xFFFFE980  }
0x5f9: {  	s7 =	simm.s32 $0x2C50;
	v1 =	vld [tilespmem:s1+$0x30]  }
0x5fa: {  	v2 =	vld [tilespmem:s7+$0x30]  }
0x5fb: {  	v4 =	vld [tilespmem:s1+$0xFFFFFFD0]  }
0x5fc: {  	v5 =	vld [tilespmem:s7+$0xFFFFFFD0]  }
0x5fd: {  	v6 =	vld [tilespmem:s1+$0xFFFFFFE0]  }
0x5fe: {  	v7 =	vld [tilespmem:s7+$0xFFFFFFE0]  }
0x5ff: {  	v8 =	vld [tilespmem:s7+$0xFFFFFFF0];
	v1 =	vadd.f32 v2, v1  }
0x600: {  	v10 =	vld [tilespmem:s1+$0x0]  }
0x601: {  	v11 =	vld [tilespmem:s7+$0x0];
	v9 =	vmul.f32 $2.000000030e-01, v1  }
0x602: {  	v2 =	vld [tilespmem:s1+$0xFFFFFFF0];
	v4 =	vadd.f32 v5, v4;
	vm0 =	vge.f32 v1, $0.0e+00  }
0x603: {  	v3 =	vld [tilespmem:s7+$0xFFFFFFC0];
	v1 =	vsel vm0, v1, v9  }
0x604: {  	v5 =	vld [tilespmem:s1+$0x10];
	v12 =	vmul.f32 $2.000000030e-01, v4;
	v1 =	vmul.f32 $1.442695020e+00, v1  }
0x605: {  	vm14 =	vge.f32 v4, $0.0e+00;
	v9 =	vld [tilespmem:s7+$0x10]  }
0x606: {  	v6 =	vadd.f32 v7, v6;
	v4 =	vsel vm14, v4, v12;
	v12 =	vld [tilespmem:s1+$0xFFFFFFC0];
	(erf) = vpow2.f32 v1  }
0x607: {  	v7 =	vld [tilespmem:s1+$0x20];
	v10 =	vadd.f32 v11, v10;
	v4 =	vmul.f32 $1.442695020e+00, v4;
	v1 =	vadd.f32 v8, v2  }
0x608: {  	vm15 =	vge.f32 v6, $0.0e+00;
	v2 =	vld [tilespmem:s7+$0x20];
	v8 =	vmul.f32 $2.000000030e-01, v6  }
0x609: {  	vm4 =	vge.f32 v10, $0.0e+00;
	(erf) = vpow2.f32 v4;
	vm1 =	vge.f32 v1, $0.0e+00  }
0x60a: {  	v11 =	vmul.f32 $2.000000030e-01, v1;
	v6 =	vsel vm15, v6, v8;
	v5 =	vadd.f32 v9, v5  }
0x60b: {  	v8 =	vmul.f32 $2.000000030e-01, v10;
	v3 =	vadd.f32 v3, v12;
	v6 =	vmul.f32 $1.442695020e+00, v6  }
0x60c: {  	v1 =	vsel vm1, v1, v11;
	v4 =	vmul.f32 $2.000000030e-01, v5;
	vm5 =	vge.f32 v5, $0.0e+00  }
0x60d: {  	v8 =	vsel vm4, v10, v8;
	v9 =	vmul.f32 $2.000000030e-01, v3;
	v2 =	vadd.f32 v2, v7  }
0x60e: {  	vm6 =	vge.f32 v3, $0.0e+00;
	v7 =	vmul.f32 $1.442695020e+00, v1;
	v8 =	vmul.f32 $1.442695020e+00, v8  }
0x60f: {  	s23 =	simm.s32 $0x4750;
	v4 =	vsel vm5, v5, v4;
	v5 =	vmul.f32 $2.000000030e-01, v2;
	v1 =	vpop (erf);
	(erf) = vpow2.f32 v6  }
0x610: {  	s22 =	simm.s32 $0x3210;
	v3 =	vsel vm6, v3, v9;
	v4 =	vmul.f32 $1.442695020e+00, v4;
	[tilespmem:s23+$0x230] =	vst v1;
	(erf) = vpow2.f32 v7  }
0x611: {  	v3 =	vmul.f32 $1.442695020e+00, v3;
	v6 =	vld [tilespmem:s22+$0xC0];
	(erf) = vpow2.f32 v8  }
0x612: {  	vm7 =	vge.f32 v2, $0.0e+00;
	(erf) = vpow2.f32 v4  }
0x613: {  	v2 =	vsel vm7, v2, v5;
	(erf) = vpow2.f32 v3  }
0x614: {  	v2 =	vmul.f32 $1.442695020e+00, v2;
	_ =	sdelay $0x1  }
0x615: {  	v10 =	vpop (erf);
	(erf) = vpow2.f32 v2;
	v3 =	vunpack.i.l.bf16.f32 v6  }
0x616: {  	v2 =	vunpack.i.u.bf16.f32 v6;
	v3 =	vmul.f32 v1, v3  }
0x617: {  	[tilespmem:s23+$0xFFFFFED0] =	vst v10;
	v2 =	vmul.f32 v1, v2;
	v11 =	vpop (erf)  }
0x618: {  	[tilespmem:s23+$0x1B0] =	vst v3;
	v3 =	vld [tilespmem:s22+$0xFFFFFF40];
	v12 =	vpop (erf)  }
0x619: {  	[tilespmem:s23+$0x1C0] =	vst v2;
	v15 =	vpop (erf)  }
0x61a: {  	[tilespmem:s23+$0xFFFFFF60] =	vst v11;
	v2 =	vld [tilespmem:s22+$0xD0];
	v18 =	vpop (erf)  }
0x61b: {  	[tilespmem:s23+$0xFFFFFFF0] =	vst v12;
	v8 =	vpop (erf)  }
0x61c: {  	v4 =	vld [tilespmem:s22+$0xFFFFFF80];
	[tilespmem:s23+$0xFFFFFE40] =	vst v8  }
0x61d: {  	[tilespmem:s23+$0x80] =	vst v15;
	v5 =	vunpack.i.l.bf16.f32 v3;
	v6 =	vld [tilespmem:s22+$0xFFFFFF00]  }
0x61e: {  	[tilespmem:s23+$0x110] =	vst v18;
	v17 =	vpop (erf);
	v3 =	vunpack.i.u.bf16.f32 v3;
	v5 =	vmul.f32 v10, v5  }
0x61f: {  	v9 =	vld [tilespmem:s22+$0xFFFFFFC0];
	[tilespmem:s23+$0x1A0] =	vst v17;
	v7 =	vunpack.i.l.bf16.f32 v2;
	v3 =	vmul.f32 v10, v3  }
0x620: {  	v2 =	vunpack.i.u.bf16.f32 v2;
	v7 =	vmul.f32 v7, v1;
	[tilespmem:s23+$0xFFFFFE50] =	vst v5  }
0x621: {  	v2 =	vmul.f32 v2, v1;
	v5 =	vunpack.i.l.bf16.f32 v4;
	[tilespmem:s23+$0xFFFFFE60] =	vst v3  }
0x622: {  	s29 =	simm.s32 $0x27D0;
	[tilespmem:s23+$0x1D0] =	vst v7;
	v7 =	vld [tilespmem:s22+$0x0];
	v5 =	vmul.f32 v11, v5;
	v13 =	vunpack.i.l.bf16.f32 v6  }
0x623: {  	v16 =	vld [tilespmem:s29+$0x30];
	[tilespmem:s23+$0x1E0] =	vst v2;
	v2 =	vunpack.i.u.bf16.f32 v6;
	v3 =	vmul.f32 v8, v13  }
0x624: {  	s24 =	simm.s32 $0x2CD0;
	v6 =	vld [tilespmem:s22+$0xE0];
	v2 =	vmul.f32 v8, v2;
	[tilespmem:s23+$0xFFFFFEE0] =	vst v5;
	v5 =	vunpack.i.l.bf16.f32 v9  }
0x625: {  	v20 =	vld [tilespmem:s24+$0x30];
	v4 =	vunpack.i.u.bf16.f32 v4;
	v5 =	vmul.f32 v12, v5;
	[tilespmem:s23+$0xFFFFFDC0] =	vst v3  }
0x626: {  	v9 =	vunpack.i.u.bf16.f32 v9;
	v3 =	vmul.f32 v11, v4;
	v4 =	vld [tilespmem:s22+$0x40];
	[tilespmem:s23+$0xFFFFFDD0] =	vst v2  }
0x627: {  	v23 =	vld [tilespmem:s29+$0xFFFFFFD0];
	v9 =	vmul.f32 v12, v9;
	v2 =	vunpack.i.l.bf16.f32 v7;
	[tilespmem:s23+$0xFFFFFF70] =	vst v5  }
0x628: {  	v7 =	vunpack.i.u.bf16.f32 v7;
	[tilespmem:s23+$0xFFFFFEF0] =	vst v3;
	v3 =	vld [tilespmem:s22+$0x80];
	v2 =	vmul.f32 v15, v2  }
0x629: {  	v26 =	vld [tilespmem:s29+$0xFFFFFFE0];
	[tilespmem:s23+$0xFFFFFF80] =	vst v9;
	v5 =	vunpack.i.l.bf16.f32 v6;
	v7 =	vmul.f32 v15, v7  }
0x62a: {  	v9 =	vld [tilespmem:s22+$0xFFFFFF10];
	v6 =	vunpack.i.u.bf16.f32 v6;
	v5 =	vmul.f32 v5, v1;
	[tilespmem:s23+$0x0] =	vst v2  }
0x62b: {  	v28 =	vld [tilespmem:s24+$0xFFFFFFE0];
	v16 =	vadd.f32 v20, v16;
	v2 =	vmul.f32 v6, v1;
	[tilespmem:s23+$0x10] =	vst v7;
	v6 =	vunpack.i.l.bf16.f32 v4  }
0x62c: {  	[tilespmem:s23+$0x1F0] =	vst v5;
	v5 =	vld [tilespmem:s22+$0xFFFFFF50];
	v4 =	vunpack.i.u.bf16.f32 v4;
	v6 =	vmul.f32 v18, v6  }
0x62d: {  	v25 =	vld [tilespmem:s24+$0xFFFFFFD0];
	v31 =	vmul.f32 $2.000000030e-01, v16;
	[tilespmem:s23+$0x200] =	vst v2;
	v4 =	vmul.f32 v18, v4;
	v2 =	vunpack.i.l.bf16.f32 v3  }
0x62e: {  	vm8 =	vge.f32 v16, $0.0e+00;
	v7 =	vld [tilespmem:s22+$0xFFFFFF90];
	v3 =	vunpack.i.u.bf16.f32 v3;
	v2 =	vmul.f32 v17, v2;
	[tilespmem:s23+$0x90] =	vst v6  }
0x62f: {  	v16 =	vsel vm8, v16, v31;
	v3 =	vmul.f32 v17, v3;
	v6 =	vunpack.i.l.bf16.f32 v9;
	[tilespmem:s23+$0xA0] =	vst v4;
	v4 =	vld [tilespmem:s22+$0xFFFFFFD0]  }
0x630: {  	v16 =	vmul.f32 $1.442695020e+00, v16;
	v9 =	vunpack.i.u.bf16.f32 v9;
	v6 =	vmul.f32 v6, v8;
	[tilespmem:s23+$0x120] =	vst v2  }
0x631: {  	v26 =	vadd.f32 v28, v26;
	v28 =	vld [tilespmem:s29+$0x20];
	v9 =	vmul.f32 v9, v8;
	v2 =	vunpack.i.l.bf16.f32 v5;
	[tilespmem:s23+$0x130] =	vst v3  }
0x632: {  	(erf) = vpow2.f32 v16;
	v16 =	vld [tilespmem:s24+$0x20];
	v3 =	vunpack.i.u.bf16.f32 v5;
	v2 =	vmul.f32 v2, v10;
	[tilespmem:s23+$0xFFFFFDE0] =	vst v6  }
0x633: {  	v5 =	vld [tilespmem:s22+$0x10];
	v3 =	vmul.f32 v3, v10;
	v6 =	vunpack.i.l.bf16.f32 v7;
	[tilespmem:s23+$0xFFFFFDF0] =	vst v9;
	v7 =	vunpack.i.u.bf16.f32 v7  }
0x634: {  	v23 =	vadd.f32 v25, v23;
	v9 =	vld [tilespmem:s22+$0x50];
	v7 =	vmul.f32 v7, v11;
	[tilespmem:s23+$0xFFFFFE70] =	vst v2;
	v2 =	vunpack.i.l.bf16.f32 v4  }
0x635: {  	v6 =	vmul.f32 v6, v11;
	[tilespmem:s23+$0xFFFFFE80] =	vst v3;
	v3 =	vunpack.i.u.bf16.f32 v4;
	v4 =	vmul.f32 v2, v12;
	v2 =	vld [tilespmem:s22+$0xF0]  }
0x636: {  	[tilespmem:s23+$0xFFFFFF10] =	vst v7;
	v7 =	vld [tilespmem:s22+$0x90]  }
0x637: {  	v29 =	vld [tilespmem:s29+$0xFFFFFFF0];
	vm9 =	vge.f32 v23, $0.0e+00;
	vm10 =	vge.f32 v26, $0.0e+00;
	[tilespmem:s23+$0xFFFFFF00] =	vst v6  }
0x638: {  	v16 =	vadd.f32 v16, v28;
	v3 =	vmul.f32 v3, v12;
	v6 =	vunpack.i.l.bf16.f32 v5;
	[tilespmem:s23+$0xFFFFFF90] =	vst v4;
	v4 =	vld [tilespmem:s22+$0xFFFFFF20]  }
0x639: {  	v30 =	vld [tilespmem:s24+$0xFFFFFFF0];
	v5 =	vunpack.i.u.bf16.f32 v5;
	v6 =	vmul.f32 v6, v15;
	v13 =	vunpack.i.l.bf16.f32 v9  }
0x63a: {  	v5 =	vmul.f32 v5, v15;
	[tilespmem:s23+$0xFFFFFFA0] =	vst v3;
	v3 =	vunpack.i.u.bf16.f32 v9;
	v9 =	vmul.f32 v13, v18;
	v13 =	vld [tilespmem:s22+$0xFFFFFF60]  }
0x63b: {  	v33 =	vld [tilespmem:s29+$0x0];
	v3 =	vmul.f32 v3, v18;
	[tilespmem:s23+$0x20] =	vst v6;
	v14 =	vunpack.i.u.bf16.f32 v2;
	v19 =	vunpack.i.l.bf16.f32 v7  }
0x63c: {  	v6 =	vld [tilespmem:s22+$0xFFFFFFA0];
	[tilespmem:s23+$0x30] =	vst v5;
	v7 =	vunpack.i.u.bf16.f32 v7;
	v2 =	vunpack.i.l.bf16.f32 v2;
	v14 =	vmul.f32 v14, v1  }
0x63d: {  	v5 =	vld [tilespmem:s22+$0xFFFFFFE0];
	[tilespmem:s23+$0xB0] =	vst v9;
	v19 =	vmul.f32 v19, v17;
	v7 =	vmul.f32 v7, v17;
	v21 =	vunpack.i.l.bf16.f32 v4  }
0x63e: {  	v34 =	vld [tilespmem:s24+$0x0];
	[tilespmem:s23+$0xC0] =	vst v3;
	v1 =	vmul.f32 v2, v1;
	v4 =	vunpack.i.u.bf16.f32 v4;
	v21 =	vmul.f32 v21, v8  }
0x63f: {  	v3 =	vld [tilespmem:s22+$0x60];
	v4 =	vmul.f32 v4, v8;
	v24 =	vunpack.i.u.bf16.f32 v13;
	v13 =	vunpack.i.l.bf16.f32 v13;
	[tilespmem:s23+$0x140] =	vst v19  }
0x640: {  	v19 =	vmul.f32 $2.000000030e-01, v23;
	[tilespmem:s23+$0x150] =	vst v7;
	v7 =	vadd.f32 v30, v29;
	v13 =	vmul.f32 v13, v10  }
0x641: {  	v24 =	vmul.f32 v24, v10;
	v27 =	vunpack.i.u.bf16.f32 v6;
	v6 =	vunpack.i.l.bf16.f32 v6  }
0x642: {  	v22 =	vld [tilespmem:s24+$0xFFFFFFC0];
	v6 =	vmul.f32 v6, v11;
	v20 =	vmul.f32 v27, v11;
	v27 =	vunpack.i.l.bf16.f32 v5  }
0x643: {  	v25 =	vld [tilespmem:s29+$0x10];
	v5 =	vunpack.i.u.bf16.f32 v5;
	[tilespmem:s23+$0xFFFFFE00] =	vst v21;
	v21 =	vmul.f32 $2.000000030e-01, v26;
	v19 =	vsel vm9, v23, v19  }
0x644: {  	v23 =	vld [tilespmem:s29+$0xFFFFFFC0];
	[tilespmem:s23+$0xFFFFFE10] =	vst v4;
	v4 =	vadd.f32 v34, v33;
	v5 =	vmul.f32 v5, v12;
	v31 =	vunpack.i.l.bf16.f32 v3  }
0x645: {  	[tilespmem:s23+$0x220] =	vst v14;
	v3 =	vunpack.i.u.bf16.f32 v3;
	v19 =	vmul.f32 $1.442695020e+00, v19;
	v14 =	vmul.f32 v31, v18;
	v31 =	vld [tilespmem:s24+$0x10]  }
0x646: {  	vm11 =	vge.f32 v7, $0.0e+00;
	[tilespmem:s23+$0xFFFFFE90] =	vst v13;
	v13 =	vmul.f32 $2.000000030e-01, v7;
	v3 =	vmul.f32 v3, v18  }
0x647: {  	[tilespmem:s23+$0xFFFFFEA0] =	vst v24;
	v21 =	vsel vm10, v26, v21;
	vm12 =	vge.f32 v4, $0.0e+00;
	v24 =	vmul.f32 $2.000000030e-01, v4  }
0x648: {  	[tilespmem:s23+$0xFFFFFF20] =	vst v6;
	(erf) = vpow2.f32 v19;
	v6 =	vmul.f32 $1.442695020e+00, v21;
	v7 =	vsel vm11, v7, v13  }
0x649: {  	v21 =	vld [tilespmem:s22+$0xA0];
	[tilespmem:s23+$0xFFFFFFC0] =	vst v5;
	v5 =	vmul.f32 $2.000000030e-01, v16;
	v7 =	vmul.f32 $1.442695020e+00, v7;
	v4 =	vsel vm12, v4, v24  }
0x64a: {  	v19 =	vadd.f32 v22, v23;
	(erf) = vpow2.f32 v6;
	v25 =	vadd.f32 v31, v25  }
0x64b: {  	vm14 =	vge.f32 v16, $0.0e+00;
	v4 =	vmul.f32 $1.442695020e+00, v4;
	(erf) = vpow2.f32 v7  }
0x64c: {  	v9 =	vld [tilespmem:s22+$0x20];
	v5 =	vsel vm14, v16, v5;
	v22 =	vmul.f32 $2.000000030e-01, v19;
	v13 =	vmul.f32 $2.000000030e-01, v25  }
0x64d: {  	s26 =	simm.s32 $0x4BD0;
	[tilespmem:s23+$0xFFFFFF30] =	vst v20;
	v20 =	vpop (erf);
	vm15 =	vge.f32 v19, $0.0e+00;
	(erf) = vpow2.f32 v4;
	vm13 =	vge.f32 v25, $0.0e+00  }
0x64e: {  	s25 =	simm.s32 $0x3410;
	[tilespmem:s26+$0x230] =	vst v20;
	v4 =	vmul.f32 $1.442695020e+00, v5;
	v5 =	vunpack.i.l.bf16.f32 v21;
	v13 =	vsel vm13, v25, v13  }
0x64f: {  	[tilespmem:s23+$0x210] =	vst v1;
	v5 =	vmul.f32 v5, v17;
	v6 =	vmul.f32 $1.442695020e+00, v13;
	v13 =	vsel vm15, v19, v22;
	v19 =	vld [tilespmem:s25+$0xC0]  }
0x650: {  	[tilespmem:s23+$0xE0] =	vst v3  }
0x651: {  	v32 =	vunpack.i.l.bf16.f32 v9;
	v27 =	vmul.f32 v27, v12;
	[tilespmem:s23+$0x160] =	vst v5;
	v3 =	vpop (erf)  }
0x652: {  	v9 =	vunpack.i.u.bf16.f32 v9;
	v32 =	vmul.f32 v32, v15;
	v5 =	vld [tilespmem:s22+$0xFFFFFF70];
	v7 =	vmul.f32 $1.442695020e+00, v13;
	[tilespmem:s26+$0xFFFFFED0] =	vst v3  }
0x653: {  	v9 =	vmul.f32 v9, v15;
	[tilespmem:s23+$0xFFFFFFB0] =	vst v27;
	(erf) = vpow2.f32 v6;
	v6 =	vunpack.i.u.bf16.f32 v21;
	v13 =	vld [tilespmem:s25+$0xFFFFFF40]  }
0x654: {  	[tilespmem:s23+$0x40] =	vst v32;
	(erf) = vpow2.f32 v7;
	v6 =	vmul.f32 v6, v17;
	v2 =	vunpack.i.l.bf16.f32 v19  }
0x655: {  	[tilespmem:s23+$0x50] =	vst v9;
	v9 =	vld [tilespmem:s22+$0xFFFFFFB0];
	(erf) = vpow2.f32 v4;
	v4 =	vunpack.i.u.bf16.f32 v19;
	v2 =	vmul.f32 v20, v2  }
0x656: {  	[tilespmem:s23+$0xD0] =	vst v14;
	v4 =	vmul.f32 v20, v4  }
0x657: {  	[tilespmem:s26+$0x1B0] =	vst v2  }
0x658: {  	v7 =	vld [tilespmem:s22+$0xFFFFFF30];
	v24 =	vunpack.i.u.bf16.f32 v5;
	v25 =	vunpack.i.l.bf16.f32 v5;
	v5 =	vunpack.i.l.bf16.f32 v13;
	[tilespmem:s26+$0x1C0] =	vst v4  }
0x659: {  	[tilespmem:s23+$0x170] =	vst v6;
	v6 =	vpop (erf);
	v13 =	vunpack.i.u.bf16.f32 v13;
	v28 =	vmul.f32 v3, v5;
	v16 =	vld [tilespmem:s25+$0xD0]  }
0x65a: {  	v27 =	vunpack.i.u.bf16.f32 v9;
	v30 =	vunpack.i.l.bf16.f32 v9;
	[tilespmem:s26+$0xFFFFFF60] =	vst v6;
	v9 =	vmul.f32 v3, v13  }
0x65b: {  	v19 =	vld [tilespmem:s22+$0x30];
	v4 =	vpop (erf);
	[tilespmem:s26+$0xFFFFFE50] =	vst v28  }
0x65c: {  	v26 =	vld [tilespmem:s25+$0xFFFFFF80];
	[tilespmem:s26+$0xFFFFFE60] =	vst v9;
	v2 =	vpop (erf)  }
0x65d: {  	[tilespmem:s26+$0xFFFFFFF0] =	vst v4;
	v1 =	vpop (erf)  }
0x65e: {  	v21 =	vld [tilespmem:s22+$0x70];
	v22 =	vunpack.i.u.bf16.f32 v7;
	v23 =	vunpack.i.l.bf16.f32 v7;
	[tilespmem:s26+$0x80] =	vst v2;
	v7 =	vpop (erf);
	v13 =	vunpack.i.l.bf16.f32 v16  }
0x65f: {  	v57 =	vld [tilespmem:s25+$0xFFFFFFC0];
	[tilespmem:s26+$0xFFFFFE40] =	vst v7;
	v16 =	vunpack.i.u.bf16.f32 v16;
	v13 =	vmul.f32 v13, v20  }
0x660: {  	v28 =	vunpack.i.u.bf16.f32 v19;
	[tilespmem:s26+$0x110] =	vst v1;
	v29 =	vld [tilespmem:s25+$0xFFFFFF00];
	v9 =	vmul.f32 v16, v20  }
0x661: {  	v16 =	vunpack.i.l.bf16.f32 v19;
	v19 =	vmul.f32 v23, v8;
	v23 =	vunpack.i.l.bf16.f32 v26;
	[tilespmem:s26+$0x1D0] =	vst v13  }
0x662: {  	v23 =	vmul.f32 v6, v23;
	[tilespmem:s26+$0x1E0] =	vst v9  }
0x663: {  	v58 =	vunpack.i.u.bf16.f32 v21;
	v59 =	vld [tilespmem:s25+$0x0];
	[tilespmem:s23+$0xFFFFFE20] =	vst v19;
	v19 =	vunpack.i.l.bf16.f32 v21;
	v21 =	vunpack.i.u.bf16.f32 v26  }
0x664: {  	v5 =	vpop (erf);
	v8 =	vmul.f32 v22, v8;
	v22 =	vld [tilespmem:s25+$0xE0];
	[tilespmem:s26+$0xFFFFFEE0] =	vst v23;
	v23 =	vunpack.i.l.bf16.f32 v57;
	v21 =	vmul.f32 v6, v21  }
0x665: {  	[tilespmem:s26+$0x1A0] =	vst v5;
	v23 =	vmul.f32 v4, v23;
	v13 =	vunpack.i.l.bf16.f32 v29;
	v9 =	vunpack.i.u.bf16.f32 v29  }
0x666: {  	v14 =	vld [tilespmem:s22+$0xFFFFFFF0];
	[tilespmem:s26+$0xFFFFFEF0] =	vst v21;
	v13 =	vmul.f32 v7, v13;
	v26 =	vmul.f32 v7, v9  }
0x667: {  	v9 =	vmul.f32 v25, v10;
	v10 =	vmul.f32 v24, v10;
	v24 =	vld [tilespmem:s25+$0x40];
	v25 =	vunpack.i.u.bf16.f32 v57;
	[tilespmem:s26+$0xFFFFFF70] =	vst v23  }
0x668: {  	v25 =	vmul.f32 v4, v25;
	[tilespmem:s26+$0xFFFFFDD0] =	vst v26;
	v26 =	vunpack.i.l.bf16.f32 v59  }
0x669: {  	v21 =	vld [tilespmem:s25+$0x80];
	[tilespmem:s26+$0xFFFFFDC0] =	vst v13;
	v23 =	vunpack.i.l.bf16.f32 v22;
	v26 =	vmul.f32 v2, v26  }
0x66a: {  	v13 =	vmul.f32 v30, v11;
	v22 =	vunpack.i.u.bf16.f32 v22;
	[tilespmem:s26+$0xFFFFFF80] =	vst v25;
	v23 =	vmul.f32 v23, v20  }
0x66b: {  	v11 =	vmul.f32 v27, v11;
	v27 =	vld [tilespmem:s25+$0xFFFFFF50];
	v25 =	vunpack.i.u.bf16.f32 v59;
	v22 =	vmul.f32 v22, v20;
	[tilespmem:s26+$0x0] =	vst v26  }
0x66c: {  	v31 =	vunpack.i.u.bf16.f32 v14;
	v25 =	vmul.f32 v2, v25;
	v30 =	vunpack.i.l.bf16.f32 v24;
	[tilespmem:s26+$0x1F0] =	vst v23  }
0x66d: {  	v16 =	vmul.f32 v16, v15;
	v29 =	vld [tilespmem:s25+$0xFFFFFF10];
	v23 =	vunpack.i.u.bf16.f32 v24;
	[tilespmem:s26+$0x200] =	vst v22;
	v24 =	vmul.f32 v1, v30  }
0x66e: {  	v22 =	vunpack.i.u.bf16.f32 v21;
	v21 =	vunpack.i.l.bf16.f32 v21;
	v23 =	vmul.f32 v1, v23;
	[tilespmem:s26+$0x10] =	vst v25  }
0x66f: {  	v14 =	vunpack.i.l.bf16.f32 v14;
	v15 =	vmul.f32 v28, v15;
	v28 =	vld [tilespmem:s25+$0xFFFFFF90];
	v21 =	vmul.f32 v5, v21;
	[tilespmem:s26+$0x90] =	vst v24  }
0x670: {  	v22 =	vmul.f32 v5, v22;
	v30 =	vunpack.i.u.bf16.f32 v27;
	v27 =	vunpack.i.l.bf16.f32 v27;
	[tilespmem:s26+$0xA0] =	vst v23  }
0x671: {  	v14 =	vmul.f32 v14, v12;
	v26 =	vld [tilespmem:s22+$0xB0];
	v24 =	vmul.f32 v27, v3;
	[tilespmem:s26+$0x120] =	vst v21  }
0x672: {  	v12 =	vmul.f32 v31, v12;
	v25 =	vld [tilespmem:s25+$0xF0];
	v31 =	vunpack.i.l.bf16.f32 v29;
	v23 =	vmul.f32 v30, v3;
	[tilespmem:s26+$0x130] =	vst v22  }
0x673: {  	v27 =	vld [tilespmem:s25+$0xFFFFFFD0];
	v29 =	vunpack.i.u.bf16.f32 v29;
	v30 =	vmul.f32 v31, v7;
	[tilespmem:s26+$0xFFFFFE70] =	vst v24  }
0x674: {  	v22 =	vunpack.i.l.bf16.f32 v28;
	v21 =	vmul.f32 v29, v7;
	[tilespmem:s26+$0xFFFFFE80] =	vst v23  }
0x675: {  	v19 =	vmul.f32 v19, v18;
	v28 =	vunpack.i.u.bf16.f32 v28;
	v22 =	vmul.f32 v22, v6;
	[tilespmem:s26+$0xFFFFFDE0] =	vst v30  }
0x676: {  	v18 =	vmul.f32 v58, v18;
	v29 =	vld [tilespmem:s25+$0x10];
	v28 =	vmul.f32 v28, v6;
	[tilespmem:s26+$0xFFFFFDF0] =	vst v21  }
0x677: {  	v60 =	vld [tilespmem:s25+$0x50];
	v31 =	vunpack.i.u.bf16.f32 v26;
	v30 =	vunpack.i.u.bf16.f32 v25;
	v23 =	vunpack.i.l.bf16.f32 v25;
	[tilespmem:s26+$0xFFFFFF00] =	vst v22  }
0x678: {  	v61 =	vld [tilespmem:s25+$0xFFFFFF60];
	[tilespmem:s26+$0xFFFFFF10] =	vst v28;
	v21 =	vmul.f32 v30, v20;
	v30 =	vunpack.i.u.bf16.f32 v27;
	v27 =	vunpack.i.l.bf16.f32 v27  }
0x679: {  	v24 =	vunpack.i.l.bf16.f32 v26;
	v20 =	vmul.f32 v23, v20;
	v62 =	vld [tilespmem:s25+$0xFFFFFFA0];
	v26 =	vmul.f32 v27, v4  }
0x67a: {  	v27 =	vmul.f32 v30, v4;
	v30 =	vld [tilespmem:s25+$0x90];
	[tilespmem:s26+$0x220] =	vst v21;
	v21 =	vmul.f32 v24, v17  }
0x67b: {  	v17 =	vmul.f32 v31, v17;
	v24 =	vld [tilespmem:s25+$0xFFFFFF20];
	v25 =	vunpack.i.u.bf16.f32 v29;
	v29 =	vunpack.i.l.bf16.f32 v29  }
0x67c: {  	v22 =	vunpack.i.l.bf16.f32 v60;
	v29 =	vmul.f32 v29, v2;
	v31 =	vmul.f32 v25, v2;
	[tilespmem:s26+$0xFFFFFF90] =	vst v26  }
0x67d: {  	v25 =	vunpack.i.u.bf16.f32 v60;
	v28 =	vmul.f32 v22, v1;
	[tilespmem:s26+$0xFFFFFFA0] =	vst v27;
	v26 =	vunpack.i.l.bf16.f32 v61  }
0x67e: {  	v63 =	vmul.f32 v25, v1;
	[tilespmem:s26+$0x20] =	vst v29;
	v29 =	vmul.f32 v26, v3  }
0x67f: {  	[tilespmem:s26+$0x30] =	vst v31;
	v31 =	vld [tilespmem:s25+$0xFFFFFFE0];
	v27 =	vunpack.i.l.bf16.f32 v62;
	v22 =	vunpack.i.u.bf16.f32 v30;
	v23 =	vunpack.i.l.bf16.f32 v30  }
0x680: {  	v35 =	vmul.f32 v23, v5;
	v23 =	vunpack.i.l.bf16.f32 v24;
	v24 =	vunpack.i.u.bf16.f32 v24  }
0x681: {  	[tilespmem:s26+$0xB0] =	vst v28;
	v28 =	vld [tilespmem:s25+$0x20];
	v25 =	vmul.f32 v23, v7;
	v23 =	vmul.f32 v24, v7;
	v24 =	vunpack.i.u.bf16.f32 v61  }
0x682: {  	s21 =	simm.s32 $0x2850;
	[tilespmem:s26+$0xC0] =	vst v63;
	v22 =	vmul.f32 v22, v5;
	v26 =	vmul.f32 v24, v3;
	v24 =	vunpack.i.u.bf16.f32 v62  }
0x683: {  	s1 =	simm.s32 $0x4BD0;
	s7 =	simm.s32 $0x3410;
	s22 =	simm.s32 $0x8;
	v30 =	vmul.f32 v27, v6;
	v27 =	vld [tilespmem:s25+$0x60];
	[tilespmem:s26+$0x140] =	vst v35;
	v24 =	vmul.f32 v24, v6  }
.LBB2_18:
0x684: {  	v32 =	vld [tilespmem:s21+$0x30];
	v33 =	vunpack.i.u.bf16.f32 v31;
	v31 =	vunpack.i.l.bf16.f32 v31;
	[tilespmem:s26+$0x150] =	vst v22;
	s24 =	sadd.s32 $0x80, s24  }
0x685: {  	v22 =	vld [tilespmem:s24+$0x30];
	[tilespmem:s26+$0xFFFFFE00] =	vst v25;
	v25 =	vmul.f32 v31, v4;
	v31 =	vmul.f32 v33, v4  }
0x686: {  	v33 =	vld [tilespmem:s24+$0xFFFFFFC0];
	[tilespmem:s26+$0xFFFFFE10] =	vst v23;
	v23 =	vunpack.i.u.bf16.f32 v28;
	v28 =	vunpack.i.l.bf16.f32 v28  }
0x687: {  	v34 =	vld [tilespmem:s21+$0xFFFFFFD0];
	[tilespmem:s26+$0xFFFFFE90] =	vst v29;
	v28 =	vmul.f32 v28, v2;
	v23 =	vmul.f32 v23, v2  }
0x688: {  	s22 =	sadd.s32 $0x8, s22;
	v29 =	vld [tilespmem:s24+$0xFFFFFFD0];
	[tilespmem:s26+$0xFFFFFEA0] =	vst v26;
	v26 =	vunpack.i.u.bf16.f32 v27;
	v27 =	vunpack.i.l.bf16.f32 v27  }
0x689: {  	p0 =	slt.u32 s22, $0x20;
	v35 =	vld [tilespmem:s21+$0xFFFFFFE0];
	[tilespmem:s26+$0xFFFFFF20] =	vst v30;
	v27 =	vmul.f32 v27, v1;
	v26 =	vmul.f32 v26, v1  }
0x68a: {  	v30 =	vld [tilespmem:s24+$0xFFFFFFE0];
	v22 =	vadd.f32 v22, v32;
	[tilespmem:s26+$0xFFFFFF30] =	vst v24  }
0x68b: {  	v24 =	vld [tilespmem:s21+$0xFFFFFFF0];
	[tilespmem:s26+$0xFFFFFFB0] =	vst v25  }
0x68c: {  	v25 =	vld [tilespmem:s24+$0xFFFFFFF0];
	v32 =	vmul.f32 $2.000000030e-01, v22;
	[tilespmem:s26+$0xFFFFFFC0] =	vst v31  }
0x68d: {  	vm0 =	vge.f32 v22, $0.0e+00;
	v29 =	vadd.f32 v29, v34;
	v31 =	vld [tilespmem:s21+$0x0];
	[tilespmem:s26+$0x40] =	vst v28  }
0x68e: {  	v28 =	vld [tilespmem:s24+$0x0];
	v22 =	vsel vm0, v22, v32;
	[tilespmem:s26+$0x50] =	vst v23  }
0x68f: {  	v23 =	vmul.f32 $2.000000030e-01, v29;
	v30 =	vadd.f32 v30, v35;
	v32 =	vld [tilespmem:s21+$0x10];
	v22 =	vmul.f32 $1.442695020e+00, v22;
	[tilespmem:s26+$0xD0] =	vst v27  }
0x690: {  	vm0 =	vge.f32 v29, $0.0e+00;
	v27 =	vld [tilespmem:s24+$0x10];
	[tilespmem:s26+$0xE0] =	vst v26  }
0x691: {  	v26 =	vmul.f32 $2.000000030e-01, v30;
	v24 =	vadd.f32 v25, v24;
	v25 =	vld [tilespmem:s21+$0x20];
	(erf) = vpow2.f32 v22;
	[tilespmem:s23+$0xFFFFFE30] =	vst v8  }
0x692: {  	v8 =	vsel vm0, v29, v23;
	vm0 =	vge.f32 v30, $0.0e+00;
	v22 =	vld [tilespmem:s24+$0x20];
	[tilespmem:s23+$0xFFFFFEB0] =	vst v9  }
0x693: {  	v9 =	vld [tilespmem:s21+$0xFFFFFFC0];
	vm1 =	vge.f32 v24, $0.0e+00;
	v23 =	vmul.f32 $2.000000030e-01, v24;
	v28 =	vadd.f32 v28, v31;
	[tilespmem:s23+$0xFFFFFEC0] =	vst v10  }
0x694: {  	v8 =	vmul.f32 $1.442695020e+00, v8;
	v10 =	vsel vm0, v30, v26;
	v26 =	vld [tilespmem:s25+$0xA0];
	[tilespmem:s23+$0xFFFFFF40] =	vst v13  }
0x695: {  	vm0 =	vge.f32 v28, $0.0e+00;
	v13 =	vmul.f32 $2.000000030e-01, v28;
	v27 =	vadd.f32 v27, v32;
	v29 =	vld [tilespmem:s25+$0xFFFFFF30];
	[tilespmem:s23+$0xFFFFFF50] =	vst v11  }
0x696: {  	v10 =	vmul.f32 $1.442695020e+00, v10;
	v11 =	vsel vm1, v24, v23;
	(erf) = vpow2.f32 v8;
	v8 =	vld [tilespmem:s25+$0xFFFFFF70];
	[tilespmem:s23+$0xFFFFFFD0] =	vst v14  }
0x697: {  	vm1 =	vge.f32 v27, $0.0e+00;
	v14 =	vmul.f32 $2.000000030e-01, v27;
	v23 =	vadd.f32 v22, v25;
	v24 =	vld [tilespmem:s25+$0xFFFFFFB0];
	[tilespmem:s23+$0xFFFFFFE0] =	vst v12  }
0x698: {  	v11 =	vmul.f32 $1.442695020e+00, v11;
	v12 =	vsel vm0, v28, v13;
	v9 =	vadd.f32 v33, v9;
	v13 =	vld [tilespmem:s25+$0xFFFFFFF0];
	[tilespmem:s23+$0x60] =	vst v16  }
0x699: {  	s26 =	sadd.s32 $0x480, s26;
	v14 =	vsel vm1, v27, v14;
	vm0 =	vge.f32 v23, $0.0e+00;
	v16 =	vmul.f32 $2.000000030e-01, v23;
	v25 =	vld [tilespmem:s25+$0x30];
	[tilespmem:s23+$0x70] =	vst v15  }
0x69a: {  	v12 =	vmul.f32 $1.442695020e+00, v12;
	vm1 =	vge.f32 v9, $0.0e+00;
	v15 =	vmul.f32 $2.000000030e-01, v9;
	v22 =	vpop (erf);
	v27 =	vld [tilespmem:s25+$0x70]  }
0x69b: {  	v14 =	vmul.f32 $1.442695020e+00, v14;
	s25 =	sadd.s32 $0x200, s25;
	v16 =	vsel vm0, v23, v16;
	[tilespmem:s26+$0x230] =	vst v22;
	(erf) = vpow2.f32 v10  }
0x69c: {  	v9 =	vsel vm1, v9, v15;
	v10 =	vmul.f32 $1.442695020e+00, v16;
	v15 =	vld [tilespmem:s25+$0xC0];
	(erf) = vpow2.f32 v11;
	[tilespmem:s23+$0xF0] =	vst v19  }
0x69d: {  	v11 =	vunpack.i.u.bf16.f32 v26;
	v9 =	vmul.f32 $1.442695020e+00, v9;
	(erf) = vpow2.f32 v12;
	[tilespmem:s23+$0x100] =	vst v18  }
0x69e: {  	v12 =	vunpack.i.l.bf16.f32 v26;
	v11 =	vmul.f32 v11, v5;
	(erf) = vpow2.f32 v14;
	[tilespmem:s23+$0x180] =	vst v21  }
0x69f: {  	v12 =	vmul.f32 v12, v5;
	(erf) = vpow2.f32 v9;
	v14 =	vpop (erf);
	v9 =	vunpack.i.u.bf16.f32 v29;
	[tilespmem:s23+$0x190] =	vst v17;
	s23 =	smov.u32 s1;
	s1 =	smov.u32 s26  }
0x6a0: {  	v16 =	vunpack.i.u.bf16.f32 v8;
	[tilespmem:s26+$0xFFFFFED0] =	vst v14;
	(erf) = vpow2.f32 v10;
	v10 =	vunpack.i.l.bf16.f32 v29  }
0x6a1: {  	v19 =	vunpack.i.l.bf16.f32 v8;
	v21 =	vunpack.i.u.bf16.f32 v24;
	v17 =	vld [tilespmem:s25+$0xFFFFFF40];
	v18 =	vunpack.i.l.bf16.f32 v15;
	[tilespmem:s23+$0x160] =	vst v12  }
0x6a2: {  	v8 =	vunpack.i.u.bf16.f32 v15;
	v15 =	vunpack.i.l.bf16.f32 v24;
	v12 =	vmul.f32 v22, v18;
	[tilespmem:s23+$0x170] =	vst v11  }
0x6a3: {  	v23 =	vunpack.i.l.bf16.f32 v13;
	v8 =	vmul.f32 v22, v8;
	v18 =	vunpack.i.u.bf16.f32 v13;
	v11 =	vld [tilespmem:s7+$0xB0];
	[tilespmem:s23+$0x210] =	vst v20;
	s7 =	smov.u32 s25  }
0x6a4: {  	v26 =	vunpack.i.u.bf16.f32 v27;
	v24 =	vunpack.i.u.bf16.f32 v25;
	v25 =	vunpack.i.l.bf16.f32 v25;
	[tilespmem:s26+$0x1B0] =	vst v12;
	v20 =	vpop (erf)  }
0x6a5: {  	v27 =	vunpack.i.l.bf16.f32 v27;
	v29 =	vmul.f32 v10, v7;
	[tilespmem:s26+$0x1C0] =	vst v8;
	v28 =	vpop (erf);
	v8 =	vmul.f32 v9, v7  }
0x6a6: {  	v9 =	vmul.f32 v19, v3;
	v12 =	vunpack.i.u.bf16.f32 v17;
	v10 =	vunpack.i.l.bf16.f32 v17;
	[tilespmem:s26+$0xFFFFFF60] =	vst v20;
	v17 =	vld [tilespmem:s25+$0xD0];
	v30 =	vpop (erf)  }
0x6a7: {  	v19 =	vmul.f32 v14, v10;
	v31 =	vmul.f32 v14, v12;
	v32 =	vld [tilespmem:s25+$0xFFFFFF80];
	[tilespmem:s26+$0xFFFFFFF0] =	vst v28;
	v33 =	vpop (erf)  }
0x6a8: {  	v10 =	vmul.f32 v16, v3;
	v34 =	vld [tilespmem:s25+$0xFFFFFFC0];
	[tilespmem:s26+$0x80] =	vst v30;
	v7 =	vpop (erf);
	v35 =	vunpack.i.u.bf16.f32 v11;
	v36 =	vunpack.i.l.bf16.f32 v11  }
0x6a9: {  	v13 =	vmul.f32 v15, v6;
	v3 =	vmov v14;
	v11 =	vmul.f32 v21, v6;
	[tilespmem:s26+$0xFFFFFE40] =	vst v7;
	v37 =	vld [tilespmem:s25+$0x0];
	v38 =	vpop (erf)  }
0x6aa: {  	v14 =	vmul.f32 v23, v4;
	v12 =	vmul.f32 v18, v4;
	v4 =	vmovc v28;
	v6 =	vmov v20;
	v21 =	vld [tilespmem:s25+$0xFFFFFF00];
	[tilespmem:s26+$0x110] =	vst v33  }
0x6ab: {  	v15 =	vmul.f32 v24, v2;
	v16 =	vmul.f32 v25, v2;
	v2 =	vmovc v30;
	v18 =	vld [tilespmem:s25+$0x40];
	[tilespmem:s26+$0x1A0] =	vst v38;
	v20 =	vunpack.i.l.bf16.f32 v17  }
0x6ac: {  	v17 =	vunpack.i.u.bf16.f32 v17;
	[tilespmem:s26+$0xFFFFFE50] =	vst v19;
	v19 =	vunpack.i.u.bf16.f32 v32;
	v23 =	vld [tilespmem:s25+$0x80];
	v20 =	vmul.f32 v20, v22  }
0x6ad: {  	v24 =	vunpack.i.l.bf16.f32 v32;
	v17 =	vmul.f32 v17, v22;
	[tilespmem:s26+$0xFFFFFE60] =	vst v31;
	v25 =	vunpack.i.u.bf16.f32 v34  }
0x6ae: {  	v30 =	vunpack.i.l.bf16.f32 v34;
	v28 =	vld [tilespmem:s25+$0xFFFFFF50];
	v31 =	vunpack.i.u.bf16.f32 v37;
	v32 =	vunpack.i.l.bf16.f32 v37;
	[tilespmem:s26+$0x1D0] =	vst v20  }
0x6af: {  	v24 =	vmul.f32 v6, v24;
	v20 =	vunpack.i.u.bf16.f32 v21;
	v21 =	vunpack.i.l.bf16.f32 v21;
	[tilespmem:s26+$0x1E0] =	vst v17  }
0x6b0: {  	v17 =	vmul.f32 v7, v21;
	v21 =	vunpack.i.u.bf16.f32 v18;
	v18 =	vunpack.i.l.bf16.f32 v18;
	v34 =	vld [tilespmem:s25+$0xE0];
	[tilespmem:s23+$0xFFFFFE20] =	vst v29  }
0x6b1: {  	v20 =	vmul.f32 v7, v20;
	[tilespmem:s26+$0xFFFFFEE0] =	vst v24;
	v24 =	vunpack.i.u.bf16.f32 v23;
	v23 =	vunpack.i.l.bf16.f32 v23  }
0x6b2: {  	[tilespmem:s26+$0xFFFFFDC0] =	vst v17;
	v17 =	vmul.f32 v6, v19;
	v19 =	vmul.f32 v4, v30  }
0x6b3: {  	v25 =	vmul.f32 v4, v25;
	v29 =	vmul.f32 v2, v32;
	[tilespmem:s26+$0xFFFFFDD0] =	vst v20;
	v20 =	vunpack.i.u.bf16.f32 v28  }
0x6b4: {  	v28 =	vunpack.i.l.bf16.f32 v28;
	v30 =	vld [tilespmem:s25+$0xFFFFFF10];
	[tilespmem:s26+$0xFFFFFEF0] =	vst v17;
	v17 =	vmul.f32 v2, v31;
	v31 =	vmul.f32 v33, v18  }
0x6b5: {  	v21 =	vmul.f32 v33, v21;
	v23 =	vmul.f32 v38, v23;
	v32 =	vld [tilespmem:s25+$0xFFFFFF90];
	[tilespmem:s26+$0xFFFFFF70] =	vst v19;
	v18 =	vunpack.i.l.bf16.f32 v34  }
0x6b6: {  	v24 =	vmul.f32 v38, v24;
	v19 =	vunpack.i.u.bf16.f32 v34;
	[tilespmem:s26+$0xFFFFFF80] =	vst v25;
	v18 =	vmul.f32 v18, v22  }
0x6b7: {  	v25 =	vmul.f32 v28, v3;
	v28 =	vld [tilespmem:s25+$0xFFFFFFD0];
	[tilespmem:s26+$0x0] =	vst v29;
	v29 =	vmul.f32 v19, v22  }
0x6b8: {  	v34 =	vmul.f32 v20, v3;
	v19 =	vmul.f32 v27, v1;
	[tilespmem:s26+$0x1F0] =	vst v18  }
0x6b9: {  	v18 =	vmul.f32 v26, v1;
	v1 =	vmovc v33;
	v20 =	vunpack.i.u.bf16.f32 v30;
	v27 =	vunpack.i.l.bf16.f32 v30;
	[tilespmem:s26+$0x200] =	vst v29  }
0x6ba: {  	v26 =	vmul.f32 v27, v7;
	v27 =	vunpack.i.u.bf16.f32 v32;
	v29 =	vunpack.i.l.bf16.f32 v32;
	[tilespmem:s26+$0x10] =	vst v17;
	v30 =	vld [tilespmem:s25+$0xF0]  }
0x6bb: {  	v20 =	vmul.f32 v20, v7;
	v29 =	vmul.f32 v29, v6;
	v32 =	vld [tilespmem:s25+$0x10];
	[tilespmem:s26+$0x90] =	vst v31  }
0x6bc: {  	v27 =	vmul.f32 v27, v6;
	v17 =	vunpack.i.u.bf16.f32 v28;
	v28 =	vunpack.i.l.bf16.f32 v28;
	[tilespmem:s26+$0xA0] =	vst v21  }
0x6bd: {  	v28 =	vmul.f32 v28, v4;
	v31 =	vmul.f32 v17, v4;
	v33 =	vld [tilespmem:s25+$0x50];
	[tilespmem:s26+$0x120] =	vst v23  }
0x6be: {  	v21 =	vmul.f32 v36, v5;
	v17 =	vmul.f32 v35, v5;
	v5 =	vmov v38;
	[tilespmem:s26+$0x130] =	vst v24  }
0x6bf: {  	[tilespmem:s26+$0xFFFFFDE0] =	vst v26;
	v23 =	vld [tilespmem:s25+$0x90];
	v24 =	vunpack.i.u.bf16.f32 v30;
	v26 =	vunpack.i.l.bf16.f32 v30  }
0x6c0: {  	[tilespmem:s26+$0xFFFFFDF0] =	vst v20;
	v20 =	vunpack.i.u.bf16.f32 v32;
	v30 =	vunpack.i.l.bf16.f32 v32;
	v24 =	vmul.f32 v24, v22  }
0x6c1: {  	v32 =	vld [tilespmem:s25+$0xFFFFFF20];
	[tilespmem:s26+$0xFFFFFE70] =	vst v25;
	v30 =	vmul.f32 v30, v2;
	v35 =	vmul.f32 v20, v2  }
0x6c2: {  	v20 =	vmul.f32 v26, v22;
	v25 =	vunpack.i.u.bf16.f32 v33;
	v33 =	vunpack.i.l.bf16.f32 v33;
	[tilespmem:s26+$0x220] =	vst v24  }
0x6c3: {  	[tilespmem:s26+$0xFFFFFE80] =	vst v34;
	v24 =	vmul.f32 v33, v1;
	v33 =	vmul.f32 v25, v1  }
0x6c4: {  	v26 =	vld [tilespmem:s25+$0xFFFFFF60];
	[tilespmem:s26+$0xFFFFFF00] =	vst v29;
	v22 =	vunpack.i.u.bf16.f32 v23;
	v23 =	vunpack.i.l.bf16.f32 v23  }
0x6c5: {  	[tilespmem:s26+$0xFFFFFF10] =	vst v27;
	v34 =	vmul.f32 v23, v5;
	v22 =	vmul.f32 v22, v5  }
0x6c6: {  	v23 =	vunpack.i.u.bf16.f32 v32;
	v25 =	vunpack.i.l.bf16.f32 v32;
	v27 =	vld [tilespmem:s25+$0xFFFFFFA0];
	[tilespmem:s26+$0xFFFFFF90] =	vst v28  }
0x6c7: {  	v25 =	vmul.f32 v25, v7;
	v23 =	vmul.f32 v23, v7;
	[tilespmem:s26+$0xFFFFFFA0] =	vst v31  }
.Ltmp8:
0x6c8: {  	v31 =	vld [tilespmem:s25+$0xFFFFFFE0];
	[tilespmem:s26+$0x20] =	vst v30;
	(pc) =	sbr.rel @p0 .LBB2_18-.Ltmp8, $4  }
0x6c9: {  	v28 =	vunpack.i.u.bf16.f32 v26;
	v26 =	vunpack.i.l.bf16.f32 v26;
	[tilespmem:s26+$0x30] =	vst v35  }
0x6ca: {  	v29 =	vmul.f32 v26, v3;
	v26 =	vmul.f32 v28, v3;
	v28 =	vld [tilespmem:s25+$0x20];
	[tilespmem:s26+$0xB0] =	vst v24  }
0x6cb: {  	v24 =	vunpack.i.u.bf16.f32 v27;
	v27 =	vunpack.i.l.bf16.f32 v27;
	[tilespmem:s26+$0xC0] =	vst v33  }
0x6cc: {  	s21 =	sadd.s32 $0x80, s21;
	v30 =	vmul.f32 v27, v6;
	v24 =	vmul.f32 v24, v6;
	v27 =	vld [tilespmem:s25+$0x60];
	[tilespmem:s26+$0x140] =	vst v34  }
0x6cd: {  	[tilespmem:s26+$0x150] =	vst v22  }
0x6ce: {  	[tilespmem:s26+$0xFFFFFE00] =	vst v25  }
0x6cf: {  	[tilespmem:s26+$0xFFFFFE10] =	vst v23  }
0x6d0: {  	[tilespmem:s26+$0xFFFFFE90] =	vst v29  }
0x6d1: {  	[tilespmem:s26+$0xFFFFFEA0] =	vst v26  }
0x6d2: {  	[tilespmem:s23+$0xFFFFFE30] =	vst v8  }
0x6d3: {  	[tilespmem:s23+$0xFFFFFEB0] =	vst v9  }
0x6d4: {  	[tilespmem:s23+$0xFFFFFEC0] =	vst v10  }
0x6d5: {  	[tilespmem:s23+$0xFFFFFF40] =	vst v13  }
0x6d6: {  	[tilespmem:s23+$0xFFFFFF50] =	vst v11  }
0x6d7: {  	[tilespmem:s23+$0xFFFFFFD0] =	vst v14  }
0x6d8: {  	[tilespmem:s23+$0xFFFFFFE0] =	vst v12  }
0x6d9: {  	[tilespmem:s23+$0x60] =	vst v16  }
0x6da: {  	[tilespmem:s23+$0x70] =	vst v15  }
0x6db: {  	[tilespmem:s23+$0xF0] =	vst v19  }
0x6dc: {  	[tilespmem:s23+$0x100] =	vst v18  }
0x6dd: {  	[tilespmem:s23+$0x180] =	vst v21  }
0x6de: {  	[tilespmem:s23+$0x190] =	vst v17  }
0x6df: {  	v33 =	vunpack.i.l.bf16.f32 v31;
	[tilespmem:s1+$0x210] =	vst v20  }
0x6e0: {  	v34 =	vunpack.i.u.bf16.f32 v31;
	v22 =	vmul.f32 v33, v4;
	[tilespmem:s26+$0xFFFFFF20] =	vst v30;
	v40 =	vld [tilespmem:s25+$0xA0]  }
0x6e1: {  	v23 =	vmul.f32 v34, v4;
	[tilespmem:s26+$0xFFFFFF30] =	vst v24;
	v35 =	vunpack.i.l.bf16.f32 v28  }
0x6e2: {  	v41 =	vld [tilespmem:s25+$0xFFFFFF30];
	v36 =	vunpack.i.u.bf16.f32 v28;
	v25 =	vmul.f32 v35, v2;
	[tilespmem:s26+$0xFFFFFFB0] =	vst v22  }
0x6e3: {  	v37 =	vmul.f32 v36, v2;
	[tilespmem:s26+$0xFFFFFFC0] =	vst v23;
	v38 =	vunpack.i.l.bf16.f32 v27  }
0x6e4: {  	v42 =	vld [tilespmem:s25+$0xFFFFFF70];
	v39 =	vunpack.i.u.bf16.f32 v27;
	v24 =	vmul.f32 v38, v1;
	[tilespmem:s26+$0x40] =	vst v25  }
0x6e5: {  	v23 =	vmul.f32 v39, v1;
	[tilespmem:s26+$0x50] =	vst v37;
	v43 =	vunpack.i.l.bf16.f32 v40  }
0x6e6: {  	v44 =	vld [tilespmem:s25+$0xFFFFFFB0];
	v8 =	vunpack.i.u.bf16.f32 v40;
	[tilespmem:s26+$0xD0] =	vst v24;
	v11 =	vmul.f32 v43, v5  }
0x6e7: {  	v45 =	vunpack.i.l.bf16.f32 v41;
	[tilespmem:s26+$0xE0] =	vst v23;
	v8 =	vmul.f32 v8, v5  }
0x6e8: {  	v46 =	vld [tilespmem:s25+$0xFFFFFFF0];
	v9 =	vunpack.i.u.bf16.f32 v41;
	v47 =	vmul.f32 v45, v7;
	[tilespmem:s1+$0x160] =	vst v11  }
0x6e9: {  	v48 =	vunpack.i.l.bf16.f32 v42;
	v49 =	vmul.f32 v9, v7;
	[tilespmem:s1+$0x170] =	vst v8  }
0x6ea: {  	v50 =	vld [tilespmem:s25+$0x30];
	v10 =	vunpack.i.u.bf16.f32 v42;
	v13 =	vmul.f32 v48, v3;
	[tilespmem:s1+$0xFFFFFE20] =	vst v47  }
0x6eb: {  	v3 =	vmul.f32 v10, v3;
	v53 =	vunpack.i.u.bf16.f32 v44;
	[tilespmem:s1+$0xFFFFFE30] =	vst v49  }
0x6ec: {  	v51 =	vunpack.i.l.bf16.f32 v44;
	v52 =	vld [tilespmem:s25+$0x70];
	v55 =	vmul.f32 v53, v6;
	[tilespmem:s1+$0xFFFFFEB0] =	vst v13  }
0x6ed: {  	v8 =	vmul.f32 v51, v6;
	v54 =	vunpack.i.l.bf16.f32 v46;
	[tilespmem:s1+$0xFFFFFEC0] =	vst v3  }
0x6ee: {  	v3 =	vunpack.i.u.bf16.f32 v46;
	v56 =	vld [tilespmem:s7+$0xB0];
	v57 =	vmul.f32 v54, v4;
	[tilespmem:s1+$0xFFFFFF50] =	vst v55  }
0x6ef: {  	v3 =	vmul.f32 v3, v4;
	[tilespmem:s1+$0xFFFFFF40] =	vst v8;
	v58 =	vunpack.i.l.bf16.f32 v50  }
0x6f0: {  	v59 =	vunpack.i.u.bf16.f32 v50;
	v60 =	vmul.f32 v58, v2;
	[tilespmem:s1+$0xFFFFFFD0] =	vst v57  }
0x6f1: {  	v2 =	vmul.f32 v59, v2;
	[tilespmem:s1+$0xFFFFFFE0] =	vst v3;
	v61 =	vunpack.i.l.bf16.f32 v52  }
0x6f2: {  	v3 =	vunpack.i.u.bf16.f32 v52;
	v62 =	vmul.f32 v61, v1;
	[tilespmem:s1+$0x60] =	vst v60  }
0x6f3: {  	v1 =	vmul.f32 v3, v1;
	[tilespmem:s1+$0x70] =	vst v2;
	v63 =	vunpack.i.l.bf16.f32 v56  }
0x6f4: {  	v2 =	vunpack.i.u.bf16.f32 v56;
	v3 =	vmul.f32 v63, v5;
	[tilespmem:s1+$0xF0] =	vst v62  }
0x6f5: {  	v2 =	vmul.f32 v2, v5;
	[tilespmem:s1+$0x100] =	vst v1  }
0x6f6: {  	[tilespmem:s1+$0x180] =	vst v3  }
0x6f7: {  	s24 =	simm.s32 $0x26E8;
	[tilespmem:s1+$0x190] =	vst v2  }
0x6f8: {  	[spmem:s3] =	stream.indirect.scatter.add.f32 [tilespmem:s30], [sflag:$0x7], $0x90, s24, s0, $0xb8;
	[tilespmem:$0x1DA10] =	vst v63  }
0x6f9: {  	_ =	swait.ge [sflag:s28], $0x1680  }
0x6fa: {  	[sflag:s28] =	ssyncset.done $0x0  }
0x6fb: {  	s25 =	simm.s32 $0x8;
	[sflag:s28] =	ssyncadd.s32 $0xFFFFE980  }
0x6fc: {  	_ =	swait.ge [sflag:s25], $0x1680  }
0x6fd: {  	[sflag:s25] =	ssyncset.done $0x0  }
0x6fe: {  	[sflag:s25] =	ssyncadd.s32 $0xFFFFE980  }
0x6ff: {  	s26 =	stileid.u32;
	[bflag:$0x0] =	sbarrier.arrive $0xFFFF  }
0x700: {  	s1 =	sshll.u32 s26, $0x6;
	s21 =	rddreg [dreg:$0x6]  }
0x701: {  	s1 =	sor.u32 $0x1C09, s1;
	s22 =	rddreg [dreg:$0x1a];
	s28 =	sshrl.u32 s21, $0x3  }
0x702: {  	[hbm:s22], [sflag:s1] =	dma.local [spmem:s28], $0x2D00  }
0x703: {  	_ =	swait.ge [sflag:s31], $0x2D00  }
0x704: {  	s4 =	sadd.s32 $0x1, s4;
	s29 =	rddreg [dreg:$0x1b]  }
0x705: {  	p0 =	sne.s32 s4, s29  }
.Ltmp9:
0x706: {  	_ = 	snop;
	(pc) =	sbr.rel @p0 .LBB2_1-.Ltmp9, $3  }
0x707: {  	_ =	sdelay $0x1  }
0x708: {  	[sflag:s31] =	ssyncset.done $0x0  }
0x709: {  	[sflag:s31] =	ssyncadd.s32 $0xFFFFD300  }
0x70a: {  	_ =	sfence.sel $0x180000  }
0x70b: {  	[bflag:$0x0] =	sbarrier.arrive $0xFFFF  }
0x70c: {  	_ =	strace $0x90000047  }
0x70d: {  	s0 =	stileid.u32;
	[bflag:$0x2] =	sbarrier.arrive $0xFFFF  }
0x70e: {  	p0 =	sne.s32 s0, $0x0;
	s0 =	rddreg [dreg:$0x5]  }
0x70f: {  	s0 =	sadd.s32 @!p0 $0x100000, s0  }
0x710: {  	[sflag:s0] =	ssyncadd.tile.s32 @!p0 $0x1;
	_ =	shalt  }
.Lfunc_end2:
_tile_overlayer_lowered:
.L_overlay_start_2:
0x711: {  	(tag) =	ssettag $0x2  }
0x712: {  	s0 =	rddreg [dreg:$0x0];
	s2 =	stileid.u32  }
0x713: {  	s1 =	rddreg [dreg:$0x1];
	p0 =	sne.s32 s2, $0x0  }
0x714: {  	s3 =	rddreg [dreg:$0x2];
	[bflag:$0x3] =	sbarrier.arrive $0xFFFF;
	s2 =	simm.s32 @!p0 $0x1C09  }
0x715: {  	[timem:s3], [sflag:s2] =	dma.local @!p0 [hbm:s0], s1  }
0x716: {  	s0 =	simm.s32 @!p0 $0x9  }
0x717: {  	_ =	swait.ge @!p0 [sflag:s0], s1  }
0x718: {  	s1 =	ssub.s32 @!p0 $0x0, s1;
	[sflag:s0] =	ssyncset.done @!p0 $0x0  }
0x719: {  	[sflag:s0] =	ssyncadd.s32 @!p0 s1  }
0x71a: {  	[bflag:$0x3] =	sbarrier.arrive $0xFFFF  }
0x71b: {  	_ =	shalt  }

</sc_bundles>
